<compile_context>
chip_gen: v7x
topology: tpu7x:2x2x1
jax: 0.10.2.dev20260603
libtpu: 0.0.44.dev20260713+nightly
codegen_flags: <defaults>
</compile_context>

<pallas_src>
import jax
import jax.numpy as jnp
from jax import lax
from jax.experimental import pallas as pl
from jax.experimental.pallas import tpu as pltpu
from jax.experimental.pallas import tpu_sc as plsc

N = 50000
E = 800000
D = 100
NUM_REL = 3
DP = 128
ONES_LO = 112

CDST = 2560
NCHUNK = 20
NPAD = CDST * NCHUNK
ACC_ROWS = NUM_REL * CDST + 16
EPT = E // 16
EPT_PAD = 51200
EB = 2048
LCAP = 8192
K = 128
LROWS = LCAP // K

HI = lax.Precision.HIGHEST


def _leaky(x):
    return jnp.where(x > 0, x, 0.01 * x)



def _enc_kernel(num_ref, cat_ref, tw_ref, us_ref, un_ref,
                wn_ref, wc_ref, wt_ref, wu_ref, wun_ref, pb_ref,
                win_ref, ones_ref, x_ref):
    f32 = jnp.float32
    parts = []
    for j, (e_ref, w_ref) in enumerate(((num_ref, wn_ref), (cat_ref, wc_ref),
                                        (tw_ref, wt_ref), (us_ref, wu_ref),
                                        (un_ref, wun_ref))):
        part = _leaky(jnp.dot(e_ref[...], w_ref[...],
                              preferred_element_type=f32) + pb_ref[j])
        parts.append(part[:, :D // 5])
    parts.append(jnp.zeros((parts[0].shape[0], DP - D), f32))
    xcat = jnp.concatenate(parts, axis=1)
    x0 = _leaky(jnp.dot(xcat, win_ref[...], preferred_element_type=f32)
                + ones_ref[1][None, :])
    ones = ones_ref[0][None, :]
    x_ref[...] = x0 * (1.0 - ones) + ones


def _combine_kernel(x_ref, agg_ref, root_ref, wrel_ref, bias_ref,
                    h_ref, stats_ref, acc_ref):
    f32 = jnp.float32
    i = pl.program_id(0)
    h = jnp.dot(x_ref[...], root_ref[...], preferred_element_type=f32) \
        + bias_ref[0]
    for r in range(NUM_REL):
        blk = agg_ref[r]
        cnt = jnp.max(blk[:, ONES_LO:], axis=1, keepdims=True)
        mean = blk / jnp.maximum(cnt, 1.0)
        h = h + jnp.dot(mean, wrel_ref[r], preferred_element_type=f32)
    h_ref[...] = h

    @pl.when(i == 0)
    def _():
        acc_ref[...] = jnp.zeros_like(acc_ref)

    acc_ref[0, :] += jnp.sum(h, axis=0)
    acc_ref[1, :] += jnp.sum(h * h, axis=0)

    @pl.when(i == pl.num_programs(0) - 1)
    def _():
        stats_ref[...] = acc_ref[...]


def _bn(h, stats_ref, gb_ref):
    mean = stats_ref[0] * (1.0 / N)
    var = stats_ref[1] * (1.0 / N) - mean * mean
    scale = gb_ref[0] / jnp.sqrt(var + 1e-5)
    return _leaky((h - mean) * scale + gb_ref[1])


def _bn_kernel(h_ref, stats_ref, gb_ref, ones_ref, x_ref):
    x = _bn(h_ref[...], stats_ref, gb_ref)
    ones = ones_ref[0][None, :]
    x_ref[...] = x * (1.0 - ones) + ones


def _head_kernel(h_ref, stats_ref, gb_ref, w1_ref, b1_ref, w2_ref, b2_ref,
                 w3_ref, b3_ref, o_ref):
    f32 = jnp.float32
    x = _bn(h_ref[...], stats_ref, gb_ref)
    x = _leaky(jnp.dot(x, w1_ref[...], preferred_element_type=f32) + b1_ref[...])
    x = _leaky(jnp.dot(x, w2_ref[...], preferred_element_type=f32) + b2_ref[...])
    o_ref[...] = jnp.dot(x, w3_ref[...], preferred_element_type=f32) + b3_ref[...]



def _edge_pass_body(tab_hbm, edata_hbm, zeros_hbm,
                    agg_hbm,
                    e_a, e_b, glist, alist, buf, zbuf,
                    acc, sem, sem_e):
    cid = lax.axis_index("c")
    sid = lax.axis_index("s")
    e0 = sid * EPT
    trash = ACC_ROWS - 16 + sid
    lanes = lax.iota(jnp.int32, 16)
    lane15 = jnp.full((16,), 15, jnp.int32)
    NB = EPT_PAD // EB

    pltpu.sync_copy(zeros_hbm, zbuf)

    def stage(b, dst_ref):
        s0 = pl.multiple_of(b * EB, EB)
        return pltpu.async_copy(edata_hbm.at[sid, :, pl.ds(s0, EB)], dst_ref,
                                sem_e)

    def flush(j, done):
        row = (done // K) & (LROWS - 1)
        pltpu.async_copy(tab_hbm.at[glist.at[row]], buf, sem).wait()
        pltpu.sync_copy(buf, acc.at[alist.at[row]], add=True)
        return done + K

    def chunk_body(k, _unused):
        base_dst = (cid * (NCHUNK // 2) + k) * CDST
        z0 = sid * (ACC_ROWS // 16)
        for off in range(0, ACC_ROWS // 16, K):
            ln = min(K, ACC_ROWS // 16 - off)
            pltpu.sync_copy(zbuf.at[pl.ds(0, ln)], acc.at[pl.ds(z0 + off, ln)])
        plsc.subcore_barrier()

        def scan(e_ref, carry):
            off_s, done = carry

            @plsc.parallel_loop(0, EB // 16, unroll=8,
                                carry=jnp.full((16,), off_s, jnp.int32))
            def vit(i, offv):
                ii = pl.multiple_of(i * 16, 16)
                s = e_ref[0, pl.ds(ii, 16)]
                d = e_ref[1, pl.ds(ii, 16)]
                r = e_ref[2, pl.ds(ii, 16)]
                dl = d - base_dst
                m = (dl >= 0) & (dl < CDST)
                ai = r * CDST + dl
                pos = offv + plsc.cumsum(m.astype(jnp.int32)) - 1
                prow = (pos // K) & (LROWS - 1)
                pcol = pos & (K - 1)
                plsc.store_scatter(glist, [prow, pcol], s, mask=m)
                plsc.store_scatter(alist, [prow, pcol], ai, mask=m)
                return pos.at[lane15].get(mode="promise_in_bounds") + 1

            off_s2 = jnp.max(vit)
            nb = (off_s2 - done) // K
            done2 = lax.fori_loop(0, nb, flush, done)
            return off_s2, done2

        stage(0, e_a).wait()

        def pair(j, carry):
            cp_b = stage(2 * j + 1, e_b)
            carry = scan(e_a, carry)
            cp_b.wait()
            cp_a = stage(2 * j + 2, e_a)
            carry = scan(e_b, carry)
            cp_a.wait()
            return carry

        carry = lax.fori_loop(0, (NB - 1) // 2, pair,
                              (jnp.int32(0), jnp.int32(0)))
        off_s, done = scan(e_a, carry)
        rem = off_s - done

        def padfill(i, _):
            pos = off_s + i * 16 + lanes
            m = pos < done + K
            prow = (pos // K) & (LROWS - 1)
            pcol = pos & (K - 1)
            plsc.store_scatter(glist, [prow, pcol],
                               jnp.full((16,), sid * 64, jnp.int32), mask=m)
            plsc.store_scatter(alist, [prow, pcol],
                               jnp.full((16,), trash, jnp.int32), mask=m)
            return 0

        @pl.when(rem > 0)
        def _():
            lax.fori_loop(0, K // 16, padfill, 0)
            flush(0, done)

        plsc.subcore_barrier()
        for r in range(NUM_REL):
            pltpu.sync_copy(
                acc.at[pl.ds(r * CDST + sid * (CDST // 16), CDST // 16)],
                agg_hbm.at[r, pl.ds(base_dst + sid * (CDST // 16), CDST // 16)])
        plsc.subcore_barrier()
        return 0

    lax.fori_loop(0, NCHUNK // 2, chunk_body, 0)


def _edge_pass(table, edata, zeros_blk):
    mesh = plsc.VectorSubcoreMesh(core_axis_name="c", subcore_axis_name="s")
    f = pl.kernel(
        _edge_pass_body,
        mesh=mesh,
        compiler_params=pltpu.CompilerParams(needs_layout_passes=False),
        out_type=jax.ShapeDtypeStruct((NUM_REL, NPAD, DP), jnp.float32),
        scratch_types=[
            pltpu.VMEM((3, EB), jnp.int32),
            pltpu.VMEM((3, EB), jnp.int32),
            pltpu.VMEM((LROWS, K), jnp.int32),
            pltpu.VMEM((LROWS, K), jnp.int32),
            pltpu.VMEM((K, DP), jnp.float32),
            pltpu.VMEM((K, DP), jnp.float32),
            pltpu.VMEM_SHARED((ACC_ROWS, DP), jnp.float32),
            pltpu.SemaphoreType.DMA,
            pltpu.SemaphoreType.DMA,
        ],
    )
    return f(table, edata, zeros_blk)



def _pad2(w, rows, cols=DP):
    out = jnp.zeros((rows, cols), jnp.float32)
    return out.at[:w.shape[0], :w.shape[1]].set(w)


def _pad1(b, cols=DP):
    return jnp.zeros((cols,), jnp.float32).at[:b.shape[0]].set(b)


def kernel(num_prop, cat_prop, tweet_emb, user_emb, user_name_emb,
           edge_index, edge_type, params):
    p = params
    f32 = jnp.float32
    edata = jnp.concatenate([edge_index.astype(jnp.int32),
                             edge_type.astype(jnp.int32)[None, :]], axis=0)
    edata = edata.reshape(3, 16, EPT)
    pad = jnp.zeros((3, 16, EPT_PAD - EPT), jnp.int32).at[1].set(1 << 20)
    edata = jnp.concatenate([edata, pad], axis=2).transpose(1, 0, 2)

    IND = D // 5
    wn = _pad2(p['W_num'], 5)
    wc = _pad2(p['W_cat'], 3)
    wt = _pad2(p['W_tweet'], 768)
    wu = _pad2(p['W_user'], 768)
    wun = _pad2(p['W_uname'], 768)
    pb = jnp.stack([_pad1(p['b_num']), _pad1(p['b_cat']), _pad1(p['b_tweet']),
                    _pad1(p['b_user']), _pad1(p['b_uname'])])
    win = _pad2(p['W_in'], DP)
    ones1 = jnp.zeros((3, DP), f32)
    ones1 = ones1.at[0, ONES_LO:].set(1.0)
    ones1 = ones1.at[1, :D].set(p['b_in'])

    root1 = _pad2(p['rgcn1_root'], DP)
    w1 = jnp.stack([_pad2(p['rgcn1_W'][r], DP) for r in range(NUM_REL)])
    b1row = _pad1(p['rgcn1_b'])[None, :]
    root2 = _pad2(p['rgcn2_root'], DP)
    w2 = jnp.stack([_pad2(p['rgcn2_W'][r], DP) for r in range(NUM_REL)])
    b2row = _pad1(p['rgcn2_b'])[None, :]

    BLK = 1000
    grid = (N // BLK,)

    def rowspec(d2=DP):
        return pl.BlockSpec((BLK, d2), lambda i: (i, 0))

    def fullspec(shape):
        nd = len(shape)
        return pl.BlockSpec(shape, lambda i: (0,) * nd)

    x0 = pl.pallas_call(
        _enc_kernel,
        grid=grid,
        in_specs=[
            pl.BlockSpec((BLK, 5), lambda i: (i, 0)),
            pl.BlockSpec((BLK, 3), lambda i: (i, 0)),
            pl.BlockSpec((BLK, 768), lambda i: (i, 0)),
            pl.BlockSpec((BLK, 768), lambda i: (i, 0)),
            pl.BlockSpec((BLK, 768), lambda i: (i, 0)),
            fullspec((5, DP)), fullspec((3, DP)), fullspec((768, DP)),
            fullspec((768, DP)), fullspec((768, DP)), fullspec((5, DP)),
            fullspec((DP, DP)), fullspec((3, DP)),
        ],
        out_specs=rowspec(),
        out_shape=jax.ShapeDtypeStruct((N, DP), f32),
    )(num_prop, cat_prop, tweet_emb, user_emb, user_name_emb,
      wn, wc, wt, wu, wun, pb, win, ones1)

    zeros_blk = jnp.zeros((K, DP), f32)

    def combine(x_arr, agg, root, wrel, brow):
        return pl.pallas_call(
            _combine_kernel,
            grid=grid,
            in_specs=[rowspec(),
                      pl.BlockSpec((NUM_REL, BLK, DP), lambda i: (0, i, 0)),
                      fullspec((DP, DP)), fullspec((NUM_REL, DP, DP)),
                      fullspec((1, DP))],
            out_specs=[rowspec(), fullspec((2, DP))],
            out_shape=[jax.ShapeDtypeStruct((N, DP), f32),
                       jax.ShapeDtypeStruct((2, DP), f32)],
            scratch_shapes=[pltpu.VMEM((2, DP), f32)],
        )(x_arr, agg, root, wrel, brow)

    def bn_apply(h, stats, gb):
        return pl.pallas_call(
            _bn_kernel,
            grid=grid,
            in_specs=[rowspec(), fullspec((2, DP)), fullspec((2, DP)),
                      fullspec((3, DP))],
            out_specs=rowspec(),
            out_shape=jax.ShapeDtypeStruct((N, DP), f32),
        )(h, stats, gb, ones1)

    agg1 = _edge_pass(x0, edata, zeros_blk)
    h1, stats1 = combine(x0, agg1, root1, w1, b1row)
    gb1 = jnp.stack([_pad1(p['bn1_g']), _pad1(p['bn1_b'])])
    x1 = bn_apply(h1, stats1, gb1)

    agg2 = _edge_pass(x1, edata, zeros_blk)
    h2, stats2 = combine(x1, agg2, root2, w2, b2row)
    gb2 = jnp.stack([_pad1(p['bn2_g']), _pad1(p['bn2_b'])])

    out = pl.pallas_call(
        _head_kernel,
        grid=grid,
        in_specs=[rowspec(), fullspec((2, DP)), fullspec((2, DP)),
                  fullspec((DP, DP)), fullspec((DP,)),
                  fullspec((DP, DP)), fullspec((DP,)),
                  fullspec((DP, DP)), fullspec((DP,))],
        out_specs=rowspec(),
        out_shape=jax.ShapeDtypeStruct((N, DP), f32),
    )(h2, stats2, gb2, _pad2(p['W_o1'], DP), _pad1(p['b_o1']),
      _pad2(p['W_o2'], DP), _pad1(p['b_o2']), _pad2(p['W_o3'], DP),
      _pad1(p['b_o3']))
    return out[:, :2]

# --- scband reference (transcript-rebuilt; emitter-appended) ---
"""Pipeline reference for scband-custom-rgcn-71098888618668 (READ-ONLY COPY).

The authoritative reference and input builder live on the scoring server;
editing this copy changes nothing except your own understanding.
"""

import jax, jax.numpy as jnp
import numpy as np

N = 50000
E = 800000
D = 100
IND = D // 5
NUM_REL = 3


def leaky(x):
    return jnp.where(x > 0, x, 0.01 * x)


def batchnorm(x, g, b, eps=1e-5):
    m = jnp.mean(x, axis=0)
    v = jnp.var(x, axis=0)
    return (x - m) / jnp.sqrt(v + eps) * g + b


def rgcn_conv(x, edge_index, edge_type, W, root, bias):
    # PyG RGCNConv semantics: mean aggregation per relation, then per-relation
    # linear transform, plus root transform and bias.
    src = edge_index[0]
    dst = edge_index[1]
    n = x.shape[0]
    out = x @ root + bias
    for r in range(NUM_REL):
        mask = (edge_type == r).astype(x.dtype)
        msg = x[src] * mask[:, None]
        agg = jnp.zeros((n, x.shape[1]), x.dtype).at[dst].add(msg)
        cnt = jnp.zeros((n,), x.dtype).at[dst].add(mask)
        agg = agg / jnp.maximum(cnt, 1.0)[:, None]
        out = out + agg @ W[r]
    return out


def _lin_init(k, fin, fout):
    return jax.random.normal(k, (fin, fout), jnp.float32) * (2.0 / fin) ** 0.5


def setup_inputs(seed: int = 0):
    key = jax.random.key(seed)
    ks = jax.random.split(key, 32)
    inp = {}
    inp['num_prop'] = jax.random.normal(ks[0], (N, 5), jnp.float32)
    inp['cat_prop'] = jax.random.normal(ks[1], (N, 3), jnp.float32)
    inp['tweet_emb'] = jax.random.normal(ks[2], (N, 768), jnp.float32)
    inp['user_emb'] = jax.random.normal(ks[3], (N, 768), jnp.float32)
    inp['user_name_emb'] = jax.random.normal(ks[4], (N, 768), jnp.float32)
    inp['edge_index'] = jax.random.randint(ks[5], (2, E), 0, N)
    inp['edge_type'] = jax.random.randint(ks[6], (E,), 0, NUM_REL)
    p = {}
    p['W_num'] = _lin_init(ks[7], 5, IND); p['b_num'] = jnp.zeros((IND,), jnp.float32)
    p['W_cat'] = _lin_init(ks[8], 3, IND); p['b_cat'] = jnp.zeros((IND,), jnp.float32)
    p['W_tweet'] = _lin_init(ks[9], 768, IND); p['b_tweet'] = jnp.zeros((IND,), jnp.float32)
    p['W_user'] = _lin_init(ks[10], 768, IND); p['b_user'] = jnp.zeros((IND,), jnp.float32)
    p['W_uname'] = _lin_init(ks[11], 768, IND); p['b_uname'] = jnp.zeros((IND,), jnp.float32)
    p['W_in'] = _lin_init(ks[12], D, D); p['b_in'] = jnp.zeros((D,), jnp.float32)
    p['rgcn1_W'] = jax.random.normal(ks[13], (NUM_REL, D, D), jnp.float32) * (1.0 / D) ** 0.5
    p['rgcn1_root'] = _lin_init(ks[14], D, D); p['rgcn1_b'] = jnp.zeros((D,), jnp.float32)
    p['bn1_g'] = jnp.ones((D,), jnp.float32); p['bn1_b'] = jnp.zeros((D,), jnp.float32)
    p['rgcn2_W'] = jax.random.normal(ks[15], (NUM_REL, D, D), jnp.float32) * (1.0 / D) ** 0.5
    p['rgcn2_root'] = _lin_init(ks[16], D, D); p['rgcn2_b'] = jnp.zeros((D,), jnp.float32)
    p['bn2_g'] = jnp.ones((D,), jnp.float32); p['bn2_b'] = jnp.zeros((D,), jnp.float32)
    p['W_o1'] = _lin_init(ks[17], D, D); p['b_o1'] = jnp.zeros((D,), jnp.float32)
    p['W_o2'] = _lin_init(ks[18], D, D); p['b_o2'] = jnp.zeros((D,), jnp.float32)
    p['W_o3'] = _lin_init(ks[19], D, 2); p['b_o3'] = jnp.zeros((2,), jnp.float32)
    inp['params'] = p
    return inp


def reference(num_prop, cat_prop, tweet_emb, user_emb, user_name_emb, edge_index, edge_type, params):
    p = params
    n = leaky(num_prop @ p['W_num'] + p['b_num'])
    c = leaky(cat_prop @ p['W_cat'] + p['b_cat'])
    t = leaky(tweet_emb @ p['W_tweet'] + p['b_tweet'])
    u = leaky(user_emb @ p['W_user'] + p['b_user'])
    un = leaky(user_name_emb @ p['W_uname'] + p['b_uname'])
    x = jnp.concatenate([n, c, t, u, un], axis=1)
    x = leaky(x @ p['W_in'] + p['b_in'])
    x = rgcn_conv(x, edge_index, edge_type, p['rgcn1_W'], p['rgcn1_root'], p['rgcn1_b'])
    x = batchnorm(x, p['bn1_g'], p['bn1_b'])
    x = leaky(x)
    x = rgcn_conv(x, edge_index, edge_type, p['rgcn2_W'], p['rgcn2_root'], p['rgcn2_b'])
    x = batchnorm(x, p['bn2_g'], p['bn2_b'])
    x = leaky(x)
    x = leaky(x @ p['W_o1'] + p['b_o1'])
    x = leaky(x @ p['W_o2'] + p['b_o2'])
    x = x @ p['W_o3'] + p['b_o3']
    return x

if __name__ == "__main__":
    import jax
    _d = setup_inputs()
    print(jax.jit(kernel)(*tuple(_d.values())))

</pallas_src>

<mosaic_0001>
#map = affine_map<(d0, d1) -> (0, 0)>
#map1 = affine_map<(d0, d1) -> (0, 0, 0)>
module attributes {stable_mosaic.version = 14 : i64} {
  func.func @_edge_pass_body(%arg0: i32, %arg1: i32, %arg2: memref<50000x128xf32, #tpu.memory_space<hbm>>, %arg3: memref<16x3x51200xi32, #tpu.memory_space<hbm>>, %arg4: memref<128x128xf32, #tpu.memory_space<hbm>>, %arg5: memref<3x51200x128xf32, #tpu.memory_space<hbm>>, %arg6: memref<3x2048xi32, #tpu.memory_space<vmem>>, %arg7: memref<3x2048xi32, #tpu.memory_space<vmem>>, %arg8: memref<64x128xi32, #tpu.memory_space<vmem>>, %arg9: memref<64x128xi32, #tpu.memory_space<vmem>>, %arg10: memref<128x128xf32, #tpu.memory_space<vmem>>, %arg11: memref<128x128xf32, #tpu.memory_space<vmem>>, %arg12: memref<7696x128xf32, #tpu.memory_space<vmem_shared>>, %arg13: memref<!tpu.dma_semaphore, #tpu.memory_space<semaphore_mem>>, %arg14: memref<!tpu.dma_semaphore, #tpu.memory_space<semaphore_mem>>) attributes {dimension_semantics = [#tpu.dimension_semantics<core_parallel>, #tpu.dimension_semantics<subcore_parallel>], iteration_bounds = array<i64: 2, 16>, scalar_prefetch = 0 : i64, scratch_operands = 9 : i64, tpu.core_type = #tpu.core_type<sc_vector_subcore>, window_params = [{transform_indices = #map}, {transform_indices = #map1}, {transform_indices = #map}, {transform_indices = #map1}]} {
    %mul3A = arith.constant 50000 : i32
    %mul3A_0 = arith.muli %arg1, %mul3A : i32
    %add3A = arith.constant 7680 : i32
    %add3A_1 = arith.addi %add3A, %arg1 : i32
    %iota3A = tpu.iota {dimensions = array<i32: 0>} : vector<16xi32>
    %broadcast_in_dim3A = arith.constant 15 : i32
    %broadcast_in_dim3A_2 = vector.broadcast %broadcast_in_dim3A : i32 to vector<16xi32>
    "tpu.region"() ({
      %run_scoped3A = tpu.sem_alloc : memref<!tpu.dma_semaphore, #tpu.memory_space<semaphore_mem>>
      tpu.enqueue_dma source(%arg4 : memref<128x128xf32, #tpu.memory_space<hbm>>) target(%arg11 : memref<128x128xf32, #tpu.memory_space<vmem>>) target_semaphore(%run_scoped3A : memref<!tpu.dma_semaphore, #tpu.memory_space<semaphore_mem>>)
      tpu.wait_dma2 semaphore(%run_scoped3A : memref<!tpu.dma_semaphore, #tpu.memory_space<semaphore_mem>>) src(%arg4 : memref<128x128xf32, #tpu.memory_space<hbm>>) dst(%arg11 : memref<128x128xf32, #tpu.memory_space<vmem>>)
      tpu.yield
    }) : () -> ()
    %scan3A = arith.constant 0 : i32
    %scan3A_3 = arith.constant 0 : i32
    %scan3A_4 = arith.constant 10 : i32
    %scan3A_5 = arith.addi %scan3A_3, %scan3A_4 : i32
    %scan3A_6 = arith.constant 1 : i32
    %scan3A_7 = scf.for %scan3A_9 = %scan3A_3 to %scan3A_5 step %scan3A_6 iter_args(%scan3A_10 = %scan3A) -> (i32)  : i32 {
      %mul3A_11 = arith.constant 10 : i32
      %mul3A_12 = arith.muli %arg0, %mul3A_11 : i32
      %add3A_13 = arith.addi %mul3A_12, %scan3A_9 : i32
      %mul3A_14 = arith.constant 2560 : i32
      %mul3A_15 = arith.muli %add3A_13, %mul3A_14 : i32
      %mul3A_16 = arith.constant 481 : i32
      %mul3A_17 = arith.muli %arg1, %mul3A_16 : i32
      %add3A_18 = arith.constant 0 : i32
      %add3A_19 = arith.addi %mul3A_17, %add3A_18 : i32
      "tpu.region"() ({
        %run_scoped3A_112 = tpu.sem_alloc : memref<!tpu.dma_semaphore, #tpu.memory_space<semaphore_mem>>
        %dma_start3A_113 = arith.constant 0 : i32
        %dma_start3A_114 = arith.constant 0 : i32
        %dma_start3A_115 = tpu.memref_slice %arg11[%dma_start3A_113, %dma_start3A_114] : memref<128x128xf32, #tpu.memory_space<vmem>> -> memref<128x128xf32, #tpu.memory_space<vmem>>
        %dma_start3A_116 = arith.constant 0 : i32
        %dma_start3A_117 = tpu.memref_slice %arg12[%add3A_19, %dma_start3A_116] : memref<7696x128xf32, #tpu.memory_space<vmem_shared>> -> memref<128x128xf32, #tpu.memory_space<vmem_shared>>
        %dma_start3A_118 = arith.constant 0 : i32
        %dma_start3A_119 = tpu.memref_slice %arg12[%add3A_19, %dma_start3A_118] : memref<7696x128xf32, #tpu.memory_space<vmem_shared>> -> memref<128x128xf32, #tpu.memory_space<vmem_shared>>
        %dma_start3A_120 = arith.constant 0 : i32
        %dma_start3A_121 = arith.constant 0 : i32
        %dma_start3A_122 = tpu.memref_slice %arg11[%dma_start3A_120, %dma_start3A_121] : memref<128x128xf32, #tpu.memory_space<vmem>> -> memref<128x128xf32, #tpu.memory_space<vmem>>
        tpu.enqueue_dma source(%dma_start3A_122 : memref<128x128xf32, #tpu.memory_space<vmem>>) target(%dma_start3A_119 : memref<128x128xf32, #tpu.memory_space<vmem_shared>>) target_semaphore(%run_scoped3A_112 : memref<!tpu.dma_semaphore, #tpu.memory_space<semaphore_mem>>)
        %dma_wait3A_123 = arith.constant 0 : i32
        %dma_wait3A_124 = arith.constant 0 : i32
        %dma_wait3A_125 = tpu.memref_slice %arg11[%dma_wait3A_123, %dma_wait3A_124] : memref<128x128xf32, #tpu.memory_space<vmem>> -> memref<128x128xf32, #tpu.memory_space<vmem>>
        %dma_wait3A_126 = arith.constant 0 : i32
        %dma_wait3A_127 = tpu.memref_slice %arg12[%add3A_19, %dma_wait3A_126] : memref<7696x128xf32, #tpu.memory_space<vmem_shared>> -> memref<128x128xf32, #tpu.memory_space<vmem_shared>>
        %dma_wait3A_128 = arith.constant 0 : i32
        %dma_wait3A_129 = tpu.memref_slice %arg12[%add3A_19, %dma_wait3A_128] : memref<7696x128xf32, #tpu.memory_space<vmem_shared>> -> memref<128x128xf32, #tpu.memory_space<vmem_shared>>
        %dma_wait3A_130 = arith.constant 0 : i32
        %dma_wait3A_131 = arith.constant 0 : i32
        %dma_wait3A_132 = tpu.memref_slice %arg11[%dma_wait3A_130, %dma_wait3A_131] : memref<128x128xf32, #tpu.memory_space<vmem>> -> memref<128x128xf32, #tpu.memory_space<vmem>>
        tpu.wait_dma2 semaphore(%run_scoped3A_112 : memref<!tpu.dma_semaphore, #tpu.memory_space<semaphore_mem>>) src(%dma_wait3A_132 : memref<128x128xf32, #tpu.memory_space<vmem>>) dst(%dma_wait3A_129 : memref<128x128xf32, #tpu.memory_space<vmem_shared>>)
        tpu.yield
      }) : () -> ()
      %add3A_20 = arith.constant 128 : i32
      %add3A_21 = arith.addi %mul3A_17, %add3A_20 : i32
      "tpu.region"() ({
        %run_scoped3A_112 = tpu.sem_alloc : memref<!tpu.dma_semaphore, #tpu.memory_space<semaphore_mem>>
        %dma_start3A_113 = arith.constant 0 : i32
        %dma_start3A_114 = arith.constant 0 : i32
        %dma_start3A_115 = tpu.memref_slice %arg11[%dma_start3A_113, %dma_start3A_114] : memref<128x128xf32, #tpu.memory_space<vmem>> -> memref<128x128xf32, #tpu.memory_space<vmem>>
        %dma_start3A_116 = arith.constant 0 : i32
        %dma_start3A_117 = tpu.memref_slice %arg12[%add3A_21, %dma_start3A_116] : memref<7696x128xf32, #tpu.memory_space<vmem_shared>> -> memref<128x128xf32, #tpu.memory_space<vmem_shared>>
        %dma_start3A_118 = arith.constant 0 : i32
        %dma_start3A_119 = tpu.memref_slice %arg12[%add3A_21, %dma_start3A_118] : memref<7696x128xf32, #tpu.memory_space<vmem_shared>> -> memref<128x128xf32, #tpu.memory_space<vmem_shared>>
        %dma_start3A_120 = arith.constant 0 : i32
        %dma_start3A_121 = arith.constant 0 : i32
        %dma_start3A_122 = tpu.memref_slice %arg11[%dma_start3A_120, %dma_start3A_121] : memref<128x128xf32, #tpu.memory_space<vmem>> -> memref<128x128xf32, #tpu.memory_space<vmem>>
        tpu.enqueue_dma source(%dma_start3A_122 : memref<128x128xf32, #tpu.memory_space<vmem>>) target(%dma_start3A_119 : memref<128x128xf32, #tpu.memory_space<vmem_shared>>) target_semaphore(%run_scoped3A_112 : memref<!tpu.dma_semaphore, #tpu.memory_space<semaphore_mem>>)
        %dma_wait3A_123 = arith.constant 0 : i32
        %dma_wait3A_124 = arith.constant 0 : i32
        %dma_wait3A_125 = tpu.memref_slice %arg11[%dma_wait3A_123, %dma_wait3A_124] : memref<128x128xf32, #tpu.memory_space<vmem>> -> memref<128x128xf32, #tpu.memory_space<vmem>>
        %dma_wait3A_126 = arith.constant 0 : i32
        %dma_wait3A_127 = tpu.memref_slice %arg12[%add3A_21, %dma_wait3A_126] : memref<7696x128xf32, #tpu.memory_space<vmem_shared>> -> memref<128x128xf32, #tpu.memory_space<vmem_shared>>
        %dma_wait3A_128 = arith.constant 0 : i32
        %dma_wait3A_129 = tpu.memref_slice %arg12[%add3A_21, %dma_wait3A_128] : memref<7696x128xf32, #tpu.memory_space<vmem_shared>> -> memref<128x128xf32, #tpu.memory_space<vmem_shared>>
        %dma_wait3A_130 = arith.constant 0 : i32
        %dma_wait3A_131 = arith.constant 0 : i32
        %dma_wait3A_132 = tpu.memref_slice %arg11[%dma_wait3A_130, %dma_wait3A_131] : memref<128x128xf32, #tpu.memory_space<vmem>> -> memref<128x128xf32, #tpu.memory_space<vmem>>
        tpu.wait_dma2 semaphore(%run_scoped3A_112 : memref<!tpu.dma_semaphore, #tpu.memory_space<semaphore_mem>>) src(%dma_wait3A_132 : memref<128x128xf32, #tpu.memory_space<vmem>>) dst(%dma_wait3A_129 : memref<128x128xf32, #tpu.memory_space<vmem_shared>>)
        tpu.yield
      }) : () -> ()
      %add3A_22 = arith.constant 256 : i32
      %add3A_23 = arith.addi %mul3A_17, %add3A_22 : i32
      "tpu.region"() ({
        %run_scoped3A_112 = tpu.sem_alloc : memref<!tpu.dma_semaphore, #tpu.memory_space<semaphore_mem>>
        %dma_start3A_113 = arith.constant 0 : i32
        %dma_start3A_114 = arith.constant 0 : i32
        %dma_start3A_115 = tpu.memref_slice %arg11[%dma_start3A_113, %dma_start3A_114] : memref<128x128xf32, #tpu.memory_space<vmem>> -> memref<128x128xf32, #tpu.memory_space<vmem>>
        %dma_start3A_116 = arith.constant 0 : i32
        %dma_start3A_117 = tpu.memref_slice %arg12[%add3A_23, %dma_start3A_116] : memref<7696x128xf32, #tpu.memory_space<vmem_shared>> -> memref<128x128xf32, #tpu.memory_space<vmem_shared>>
        %dma_start3A_118 = arith.constant 0 : i32
        %dma_start3A_119 = tpu.memref_slice %arg12[%add3A_23, %dma_start3A_118] : memref<7696x128xf32, #tpu.memory_space<vmem_shared>> -> memref<128x128xf32, #tpu.memory_space<vmem_shared>>
        %dma_start3A_120 = arith.constant 0 : i32
        %dma_start3A_121 = arith.constant 0 : i32
        %dma_start3A_122 = tpu.memref_slice %arg11[%dma_start3A_120, %dma_start3A_121] : memref<128x128xf32, #tpu.memory_space<vmem>> -> memref<128x128xf32, #tpu.memory_space<vmem>>
        tpu.enqueue_dma source(%dma_start3A_122 : memref<128x128xf32, #tpu.memory_space<vmem>>) target(%dma_start3A_119 : memref<128x128xf32, #tpu.memory_space<vmem_shared>>) target_semaphore(%run_scoped3A_112 : memref<!tpu.dma_semaphore, #tpu.memory_space<semaphore_mem>>)
        %dma_wait3A_123 = arith.constant 0 : i32
        %dma_wait3A_124 = arith.constant 0 : i32
        %dma_wait3A_125 = tpu.memref_slice %arg11[%dma_wait3A_123, %dma_wait3A_124] : memref<128x128xf32, #tpu.memory_space<vmem>> -> memref<128x128xf32, #tpu.memory_space<vmem>>
        %dma_wait3A_126 = arith.constant 0 : i32
        %dma_wait3A_127 = tpu.memref_slice %arg12[%add3A_23, %dma_wait3A_126] : memref<7696x128xf32, #tpu.memory_space<vmem_shared>> -> memref<128x128xf32, #tpu.memory_space<vmem_shared>>
        %dma_wait3A_128 = arith.constant 0 : i32
        %dma_wait3A_129 = tpu.memref_slice %arg12[%add3A_23, %dma_wait3A_128] : memref<7696x128xf32, #tpu.memory_space<vmem_shared>> -> memref<128x128xf32, #tpu.memory_space<vmem_shared>>
        %dma_wait3A_130 = arith.constant 0 : i32
        %dma_wait3A_131 = arith.constant 0 : i32
        %dma_wait3A_132 = tpu.memref_slice %arg11[%dma_wait3A_130, %dma_wait3A_131] : memref<128x128xf32, #tpu.memory_space<vmem>> -> memref<128x128xf32, #tpu.memory_space<vmem>>
        tpu.wait_dma2 semaphore(%run_scoped3A_112 : memref<!tpu.dma_semaphore, #tpu.memory_space<semaphore_mem>>) src(%dma_wait3A_132 : memref<128x128xf32, #tpu.memory_space<vmem>>) dst(%dma_wait3A_129 : memref<128x128xf32, #tpu.memory_space<vmem_shared>>)
        tpu.yield
      }) : () -> ()
      %add3A_24 = arith.constant 384 : i32
      %add3A_25 = arith.addi %mul3A_17, %add3A_24 : i32
      "tpu.region"() ({
        %run_scoped3A_112 = tpu.sem_alloc : memref<!tpu.dma_semaphore, #tpu.memory_space<semaphore_mem>>
        %dma_start3A_113 = arith.constant 0 : i32
        %dma_start3A_114 = arith.constant 0 : i32
        %dma_start3A_115 = tpu.memref_slice %arg11[%dma_start3A_113, %dma_start3A_114] : memref<128x128xf32, #tpu.memory_space<vmem>> -> memref<97x128xf32, #tpu.memory_space<vmem>>
        %dma_start3A_116 = arith.constant 0 : i32
        %dma_start3A_117 = tpu.memref_slice %arg12[%add3A_25, %dma_start3A_116] : memref<7696x128xf32, #tpu.memory_space<vmem_shared>> -> memref<97x128xf32, #tpu.memory_space<vmem_shared>>
        %dma_start3A_118 = arith.constant 0 : i32
        %dma_start3A_119 = tpu.memref_slice %arg12[%add3A_25, %dma_start3A_118] : memref<7696x128xf32, #tpu.memory_space<vmem_shared>> -> memref<97x128xf32, #tpu.memory_space<vmem_shared>>
        %dma_start3A_120 = arith.constant 0 : i32
        %dma_start3A_121 = arith.constant 0 : i32
        %dma_start3A_122 = tpu.memref_slice %arg11[%dma_start3A_120, %dma_start3A_121] : memref<128x128xf32, #tpu.memory_space<vmem>> -> memref<97x128xf32, #tpu.memory_space<vmem>>
        tpu.enqueue_dma source(%dma_start3A_122 : memref<97x128xf32, #tpu.memory_space<vmem>>) target(%dma_start3A_119 : memref<97x128xf32, #tpu.memory_space<vmem_shared>>) target_semaphore(%run_scoped3A_112 : memref<!tpu.dma_semaphore, #tpu.memory_space<semaphore_mem>>)
        %dma_wait3A_123 = arith.constant 0 : i32
        %dma_wait3A_124 = arith.constant 0 : i32
        %dma_wait3A_125 = tpu.memref_slice %arg11[%dma_wait3A_123, %dma_wait3A_124] : memref<128x128xf32, #tpu.memory_space<vmem>> -> memref<97x128xf32, #tpu.memory_space<vmem>>
        %dma_wait3A_126 = arith.constant 0 : i32
        %dma_wait3A_127 = tpu.memref_slice %arg12[%add3A_25, %dma_wait3A_126] : memref<7696x128xf32, #tpu.memory_space<vmem_shared>> -> memref<97x128xf32, #tpu.memory_space<vmem_shared>>
        %dma_wait3A_128 = arith.constant 0 : i32
        %dma_wait3A_129 = tpu.memref_slice %arg12[%add3A_25, %dma_wait3A_128] : memref<7696x128xf32, #tpu.memory_space<vmem_shared>> -> memref<97x128xf32, #tpu.memory_space<vmem_shared>>
        %dma_wait3A_130 = arith.constant 0 : i32
        %dma_wait3A_131 = arith.constant 0 : i32
        %dma_wait3A_132 = tpu.memref_slice %arg11[%dma_wait3A_130, %dma_wait3A_131] : memref<128x128xf32, #tpu.memory_space<vmem>> -> memref<97x128xf32, #tpu.memory_space<vmem>>
        tpu.wait_dma2 semaphore(%run_scoped3A_112 : memref<!tpu.dma_semaphore, #tpu.memory_space<semaphore_mem>>) src(%dma_wait3A_132 : memref<97x128xf32, #tpu.memory_space<vmem>>) dst(%dma_wait3A_129 : memref<97x128xf32, #tpu.memory_space<vmem_shared>>)
        tpu.yield
      }) : () -> ()
      %barrier3A = arith.constant 0 : index
      tpu.barrier barrier_id(%barrier3A)
      %multiple_of3A = arith.constant 0 : i32
      %multiple_of3A_26 = tpu.assume_multiple %multiple_of3A, 2048 : i32
      %dma_start3A = arith.constant 0 : i32
      %dma_start3A_27 = tpu.memref_slice %arg3[%arg1, %dma_start3A, %multiple_of3A_26] : memref<16x3x51200xi32, #tpu.memory_space<hbm>> -> memref<1x3x2048xi32, #tpu.memory_space<hbm>>
      %dma_start3A_28 = tpu.memref_squeeze %dma_start3A_27 : memref<1x3x2048xi32, #tpu.memory_space<hbm>> -> memref<3x2048xi32, #tpu.memory_space<hbm>>
      %dma_start3A_29 = arith.constant 0 : i32
      %dma_start3A_30 = tpu.memref_slice %arg3[%arg1, %dma_start3A_29, %multiple_of3A_26] : memref<16x3x51200xi32, #tpu.memory_space<hbm>> -> memref<1x3x2048xi32, #tpu.memory_space<hbm>>
      %dma_start3A_31 = tpu.memref_squeeze %dma_start3A_30 : memref<1x3x2048xi32, #tpu.memory_space<hbm>> -> memref<3x2048xi32, #tpu.memory_space<hbm>>
      tpu.enqueue_dma source(%dma_start3A_31 : memref<3x2048xi32, #tpu.memory_space<hbm>>) target(%arg6 : memref<3x2048xi32, #tpu.memory_space<vmem>>) target_semaphore(%arg14 : memref<!tpu.dma_semaphore, #tpu.memory_space<semaphore_mem>>)
      %dma_wait3A = arith.constant 0 : i32
      %dma_wait3A_32 = tpu.memref_slice %arg3[%arg1, %dma_wait3A, %multiple_of3A_26] : memref<16x3x51200xi32, #tpu.memory_space<hbm>> -> memref<1x3x2048xi32, #tpu.memory_space<hbm>>
      %dma_wait3A_33 = tpu.memref_squeeze %dma_wait3A_32 : memref<1x3x2048xi32, #tpu.memory_space<hbm>> -> memref<3x2048xi32, #tpu.memory_space<hbm>>
      %dma_wait3A_34 = arith.constant 0 : i32
      %dma_wait3A_35 = tpu.memref_slice %arg3[%arg1, %dma_wait3A_34, %multiple_of3A_26] : memref<16x3x51200xi32, #tpu.memory_space<hbm>> -> memref<1x3x2048xi32, #tpu.memory_space<hbm>>
      %dma_wait3A_36 = tpu.memref_squeeze %dma_wait3A_35 : memref<1x3x2048xi32, #tpu.memory_space<hbm>> -> memref<3x2048xi32, #tpu.memory_space<hbm>>
      tpu.wait_dma2 semaphore(%arg14 : memref<!tpu.dma_semaphore, #tpu.memory_space<semaphore_mem>>) src(%dma_wait3A_36 : memref<3x2048xi32, #tpu.memory_space<hbm>>) dst(%arg6 : memref<3x2048xi32, #tpu.memory_space<vmem>>)
      %scan3A_37 = arith.constant 0 : i32
      %scan3A_38 = arith.constant 0 : i32
      %scan3A_39 = arith.constant 0 : i32
      %scan3A_40 = arith.constant 12 : i32
      %scan3A_41 = arith.addi %scan3A_39, %scan3A_40 : i32
      %scan3A_42 = arith.constant 1 : i32
      %scan3A_43:2 = scf.for %scan3A_112 = %scan3A_39 to %scan3A_41 step %scan3A_42 iter_args(%scan3A_113 = %scan3A_37, %scan3A_114 = %scan3A_38) -> (i32, i32)  : i32 {
        %mul3A_115 = arith.constant 2 : i32
        %mul3A_116 = arith.muli %mul3A_115, %scan3A_112 : i32
        %add3A_117 = arith.constant 1 : i32
        %add3A_118 = arith.addi %mul3A_116, %add3A_117 : i32
        %mul3A_119 = arith.constant 2048 : i32
        %mul3A_120 = arith.muli %add3A_118, %mul3A_119 : i32
        %multiple_of3A_121 = tpu.assume_multiple %mul3A_120, 2048 : i32
        %dma_start3A_122 = arith.constant 0 : i32
        %dma_start3A_123 = tpu.memref_slice %arg3[%arg1, %dma_start3A_122, %multiple_of3A_121] : memref<16x3x51200xi32, #tpu.memory_space<hbm>> -> memref<1x3x2048xi32, #tpu.memory_space<hbm>>
        %dma_start3A_124 = tpu.memref_squeeze %dma_start3A_123 : memref<1x3x2048xi32, #tpu.memory_space<hbm>> -> memref<3x2048xi32, #tpu.memory_space<hbm>>
        %dma_start3A_125 = arith.constant 0 : i32
        %dma_start3A_126 = tpu.memref_slice %arg3[%arg1, %dma_start3A_125, %multiple_of3A_121] : memref<16x3x51200xi32, #tpu.memory_space<hbm>> -> memref<1x3x2048xi32, #tpu.memory_space<hbm>>
        %dma_start3A_127 = tpu.memref_squeeze %dma_start3A_126 : memref<1x3x2048xi32, #tpu.memory_space<hbm>> -> memref<3x2048xi32, #tpu.memory_space<hbm>>
        tpu.enqueue_dma source(%dma_start3A_127 : memref<3x2048xi32, #tpu.memory_space<hbm>>) target(%arg7 : memref<3x2048xi32, #tpu.memory_space<vmem>>) target_semaphore(%arg14 : memref<!tpu.dma_semaphore, #tpu.memory_space<semaphore_mem>>)
        %broadcast_in_dim3A_128 = vector.broadcast %scan3A_113 : i32 to vector<16xi32>
        %parallel_loop3A_129 = arith.constant 0 : i32
        %parallel_loop3A_130 = arith.constant 128 : i32
        %parallel_loop3A_131 = arith.constant 1 : i32
        %parallel_loop3A_132 = scf.for %parallel_loop3A_251 = %parallel_loop3A_129 to %parallel_loop3A_130 step %parallel_loop3A_131 iter_args(%parallel_loop3A_252 = %broadcast_in_dim3A_128) -> (vector<16xi32>)  : i32 {
          %parallel_loop3A_253 = arith.constant 16 : i32
          %parallel_loop3A_254 = arith.muli %parallel_loop3A_251, %parallel_loop3A_253 : i32
          %parallel_loop3A_255 = tpu.assume_multiple %parallel_loop3A_254, 16 : i32
          %parallel_loop3A_256 = arith.constant 0 : i32
          %parallel_loop3A_257 = arith.index_cast %parallel_loop3A_256 : i32 to index
          %parallel_loop3A_258 = arith.index_cast %parallel_loop3A_255 : i32 to index
          %parallel_loop3A_259 = tpu.vector_load %arg6[%parallel_loop3A_257, %parallel_loop3A_258] {strides = array<i32>} : memref<3x2048xi32, #tpu.memory_space<vmem>>, vector<16xi32>,
          %parallel_loop3A_260 = arith.constant 1 : i32
          %parallel_loop3A_261 = arith.index_cast %parallel_loop3A_260 : i32 to index
          %parallel_loop3A_262 = arith.index_cast %parallel_loop3A_255 : i32 to index
          %parallel_loop3A_263 = tpu.vector_load %arg6[%parallel_loop3A_261, %parallel_loop3A_262] {strides = array<i32>} : memref<3x2048xi32, #tpu.memory_space<vmem>>, vector<16xi32>,
          %parallel_loop3A_264 = arith.constant 2 : i32
          %parallel_loop3A_265 = arith.index_cast %parallel_loop3A_264 : i32 to index
          %parallel_loop3A_266 = arith.index_cast %parallel_loop3A_255 : i32 to index
          %parallel_loop3A_267 = tpu.vector_load %arg6[%parallel_loop3A_265, %parallel_loop3A_266] {strides = array<i32>} : memref<3x2048xi32, #tpu.memory_space<vmem>>, vector<16xi32>,
          %parallel_loop3A_268 = vector.broadcast %mul3A_15 : i32 to vector<16xi32>
          %parallel_loop3A_269 = arith.subi %parallel_loop3A_263, %parallel_loop3A_268 : vector<16xi32>
          %parallel_loop3A_270 = arith.constant 0 : i32
          %parallel_loop3A_271 = vector.broadcast %parallel_loop3A_270 : i32 to vector<16xi32>
          %parallel_loop3A_272 = arith.cmpi sge, %parallel_loop3A_269, %parallel_loop3A_271 : vector<16xi32>
          %parallel_loop3A_273 = arith.constant 2560 : i32
          %parallel_loop3A_274 = vector.broadcast %parallel_loop3A_273 : i32 to vector<16xi32>
          %parallel_loop3A_275 = arith.cmpi slt, %parallel_loop3A_269, %parallel_loop3A_274 : vector<16xi32>
          %parallel_loop3A_276 = arith.andi %parallel_loop3A_272, %parallel_loop3A_275 : vector<16xi1>
          %parallel_loop3A_277 = arith.constant 2560 : i32
          %parallel_loop3A_278 = vector.broadcast %parallel_loop3A_277 : i32 to vector<16xi32>
          %parallel_loop3A_279 = arith.muli %parallel_loop3A_267, %parallel_loop3A_278 : vector<16xi32>
          %parallel_loop3A_280 = arith.addi %parallel_loop3A_279, %parallel_loop3A_269 : vector<16xi32>
          %parallel_loop3A_281 = arith.extui %parallel_loop3A_276 : vector<16xi1> to vector<16xi32>
          %parallel_loop3A_282 = arith.constant true
          %parallel_loop3A_283 = vector.broadcast %parallel_loop3A_282 : i1 to vector<16xi1>
          %parallel_loop3A_284 = tpu.scan <sum>, %parallel_loop3A_281 masked %parallel_loop3A_283 : vector<16xi32>, vector<16xi1> -> vector<16xi32>
          %parallel_loop3A_285 = arith.addi %parallel_loop3A_252, %parallel_loop3A_284 : vector<16xi32>
          %parallel_loop3A_286 = arith.constant 1 : i32
          %parallel_loop3A_287 = vector.broadcast %parallel_loop3A_286 : i32 to vector<16xi32>
          %parallel_loop3A_288 = arith.subi %parallel_loop3A_285, %parallel_loop3A_287 : vector<16xi32>
          %parallel_loop3A_289 = arith.constant 128 : i32
          %parallel_loop3A_290 = vector.broadcast %parallel_loop3A_289 : i32 to vector<16xi32>
          %parallel_loop3A_291 = arith.divsi %parallel_loop3A_288, %parallel_loop3A_290 : vector<16xi32>
          %parallel_loop3A_292 = arith.constant 0 : i32
          %parallel_loop3A_293 = vector.broadcast %parallel_loop3A_292 : i32 to vector<16xi32>
          %parallel_loop3A_294 = arith.cmpi sgt, %parallel_loop3A_288, %parallel_loop3A_293 : vector<16xi32>
          %parallel_loop3A_295 = arith.extui %parallel_loop3A_294 : vector<16xi1> to vector<16xi32>
          %parallel_loop3A_296 = arith.constant 0 : i32
          %parallel_loop3A_297 = vector.broadcast %parallel_loop3A_296 : i32 to vector<16xi32>
          %parallel_loop3A_298 = arith.cmpi slt, %parallel_loop3A_288, %parallel_loop3A_297 : vector<16xi32>
          %parallel_loop3A_299 = arith.extui %parallel_loop3A_298 : vector<16xi1> to vector<16xi32>
          %parallel_loop3A_300 = arith.subi %parallel_loop3A_295, %parallel_loop3A_299 : vector<16xi32>
          %parallel_loop3A_301 = arith.constant 0 : i32
          %parallel_loop3A_302 = arith.cmpi sgt, %parallel_loop3A_289, %parallel_loop3A_301 : i32
          %parallel_loop3A_303 = arith.extui %parallel_loop3A_302 : i1 to i32
          %parallel_loop3A_304 = arith.constant 0 : i32
          %parallel_loop3A_305 = arith.cmpi slt, %parallel_loop3A_289, %parallel_loop3A_304 : i32
          %parallel_loop3A_306 = arith.extui %parallel_loop3A_305 : i1 to i32
          %parallel_loop3A_307 = arith.subi %parallel_loop3A_303, %parallel_loop3A_306 : i32
          %parallel_loop3A_308 = vector.broadcast %parallel_loop3A_307 : i32 to vector<16xi32>
          %parallel_loop3A_309 = arith.cmpi ne, %parallel_loop3A_300, %parallel_loop3A_308 : vector<16xi32>
          %parallel_loop3A_310 = vector.broadcast %parallel_loop3A_289 : i32 to vector<16xi32>
          %parallel_loop3A_311 = arith.remsi %parallel_loop3A_288, %parallel_loop3A_310 : vector<16xi32>
          %parallel_loop3A_312 = arith.constant 0 : i32
          %parallel_loop3A_313 = vector.broadcast %parallel_loop3A_312 : i32 to vector<16xi32>
          %parallel_loop3A_314 = arith.cmpi ne, %parallel_loop3A_311, %parallel_loop3A_313 : vector<16xi32>
          %parallel_loop3A_315 = arith.andi %parallel_loop3A_309, %parallel_loop3A_314 : vector<16xi1>
          %parallel_loop3A_316 = arith.constant 1 : i32
          %parallel_loop3A_317 = vector.broadcast %parallel_loop3A_316 : i32 to vector<16xi32>
          %parallel_loop3A_318 = arith.subi %parallel_loop3A_291, %parallel_loop3A_317 : vector<16xi32>
          %parallel_loop3A_319 = arith.select %parallel_loop3A_315, %parallel_loop3A_318, %parallel_loop3A_291 : vector<16xi1>, vector<16xi32>
          %parallel_loop3A_320 = arith.constant 63 : i32
          %parallel_loop3A_321 = vector.broadcast %parallel_loop3A_320 : i32 to vector<16xi32>
          %parallel_loop3A_322 = arith.andi %parallel_loop3A_319, %parallel_loop3A_321 : vector<16xi32>
          %parallel_loop3A_323 = arith.constant 127 : i32
          %parallel_loop3A_324 = vector.broadcast %parallel_loop3A_323 : i32 to vector<16xi32>
          %parallel_loop3A_325 = arith.andi %parallel_loop3A_288, %parallel_loop3A_324 : vector<16xi32>
          tpu.vector_store_idx %arg8[%parallel_loop3A_322, %parallel_loop3A_325], %parallel_loop3A_259 masked %parallel_loop3A_276 : memref<64x128xi32, #tpu.memory_space<vmem>>[vector<16xi32>, vector<16xi32>], vector<16xi32>, vector<16xi1>
          tpu.vector_store_idx %arg9[%parallel_loop3A_322, %parallel_loop3A_325], %parallel_loop3A_280 masked %parallel_loop3A_276 : memref<64x128xi32, #tpu.memory_space<vmem>>[vector<16xi32>, vector<16xi32>], vector<16xi32>, vector<16xi1>
          %parallel_loop3A_326 = arith.constant 0 : i32
          %parallel_loop3A_327 = vector.broadcast %parallel_loop3A_326 : i32 to vector<16xi32>
          %parallel_loop3A_328 = arith.cmpi slt, %broadcast_in_dim3A_2, %parallel_loop3A_327 : vector<16xi32>
          %parallel_loop3A_329 = arith.constant 16 : i32
          %parallel_loop3A_330 = vector.broadcast %parallel_loop3A_329 : i32 to vector<16xi32>
          %parallel_loop3A_331 = arith.addi %broadcast_in_dim3A_2, %parallel_loop3A_330 : vector<16xi32>
          %parallel_loop3A_332 = arith.select %parallel_loop3A_328, %parallel_loop3A_331, %broadcast_in_dim3A_2 : vector<16xi1>, vector<16xi32>
          %parallel_loop3A_333 = vector.shape_cast %parallel_loop3A_332 : vector<16xi32> to vector<16x1xi32>
          %parallel_loop3A_334 = vector.shape_cast %parallel_loop3A_333 : vector<16x1xi32> to vector<16xi32>
          %parallel_loop3A_335 = tpu.dynamic_gather %parallel_loop3A_288[%parallel_loop3A_334] in [0] : vector<16xi32>, vector<16xi32> -> vector<16xi32>
          %parallel_loop3A_336 = arith.constant 1 : i32
          %parallel_loop3A_337 = vector.broadcast %parallel_loop3A_336 : i32 to vector<16xi32>
          %parallel_loop3A_338 = arith.addi %parallel_loop3A_335, %parallel_loop3A_337 : vector<16xi32>
          scf.yield %parallel_loop3A_338 : vector<16xi32>
        } {sc.loop_unroll_factor = 8 : i64, sc.parallel_access}
        %reduce_max3A_133 = arith.constant true
        %reduce_max3A_134 = vector.broadcast %reduce_max3A_133 : i1 to vector<16xi1>
        %reduce_max3A_135 = arith.constant -2147483648 : i32
        %reduce_max3A_136 = vector.broadcast %reduce_max3A_135 : i32 to vector<16xi32>
        %reduce_max3A_137 = arith.xori %parallel_loop3A_132, %reduce_max3A_136 : vector<16xi32>
        %reduce_max3A_138 = tpu.scan <max>, %reduce_max3A_137 masked %reduce_max3A_134 : vector<16xi32>, vector<16xi1> -> vector<16xi32>
        %reduce_max3A_139 = arith.xori %reduce_max3A_138, %reduce_max3A_136 : vector<16xi32>
        %reduce_max3A_140 = vector.extract %reduce_max3A_139[15] : i32 from vector<16xi32>
        %sub3A_141 = arith.subi %reduce_max3A_140, %scan3A_114 : i32
        %jit3A_142 = arith.constant 128 : i32
        %div3A_143 = arith.divsi %sub3A_141, %jit3A_142 : i32
        %sign3A_144 = arith.constant 0 : i32
        %sign3A_145 = arith.cmpi sgt, %sub3A_141, %sign3A_144 : i32
        %sign3A_146 = arith.extui %sign3A_145 : i1 to i32
        %sign3A_147 = arith.constant 0 : i32
        %sign3A_148 = arith.cmpi slt, %sub3A_141, %sign3A_147 : i32
        %sign3A_149 = arith.extui %sign3A_148 : i1 to i32
        %sign3A_150 = arith.subi %sign3A_146, %sign3A_149 : i32
        %sign3A_151 = arith.constant 0 : i32
        %sign3A_152 = arith.cmpi sgt, %jit3A_142, %sign3A_151 : i32
        %sign3A_153 = arith.extui %sign3A_152 : i1 to i32
        %sign3A_154 = arith.constant 0 : i32
        %sign3A_155 = arith.cmpi slt, %jit3A_142, %sign3A_154 : i32
        %sign3A_156 = arith.extui %sign3A_155 : i1 to i32
        %sign3A_157 = arith.subi %sign3A_153, %sign3A_156 : i32
        %ne3A_158 = arith.cmpi ne, %sign3A_150, %sign3A_157 : i32
        %rem3A_159 = arith.remsi %sub3A_141, %jit3A_142 : i32
        %ne3A_160 = arith.constant 0 : i32
        %ne3A_161 = arith.cmpi ne, %rem3A_159, %ne3A_160 : i32
        %and3A_162 = arith.andi %ne3A_158, %ne3A_161 : i1
        %sub3A_163 = arith.constant 1 : i32
        %sub3A_164 = arith.subi %div3A_143, %sub3A_163 : i32
        %select_n3A_165 = arith.select %and3A_162, %sub3A_164, %div3A_143 : i32
        %while3A_166 = arith.constant 0 : i32
        %while3A_167 = arith.subi %select_n3A_165, %while3A_166 : i32
        %while3A_168 = arith.addi %while3A_166, %while3A_167 : i32
        %while3A_169 = arith.constant 1 : i32
        %while3A_170 = arith.divsi %while3A_167, %while3A_169 : i32
        %while3A_171 = arith.muli %while3A_170, %while3A_169 : i32
        %while3A_172 = arith.addi %while3A_166, %while3A_171 : i32
        %while3A_173 = arith.constant 1 : i32
        %while3A_174 = scf.for %while3A_251 = %while3A_166 to %while3A_172 step %while3A_173 iter_args(%while3A_252 = %scan3A_114) -> (i32)  : i32 {
          %jit3A_253 = arith.constant 128 : i32
          %div3A_254 = arith.divsi %while3A_252, %jit3A_253 : i32
          %sign3A_255 = arith.constant 0 : i32
          %sign3A_256 = arith.cmpi sgt, %while3A_252, %sign3A_255 : i32
          %sign3A_257 = arith.extui %sign3A_256 : i1 to i32
          %sign3A_258 = arith.constant 0 : i32
          %sign3A_259 = arith.cmpi slt, %while3A_252, %sign3A_258 : i32
          %sign3A_260 = arith.extui %sign3A_259 : i1 to i32
          %sign3A_261 = arith.subi %sign3A_257, %sign3A_260 : i32
          %sign3A_262 = arith.constant 0 : i32
          %sign3A_263 = arith.cmpi sgt, %jit3A_253, %sign3A_262 : i32
          %sign3A_264 = arith.extui %sign3A_263 : i1 to i32
          %sign3A_265 = arith.constant 0 : i32
          %sign3A_266 = arith.cmpi slt, %jit3A_253, %sign3A_265 : i32
          %sign3A_267 = arith.extui %sign3A_266 : i1 to i32
          %sign3A_268 = arith.subi %sign3A_264, %sign3A_267 : i32
          %ne3A_269 = arith.cmpi ne, %sign3A_261, %sign3A_268 : i32
          %rem3A_270 = arith.remsi %while3A_252, %jit3A_253 : i32
          %ne3A_271 = arith.constant 0 : i32
          %ne3A_272 = arith.cmpi ne, %rem3A_270, %ne3A_271 : i32
          %and3A_273 = arith.andi %ne3A_269, %ne3A_272 : i1
          %sub3A_274 = arith.constant 1 : i32
          %sub3A_275 = arith.subi %div3A_254, %sub3A_274 : i32
          %select_n3A_276 = arith.select %and3A_273, %sub3A_275, %div3A_254 : i32
          %and3A_277 = arith.constant 63 : i32
          %and3A_278 = arith.andi %select_n3A_276, %and3A_277 : i32
          %dma_start3A_279 = arith.constant 0 : i32
          %dma_start3A_280 = tpu.memref_slice %arg8[%and3A_278, %dma_start3A_279] : memref<64x128xi32, #tpu.memory_space<vmem>> -> memref<1x128xi32, #tpu.memory_space<vmem>>
          %dma_start3A_281 = tpu.memref_squeeze %dma_start3A_280 : memref<1x128xi32, #tpu.memory_space<vmem>> -> memref<128xi32, #tpu.memory_space<vmem>>
          %dma_start3A_282 = arith.constant 0 : i32
          %dma_start3A_283 = arith.constant 0 : i32
          %dma_start3A_284 = tpu.memref_slice %arg2[%dma_start3A_282, %dma_start3A_283] : memref<50000x128xf32, #tpu.memory_space<hbm>> -> memref<50000x128xf32, #tpu.memory_space<hbm>>
          tpu.enqueue_indirect_dma source(%dma_start3A_284 : memref<50000x128xf32, #tpu.memory_space<hbm>>) target(%arg10 : memref<128x128xf32, #tpu.memory_space<vmem>>) offsets(%dma_start3A_281 : memref<128xi32, #tpu.memory_space<vmem>>) semaphore(%arg13 : memref<!tpu.dma_semaphore, #tpu.memory_space<semaphore_mem>>)
          %dma_wait3A_285 = arith.constant 0 : i32
          %dma_wait3A_286 = tpu.memref_slice %arg8[%and3A_278, %dma_wait3A_285] : memref<64x128xi32, #tpu.memory_space<vmem>> -> memref<1x128xi32, #tpu.memory_space<vmem>>
          %dma_wait3A_287 = tpu.memref_squeeze %dma_wait3A_286 : memref<1x128xi32, #tpu.memory_space<vmem>> -> memref<128xi32, #tpu.memory_space<vmem>>
          %dma_wait3A_288 = arith.constant 0 : i32
          %dma_wait3A_289 = arith.constant 0 : i32
          %dma_wait3A_290 = tpu.memref_slice %arg2[%dma_wait3A_288, %dma_wait3A_289] : memref<50000x128xf32, #tpu.memory_space<hbm>> -> memref<50000x128xf32, #tpu.memory_space<hbm>>
          tpu.wait_indirect_dma semaphore(%arg13 : memref<!tpu.dma_semaphore, #tpu.memory_space<semaphore_mem>>) src(%dma_wait3A_290 : memref<50000x128xf32, #tpu.memory_space<hbm>>) dst(%arg10 : memref<128x128xf32, #tpu.memory_space<vmem>>)
          "tpu.region"() ({
            %run_scoped3A_293 = tpu.sem_alloc : memref<!tpu.dma_semaphore, #tpu.memory_space<semaphore_mem>>
            %dma_start3A_294 = arith.constant 0 : i32
            %dma_start3A_295 = tpu.memref_slice %arg9[%and3A_278, %dma_start3A_294] : memref<64x128xi32, #tpu.memory_space<vmem>> -> memref<1x128xi32, #tpu.memory_space<vmem>>
            %dma_start3A_296 = tpu.memref_squeeze %dma_start3A_295 : memref<1x128xi32, #tpu.memory_space<vmem>> -> memref<128xi32, #tpu.memory_space<vmem>>
            %dma_start3A_297 = arith.constant 0 : i32
            %dma_start3A_298 = arith.constant 0 : i32
            %dma_start3A_299 = tpu.memref_slice %arg12[%dma_start3A_297, %dma_start3A_298] : memref<7696x128xf32, #tpu.memory_space<vmem_shared>> -> memref<7696x128xf32, #tpu.memory_space<vmem_shared>>
            tpu.enqueue_indirect_dma source(%arg10 : memref<128x128xf32, #tpu.memory_space<vmem>>) target(%dma_start3A_299 : memref<7696x128xf32, #tpu.memory_space<vmem_shared>>) offsets(%dma_start3A_296 : memref<128xi32, #tpu.memory_space<vmem>>) semaphore(%run_scoped3A_293 : memref<!tpu.dma_semaphore, #tpu.memory_space<semaphore_mem>>) {add = true}
            %dma_wait3A_300 = arith.constant 0 : i32
            %dma_wait3A_301 = tpu.memref_slice %arg9[%and3A_278, %dma_wait3A_300] : memref<64x128xi32, #tpu.memory_space<vmem>> -> memref<1x128xi32, #tpu.memory_space<vmem>>
            %dma_wait3A_302 = tpu.memref_squeeze %dma_wait3A_301 : memref<1x128xi32, #tpu.memory_space<vmem>> -> memref<128xi32, #tpu.memory_space<vmem>>
            %dma_wait3A_303 = arith.constant 0 : i32
            %dma_wait3A_304 = arith.constant 0 : i32
            %dma_wait3A_305 = tpu.memref_slice %arg12[%dma_wait3A_303, %dma_wait3A_304] : memref<7696x128xf32, #tpu.memory_space<vmem_shared>> -> memref<7696x128xf32, #tpu.memory_space<vmem_shared>>
            tpu.wait_indirect_dma semaphore(%run_scoped3A_293 : memref<!tpu.dma_semaphore, #tpu.memory_space<semaphore_mem>>) src(%arg10 : memref<128x128xf32, #tpu.memory_space<vmem>>) dst(%dma_wait3A_305 : memref<7696x128xf32, #tpu.memory_space<vmem_shared>>)
            tpu.yield
          }) : () -> ()
          %add3A_291 = arith.constant 128 : i32
          %add3A_292 = arith.addi %while3A_252, %add3A_291 : i32
          scf.yield %add3A_292 : i32
        }
        %while3A_175 = arith.constant 1 : i32
        %while3A_176 = scf.for %while3A_251 = %while3A_172 to %while3A_168 step %while3A_175 iter_args(%while3A_252 = %while3A_174) -> (i32)  : i32 {
          %jit3A_253 = arith.constant 128 : i32
          %div3A_254 = arith.divsi %while3A_252, %jit3A_253 : i32
          %sign3A_255 = arith.constant 0 : i32
          %sign3A_256 = arith.cmpi sgt, %while3A_252, %sign3A_255 : i32
          %sign3A_257 = arith.extui %sign3A_256 : i1 to i32
          %sign3A_258 = arith.constant 0 : i32
          %sign3A_259 = arith.cmpi slt, %while3A_252, %sign3A_258 : i32
          %sign3A_260 = arith.extui %sign3A_259 : i1 to i32
          %sign3A_261 = arith.subi %sign3A_257, %sign3A_260 : i32
          %sign3A_262 = arith.constant 0 : i32
          %sign3A_263 = arith.cmpi sgt, %jit3A_253, %sign3A_262 : i32
          %sign3A_264 = arith.extui %sign3A_263 : i1 to i32
          %sign3A_265 = arith.constant 0 : i32
          %sign3A_266 = arith.cmpi slt, %jit3A_253, %sign3A_265 : i32
          %sign3A_267 = arith.extui %sign3A_266 : i1 to i32
          %sign3A_268 = arith.subi %sign3A_264, %sign3A_267 : i32
          %ne3A_269 = arith.cmpi ne, %sign3A_261, %sign3A_268 : i32
          %rem3A_270 = arith.remsi %while3A_252, %jit3A_253 : i32
          %ne3A_271 = arith.constant 0 : i32
          %ne3A_272 = arith.cmpi ne, %rem3A_270, %ne3A_271 : i32
          %and3A_273 = arith.andi %ne3A_269, %ne3A_272 : i1
          %sub3A_274 = arith.constant 1 : i32
          %sub3A_275 = arith.subi %div3A_254, %sub3A_274 : i32
          %select_n3A_276 = arith.select %and3A_273, %sub3A_275, %div3A_254 : i32
          %and3A_277 = arith.constant 63 : i32
          %and3A_278 = arith.andi %select_n3A_276, %and3A_277 : i32
          %dma_start3A_279 = arith.constant 0 : i32
          %dma_start3A_280 = tpu.memref_slice %arg8[%and3A_278, %dma_start3A_279] : memref<64x128xi32, #tpu.memory_space<vmem>> -> memref<1x128xi32, #tpu.memory_space<vmem>>
          %dma_start3A_281 = tpu.memref_squeeze %dma_start3A_280 : memref<1x128xi32, #tpu.memory_space<vmem>> -> memref<128xi32, #tpu.memory_space<vmem>>
          %dma_start3A_282 = arith.constant 0 : i32
          %dma_start3A_283 = arith.constant 0 : i32
          %dma_start3A_284 = tpu.memref_slice %arg2[%dma_start3A_282, %dma_start3A_283] : memref<50000x128xf32, #tpu.memory_space<hbm>> -> memref<50000x128xf32, #tpu.memory_space<hbm>>
          tpu.enqueue_indirect_dma source(%dma_start3A_284 : memref<50000x128xf32, #tpu.memory_space<hbm>>) target(%arg10 : memref<128x128xf32, #tpu.memory_space<vmem>>) offsets(%dma_start3A_281 : memref<128xi32, #tpu.memory_space<vmem>>) semaphore(%arg13 : memref<!tpu.dma_semaphore, #tpu.memory_space<semaphore_mem>>)
          %dma_wait3A_285 = arith.constant 0 : i32
          %dma_wait3A_286 = tpu.memref_slice %arg8[%and3A_278, %dma_wait3A_285] : memref<64x128xi32, #tpu.memory_space<vmem>> -> memref<1x128xi32, #tpu.memory_space<vmem>>
          %dma_wait3A_287 = tpu.memref_squeeze %dma_wait3A_286 : memref<1x128xi32, #tpu.memory_space<vmem>> -> memref<128xi32, #tpu.memory_space<vmem>>
          %dma_wait3A_288 = arith.constant 0 : i32
          %dma_wait3A_289 = arith.constant 0 : i32
          %dma_wait3A_290 = tpu.memref_slice %arg2[%dma_wait3A_288, %dma_wait3A_289] : memref<50000x128xf32, #tpu.memory_space<hbm>> -> memref<50000x128xf32, #tpu.memory_space<hbm>>
          tpu.wait_indirect_dma semaphore(%arg13 : memref<!tpu.dma_semaphore, #tpu.memory_space<semaphore_mem>>) src(%dma_wait3A_290 : memref<50000x128xf32, #tpu.memory_space<hbm>>) dst(%arg10 : memref<128x128xf32, #tpu.memory_space<vmem>>)
          "tpu.region"() ({
            %run_scoped3A_293 = tpu.sem_alloc : memref<!tpu.dma_semaphore, #tpu.memory_space<semaphore_mem>>
            %dma_start3A_294 = arith.constant 0 : i32
            %dma_start3A_295 = tpu.memref_slice %arg9[%and3A_278, %dma_start3A_294] : memref<64x128xi32, #tpu.memory_space<vmem>> -> memref<1x128xi32, #tpu.memory_space<vmem>>
            %dma_start3A_296 = tpu.memref_squeeze %dma_start3A_295 : memref<1x128xi32, #tpu.memory_space<vmem>> -> memref<128xi32, #tpu.memory_space<vmem>>
            %dma_start3A_297 = arith.constant 0 : i32
            %dma_start3A_298 = arith.constant 0 : i32
            %dma_start3A_299 = tpu.memref_slice %arg12[%dma_start3A_297, %dma_start3A_298] : memref<7696x128xf32, #tpu.memory_space<vmem_shared>> -> memref<7696x128xf32, #tpu.memory_space<vmem_shared>>
            tpu.enqueue_indirect_dma source(%arg10 : memref<128x128xf32, #tpu.memory_space<vmem>>) target(%dma_start3A_299 : memref<7696x128xf32, #tpu.memory_space<vmem_shared>>) offsets(%dma_start3A_296 : memref<128xi32, #tpu.memory_space<vmem>>) semaphore(%run_scoped3A_293 : memref<!tpu.dma_semaphore, #tpu.memory_space<semaphore_mem>>) {add = true}
            %dma_wait3A_300 = arith.constant 0 : i32
            %dma_wait3A_301 = tpu.memref_slice %arg9[%and3A_278, %dma_wait3A_300] : memref<64x128xi32, #tpu.memory_space<vmem>> -> memref<1x128xi32, #tpu.memory_space<vmem>>
            %dma_wait3A_302 = tpu.memref_squeeze %dma_wait3A_301 : memref<1x128xi32, #tpu.memory_space<vmem>> -> memref<128xi32, #tpu.memory_space<vmem>>
            %dma_wait3A_303 = arith.constant 0 : i32
            %dma_wait3A_304 = arith.constant 0 : i32
            %dma_wait3A_305 = tpu.memref_slice %arg12[%dma_wait3A_303, %dma_wait3A_304] : memref<7696x128xf32, #tpu.memory_space<vmem_shared>> -> memref<7696x128xf32, #tpu.memory_space<vmem_shared>>
            tpu.wait_indirect_dma semaphore(%run_scoped3A_293 : memref<!tpu.dma_semaphore, #tpu.memory_space<semaphore_mem>>) src(%arg10 : memref<128x128xf32, #tpu.memory_space<vmem>>) dst(%dma_wait3A_305 : memref<7696x128xf32, #tpu.memory_space<vmem_shared>>)
            tpu.yield
          }) : () -> ()
          %add3A_291 = arith.constant 128 : i32
          %add3A_292 = arith.addi %while3A_252, %add3A_291 : i32
          scf.yield %add3A_292 : i32
        }
        %dma_wait3A_177 = arith.constant 0 : i32
        %dma_wait3A_178 = tpu.memref_slice %arg3[%arg1, %dma_wait3A_177, %multiple_of3A_121] : memref<16x3x51200xi32, #tpu.memory_space<hbm>> -> memref<1x3x2048xi32, #tpu.memory_space<hbm>>
        %dma_wait3A_179 = tpu.memref_squeeze %dma_wait3A_178 : memref<1x3x2048xi32, #tpu.memory_space<hbm>> -> memref<3x2048xi32, #tpu.memory_space<hbm>>
        %dma_wait3A_180 = arith.constant 0 : i32
        %dma_wait3A_181 = tpu.memref_slice %arg3[%arg1, %dma_wait3A_180, %multiple_of3A_121] : memref<16x3x51200xi32, #tpu.memory_space<hbm>> -> memref<1x3x2048xi32, #tpu.memory_space<hbm>>
        %dma_wait3A_182 = tpu.memref_squeeze %dma_wait3A_181 : memref<1x3x2048xi32, #tpu.memory_space<hbm>> -> memref<3x2048xi32, #tpu.memory_space<hbm>>
        tpu.wait_dma2 semaphore(%arg14 : memref<!tpu.dma_semaphore, #tpu.memory_space<semaphore_mem>>) src(%dma_wait3A_182 : memref<3x2048xi32, #tpu.memory_space<hbm>>) dst(%arg7 : memref<3x2048xi32, #tpu.memory_space<vmem>>)
        %mul3A_183 = arith.constant 2 : i32
        %mul3A_184 = arith.muli %mul3A_183, %scan3A_112 : i32
        %add3A_185 = arith.constant 2 : i32
        %add3A_186 = arith.addi %mul3A_184, %add3A_185 : i32
        %mul3A_187 = arith.constant 2048 : i32
        %mul3A_188 = arith.muli %add3A_186, %mul3A_187 : i32
        %multiple_of3A_189 = tpu.assume_multiple %mul3A_188, 2048 : i32
        %dma_start3A_190 = arith.constant 0 : i32
        %dma_start3A_191 = tpu.memref_slice %arg3[%arg1, %dma_start3A_190, %multiple_of3A_189] : memref<16x3x51200xi32, #tpu.memory_space<hbm>> -> memref<1x3x2048xi32, #tpu.memory_space<hbm>>
        %dma_start3A_192 = tpu.memref_squeeze %dma_start3A_191 : memref<1x3x2048xi32, #tpu.memory_space<hbm>> -> memref<3x2048xi32, #tpu.memory_space<hbm>>
        %dma_start3A_193 = arith.constant 0 : i32
        %dma_start3A_194 = tpu.memref_slice %arg3[%arg1, %dma_start3A_193, %multiple_of3A_189] : memref<16x3x51200xi32, #tpu.memory_space<hbm>> -> memref<1x3x2048xi32, #tpu.memory_space<hbm>>
        %dma_start3A_195 = tpu.memref_squeeze %dma_start3A_194 : memref<1x3x2048xi32, #tpu.memory_space<hbm>> -> memref<3x2048xi32, #tpu.memory_space<hbm>>
        tpu.enqueue_dma source(%dma_start3A_195 : memref<3x2048xi32, #tpu.memory_space<hbm>>) target(%arg6 : memref<3x2048xi32, #tpu.memory_space<vmem>>) target_semaphore(%arg14 : memref<!tpu.dma_semaphore, #tpu.memory_space<semaphore_mem>>)
        %broadcast_in_dim3A_196 = vector.broadcast %reduce_max3A_140 : i32 to vector<16xi32>
        %parallel_loop3A_197 = arith.constant 0 : i32
        %parallel_loop3A_198 = arith.constant 128 : i32
        %parallel_loop3A_199 = arith.constant 1 : i32
        %parallel_loop3A_200 = scf.for %parallel_loop3A_251 = %parallel_loop3A_197 to %parallel_loop3A_198 step %parallel_loop3A_199 iter_args(%parallel_loop3A_252 = %broadcast_in_dim3A_196) -> (vector<16xi32>)  : i32 {
          %parallel_loop3A_253 = arith.constant 16 : i32
          %parallel_loop3A_254 = arith.muli %parallel_loop3A_251, %parallel_loop3A_253 : i32
          %parallel_loop3A_255 = tpu.assume_multiple %parallel_loop3A_254, 16 : i32
          %parallel_loop3A_256 = arith.constant 0 : i32
          %parallel_loop3A_257 = arith.index_cast %parallel_loop3A_256 : i32 to index
          %parallel_loop3A_258 = arith.index_cast %parallel_loop3A_255 : i32 to index
          %parallel_loop3A_259 = tpu.vector_load %arg7[%parallel_loop3A_257, %parallel_loop3A_258] {strides = array<i32>} : memref<3x2048xi32, #tpu.memory_space<vmem>>, vector<16xi32>,
          %parallel_loop3A_260 = arith.constant 1 : i32
          %parallel_loop3A_261 = arith.index_cast %parallel_loop3A_260 : i32 to index
          %parallel_loop3A_262 = arith.index_cast %parallel_loop3A_255 : i32 to index
          %parallel_loop3A_263 = tpu.vector_load %arg7[%parallel_loop3A_261, %parallel_loop3A_262] {strides = array<i32>} : memref<3x2048xi32, #tpu.memory_space<vmem>>, vector<16xi32>,
          %parallel_loop3A_264 = arith.constant 2 : i32
          %parallel_loop3A_265 = arith.index_cast %parallel_loop3A_264 : i32 to index
          %parallel_loop3A_266 = arith.index_cast %parallel_loop3A_255 : i32 to index
          %parallel_loop3A_267 = tpu.vector_load %arg7[%parallel_loop3A_265, %parallel_loop3A_266] {strides = array<i32>} : memref<3x2048xi32, #tpu.memory_space<vmem>>, vector<16xi32>,
          %parallel_loop3A_268 = vector.broadcast %mul3A_15 : i32 to vector<16xi32>
          %parallel_loop3A_269 = arith.subi %parallel_loop3A_263, %parallel_loop3A_268 : vector<16xi32>
          %parallel_loop3A_270 = arith.constant 0 : i32
          %parallel_loop3A_271 = vector.broadcast %parallel_loop3A_270 : i32 to vector<16xi32>
          %parallel_loop3A_272 = arith.cmpi sge, %parallel_loop3A_269, %parallel_loop3A_271 : vector<16xi32>
          %parallel_loop3A_273 = arith.constant 2560 : i32
          %parallel_loop3A_274 = vector.broadcast %parallel_loop3A_273 : i32 to vector<16xi32>
          %parallel_loop3A_275 = arith.cmpi slt, %parallel_loop3A_269, %parallel_loop3A_274 : vector<16xi32>
          %parallel_loop3A_276 = arith.andi %parallel_loop3A_272, %parallel_loop3A_275 : vector<16xi1>
          %parallel_loop3A_277 = arith.constant 2560 : i32
          %parallel_loop3A_278 = vector.broadcast %parallel_loop3A_277 : i32 to vector<16xi32>
          %parallel_loop3A_279 = arith.muli %parallel_loop3A_267, %parallel_loop3A_278 : vector<16xi32>
          %parallel_loop3A_280 = arith.addi %parallel_loop3A_279, %parallel_loop3A_269 : vector<16xi32>
          %parallel_loop3A_281 = arith.extui %parallel_loop3A_276 : vector<16xi1> to vector<16xi32>
          %parallel_loop3A_282 = arith.constant true
          %parallel_loop3A_283 = vector.broadcast %parallel_loop3A_282 : i1 to vector<16xi1>
          %parallel_loop3A_284 = tpu.scan <sum>, %parallel_loop3A_281 masked %parallel_loop3A_283 : vector<16xi32>, vector<16xi1> -> vector<16xi32>
          %parallel_loop3A_285 = arith.addi %parallel_loop3A_252, %parallel_loop3A_284 : vector<16xi32>
          %parallel_loop3A_286 = arith.constant 1 : i32
          %parallel_loop3A_287 = vector.broadcast %parallel_loop3A_286 : i32 to vector<16xi32>
          %parallel_loop3A_288 = arith.subi %parallel_loop3A_285, %parallel_loop3A_287 : vector<16xi32>
          %parallel_loop3A_289 = arith.constant 128 : i32
          %parallel_loop3A_290 = vector.broadcast %parallel_loop3A_289 : i32 to vector<16xi32>
          %parallel_loop3A_291 = arith.divsi %parallel_loop3A_288, %parallel_loop3A_290 : vector<16xi32>
          %parallel_loop3A_292 = arith.constant 0 : i32
          %parallel_loop3A_293 = vector.broadcast %parallel_loop3A_292 : i32 to vector<16xi32>
          %parallel_loop3A_294 = arith.cmpi sgt, %parallel_loop3A_288, %parallel_loop3A_293 : vector<16xi32>
          %parallel_loop3A_295 = arith.extui %parallel_loop3A_294 : vector<16xi1> to vector<16xi32>
          %parallel_loop3A_296 = arith.constant 0 : i32
          %parallel_loop3A_297 = vector.broadcast %parallel_loop3A_296 : i32 to vector<16xi32>
          %parallel_loop3A_298 = arith.cmpi slt, %parallel_loop3A_288, %parallel_loop3A_297 : vector<16xi32>
          %parallel_loop3A_299 = arith.extui %parallel_loop3A_298 : vector<16xi1> to vector<16xi32>
          %parallel_loop3A_300 = arith.subi %parallel_loop3A_295, %parallel_loop3A_299 : vector<16xi32>
          %parallel_loop3A_301 = arith.constant 0 : i32
          %parallel_loop3A_302 = arith.cmpi sgt, %parallel_loop3A_289, %parallel_loop3A_301 : i32
          %parallel_loop3A_303 = arith.extui %parallel_loop3A_302 : i1 to i32
          %parallel_loop3A_304 = arith.constant 0 : i32
          %parallel_loop3A_305 = arith.cmpi slt, %parallel_loop3A_289, %parallel_loop3A_304 : i32
          %parallel_loop3A_306 = arith.extui %parallel_loop3A_305 : i1 to i32
          %parallel_loop3A_307 = arith.subi %parallel_loop3A_303, %parallel_loop3A_306 : i32
          %parallel_loop3A_308 = vector.broadcast %parallel_loop3A_307 : i32 to vector<16xi32>
          %parallel_loop3A_309 = arith.cmpi ne, %parallel_loop3A_300, %parallel_loop3A_308 : vector<16xi32>
          %parallel_loop3A_310 = vector.broadcast %parallel_loop3A_289 : i32 to vector<16xi32>
          %parallel_loop3A_311 = arith.remsi %parallel_loop3A_288, %parallel_loop3A_310 : vector<16xi32>
          %parallel_loop3A_312 = arith.constant 0 : i32
          %parallel_loop3A_313 = vector.broadcast %parallel_loop3A_312 : i32 to vector<16xi32>
          %parallel_loop3A_314 = arith.cmpi ne, %parallel_loop3A_311, %parallel_loop3A_313 : vector<16xi32>
          %parallel_loop3A_315 = arith.andi %parallel_loop3A_309, %parallel_loop3A_314 : vector<16xi1>
          %parallel_loop3A_316 = arith.constant 1 : i32
          %parallel_loop3A_317 = vector.broadcast %parallel_loop3A_316 : i32 to vector<16xi32>
          %parallel_loop3A_318 = arith.subi %parallel_loop3A_291, %parallel_loop3A_317 : vector<16xi32>
          %parallel_loop3A_319 = arith.select %parallel_loop3A_315, %parallel_loop3A_318, %parallel_loop3A_291 : vector<16xi1>, vector<16xi32>
          %parallel_loop3A_320 = arith.constant 63 : i32
          %parallel_loop3A_321 = vector.broadcast %parallel_loop3A_320 : i32 to vector<16xi32>
          %parallel_loop3A_322 = arith.andi %parallel_loop3A_319, %parallel_loop3A_321 : vector<16xi32>
          %parallel_loop3A_323 = arith.constant 127 : i32
          %parallel_loop3A_324 = vector.broadcast %parallel_loop3A_323 : i32 to vector<16xi32>
          %parallel_loop3A_325 = arith.andi %parallel_loop3A_288, %parallel_loop3A_324 : vector<16xi32>
          tpu.vector_store_idx %arg8[%parallel_loop3A_322, %parallel_loop3A_325], %parallel_loop3A_259 masked %parallel_loop3A_276 : memref<64x128xi32, #tpu.memory_space<vmem>>[vector<16xi32>, vector<16xi32>], vector<16xi32>, vector<16xi1>
          tpu.vector_store_idx %arg9[%parallel_loop3A_322, %parallel_loop3A_325], %parallel_loop3A_280 masked %parallel_loop3A_276 : memref<64x128xi32, #tpu.memory_space<vmem>>[vector<16xi32>, vector<16xi32>], vector<16xi32>, vector<16xi1>
          %parallel_loop3A_326 = arith.constant 0 : i32
          %parallel_loop3A_327 = vector.broadcast %parallel_loop3A_326 : i32 to vector<16xi32>
          %parallel_loop3A_328 = arith.cmpi slt, %broadcast_in_dim3A_2, %parallel_loop3A_327 : vector<16xi32>
          %parallel_loop3A_329 = arith.constant 16 : i32
          %parallel_loop3A_330 = vector.broadcast %parallel_loop3A_329 : i32 to vector<16xi32>
          %parallel_loop3A_331 = arith.addi %broadcast_in_dim3A_2, %parallel_loop3A_330 : vector<16xi32>
          %parallel_loop3A_332 = arith.select %parallel_loop3A_328, %parallel_loop3A_331, %broadcast_in_dim3A_2 : vector<16xi1>, vector<16xi32>
          %parallel_loop3A_333 = vector.shape_cast %parallel_loop3A_332 : vector<16xi32> to vector<16x1xi32>
          %parallel_loop3A_334 = vector.shape_cast %parallel_loop3A_333 : vector<16x1xi32> to vector<16xi32>
          %parallel_loop3A_335 = tpu.dynamic_gather %parallel_loop3A_288[%parallel_loop3A_334] in [0] : vector<16xi32>, vector<16xi32> -> vector<16xi32>
          %parallel_loop3A_336 = arith.constant 1 : i32
          %parallel_loop3A_337 = vector.broadcast %parallel_loop3A_336 : i32 to vector<16xi32>
          %parallel_loop3A_338 = arith.addi %parallel_loop3A_335, %parallel_loop3A_337 : vector<16xi32>
          scf.yield %parallel_loop3A_338 : vector<16xi32>
        } {sc.loop_unroll_factor = 8 : i64, sc.parallel_access}
        %reduce_max3A_201 = arith.constant true
        %reduce_max3A_202 = vector.broadcast %reduce_max3A_201 : i1 to vector<16xi1>
        %reduce_max3A_203 = arith.constant -2147483648 : i32
        %reduce_max3A_204 = vector.broadcast %reduce_max3A_203 : i32 to vector<16xi32>
        %reduce_max3A_205 = arith.xori %parallel_loop3A_200, %reduce_max3A_204 : vector<16xi32>
        %reduce_max3A_206 = tpu.scan <max>, %reduce_max3A_205 masked %reduce_max3A_202 : vector<16xi32>, vector<16xi1> -> vector<16xi32>
        %reduce_max3A_207 = arith.xori %reduce_max3A_206, %reduce_max3A_204 : vector<16xi32>
        %reduce_max3A_208 = vector.extract %reduce_max3A_207[15] : i32 from vector<16xi32>
        %sub3A_209 = arith.subi %reduce_max3A_208, %while3A_176 : i32
        %jit3A_210 = arith.constant 128 : i32
        %div3A_211 = arith.divsi %sub3A_209, %jit3A_210 : i32
        %sign3A_212 = arith.constant 0 : i32
        %sign3A_213 = arith.cmpi sgt, %sub3A_209, %sign3A_212 : i32
        %sign3A_214 = arith.extui %sign3A_213 : i1 to i32
        %sign3A_215 = arith.constant 0 : i32
        %sign3A_216 = arith.cmpi slt, %sub3A_209, %sign3A_215 : i32
        %sign3A_217 = arith.extui %sign3A_216 : i1 to i32
        %sign3A_218 = arith.subi %sign3A_214, %sign3A_217 : i32
        %sign3A_219 = arith.constant 0 : i32
        %sign3A_220 = arith.cmpi sgt, %jit3A_210, %sign3A_219 : i32
        %sign3A_221 = arith.extui %sign3A_220 : i1 to i32
        %sign3A_222 = arith.constant 0 : i32
        %sign3A_223 = arith.cmpi slt, %jit3A_210, %sign3A_222 : i32
        %sign3A_224 = arith.extui %sign3A_223 : i1 to i32
        %sign3A_225 = arith.subi %sign3A_221, %sign3A_224 : i32
        %ne3A_226 = arith.cmpi ne, %sign3A_218, %sign3A_225 : i32
        %rem3A_227 = arith.remsi %sub3A_209, %jit3A_210 : i32
        %ne3A_228 = arith.constant 0 : i32
        %ne3A_229 = arith.cmpi ne, %rem3A_227, %ne3A_228 : i32
        %and3A_230 = arith.andi %ne3A_226, %ne3A_229 : i1
        %sub3A_231 = arith.constant 1 : i32
        %sub3A_232 = arith.subi %div3A_211, %sub3A_231 : i32
        %select_n3A_233 = arith.select %and3A_230, %sub3A_232, %div3A_211 : i32
        %while3A_234 = arith.constant 0 : i32
        %while3A_235 = arith.subi %select_n3A_233, %while3A_234 : i32
        %while3A_236 = arith.addi %while3A_234, %while3A_235 : i32
        %while3A_237 = arith.constant 1 : i32
        %while3A_238 = arith.divsi %while3A_235, %while3A_237 : i32
        %while3A_239 = arith.muli %while3A_238, %while3A_237 : i32
        %while3A_240 = arith.addi %while3A_234, %while3A_239 : i32
        %while3A_241 = arith.constant 1 : i32
        %while3A_242 = scf.for %while3A_251 = %while3A_234 to %while3A_240 step %while3A_241 iter_args(%while3A_252 = %while3A_176) -> (i32)  : i32 {
          %jit3A_253 = arith.constant 128 : i32
          %div3A_254 = arith.divsi %while3A_252, %jit3A_253 : i32
          %sign3A_255 = arith.constant 0 : i32
          %sign3A_256 = arith.cmpi sgt, %while3A_252, %sign3A_255 : i32
          %sign3A_257 = arith.extui %sign3A_256 : i1 to i32
          %sign3A_258 = arith.constant 0 : i32
          %sign3A_259 = arith.cmpi slt, %while3A_252, %sign3A_258 : i32
          %sign3A_260 = arith.extui %sign3A_259 : i1 to i32
          %sign3A_261 = arith.subi %sign3A_257, %sign3A_260 : i32
          %sign3A_262 = arith.constant 0 : i32
          %sign3A_263 = arith.cmpi sgt, %jit3A_253, %sign3A_262 : i32
          %sign3A_264 = arith.extui %sign3A_263 : i1 to i32
          %sign3A_265 = arith.constant 0 : i32
          %sign3A_266 = arith.cmpi slt, %jit3A_253, %sign3A_265 : i32
          %sign3A_267 = arith.extui %sign3A_266 : i1 to i32
          %sign3A_268 = arith.subi %sign3A_264, %sign3A_267 : i32
          %ne3A_269 = arith.cmpi ne, %sign3A_261, %sign3A_268 : i32
          %rem3A_270 = arith.remsi %while3A_252, %jit3A_253 : i32
          %ne3A_271 = arith.constant 0 : i32
          %ne3A_272 = arith.cmpi ne, %rem3A_270, %ne3A_271 : i32
          %and3A_273 = arith.andi %ne3A_269, %ne3A_272 : i1
          %sub3A_274 = arith.constant 1 : i32
          %sub3A_275 = arith.subi %div3A_254, %sub3A_274 : i32
          %select_n3A_276 = arith.select %and3A_273, %sub3A_275, %div3A_254 : i32
          %and3A_277 = arith.constant 63 : i32
          %and3A_278 = arith.andi %select_n3A_276, %and3A_277 : i32
          %dma_start3A_279 = arith.constant 0 : i32
          %dma_start3A_280 = tpu.memref_slice %arg8[%and3A_278, %dma_start3A_279] : memref<64x128xi32, #tpu.memory_space<vmem>> -> memref<1x128xi32, #tpu.memory_space<vmem>>
          %dma_start3A_281 = tpu.memref_squeeze %dma_start3A_280 : memref<1x128xi32, #tpu.memory_space<vmem>> -> memref<128xi32, #tpu.memory_space<vmem>>
          %dma_start3A_282 = arith.constant 0 : i32
          %dma_start3A_283 = arith.constant 0 : i32
          %dma_start3A_284 = tpu.memref_slice %arg2[%dma_start3A_282, %dma_start3A_283] : memref<50000x128xf32, #tpu.memory_space<hbm>> -> memref<50000x128xf32, #tpu.memory_space<hbm>>
          tpu.enqueue_indirect_dma source(%dma_start3A_284 : memref<50000x128xf32, #tpu.memory_space<hbm>>) target(%arg10 : memref<128x128xf32, #tpu.memory_space<vmem>>) offsets(%dma_start3A_281 : memref<128xi32, #tpu.memory_space<vmem>>) semaphore(%arg13 : memref<!tpu.dma_semaphore, #tpu.memory_space<semaphore_mem>>)
          %dma_wait3A_285 = arith.constant 0 : i32
          %dma_wait3A_286 = tpu.memref_slice %arg8[%and3A_278, %dma_wait3A_285] : memref<64x128xi32, #tpu.memory_space<vmem>> -> memref<1x128xi32, #tpu.memory_space<vmem>>
          %dma_wait3A_287 = tpu.memref_squeeze %dma_wait3A_286 : memref<1x128xi32, #tpu.memory_space<vmem>> -> memref<128xi32, #tpu.memory_space<vmem>>
          %dma_wait3A_288 = arith.constant 0 : i32
          %dma_wait3A_289 = arith.constant 0 : i32
          %dma_wait3A_290 = tpu.memref_slice %arg2[%dma_wait3A_288, %dma_wait3A_289] : memref<50000x128xf32, #tpu.memory_space<hbm>> -> memref<50000x128xf32, #tpu.memory_space<hbm>>
          tpu.wait_indirect_dma semaphore(%arg13 : memref<!tpu.dma_semaphore, #tpu.memory_space<semaphore_mem>>) src(%dma_wait3A_290 : memref<50000x128xf32, #tpu.memory_space<hbm>>) dst(%arg10 : memref<128x128xf32, #tpu.memory_space<vmem>>)
          "tpu.region"() ({
            %run_scoped3A_293 = tpu.sem_alloc : memref<!tpu.dma_semaphore, #tpu.memory_space<semaphore_mem>>
            %dma_start3A_294 = arith.constant 0 : i32
            %dma_start3A_295 = tpu.memref_slice %arg9[%and3A_278, %dma_start3A_294] : memref<64x128xi32, #tpu.memory_space<vmem>> -> memref<1x128xi32, #tpu.memory_space<vmem>>
            %dma_start3A_296 = tpu.memref_squeeze %dma_start3A_295 : memref<1x128xi32, #tpu.memory_space<vmem>> -> memref<128xi32, #tpu.memory_space<vmem>>
            %dma_start3A_297 = arith.constant 0 : i32
            %dma_start3A_298 = arith.constant 0 : i32
            %dma_start3A_299 = tpu.memref_slice %arg12[%dma_start3A_297, %dma_start3A_298] : memref<7696x128xf32, #tpu.memory_space<vmem_shared>> -> memref<7696x128xf32, #tpu.memory_space<vmem_shared>>
            tpu.enqueue_indirect_dma source(%arg10 : memref<128x128xf32, #tpu.memory_space<vmem>>) target(%dma_start3A_299 : memref<7696x128xf32, #tpu.memory_space<vmem_shared>>) offsets(%dma_start3A_296 : memref<128xi32, #tpu.memory_space<vmem>>) semaphore(%run_scoped3A_293 : memref<!tpu.dma_semaphore, #tpu.memory_space<semaphore_mem>>) {add = true}
            %dma_wait3A_300 = arith.constant 0 : i32
            %dma_wait3A_301 = tpu.memref_slice %arg9[%and3A_278, %dma_wait3A_300] : memref<64x128xi32, #tpu.memory_space<vmem>> -> memref<1x128xi32, #tpu.memory_space<vmem>>
            %dma_wait3A_302 = tpu.memref_squeeze %dma_wait3A_301 : memref<1x128xi32, #tpu.memory_space<vmem>> -> memref<128xi32, #tpu.memory_space<vmem>>
            %dma_wait3A_303 = arith.constant 0 : i32
            %dma_wait3A_304 = arith.constant 0 : i32
            %dma_wait3A_305 = tpu.memref_slice %arg12[%dma_wait3A_303, %dma_wait3A_304] : memref<7696x128xf32, #tpu.memory_space<vmem_shared>> -> memref<7696x128xf32, #tpu.memory_space<vmem_shared>>
            tpu.wait_indirect_dma semaphore(%run_scoped3A_293 : memref<!tpu.dma_semaphore, #tpu.memory_space<semaphore_mem>>) src(%arg10 : memref<128x128xf32, #tpu.memory_space<vmem>>) dst(%dma_wait3A_305 : memref<7696x128xf32, #tpu.memory_space<vmem_shared>>)
            tpu.yield
          }) : () -> ()
          %add3A_291 = arith.constant 128 : i32
          %add3A_292 = arith.addi %while3A_252, %add3A_291 : i32
          scf.yield %add3A_292 : i32
        }
        %while3A_243 = arith.constant 1 : i32
        %while3A_244 = scf.for %while3A_251 = %while3A_240 to %while3A_236 step %while3A_243 iter_args(%while3A_252 = %while3A_242) -> (i32)  : i32 {
          %jit3A_253 = arith.constant 128 : i32
          %div3A_254 = arith.divsi %while3A_252, %jit3A_253 : i32
          %sign3A_255 = arith.constant 0 : i32
          %sign3A_256 = arith.cmpi sgt, %while3A_252, %sign3A_255 : i32
          %sign3A_257 = arith.extui %sign3A_256 : i1 to i32
          %sign3A_258 = arith.constant 0 : i32
          %sign3A_259 = arith.cmpi slt, %while3A_252, %sign3A_258 : i32
          %sign3A_260 = arith.extui %sign3A_259 : i1 to i32
          %sign3A_261 = arith.subi %sign3A_257, %sign3A_260 : i32
          %sign3A_262 = arith.constant 0 : i32
          %sign3A_263 = arith.cmpi sgt, %jit3A_253, %sign3A_262 : i32
          %sign3A_264 = arith.extui %sign3A_263 : i1 to i32
          %sign3A_265 = arith.constant 0 : i32
          %sign3A_266 = arith.cmpi slt, %jit3A_253, %sign3A_265 : i32
          %sign3A_267 = arith.extui %sign3A_266 : i1 to i32
          %sign3A_268 = arith.subi %sign3A_264, %sign3A_267 : i32
          %ne3A_269 = arith.cmpi ne, %sign3A_261, %sign3A_268 : i32
          %rem3A_270 = arith.remsi %while3A_252, %jit3A_253 : i32
          %ne3A_271 = arith.constant 0 : i32
          %ne3A_272 = arith.cmpi ne, %rem3A_270, %ne3A_271 : i32
          %and3A_273 = arith.andi %ne3A_269, %ne3A_272 : i1
          %sub3A_274 = arith.constant 1 : i32
          %sub3A_275 = arith.subi %div3A_254, %sub3A_274 : i32
          %select_n3A_276 = arith.select %and3A_273, %sub3A_275, %div3A_254 : i32
          %and3A_277 = arith.constant 63 : i32
          %and3A_278 = arith.andi %select_n3A_276, %and3A_277 : i32
          %dma_start3A_279 = arith.constant 0 : i32
          %dma_start3A_280 = tpu.memref_slice %arg8[%and3A_278, %dma_start3A_279] : memref<64x128xi32, #tpu.memory_space<vmem>> -> memref<1x128xi32, #tpu.memory_space<vmem>>
          %dma_start3A_281 = tpu.memref_squeeze %dma_start3A_280 : memref<1x128xi32, #tpu.memory_space<vmem>> -> memref<128xi32, #tpu.memory_space<vmem>>
          %dma_start3A_282 = arith.constant 0 : i32
          %dma_start3A_283 = arith.constant 0 : i32
          %dma_start3A_284 = tpu.memref_slice %arg2[%dma_start3A_282, %dma_start3A_283] : memref<50000x128xf32, #tpu.memory_space<hbm>> -> memref<50000x128xf32, #tpu.memory_space<hbm>>
          tpu.enqueue_indirect_dma source(%dma_start3A_284 : memref<50000x128xf32, #tpu.memory_space<hbm>>) target(%arg10 : memref<128x128xf32, #tpu.memory_space<vmem>>) offsets(%dma_start3A_281 : memref<128xi32, #tpu.memory_space<vmem>>) semaphore(%arg13 : memref<!tpu.dma_semaphore, #tpu.memory_space<semaphore_mem>>)
          %dma_wait3A_285 = arith.constant 0 : i32
          %dma_wait3A_286 = tpu.memref_slice %arg8[%and3A_278, %dma_wait3A_285] : memref<64x128xi32, #tpu.memory_space<vmem>> -> memref<1x128xi32, #tpu.memory_space<vmem>>
          %dma_wait3A_287 = tpu.memref_squeeze %dma_wait3A_286 : memref<1x128xi32, #tpu.memory_space<vmem>> -> memref<128xi32, #tpu.memory_space<vmem>>
          %dma_wait3A_288 = arith.constant 0 : i32
          %dma_wait3A_289 = arith.constant 0 : i32
          %dma_wait3A_290 = tpu.memref_slice %arg2[%dma_wait3A_288, %dma_wait3A_289] : memref<50000x128xf32, #tpu.memory_space<hbm>> -> memref<50000x128xf32, #tpu.memory_space<hbm>>
          tpu.wait_indirect_dma semaphore(%arg13 : memref<!tpu.dma_semaphore, #tpu.memory_space<semaphore_mem>>) src(%dma_wait3A_290 : memref<50000x128xf32, #tpu.memory_space<hbm>>) dst(%arg10 : memref<128x128xf32, #tpu.memory_space<vmem>>)
          "tpu.region"() ({
            %run_scoped3A_293 = tpu.sem_alloc : memref<!tpu.dma_semaphore, #tpu.memory_space<semaphore_mem>>
            %dma_start3A_294 = arith.constant 0 : i32
            %dma_start3A_295 = tpu.memref_slice %arg9[%and3A_278, %dma_start3A_294] : memref<64x128xi32, #tpu.memory_space<vmem>> -> memref<1x128xi32, #tpu.memory_space<vmem>>
            %dma_start3A_296 = tpu.memref_squeeze %dma_start3A_295 : memref<1x128xi32, #tpu.memory_space<vmem>> -> memref<128xi32, #tpu.memory_space<vmem>>
            %dma_start3A_297 = arith.constant 0 : i32
            %dma_start3A_298 = arith.constant 0 : i32
            %dma_start3A_299 = tpu.memref_slice %arg12[%dma_start3A_297, %dma_start3A_298] : memref<7696x128xf32, #tpu.memory_space<vmem_shared>> -> memref<7696x128xf32, #tpu.memory_space<vmem_shared>>
            tpu.enqueue_indirect_dma source(%arg10 : memref<128x128xf32, #tpu.memory_space<vmem>>) target(%dma_start3A_299 : memref<7696x128xf32, #tpu.memory_space<vmem_shared>>) offsets(%dma_start3A_296 : memref<128xi32, #tpu.memory_space<vmem>>) semaphore(%run_scoped3A_293 : memref<!tpu.dma_semaphore, #tpu.memory_space<semaphore_mem>>) {add = true}
            %dma_wait3A_300 = arith.constant 0 : i32
            %dma_wait3A_301 = tpu.memref_slice %arg9[%and3A_278, %dma_wait3A_300] : memref<64x128xi32, #tpu.memory_space<vmem>> -> memref<1x128xi32, #tpu.memory_space<vmem>>
            %dma_wait3A_302 = tpu.memref_squeeze %dma_wait3A_301 : memref<1x128xi32, #tpu.memory_space<vmem>> -> memref<128xi32, #tpu.memory_space<vmem>>
            %dma_wait3A_303 = arith.constant 0 : i32
            %dma_wait3A_304 = arith.constant 0 : i32
            %dma_wait3A_305 = tpu.memref_slice %arg12[%dma_wait3A_303, %dma_wait3A_304] : memref<7696x128xf32, #tpu.memory_space<vmem_shared>> -> memref<7696x128xf32, #tpu.memory_space<vmem_shared>>
            tpu.wait_indirect_dma semaphore(%run_scoped3A_293 : memref<!tpu.dma_semaphore, #tpu.memory_space<semaphore_mem>>) src(%arg10 : memref<128x128xf32, #tpu.memory_space<vmem>>) dst(%dma_wait3A_305 : memref<7696x128xf32, #tpu.memory_space<vmem_shared>>)
            tpu.yield
          }) : () -> ()
          %add3A_291 = arith.constant 128 : i32
          %add3A_292 = arith.addi %while3A_252, %add3A_291 : i32
          scf.yield %add3A_292 : i32
        }
        %dma_wait3A_245 = arith.constant 0 : i32
        %dma_wait3A_246 = tpu.memref_slice %arg3[%arg1, %dma_wait3A_245, %multiple_of3A_189] : memref<16x3x51200xi32, #tpu.memory_space<hbm>> -> memref<1x3x2048xi32, #tpu.memory_space<hbm>>
        %dma_wait3A_247 = tpu.memref_squeeze %dma_wait3A_246 : memref<1x3x2048xi32, #tpu.memory_space<hbm>> -> memref<3x2048xi32, #tpu.memory_space<hbm>>
        %dma_wait3A_248 = arith.constant 0 : i32
        %dma_wait3A_249 = tpu.memref_slice %arg3[%arg1, %dma_wait3A_248, %multiple_of3A_189] : memref<16x3x51200xi32, #tpu.memory_space<hbm>> -> memref<1x3x2048xi32, #tpu.memory_space<hbm>>
        %dma_wait3A_250 = tpu.memref_squeeze %dma_wait3A_249 : memref<1x3x2048xi32, #tpu.memory_space<hbm>> -> memref<3x2048xi32, #tpu.memory_space<hbm>>
        tpu.wait_dma2 semaphore(%arg14 : memref<!tpu.dma_semaphore, #tpu.memory_space<semaphore_mem>>) src(%dma_wait3A_250 : memref<3x2048xi32, #tpu.memory_space<hbm>>) dst(%arg6 : memref<3x2048xi32, #tpu.memory_space<vmem>>)
        scf.yield %reduce_max3A_208, %while3A_244 : i32, i32
      }
      %scan3A_44 = arith.constant 12 : i32
      %broadcast_in_dim3A_45 = vector.broadcast %scan3A_43#0 : i32 to vector<16xi32>
      %parallel_loop3A = arith.constant 0 : i32
      %parallel_loop3A_46 = arith.constant 128 : i32
      %parallel_loop3A_47 = arith.constant 1 : i32
      %parallel_loop3A_48 = scf.for %parallel_loop3A_112 = %parallel_loop3A to %parallel_loop3A_46 step %parallel_loop3A_47 iter_args(%parallel_loop3A_113 = %broadcast_in_dim3A_45) -> (vector<16xi32>)  : i32 {
        %parallel_loop3A_114 = arith.constant 16 : i32
        %parallel_loop3A_115 = arith.muli %parallel_loop3A_112, %parallel_loop3A_114 : i32
        %parallel_loop3A_116 = tpu.assume_multiple %parallel_loop3A_115, 16 : i32
        %parallel_loop3A_117 = arith.constant 0 : i32
        %parallel_loop3A_118 = arith.index_cast %parallel_loop3A_117 : i32 to index
        %parallel_loop3A_119 = arith.index_cast %parallel_loop3A_116 : i32 to index
        %parallel_loop3A_120 = tpu.vector_load %arg6[%parallel_loop3A_118, %parallel_loop3A_119] {strides = array<i32>} : memref<3x2048xi32, #tpu.memory_space<vmem>>, vector<16xi32>,
        %parallel_loop3A_121 = arith.constant 1 : i32
        %parallel_loop3A_122 = arith.index_cast %parallel_loop3A_121 : i32 to index
        %parallel_loop3A_123 = arith.index_cast %parallel_loop3A_116 : i32 to index
        %parallel_loop3A_124 = tpu.vector_load %arg6[%parallel_loop3A_122, %parallel_loop3A_123] {strides = array<i32>} : memref<3x2048xi32, #tpu.memory_space<vmem>>, vector<16xi32>,
        %parallel_loop3A_125 = arith.constant 2 : i32
        %parallel_loop3A_126 = arith.index_cast %parallel_loop3A_125 : i32 to index
        %parallel_loop3A_127 = arith.index_cast %parallel_loop3A_116 : i32 to index
        %parallel_loop3A_128 = tpu.vector_load %arg6[%parallel_loop3A_126, %parallel_loop3A_127] {strides = array<i32>} : memref<3x2048xi32, #tpu.memory_space<vmem>>, vector<16xi32>,
        %parallel_loop3A_129 = vector.broadcast %mul3A_15 : i32 to vector<16xi32>
        %parallel_loop3A_130 = arith.subi %parallel_loop3A_124, %parallel_loop3A_129 : vector<16xi32>
        %parallel_loop3A_131 = arith.constant 0 : i32
        %parallel_loop3A_132 = vector.broadcast %parallel_loop3A_131 : i32 to vector<16xi32>
        %parallel_loop3A_133 = arith.cmpi sge, %parallel_loop3A_130, %parallel_loop3A_132 : vector<16xi32>
        %parallel_loop3A_134 = arith.constant 2560 : i32
        %parallel_loop3A_135 = vector.broadcast %parallel_loop3A_134 : i32 to vector<16xi32>
        %parallel_loop3A_136 = arith.cmpi slt, %parallel_loop3A_130, %parallel_loop3A_135 : vector<16xi32>
        %parallel_loop3A_137 = arith.andi %parallel_loop3A_133, %parallel_loop3A_136 : vector<16xi1>
        %parallel_loop3A_138 = arith.constant 2560 : i32
        %parallel_loop3A_139 = vector.broadcast %parallel_loop3A_138 : i32 to vector<16xi32>
        %parallel_loop3A_140 = arith.muli %parallel_loop3A_128, %parallel_loop3A_139 : vector<16xi32>
        %parallel_loop3A_141 = arith.addi %parallel_loop3A_140, %parallel_loop3A_130 : vector<16xi32>
        %parallel_loop3A_142 = arith.extui %parallel_loop3A_137 : vector<16xi1> to vector<16xi32>
        %parallel_loop3A_143 = arith.constant true
        %parallel_loop3A_144 = vector.broadcast %parallel_loop3A_143 : i1 to vector<16xi1>
        %parallel_loop3A_145 = tpu.scan <sum>, %parallel_loop3A_142 masked %parallel_loop3A_144 : vector<16xi32>, vector<16xi1> -> vector<16xi32>
        %parallel_loop3A_146 = arith.addi %parallel_loop3A_113, %parallel_loop3A_145 : vector<16xi32>
        %parallel_loop3A_147 = arith.constant 1 : i32
        %parallel_loop3A_148 = vector.broadcast %parallel_loop3A_147 : i32 to vector<16xi32>
        %parallel_loop3A_149 = arith.subi %parallel_loop3A_146, %parallel_loop3A_148 : vector<16xi32>
        %parallel_loop3A_150 = arith.constant 128 : i32
        %parallel_loop3A_151 = vector.broadcast %parallel_loop3A_150 : i32 to vector<16xi32>
        %parallel_loop3A_152 = arith.divsi %parallel_loop3A_149, %parallel_loop3A_151 : vector<16xi32>
        %parallel_loop3A_153 = arith.constant 0 : i32
        %parallel_loop3A_154 = vector.broadcast %parallel_loop3A_153 : i32 to vector<16xi32>
        %parallel_loop3A_155 = arith.cmpi sgt, %parallel_loop3A_149, %parallel_loop3A_154 : vector<16xi32>
        %parallel_loop3A_156 = arith.extui %parallel_loop3A_155 : vector<16xi1> to vector<16xi32>
        %parallel_loop3A_157 = arith.constant 0 : i32
        %parallel_loop3A_158 = vector.broadcast %parallel_loop3A_157 : i32 to vector<16xi32>
        %parallel_loop3A_159 = arith.cmpi slt, %parallel_loop3A_149, %parallel_loop3A_158 : vector<16xi32>
        %parallel_loop3A_160 = arith.extui %parallel_loop3A_159 : vector<16xi1> to vector<16xi32>
        %parallel_loop3A_161 = arith.subi %parallel_loop3A_156, %parallel_loop3A_160 : vector<16xi32>
        %parallel_loop3A_162 = arith.constant 0 : i32
        %parallel_loop3A_163 = arith.cmpi sgt, %parallel_loop3A_150, %parallel_loop3A_162 : i32
        %parallel_loop3A_164 = arith.extui %parallel_loop3A_163 : i1 to i32
        %parallel_loop3A_165 = arith.constant 0 : i32
        %parallel_loop3A_166 = arith.cmpi slt, %parallel_loop3A_150, %parallel_loop3A_165 : i32
        %parallel_loop3A_167 = arith.extui %parallel_loop3A_166 : i1 to i32
        %parallel_loop3A_168 = arith.subi %parallel_loop3A_164, %parallel_loop3A_167 : i32
        %parallel_loop3A_169 = vector.broadcast %parallel_loop3A_168 : i32 to vector<16xi32>
        %parallel_loop3A_170 = arith.cmpi ne, %parallel_loop3A_161, %parallel_loop3A_169 : vector<16xi32>
        %parallel_loop3A_171 = vector.broadcast %parallel_loop3A_150 : i32 to vector<16xi32>
        %parallel_loop3A_172 = arith.remsi %parallel_loop3A_149, %parallel_loop3A_171 : vector<16xi32>
        %parallel_loop3A_173 = arith.constant 0 : i32
        %parallel_loop3A_174 = vector.broadcast %parallel_loop3A_173 : i32 to vector<16xi32>
        %parallel_loop3A_175 = arith.cmpi ne, %parallel_loop3A_172, %parallel_loop3A_174 : vector<16xi32>
        %parallel_loop3A_176 = arith.andi %parallel_loop3A_170, %parallel_loop3A_175 : vector<16xi1>
        %parallel_loop3A_177 = arith.constant 1 : i32
        %parallel_loop3A_178 = vector.broadcast %parallel_loop3A_177 : i32 to vector<16xi32>
        %parallel_loop3A_179 = arith.subi %parallel_loop3A_152, %parallel_loop3A_178 : vector<16xi32>
        %parallel_loop3A_180 = arith.select %parallel_loop3A_176, %parallel_loop3A_179, %parallel_loop3A_152 : vector<16xi1>, vector<16xi32>
        %parallel_loop3A_181 = arith.constant 63 : i32
        %parallel_loop3A_182 = vector.broadcast %parallel_loop3A_181 : i32 to vector<16xi32>
        %parallel_loop3A_183 = arith.andi %parallel_loop3A_180, %parallel_loop3A_182 : vector<16xi32>
        %parallel_loop3A_184 = arith.constant 127 : i32
        %parallel_loop3A_185 = vector.broadcast %parallel_loop3A_184 : i32 to vector<16xi32>
        %parallel_loop3A_186 = arith.andi %parallel_loop3A_149, %parallel_loop3A_185 : vector<16xi32>
        tpu.vector_store_idx %arg8[%parallel_loop3A_183, %parallel_loop3A_186], %parallel_loop3A_120 masked %parallel_loop3A_137 : memref<64x128xi32, #tpu.memory_space<vmem>>[vector<16xi32>, vector<16xi32>], vector<16xi32>, vector<16xi1>
        tpu.vector_store_idx %arg9[%parallel_loop3A_183, %parallel_loop3A_186], %parallel_loop3A_141 masked %parallel_loop3A_137 : memref<64x128xi32, #tpu.memory_space<vmem>>[vector<16xi32>, vector<16xi32>], vector<16xi32>, vector<16xi1>
        %parallel_loop3A_187 = arith.constant 0 : i32
        %parallel_loop3A_188 = vector.broadcast %parallel_loop3A_187 : i32 to vector<16xi32>
        %parallel_loop3A_189 = arith.cmpi slt, %broadcast_in_dim3A_2, %parallel_loop3A_188 : vector<16xi32>
        %parallel_loop3A_190 = arith.constant 16 : i32
        %parallel_loop3A_191 = vector.broadcast %parallel_loop3A_190 : i32 to vector<16xi32>
        %parallel_loop3A_192 = arith.addi %broadcast_in_dim3A_2, %parallel_loop3A_191 : vector<16xi32>
        %parallel_loop3A_193 = arith.select %parallel_loop3A_189, %parallel_loop3A_192, %broadcast_in_dim3A_2 : vector<16xi1>, vector<16xi32>
        %parallel_loop3A_194 = vector.shape_cast %parallel_loop3A_193 : vector<16xi32> to vector<16x1xi32>
        %parallel_loop3A_195 = vector.shape_cast %parallel_loop3A_194 : vector<16x1xi32> to vector<16xi32>
        %parallel_loop3A_196 = tpu.dynamic_gather %parallel_loop3A_149[%parallel_loop3A_195] in [0] : vector<16xi32>, vector<16xi32> -> vector<16xi32>
        %parallel_loop3A_197 = arith.constant 1 : i32
        %parallel_loop3A_198 = vector.broadcast %parallel_loop3A_197 : i32 to vector<16xi32>
        %parallel_loop3A_199 = arith.addi %parallel_loop3A_196, %parallel_loop3A_198 : vector<16xi32>
        scf.yield %parallel_loop3A_199 : vector<16xi32>
      } {sc.loop_unroll_factor = 8 : i64, sc.parallel_access}
      %reduce_max3A = arith.constant true
      %reduce_max3A_49 = vector.broadcast %reduce_max3A : i1 to vector<16xi1>
      %reduce_max3A_50 = arith.constant -2147483648 : i32
      %reduce_max3A_51 = vector.broadcast %reduce_max3A_50 : i32 to vector<16xi32>
      %reduce_max3A_52 = arith.xori %parallel_loop3A_48, %reduce_max3A_51 : vector<16xi32>
      %reduce_max3A_53 = tpu.scan <max>, %reduce_max3A_52 masked %reduce_max3A_49 : vector<16xi32>, vector<16xi1> -> vector<16xi32>
      %reduce_max3A_54 = arith.xori %reduce_max3A_53, %reduce_max3A_51 : vector<16xi32>
      %reduce_max3A_55 = vector.extract %reduce_max3A_54[15] : i32 from vector<16xi32>
      %sub3A = arith.subi %reduce_max3A_55, %scan3A_43#1 : i32
      %jit3A = arith.constant 128 : i32
      %div3A = arith.divsi %sub3A, %jit3A : i32
      %sign3A = arith.constant 0 : i32
      %sign3A_56 = arith.cmpi sgt, %sub3A, %sign3A : i32
      %sign3A_57 = arith.extui %sign3A_56 : i1 to i32
      %sign3A_58 = arith.constant 0 : i32
      %sign3A_59 = arith.cmpi slt, %sub3A, %sign3A_58 : i32
      %sign3A_60 = arith.extui %sign3A_59 : i1 to i32
      %sign3A_61 = arith.subi %sign3A_57, %sign3A_60 : i32
      %sign3A_62 = arith.constant 0 : i32
      %sign3A_63 = arith.cmpi sgt, %jit3A, %sign3A_62 : i32
      %sign3A_64 = arith.extui %sign3A_63 : i1 to i32
      %sign3A_65 = arith.constant 0 : i32
      %sign3A_66 = arith.cmpi slt, %jit3A, %sign3A_65 : i32
      %sign3A_67 = arith.extui %sign3A_66 : i1 to i32
      %sign3A_68 = arith.subi %sign3A_64, %sign3A_67 : i32
      %ne3A = arith.cmpi ne, %sign3A_61, %sign3A_68 : i32
      %rem3A = arith.remsi %sub3A, %jit3A : i32
      %ne3A_69 = arith.constant 0 : i32
      %ne3A_70 = arith.cmpi ne, %rem3A, %ne3A_69 : i32
      %and3A = arith.andi %ne3A, %ne3A_70 : i1
      %sub3A_71 = arith.constant 1 : i32
      %sub3A_72 = arith.subi %div3A, %sub3A_71 : i32
      %select_n3A = arith.select %and3A, %sub3A_72, %div3A : i32
      %while3A = arith.constant 0 : i32
      %while3A_73 = arith.subi %select_n3A, %while3A : i32
      %while3A_74 = arith.addi %while3A, %while3A_73 : i32
      %while3A_75 = arith.constant 1 : i32
      %while3A_76 = arith.divsi %while3A_73, %while3A_75 : i32
      %while3A_77 = arith.muli %while3A_76, %while3A_75 : i32
      %while3A_78 = arith.addi %while3A, %while3A_77 : i32
      %while3A_79 = arith.constant 1 : i32
      %while3A_80 = scf.for %while3A_112 = %while3A to %while3A_78 step %while3A_79 iter_args(%while3A_113 = %scan3A_43#1) -> (i32)  : i32 {
        %jit3A_114 = arith.constant 128 : i32
        %div3A_115 = arith.divsi %while3A_113, %jit3A_114 : i32
        %sign3A_116 = arith.constant 0 : i32
        %sign3A_117 = arith.cmpi sgt, %while3A_113, %sign3A_116 : i32
        %sign3A_118 = arith.extui %sign3A_117 : i1 to i32
        %sign3A_119 = arith.constant 0 : i32
        %sign3A_120 = arith.cmpi slt, %while3A_113, %sign3A_119 : i32
        %sign3A_121 = arith.extui %sign3A_120 : i1 to i32
        %sign3A_122 = arith.subi %sign3A_118, %sign3A_121 : i32
        %sign3A_123 = arith.constant 0 : i32
        %sign3A_124 = arith.cmpi sgt, %jit3A_114, %sign3A_123 : i32
        %sign3A_125 = arith.extui %sign3A_124 : i1 to i32
        %sign3A_126 = arith.constant 0 : i32
        %sign3A_127 = arith.cmpi slt, %jit3A_114, %sign3A_126 : i32
        %sign3A_128 = arith.extui %sign3A_127 : i1 to i32
        %sign3A_129 = arith.subi %sign3A_125, %sign3A_128 : i32
        %ne3A_130 = arith.cmpi ne, %sign3A_122, %sign3A_129 : i32
        %rem3A_131 = arith.remsi %while3A_113, %jit3A_114 : i32
        %ne3A_132 = arith.constant 0 : i32
        %ne3A_133 = arith.cmpi ne, %rem3A_131, %ne3A_132 : i32
        %and3A_134 = arith.andi %ne3A_130, %ne3A_133 : i1
        %sub3A_135 = arith.constant 1 : i32
        %sub3A_136 = arith.subi %div3A_115, %sub3A_135 : i32
        %select_n3A_137 = arith.select %and3A_134, %sub3A_136, %div3A_115 : i32
        %and3A_138 = arith.constant 63 : i32
        %and3A_139 = arith.andi %select_n3A_137, %and3A_138 : i32
        %dma_start3A_140 = arith.constant 0 : i32
        %dma_start3A_141 = tpu.memref_slice %arg8[%and3A_139, %dma_start3A_140] : memref<64x128xi32, #tpu.memory_space<vmem>> -> memref<1x128xi32, #tpu.memory_space<vmem>>
        %dma_start3A_142 = tpu.memref_squeeze %dma_start3A_141 : memref<1x128xi32, #tpu.memory_space<vmem>> -> memref<128xi32, #tpu.memory_space<vmem>>
        %dma_start3A_143 = arith.constant 0 : i32
        %dma_start3A_144 = arith.constant 0 : i32
        %dma_start3A_145 = tpu.memref_slice %arg2[%dma_start3A_143, %dma_start3A_144] : memref<50000x128xf32, #tpu.memory_space<hbm>> -> memref<50000x128xf32, #tpu.memory_space<hbm>>
        tpu.enqueue_indirect_dma source(%dma_start3A_145 : memref<50000x128xf32, #tpu.memory_space<hbm>>) target(%arg10 : memref<128x128xf32, #tpu.memory_space<vmem>>) offsets(%dma_start3A_142 : memref<128xi32, #tpu.memory_space<vmem>>) semaphore(%arg13 : memref<!tpu.dma_semaphore, #tpu.memory_space<semaphore_mem>>)
        %dma_wait3A_146 = arith.constant 0 : i32
        %dma_wait3A_147 = tpu.memref_slice %arg8[%and3A_139, %dma_wait3A_146] : memref<64x128xi32, #tpu.memory_space<vmem>> -> memref<1x128xi32, #tpu.memory_space<vmem>>
        %dma_wait3A_148 = tpu.memref_squeeze %dma_wait3A_147 : memref<1x128xi32, #tpu.memory_space<vmem>> -> memref<128xi32, #tpu.memory_space<vmem>>
        %dma_wait3A_149 = arith.constant 0 : i32
        %dma_wait3A_150 = arith.constant 0 : i32
        %dma_wait3A_151 = tpu.memref_slice %arg2[%dma_wait3A_149, %dma_wait3A_150] : memref<50000x128xf32, #tpu.memory_space<hbm>> -> memref<50000x128xf32, #tpu.memory_space<hbm>>
        tpu.wait_indirect_dma semaphore(%arg13 : memref<!tpu.dma_semaphore, #tpu.memory_space<semaphore_mem>>) src(%dma_wait3A_151 : memref<50000x128xf32, #tpu.memory_space<hbm>>) dst(%arg10 : memref<128x128xf32, #tpu.memory_space<vmem>>)
        "tpu.region"() ({
          %run_scoped3A_154 = tpu.sem_alloc : memref<!tpu.dma_semaphore, #tpu.memory_space<semaphore_mem>>
          %dma_start3A_155 = arith.constant 0 : i32
          %dma_start3A_156 = tpu.memref_slice %arg9[%and3A_139, %dma_start3A_155] : memref<64x128xi32, #tpu.memory_space<vmem>> -> memref<1x128xi32, #tpu.memory_space<vmem>>
          %dma_start3A_157 = tpu.memref_squeeze %dma_start3A_156 : memref<1x128xi32, #tpu.memory_space<vmem>> -> memref<128xi32, #tpu.memory_space<vmem>>
          %dma_start3A_158 = arith.constant 0 : i32
          %dma_start3A_159 = arith.constant 0 : i32
          %dma_start3A_160 = tpu.memref_slice %arg12[%dma_start3A_158, %dma_start3A_159] : memref<7696x128xf32, #tpu.memory_space<vmem_shared>> -> memref<7696x128xf32, #tpu.memory_space<vmem_shared>>
          tpu.enqueue_indirect_dma source(%arg10 : memref<128x128xf32, #tpu.memory_space<vmem>>) target(%dma_start3A_160 : memref<7696x128xf32, #tpu.memory_space<vmem_shared>>) offsets(%dma_start3A_157 : memref<128xi32, #tpu.memory_space<vmem>>) semaphore(%run_scoped3A_154 : memref<!tpu.dma_semaphore, #tpu.memory_space<semaphore_mem>>) {add = true}
          %dma_wait3A_161 = arith.constant 0 : i32
          %dma_wait3A_162 = tpu.memref_slice %arg9[%and3A_139, %dma_wait3A_161] : memref<64x128xi32, #tpu.memory_space<vmem>> -> memref<1x128xi32, #tpu.memory_space<vmem>>
          %dma_wait3A_163 = tpu.memref_squeeze %dma_wait3A_162 : memref<1x128xi32, #tpu.memory_space<vmem>> -> memref<128xi32, #tpu.memory_space<vmem>>
          %dma_wait3A_164 = arith.constant 0 : i32
          %dma_wait3A_165 = arith.constant 0 : i32
          %dma_wait3A_166 = tpu.memref_slice %arg12[%dma_wait3A_164, %dma_wait3A_165] : memref<7696x128xf32, #tpu.memory_space<vmem_shared>> -> memref<7696x128xf32, #tpu.memory_space<vmem_shared>>
          tpu.wait_indirect_dma semaphore(%run_scoped3A_154 : memref<!tpu.dma_semaphore, #tpu.memory_space<semaphore_mem>>) src(%arg10 : memref<128x128xf32, #tpu.memory_space<vmem>>) dst(%dma_wait3A_166 : memref<7696x128xf32, #tpu.memory_space<vmem_shared>>)
          tpu.yield
        }) : () -> ()
        %add3A_152 = arith.constant 128 : i32
        %add3A_153 = arith.addi %while3A_113, %add3A_152 : i32
        scf.yield %add3A_153 : i32
      }
      %while3A_81 = arith.constant 1 : i32
      %while3A_82 = scf.for %while3A_112 = %while3A_78 to %while3A_74 step %while3A_81 iter_args(%while3A_113 = %while3A_80) -> (i32)  : i32 {
        %jit3A_114 = arith.constant 128 : i32
        %div3A_115 = arith.divsi %while3A_113, %jit3A_114 : i32
        %sign3A_116 = arith.constant 0 : i32
        %sign3A_117 = arith.cmpi sgt, %while3A_113, %sign3A_116 : i32
        %sign3A_118 = arith.extui %sign3A_117 : i1 to i32
        %sign3A_119 = arith.constant 0 : i32
        %sign3A_120 = arith.cmpi slt, %while3A_113, %sign3A_119 : i32
        %sign3A_121 = arith.extui %sign3A_120 : i1 to i32
        %sign3A_122 = arith.subi %sign3A_118, %sign3A_121 : i32
        %sign3A_123 = arith.constant 0 : i32
        %sign3A_124 = arith.cmpi sgt, %jit3A_114, %sign3A_123 : i32
        %sign3A_125 = arith.extui %sign3A_124 : i1 to i32
        %sign3A_126 = arith.constant 0 : i32
        %sign3A_127 = arith.cmpi slt, %jit3A_114, %sign3A_126 : i32
        %sign3A_128 = arith.extui %sign3A_127 : i1 to i32
        %sign3A_129 = arith.subi %sign3A_125, %sign3A_128 : i32
        %ne3A_130 = arith.cmpi ne, %sign3A_122, %sign3A_129 : i32
        %rem3A_131 = arith.remsi %while3A_113, %jit3A_114 : i32
        %ne3A_132 = arith.constant 0 : i32
        %ne3A_133 = arith.cmpi ne, %rem3A_131, %ne3A_132 : i32
        %and3A_134 = arith.andi %ne3A_130, %ne3A_133 : i1
        %sub3A_135 = arith.constant 1 : i32
        %sub3A_136 = arith.subi %div3A_115, %sub3A_135 : i32
        %select_n3A_137 = arith.select %and3A_134, %sub3A_136, %div3A_115 : i32
        %and3A_138 = arith.constant 63 : i32
        %and3A_139 = arith.andi %select_n3A_137, %and3A_138 : i32
        %dma_start3A_140 = arith.constant 0 : i32
        %dma_start3A_141 = tpu.memref_slice %arg8[%and3A_139, %dma_start3A_140] : memref<64x128xi32, #tpu.memory_space<vmem>> -> memref<1x128xi32, #tpu.memory_space<vmem>>
        %dma_start3A_142 = tpu.memref_squeeze %dma_start3A_141 : memref<1x128xi32, #tpu.memory_space<vmem>> -> memref<128xi32, #tpu.memory_space<vmem>>
        %dma_start3A_143 = arith.constant 0 : i32
        %dma_start3A_144 = arith.constant 0 : i32
        %dma_start3A_145 = tpu.memref_slice %arg2[%dma_start3A_143, %dma_start3A_144] : memref<50000x128xf32, #tpu.memory_space<hbm>> -> memref<50000x128xf32, #tpu.memory_space<hbm>>
        tpu.enqueue_indirect_dma source(%dma_start3A_145 : memref<50000x128xf32, #tpu.memory_space<hbm>>) target(%arg10 : memref<128x128xf32, #tpu.memory_space<vmem>>) offsets(%dma_start3A_142 : memref<128xi32, #tpu.memory_space<vmem>>) semaphore(%arg13 : memref<!tpu.dma_semaphore, #tpu.memory_space<semaphore_mem>>)
        %dma_wait3A_146 = arith.constant 0 : i32
        %dma_wait3A_147 = tpu.memref_slice %arg8[%and3A_139, %dma_wait3A_146] : memref<64x128xi32, #tpu.memory_space<vmem>> -> memref<1x128xi32, #tpu.memory_space<vmem>>
        %dma_wait3A_148 = tpu.memref_squeeze %dma_wait3A_147 : memref<1x128xi32, #tpu.memory_space<vmem>> -> memref<128xi32, #tpu.memory_space<vmem>>
        %dma_wait3A_149 = arith.constant 0 : i32
        %dma_wait3A_150 = arith.constant 0 : i32
        %dma_wait3A_151 = tpu.memref_slice %arg2[%dma_wait3A_149, %dma_wait3A_150] : memref<50000x128xf32, #tpu.memory_space<hbm>> -> memref<50000x128xf32, #tpu.memory_space<hbm>>
        tpu.wait_indirect_dma semaphore(%arg13 : memref<!tpu.dma_semaphore, #tpu.memory_space<semaphore_mem>>) src(%dma_wait3A_151 : memref<50000x128xf32, #tpu.memory_space<hbm>>) dst(%arg10 : memref<128x128xf32, #tpu.memory_space<vmem>>)
        "tpu.region"() ({
          %run_scoped3A_154 = tpu.sem_alloc : memref<!tpu.dma_semaphore, #tpu.memory_space<semaphore_mem>>
          %dma_start3A_155 = arith.constant 0 : i32
          %dma_start3A_156 = tpu.memref_slice %arg9[%and3A_139, %dma_start3A_155] : memref<64x128xi32, #tpu.memory_space<vmem>> -> memref<1x128xi32, #tpu.memory_space<vmem>>
          %dma_start3A_157 = tpu.memref_squeeze %dma_start3A_156 : memref<1x128xi32, #tpu.memory_space<vmem>> -> memref<128xi32, #tpu.memory_space<vmem>>
          %dma_start3A_158 = arith.constant 0 : i32
          %dma_start3A_159 = arith.constant 0 : i32
          %dma_start3A_160 = tpu.memref_slice %arg12[%dma_start3A_158, %dma_start3A_159] : memref<7696x128xf32, #tpu.memory_space<vmem_shared>> -> memref<7696x128xf32, #tpu.memory_space<vmem_shared>>
          tpu.enqueue_indirect_dma source(%arg10 : memref<128x128xf32, #tpu.memory_space<vmem>>) target(%dma_start3A_160 : memref<7696x128xf32, #tpu.memory_space<vmem_shared>>) offsets(%dma_start3A_157 : memref<128xi32, #tpu.memory_space<vmem>>) semaphore(%run_scoped3A_154 : memref<!tpu.dma_semaphore, #tpu.memory_space<semaphore_mem>>) {add = true}
          %dma_wait3A_161 = arith.constant 0 : i32
          %dma_wait3A_162 = tpu.memref_slice %arg9[%and3A_139, %dma_wait3A_161] : memref<64x128xi32, #tpu.memory_space<vmem>> -> memref<1x128xi32, #tpu.memory_space<vmem>>
          %dma_wait3A_163 = tpu.memref_squeeze %dma_wait3A_162 : memref<1x128xi32, #tpu.memory_space<vmem>> -> memref<128xi32, #tpu.memory_space<vmem>>
          %dma_wait3A_164 = arith.constant 0 : i32
          %dma_wait3A_165 = arith.constant 0 : i32
          %dma_wait3A_166 = tpu.memref_slice %arg12[%dma_wait3A_164, %dma_wait3A_165] : memref<7696x128xf32, #tpu.memory_space<vmem_shared>> -> memref<7696x128xf32, #tpu.memory_space<vmem_shared>>
          tpu.wait_indirect_dma semaphore(%run_scoped3A_154 : memref<!tpu.dma_semaphore, #tpu.memory_space<semaphore_mem>>) src(%arg10 : memref<128x128xf32, #tpu.memory_space<vmem>>) dst(%dma_wait3A_166 : memref<7696x128xf32, #tpu.memory_space<vmem_shared>>)
          tpu.yield
        }) : () -> ()
        %add3A_152 = arith.constant 128 : i32
        %add3A_153 = arith.addi %while3A_113, %add3A_152 : i32
        scf.yield %add3A_153 : i32
      }
      %sub3A_83 = arith.subi %reduce_max3A_55, %while3A_82 : i32
      %gt3A = arith.constant 0 : i32
      %gt3A_84 = arith.cmpi sgt, %sub3A_83, %gt3A : i32
      %convert_element_type3A = arith.extui %gt3A_84 : i1 to i32
      %cond3A = arith.constant 0 : i32
      %cond3A_85 = arith.cmpi ne, %convert_element_type3A, %cond3A : i32
      scf.if %cond3A_85 {
        %scan3A_112 = arith.constant 0 : i32
        %scan3A_113 = arith.constant 0 : i32
        %scan3A_114 = arith.constant 8 : i32
        %scan3A_115 = arith.addi %scan3A_113, %scan3A_114 : i32
        %scan3A_116 = arith.constant 1 : i32
        %scan3A_117 = scf.for %scan3A_159 = %scan3A_113 to %scan3A_115 step %scan3A_116 iter_args(%scan3A_160 = %scan3A_112) -> (i32)  : i32 {
          %mul3A_161 = arith.constant 16 : i32
          %mul3A_162 = arith.muli %scan3A_159, %mul3A_161 : i32
          %add3A_163 = arith.addi %reduce_max3A_55, %mul3A_162 : i32
          %add3A_164 = vector.broadcast %add3A_163 : i32 to vector<16xi32>
          %add3A_165 = arith.addi %add3A_164, %iota3A : vector<16xi32>
          %add3A_166 = arith.constant 128 : i32
          %add3A_167 = arith.addi %while3A_82, %add3A_166 : i32
          %lt3A = vector.broadcast %add3A_167 : i32 to vector<16xi32>
          %lt3A_168 = arith.cmpi slt, %add3A_165, %lt3A : vector<16xi32>
          %jit3A_169 = arith.constant 128 : i32
          %div3A_170 = vector.broadcast %jit3A_169 : i32 to vector<16xi32>
          %div3A_171 = arith.divsi %add3A_165, %div3A_170 : vector<16xi32>
          %sign3A_172 = arith.constant 0 : i32
          %sign3A_173 = vector.broadcast %sign3A_172 : i32 to vector<16xi32>
          %sign3A_174 = arith.cmpi sgt, %add3A_165, %sign3A_173 : vector<16xi32>
          %sign3A_175 = arith.extui %sign3A_174 : vector<16xi1> to vector<16xi32>
          %sign3A_176 = arith.constant 0 : i32
          %sign3A_177 = vector.broadcast %sign3A_176 : i32 to vector<16xi32>
          %sign3A_178 = arith.cmpi slt, %add3A_165, %sign3A_177 : vector<16xi32>
          %sign3A_179 = arith.extui %sign3A_178 : vector<16xi1> to vector<16xi32>
          %sign3A_180 = arith.subi %sign3A_175, %sign3A_179 : vector<16xi32>
          %sign3A_181 = arith.constant 0 : i32
          %sign3A_182 = arith.cmpi sgt, %jit3A_169, %sign3A_181 : i32
          %sign3A_183 = arith.extui %sign3A_182 : i1 to i32
          %sign3A_184 = arith.constant 0 : i32
          %sign3A_185 = arith.cmpi slt, %jit3A_169, %sign3A_184 : i32
          %sign3A_186 = arith.extui %sign3A_185 : i1 to i32
          %sign3A_187 = arith.subi %sign3A_183, %sign3A_186 : i32
          %ne3A_188 = vector.broadcast %sign3A_187 : i32 to vector<16xi32>
          %ne3A_189 = arith.cmpi ne, %sign3A_180, %ne3A_188 : vector<16xi32>
          %rem3A_190 = vector.broadcast %jit3A_169 : i32 to vector<16xi32>
          %rem3A_191 = arith.remsi %add3A_165, %rem3A_190 : vector<16xi32>
          %ne3A_192 = arith.constant 0 : i32
          %ne3A_193 = vector.broadcast %ne3A_192 : i32 to vector<16xi32>
          %ne3A_194 = arith.cmpi ne, %rem3A_191, %ne3A_193 : vector<16xi32>
          %and3A_195 = arith.andi %ne3A_189, %ne3A_194 : vector<16xi1>
          %sub3A_196 = arith.constant 1 : i32
          %sub3A_197 = vector.broadcast %sub3A_196 : i32 to vector<16xi32>
          %sub3A_198 = arith.subi %div3A_171, %sub3A_197 : vector<16xi32>
          %select_n3A_199 = arith.select %and3A_195, %sub3A_198, %div3A_171 : vector<16xi1>, vector<16xi32>
          %and3A_200 = arith.constant 63 : i32
          %and3A_201 = vector.broadcast %and3A_200 : i32 to vector<16xi32>
          %and3A_202 = arith.andi %select_n3A_199, %and3A_201 : vector<16xi32>
          %and3A_203 = arith.constant 127 : i32
          %and3A_204 = vector.broadcast %and3A_203 : i32 to vector<16xi32>
          %and3A_205 = arith.andi %add3A_165, %and3A_204 : vector<16xi32>
          %mul3A_206 = arith.constant 64 : i32
          %mul3A_207 = arith.muli %arg1, %mul3A_206 : i32
          %broadcast_in_dim3A_208 = vector.broadcast %mul3A_207 : i32 to vector<16xi32>
          tpu.vector_store_idx %arg8[%and3A_202, %and3A_205], %broadcast_in_dim3A_208 masked %lt3A_168 : memref<64x128xi32, #tpu.memory_space<vmem>>[vector<16xi32>, vector<16xi32>], vector<16xi32>, vector<16xi1>
          %broadcast_in_dim3A_209 = vector.broadcast %add3A_1 : i32 to vector<16xi32>
          tpu.vector_store_idx %arg9[%and3A_202, %and3A_205], %broadcast_in_dim3A_209 masked %lt3A_168 : memref<64x128xi32, #tpu.memory_space<vmem>>[vector<16xi32>, vector<16xi32>], vector<16xi32>, vector<16xi1>
          %scan3A_210 = arith.constant 0 : i32
          scf.yield %scan3A_210 : i32
        }
        %scan3A_118 = arith.constant 8 : i32
        %jit3A_119 = arith.constant 128 : i32
        %div3A_120 = arith.divsi %while3A_82, %jit3A_119 : i32
        %sign3A_121 = arith.constant 0 : i32
        %sign3A_122 = arith.cmpi sgt, %while3A_82, %sign3A_121 : i32
        %sign3A_123 = arith.extui %sign3A_122 : i1 to i32
        %sign3A_124 = arith.constant 0 : i32
        %sign3A_125 = arith.cmpi slt, %while3A_82, %sign3A_124 : i32
        %sign3A_126 = arith.extui %sign3A_125 : i1 to i32
        %sign3A_127 = arith.subi %sign3A_123, %sign3A_126 : i32
        %sign3A_128 = arith.constant 0 : i32
        %sign3A_129 = arith.cmpi sgt, %jit3A_119, %sign3A_128 : i32
        %sign3A_130 = arith.extui %sign3A_129 : i1 to i32
        %sign3A_131 = arith.constant 0 : i32
        %sign3A_132 = arith.cmpi slt, %jit3A_119, %sign3A_131 : i32
        %sign3A_133 = arith.extui %sign3A_132 : i1 to i32
        %sign3A_134 = arith.subi %sign3A_130, %sign3A_133 : i32
        %ne3A_135 = arith.cmpi ne, %sign3A_127, %sign3A_134 : i32
        %rem3A_136 = arith.remsi %while3A_82, %jit3A_119 : i32
        %ne3A_137 = arith.constant 0 : i32
        %ne3A_138 = arith.cmpi ne, %rem3A_136, %ne3A_137 : i32
        %and3A_139 = arith.andi %ne3A_135, %ne3A_138 : i1
        %sub3A_140 = arith.constant 1 : i32
        %sub3A_141 = arith.subi %div3A_120, %sub3A_140 : i32
        %select_n3A_142 = arith.select %and3A_139, %sub3A_141, %div3A_120 : i32
        %and3A_143 = arith.constant 63 : i32
        %and3A_144 = arith.andi %select_n3A_142, %and3A_143 : i32
        %dma_start3A_145 = arith.constant 0 : i32
        %dma_start3A_146 = tpu.memref_slice %arg8[%and3A_144, %dma_start3A_145] : memref<64x128xi32, #tpu.memory_space<vmem>> -> memref<1x128xi32, #tpu.memory_space<vmem>>
        %dma_start3A_147 = tpu.memref_squeeze %dma_start3A_146 : memref<1x128xi32, #tpu.memory_space<vmem>> -> memref<128xi32, #tpu.memory_space<vmem>>
        %dma_start3A_148 = arith.constant 0 : i32
        %dma_start3A_149 = arith.constant 0 : i32
        %dma_start3A_150 = tpu.memref_slice %arg2[%dma_start3A_148, %dma_start3A_149] : memref<50000x128xf32, #tpu.memory_space<hbm>> -> memref<50000x128xf32, #tpu.memory_space<hbm>>
        tpu.enqueue_indirect_dma source(%dma_start3A_150 : memref<50000x128xf32, #tpu.memory_space<hbm>>) target(%arg10 : memref<128x128xf32, #tpu.memory_space<vmem>>) offsets(%dma_start3A_147 : memref<128xi32, #tpu.memory_space<vmem>>) semaphore(%arg13 : memref<!tpu.dma_semaphore, #tpu.memory_space<semaphore_mem>>)
        %dma_wait3A_151 = arith.constant 0 : i32
        %dma_wait3A_152 = tpu.memref_slice %arg8[%and3A_144, %dma_wait3A_151] : memref<64x128xi32, #tpu.memory_space<vmem>> -> memref<1x128xi32, #tpu.memory_space<vmem>>
        %dma_wait3A_153 = tpu.memref_squeeze %dma_wait3A_152 : memref<1x128xi32, #tpu.memory_space<vmem>> -> memref<128xi32, #tpu.memory_space<vmem>>
        %dma_wait3A_154 = arith.constant 0 : i32
        %dma_wait3A_155 = arith.constant 0 : i32
        %dma_wait3A_156 = tpu.memref_slice %arg2[%dma_wait3A_154, %dma_wait3A_155] : memref<50000x128xf32, #tpu.memory_space<hbm>> -> memref<50000x128xf32, #tpu.memory_space<hbm>>
        tpu.wait_indirect_dma semaphore(%arg13 : memref<!tpu.dma_semaphore, #tpu.memory_space<semaphore_mem>>) src(%dma_wait3A_156 : memref<50000x128xf32, #tpu.memory_space<hbm>>) dst(%arg10 : memref<128x128xf32, #tpu.memory_space<vmem>>)
        "tpu.region"() ({
          %run_scoped3A_159 = tpu.sem_alloc : memref<!tpu.dma_semaphore, #tpu.memory_space<semaphore_mem>>
          %dma_start3A_160 = arith.constant 0 : i32
          %dma_start3A_161 = tpu.memref_slice %arg9[%and3A_144, %dma_start3A_160] : memref<64x128xi32, #tpu.memory_space<vmem>> -> memref<1x128xi32, #tpu.memory_space<vmem>>
          %dma_start3A_162 = tpu.memref_squeeze %dma_start3A_161 : memref<1x128xi32, #tpu.memory_space<vmem>> -> memref<128xi32, #tpu.memory_space<vmem>>
          %dma_start3A_163 = arith.constant 0 : i32
          %dma_start3A_164 = arith.constant 0 : i32
          %dma_start3A_165 = tpu.memref_slice %arg12[%dma_start3A_163, %dma_start3A_164] : memref<7696x128xf32, #tpu.memory_space<vmem_shared>> -> memref<7696x128xf32, #tpu.memory_space<vmem_shared>>
          tpu.enqueue_indirect_dma source(%arg10 : memref<128x128xf32, #tpu.memory_space<vmem>>) target(%dma_start3A_165 : memref<7696x128xf32, #tpu.memory_space<vmem_shared>>) offsets(%dma_start3A_162 : memref<128xi32, #tpu.memory_space<vmem>>) semaphore(%run_scoped3A_159 : memref<!tpu.dma_semaphore, #tpu.memory_space<semaphore_mem>>) {add = true}
          %dma_wait3A_166 = arith.constant 0 : i32
          %dma_wait3A_167 = tpu.memref_slice %arg9[%and3A_144, %dma_wait3A_166] : memref<64x128xi32, #tpu.memory_space<vmem>> -> memref<1x128xi32, #tpu.memory_space<vmem>>
          %dma_wait3A_168 = tpu.memref_squeeze %dma_wait3A_167 : memref<1x128xi32, #tpu.memory_space<vmem>> -> memref<128xi32, #tpu.memory_space<vmem>>
          %dma_wait3A_169 = arith.constant 0 : i32
          %dma_wait3A_170 = arith.constant 0 : i32
          %dma_wait3A_171 = tpu.memref_slice %arg12[%dma_wait3A_169, %dma_wait3A_170] : memref<7696x128xf32, #tpu.memory_space<vmem_shared>> -> memref<7696x128xf32, #tpu.memory_space<vmem_shared>>
          tpu.wait_indirect_dma semaphore(%run_scoped3A_159 : memref<!tpu.dma_semaphore, #tpu.memory_space<semaphore_mem>>) src(%arg10 : memref<128x128xf32, #tpu.memory_space<vmem>>) dst(%dma_wait3A_171 : memref<7696x128xf32, #tpu.memory_space<vmem_shared>>)
          tpu.yield
        }) : () -> ()
        %add3A_157 = arith.constant 128 : i32
        %add3A_158 = arith.addi %while3A_82, %add3A_157 : i32
      } else {
      }
      %barrier3A_86 = arith.constant 0 : index
      tpu.barrier barrier_id(%barrier3A_86)
      %mul3A_87 = arith.constant 160 : i32
      %mul3A_88 = arith.muli %arg1, %mul3A_87 : i32
      %add3A_89 = arith.constant 0 : i32
      %add3A_90 = arith.addi %add3A_89, %mul3A_88 : i32
      %mul3A_91 = arith.constant 160 : i32
      %mul3A_92 = arith.muli %arg1, %mul3A_91 : i32
      %add3A_93 = arith.addi %mul3A_15, %mul3A_92 : i32
      %run_scoped3A = arith.constant 0 : i32
      "tpu.region"() ({
        %run_scoped3A_112 = tpu.sem_alloc : memref<!tpu.dma_semaphore, #tpu.memory_space<semaphore_mem>>
        %dma_start3A_113 = arith.constant 0 : i32
        %dma_start3A_114 = tpu.memref_slice %arg5[%run_scoped3A, %add3A_93, %dma_start3A_113] : memref<3x51200x128xf32, #tpu.memory_space<hbm>> -> memref<1x160x128xf32, #tpu.memory_space<hbm>>
        %dma_start3A_115 = tpu.memref_squeeze %dma_start3A_114 : memref<1x160x128xf32, #tpu.memory_space<hbm>> -> memref<160x128xf32, #tpu.memory_space<hbm>>
        %dma_start3A_116 = arith.constant 0 : i32
        %dma_start3A_117 = tpu.memref_slice %arg12[%add3A_90, %dma_start3A_116] : memref<7696x128xf32, #tpu.memory_space<vmem_shared>> -> memref<160x128xf32, #tpu.memory_space<vmem_shared>>
        tpu.enqueue_dma source(%dma_start3A_117 : memref<160x128xf32, #tpu.memory_space<vmem_shared>>) target(%dma_start3A_115 : memref<160x128xf32, #tpu.memory_space<hbm>>) target_semaphore(%run_scoped3A_112 : memref<!tpu.dma_semaphore, #tpu.memory_space<semaphore_mem>>)
        %dma_wait3A_118 = arith.constant 0 : i32
        %dma_wait3A_119 = tpu.memref_slice %arg5[%run_scoped3A, %add3A_93, %dma_wait3A_118] : memref<3x51200x128xf32, #tpu.memory_space<hbm>> -> memref<1x160x128xf32, #tpu.memory_space<hbm>>
        %dma_wait3A_120 = tpu.memref_squeeze %dma_wait3A_119 : memref<1x160x128xf32, #tpu.memory_space<hbm>> -> memref<160x128xf32, #tpu.memory_space<hbm>>
        %dma_wait3A_121 = arith.constant 0 : i32
        %dma_wait3A_122 = tpu.memref_slice %arg12[%add3A_90, %dma_wait3A_121] : memref<7696x128xf32, #tpu.memory_space<vmem_shared>> -> memref<160x128xf32, #tpu.memory_space<vmem_shared>>
        tpu.wait_dma2 semaphore(%run_scoped3A_112 : memref<!tpu.dma_semaphore, #tpu.memory_space<semaphore_mem>>) src(%dma_wait3A_122 : memref<160x128xf32, #tpu.memory_space<vmem_shared>>) dst(%dma_wait3A_120 : memref<160x128xf32, #tpu.memory_space<hbm>>)
        tpu.yield
      }) : () -> ()
      %mul3A_94 = arith.constant 160 : i32
      %mul3A_95 = arith.muli %arg1, %mul3A_94 : i32
      %add3A_96 = arith.constant 2560 : i32
      %add3A_97 = arith.addi %add3A_96, %mul3A_95 : i32
      %mul3A_98 = arith.constant 160 : i32
      %mul3A_99 = arith.muli %arg1, %mul3A_98 : i32
      %add3A_100 = arith.addi %mul3A_15, %mul3A_99 : i32
      %run_scoped3A_101 = arith.constant 1 : i32
      "tpu.region"() ({
        %run_scoped3A_112 = tpu.sem_alloc : memref<!tpu.dma_semaphore, #tpu.memory_space<semaphore_mem>>
        %dma_start3A_113 = arith.constant 0 : i32
        %dma_start3A_114 = tpu.memref_slice %arg5[%run_scoped3A_101, %add3A_100, %dma_start3A_113] : memref<3x51200x128xf32, #tpu.memory_space<hbm>> -> memref<1x160x128xf32, #tpu.memory_space<hbm>>
        %dma_start3A_115 = tpu.memref_squeeze %dma_start3A_114 : memref<1x160x128xf32, #tpu.memory_space<hbm>> -> memref<160x128xf32, #tpu.memory_space<hbm>>
        %dma_start3A_116 = arith.constant 0 : i32
        %dma_start3A_117 = tpu.memref_slice %arg12[%add3A_97, %dma_start3A_116] : memref<7696x128xf32, #tpu.memory_space<vmem_shared>> -> memref<160x128xf32, #tpu.memory_space<vmem_shared>>
        tpu.enqueue_dma source(%dma_start3A_117 : memref<160x128xf32, #tpu.memory_space<vmem_shared>>) target(%dma_start3A_115 : memref<160x128xf32, #tpu.memory_space<hbm>>) target_semaphore(%run_scoped3A_112 : memref<!tpu.dma_semaphore, #tpu.memory_space<semaphore_mem>>)
        %dma_wait3A_118 = arith.constant 0 : i32
        %dma_wait3A_119 = tpu.memref_slice %arg5[%run_scoped3A_101, %add3A_100, %dma_wait3A_118] : memref<3x51200x128xf32, #tpu.memory_space<hbm>> -> memref<1x160x128xf32, #tpu.memory_space<hbm>>
        %dma_wait3A_120 = tpu.memref_squeeze %dma_wait3A_119 : memref<1x160x128xf32, #tpu.memory_space<hbm>> -> memref<160x128xf32, #tpu.memory_space<hbm>>
        %dma_wait3A_121 = arith.constant 0 : i32
        %dma_wait3A_122 = tpu.memref_slice %arg12[%add3A_97, %dma_wait3A_121] : memref<7696x128xf32, #tpu.memory_space<vmem_shared>> -> memref<160x128xf32, #tpu.memory_space<vmem_shared>>
        tpu.wait_dma2 semaphore(%run_scoped3A_112 : memref<!tpu.dma_semaphore, #tpu.memory_space<semaphore_mem>>) src(%dma_wait3A_122 : memref<160x128xf32, #tpu.memory_space<vmem_shared>>) dst(%dma_wait3A_120 : memref<160x128xf32, #tpu.memory_space<hbm>>)
        tpu.yield
      }) : () -> ()
      %mul3A_102 = arith.constant 160 : i32
      %mul3A_103 = arith.muli %arg1, %mul3A_102 : i32
      %add3A_104 = arith.constant 5120 : i32
      %add3A_105 = arith.addi %add3A_104, %mul3A_103 : i32
      %mul3A_106 = arith.constant 160 : i32
      %mul3A_107 = arith.muli %arg1, %mul3A_106 : i32
      %add3A_108 = arith.addi %mul3A_15, %mul3A_107 : i32
      %run_scoped3A_109 = arith.constant 2 : i32
      "tpu.region"() ({
        %run_scoped3A_112 = tpu.sem_alloc : memref<!tpu.dma_semaphore, #tpu.memory_space<semaphore_mem>>
        %dma_start3A_113 = arith.constant 0 : i32
        %dma_start3A_114 = tpu.memref_slice %arg5[%run_scoped3A_109, %add3A_108, %dma_start3A_113] : memref<3x51200x128xf32, #tpu.memory_space<hbm>> -> memref<1x160x128xf32, #tpu.memory_space<hbm>>
        %dma_start3A_115 = tpu.memref_squeeze %dma_start3A_114 : memref<1x160x128xf32, #tpu.memory_space<hbm>> -> memref<160x128xf32, #tpu.memory_space<hbm>>
        %dma_start3A_116 = arith.constant 0 : i32
        %dma_start3A_117 = tpu.memref_slice %arg12[%add3A_105, %dma_start3A_116] : memref<7696x128xf32, #tpu.memory_space<vmem_shared>> -> memref<160x128xf32, #tpu.memory_space<vmem_shared>>
        tpu.enqueue_dma source(%dma_start3A_117 : memref<160x128xf32, #tpu.memory_space<vmem_shared>>) target(%dma_start3A_115 : memref<160x128xf32, #tpu.memory_space<hbm>>) target_semaphore(%run_scoped3A_112 : memref<!tpu.dma_semaphore, #tpu.memory_space<semaphore_mem>>)
        %dma_wait3A_118 = arith.constant 0 : i32
        %dma_wait3A_119 = tpu.memref_slice %arg5[%run_scoped3A_109, %add3A_108, %dma_wait3A_118] : memref<3x51200x128xf32, #tpu.memory_space<hbm>> -> memref<1x160x128xf32, #tpu.memory_space<hbm>>
        %dma_wait3A_120 = tpu.memref_squeeze %dma_wait3A_119 : memref<1x160x128xf32, #tpu.memory_space<hbm>> -> memref<160x128xf32, #tpu.memory_space<hbm>>
        %dma_wait3A_121 = arith.constant 0 : i32
        %dma_wait3A_122 = tpu.memref_slice %arg12[%add3A_105, %dma_wait3A_121] : memref<7696x128xf32, #tpu.memory_space<vmem_shared>> -> memref<160x128xf32, #tpu.memory_space<vmem_shared>>
        tpu.wait_dma2 semaphore(%run_scoped3A_112 : memref<!tpu.dma_semaphore, #tpu.memory_space<semaphore_mem>>) src(%dma_wait3A_122 : memref<160x128xf32, #tpu.memory_space<vmem_shared>>) dst(%dma_wait3A_120 : memref<160x128xf32, #tpu.memory_space<hbm>>)
        tpu.yield
      }) : () -> ()
      %barrier3A_110 = arith.constant 0 : index
      tpu.barrier barrier_id(%barrier3A_110)
      %scan3A_111 = arith.constant 0 : i32
      scf.yield %scan3A_111 : i32
    }
    %scan3A_8 = arith.constant 10 : i32
    return
  }
}

#map = affine_map<(d0, d1) -> (0, 0)>
#map1 = affine_map<(d0, d1) -> (0, 0, 0)>
module attributes {stable_mosaic.version = 14 : i64} {
  func.func @_edge_pass_body(%arg0: i32, %arg1: i32, %arg2: memref<50000x128xf32, #tpu.memory_space<hbm>>, %arg3: memref<16x3x51200xi32, #tpu.memory_space<hbm>>, %arg4: memref<128x128xf32, #tpu.memory_space<hbm>>, %arg5: memref<3x51200x128xf32, #tpu.memory_space<hbm>>, %arg6: memref<3x2048xi32, #tpu.memory_space<vmem>>, %arg7: memref<3x2048xi32, #tpu.memory_space<vmem>>, %arg8: memref<64x128xi32, #tpu.memory_space<vmem>>, %arg9: memref<64x128xi32, #tpu.memory_space<vmem>>, %arg10: memref<128x128xf32, #tpu.memory_space<vmem>>, %arg11: memref<128x128xf32, #tpu.memory_space<vmem>>, %arg12: memref<7696x128xf32, #tpu.memory_space<vmem_shared>>, %arg13: memref<!tpu.dma_semaphore, #tpu.memory_space<semaphore_mem>>, %arg14: memref<!tpu.dma_semaphore, #tpu.memory_space<semaphore_mem>>) attributes {dimension_semantics = [#tpu.dimension_semantics<core_parallel>, #tpu.dimension_semantics<subcore_parallel>], iteration_bounds = array<i64: 2, 16>, scalar_prefetch = 0 : i64, scratch_operands = 9 : i64, tpu.core_type = #tpu.core_type<sc_vector_subcore>, window_params = [{transform_indices = #map}, {transform_indices = #map1}, {transform_indices = #map}, {transform_indices = #map1}]} {
    %mul3A = arith.constant 50000 : i32
    %mul3A_0 = arith.muli %arg1, %mul3A : i32
    %add3A = arith.constant 7680 : i32
    %add3A_1 = arith.addi %add3A, %arg1 : i32
    %iota3A = tpu.iota {dimensions = array<i32: 0>} : vector<16xi32>
    %broadcast_in_dim3A = arith.constant 15 : i32
    %broadcast_in_dim3A_2 = vector.broadcast %broadcast_in_dim3A : i32 to vector<16xi32>
    "tpu.region"() ({
      %run_scoped3A = tpu.sem_alloc : memref<!tpu.dma_semaphore, #tpu.memory_space<semaphore_mem>>
      tpu.enqueue_dma source(%arg4 : memref<128x128xf32, #tpu.memory_space<hbm>>) target(%arg11 : memref<128x128xf32, #tpu.memory_space<vmem>>) target_semaphore(%run_scoped3A : memref<!tpu.dma_semaphore, #tpu.memory_space<semaphore_mem>>)
      tpu.wait_dma2 semaphore(%run_scoped3A : memref<!tpu.dma_semaphore, #tpu.memory_space<semaphore_mem>>) src(%arg4 : memref<128x128xf32, #tpu.memory_space<hbm>>) dst(%arg11 : memref<128x128xf32, #tpu.memory_space<vmem>>)
      tpu.yield
    }) : () -> ()
    %scan3A = arith.constant 0 : i32
    %scan3A_3 = arith.constant 0 : i32
    %scan3A_4 = arith.constant 10 : i32
    %scan3A_5 = arith.addi %scan3A_3, %scan3A_4 : i32
    %scan3A_6 = arith.constant 1 : i32
    %scan3A_7 = scf.for %scan3A_9 = %scan3A_3 to %scan3A_5 step %scan3A_6 iter_args(%scan3A_10 = %scan3A) -> (i32)  : i32 {
      %mul3A_11 = arith.constant 10 : i32
      %mul3A_12 = arith.muli %arg0, %mul3A_11 : i32
      %add3A_13 = arith.addi %mul3A_12, %scan3A_9 : i32
      %mul3A_14 = arith.constant 2560 : i32
      %mul3A_15 = arith.muli %add3A_13, %mul3A_14 : i32
      %mul3A_16 = arith.constant 481 : i32
      %mul3A_17 = arith.muli %arg1, %mul3A_16 : i32
      %add3A_18 = arith.constant 0 : i32
      %add3A_19 = arith.addi %mul3A_17, %add3A_18 : i32
      "tpu.region"() ({
        %run_scoped3A_112 = tpu.sem_alloc : memref<!tpu.dma_semaphore, #tpu.memory_space<semaphore_mem>>
        %dma_start3A_113 = arith.constant 0 : i32
        %dma_start3A_114 = arith.constant 0 : i32
        %dma_start3A_115 = tpu.memref_slice %arg11[%dma_start3A_113, %dma_start3A_114] : memref<128x128xf32, #tpu.memory_space<vmem>> -> memref<128x128xf32, #tpu.memory_space<vmem>>
        %dma_start3A_116 = arith.constant 0 : i32
        %dma_start3A_117 = tpu.memref_slice %arg12[%add3A_19, %dma_start3A_116] : memref<7696x128xf32, #tpu.memory_space<vmem_shared>> -> memref<128x128xf32, #tpu.memory_space<vmem_shared>>
        %dma_start3A_118 = arith.constant 0 : i32
        %dma_start3A_119 = tpu.memref_slice %arg12[%add3A_19, %dma_start3A_118] : memref<7696x128xf32, #tpu.memory_space<vmem_shared>> -> memref<128x128xf32, #tpu.memory_space<vmem_shared>>
        %dma_start3A_120 = arith.constant 0 : i32
        %dma_start3A_121 = arith.constant 0 : i32
        %dma_start3A_122 = tpu.memref_slice %arg11[%dma_start3A_120, %dma_start3A_121] : memref<128x128xf32, #tpu.memory_space<vmem>> -> memref<128x128xf32, #tpu.memory_space<vmem>>
        tpu.enqueue_dma source(%dma_start3A_122 : memref<128x128xf32, #tpu.memory_space<vmem>>) target(%dma_start3A_119 : memref<128x128xf32, #tpu.memory_space<vmem_shared>>) target_semaphore(%run_scoped3A_112 : memref<!tpu.dma_semaphore, #tpu.memory_space<semaphore_mem>>)
        %dma_wait3A_123 = arith.constant 0 : i32
        %dma_wait3A_124 = arith.constant 0 : i32
        %dma_wait3A_125 = tpu.memref_slice %arg11[%dma_wait3A_123, %dma_wait3A_124] : memref<128x128xf32, #tpu.memory_space<vmem>> -> memref<128x128xf32, #tpu.memory_space<vmem>>
        %dma_wait3A_126 = arith.constant 0 : i32
        %dma_wait3A_127 = tpu.memref_slice %arg12[%add3A_19, %dma_wait3A_126] : memref<7696x128xf32, #tpu.memory_space<vmem_shared>> -> memref<128x128xf32, #tpu.memory_space<vmem_shared>>
        %dma_wait3A_128 = arith.constant 0 : i32
        %dma_wait3A_129 = tpu.memref_slice %arg12[%add3A_19, %dma_wait3A_128] : memref<7696x128xf32, #tpu.memory_space<vmem_shared>> -> memref<128x128xf32, #tpu.memory_space<vmem_shared>>
        %dma_wait3A_130 = arith.constant 0 : i32
        %dma_wait3A_131 = arith.constant 0 : i32
        %dma_wait3A_132 = tpu.memref_slice %arg11[%dma_wait3A_130, %dma_wait3A_131] : memref<128x128xf32, #tpu.memory_space<vmem>> -> memref<128x128xf32, #tpu.memory_space<vmem>>
        tpu.wait_dma2 semaphore(%run_scoped3A_112 : memref<!tpu.dma_semaphore, #tpu.memory_space<semaphore_mem>>) src(%dma_wait3A_132 : memref<128x128xf32, #tpu.memory_space<vmem>>) dst(%dma_wait3A_129 : memref<128x128xf32, #tpu.memory_space<vmem_shared>>)
        tpu.yield
      }) : () -> ()
      %add3A_20 = arith.constant 128 : i32
      %add3A_21 = arith.addi %mul3A_17, %add3A_20 : i32
      "tpu.region"() ({
        %run_scoped3A_112 = tpu.sem_alloc : memref<!tpu.dma_semaphore, #tpu.memory_space<semaphore_mem>>
        %dma_start3A_113 = arith.constant 0 : i32
        %dma_start3A_114 = arith.constant 0 : i32
        %dma_start3A_115 = tpu.memref_slice %arg11[%dma_start3A_113, %dma_start3A_114] : memref<128x128xf32, #tpu.memory_space<vmem>> -> memref<128x128xf32, #tpu.memory_space<vmem>>
        %dma_start3A_116 = arith.constant 0 : i32
        %dma_start3A_117 = tpu.memref_slice %arg12[%add3A_21, %dma_start3A_116] : memref<7696x128xf32, #tpu.memory_space<vmem_shared>> -> memref<128x128xf32, #tpu.memory_space<vmem_shared>>
        %dma_start3A_118 = arith.constant 0 : i32
        %dma_start3A_119 = tpu.memref_slice %arg12[%add3A_21, %dma_start3A_118] : memref<7696x128xf32, #tpu.memory_space<vmem_shared>> -> memref<128x128xf32, #tpu.memory_space<vmem_shared>>
        %dma_start3A_120 = arith.constant 0 : i32
        %dma_start3A_121 = arith.constant 0 : i32
        %dma_start3A_122 = tpu.memref_slice %arg11[%dma_start3A_120, %dma_start3A_121] : memref<128x128xf32, #tpu.memory_space<vmem>> -> memref<128x128xf32, #tpu.memory_space<vmem>>
        tpu.enqueue_dma source(%dma_start3A_122 : memref<128x128xf32, #tpu.memory_space<vmem>>) target(%dma_start3A_119 : memref<128x128xf32, #tpu.memory_space<vmem_shared>>) target_semaphore(%run_scoped3A_112 : memref<!tpu.dma_semaphore, #tpu.memory_space<semaphore_mem>>)
        %dma_wait3A_123 = arith.constant 0 : i32
        %dma_wait3A_124 = arith.constant 0 : i32
        %dma_wait3A_125 = tpu.memref_slice %arg11[%dma_wait3A_123, %dma_wait3A_124] : memref<128x128xf32, #tpu.memory_space<vmem>> -> memref<128x128xf32, #tpu.memory_space<vmem>>
        %dma_wait3A_126 = arith.constant 0 : i32
        %dma_wait3A_127 = tpu.memref_slice %arg12[%add3A_21, %dma_wait3A_126] : memref<7696x128xf32, #tpu.memory_space<vmem_shared>> -> memref<128x128xf32, #tpu.memory_space<vmem_shared>>
        %dma_wait3A_128 = arith.constant 0 : i32
        %dma_wait3A_129 = tpu.memref_slice %arg12[%add3A_21, %dma_wait3A_128] : memref<7696x128xf32, #tpu.memory_space<vmem_shared>> -> memref<128x128xf32, #tpu.memory_space<vmem_shared>>
        %dma_wait3A_130 = arith.constant 0 : i32
        %dma_wait3A_131 = arith.constant 0 : i32
        %dma_wait3A_132 = tpu.memref_slice %arg11[%dma_wait3A_130, %dma_wait3A_131] : memref<128x128xf32, #tpu.memory_space<vmem>> -> memref<128x128xf32, #tpu.memory_space<vmem>>
        tpu.wait_dma2 semaphore(%run_scoped3A_112 : memref<!tpu.dma_semaphore, #tpu.memory_space<semaphore_mem>>) src(%dma_wait3A_132 : memref<128x128xf32, #tpu.memory_space<vmem>>) dst(%dma_wait3A_129 : memref<128x128xf32, #tpu.memory_space<vmem_shared>>)
        tpu.yield
      }) : () -> ()
      %add3A_22 = arith.constant 256 : i32
      %add3A_23 = arith.addi %mul3A_17, %add3A_22 : i32
      "tpu.region"() ({
        %run_scoped3A_112 = tpu.sem_alloc : memref<!tpu.dma_semaphore, #tpu.memory_space<semaphore_mem>>
        %dma_start3A_113 = arith.constant 0 : i32
        %dma_start3A_114 = arith.constant 0 : i32
        %dma_start3A_115 = tpu.memref_slice %arg11[%dma_start3A_113, %dma_start3A_114] : memref<128x128xf32, #tpu.memory_space<vmem>> -> memref<128x128xf32, #tpu.memory_space<vmem>>
        %dma_start3A_116 = arith.constant 0 : i32
        %dma_start3A_117 = tpu.memref_slice %arg12[%add3A_23, %dma_start3A_116] : memref<7696x128xf32, #tpu.memory_space<vmem_shared>> -> memref<128x128xf32, #tpu.memory_space<vmem_shared>>
        %dma_start3A_118 = arith.constant 0 : i32
        %dma_start3A_119 = tpu.memref_slice %arg12[%add3A_23, %dma_start3A_118] : memref<7696x128xf32, #tpu.memory_space<vmem_shared>> -> memref<128x128xf32, #tpu.memory_space<vmem_shared>>
        %dma_start3A_120 = arith.constant 0 : i32
        %dma_start3A_121 = arith.constant 0 : i32
        %dma_start3A_122 = tpu.memref_slice %arg11[%dma_start3A_120, %dma_start3A_121] : memref<128x128xf32, #tpu.memory_space<vmem>> -> memref<128x128xf32, #tpu.memory_space<vmem>>
        tpu.enqueue_dma source(%dma_start3A_122 : memref<128x128xf32, #tpu.memory_space<vmem>>) target(%dma_start3A_119 : memref<128x128xf32, #tpu.memory_space<vmem_shared>>) target_semaphore(%run_scoped3A_112 : memref<!tpu.dma_semaphore, #tpu.memory_space<semaphore_mem>>)
        %dma_wait3A_123 = arith.constant 0 : i32
        %dma_wait3A_124 = arith.constant 0 : i32
        %dma_wait3A_125 = tpu.memref_slice %arg11[%dma_wait3A_123, %dma_wait3A_124] : memref<128x128xf32, #tpu.memory_space<vmem>> -> memref<128x128xf32, #tpu.memory_space<vmem>>
        %dma_wait3A_126 = arith.constant 0 : i32
        %dma_wait3A_127 = tpu.memref_slice %arg12[%add3A_23, %dma_wait3A_126] : memref<7696x128xf32, #tpu.memory_space<vmem_shared>> -> memref<128x128xf32, #tpu.memory_space<vmem_shared>>
        %dma_wait3A_128 = arith.constant 0 : i32
        %dma_wait3A_129 = tpu.memref_slice %arg12[%add3A_23, %dma_wait3A_128] : memref<7696x128xf32, #tpu.memory_space<vmem_shared>> -> memref<128x128xf32, #tpu.memory_space<vmem_shared>>
        %dma_wait3A_130 = arith.constant 0 : i32
        %dma_wait3A_131 = arith.constant 0 : i32
        %dma_wait3A_132 = tpu.memref_slice %arg11[%dma_wait3A_130, %dma_wait3A_131] : memref<128x128xf32, #tpu.memory_space<vmem>> -> memref<128x128xf32, #tpu.memory_space<vmem>>
        tpu.wait_dma2 semaphore(%run_scoped3A_112 : memref<!tpu.dma_semaphore, #tpu.memory_space<semaphore_mem>>) src(%dma_wait3A_132 : memref<128x128xf32, #tpu.memory_space<vmem>>) dst(%dma_wait3A_129 : memref<128x128xf32, #tpu.memory_space<vmem_shared>>)
        tpu.yield
      }) : () -> ()
      %add3A_24 = arith.constant 384 : i32
      %add3A_25 = arith.addi %mul3A_17, %add3A_24 : i32
      "tpu.region"() ({
        %run_scoped3A_112 = tpu.sem_alloc : memref<!tpu.dma_semaphore, #tpu.memory_space<semaphore_mem>>
        %dma_start3A_113 = arith.constant 0 : i32
        %dma_start3A_114 = arith.constant 0 : i32
        %dma_start3A_115 = tpu.memref_slice %arg11[%dma_start3A_113, %dma_start3A_114] : memref<128x128xf32, #tpu.memory_space<vmem>> -> memref<97x128xf32, #tpu.memory_space<vmem>>
        %dma_start3A_116 = arith.constant 0 : i32
        %dma_start3A_117 = tpu.memref_slice %arg12[%add3A_25, %dma_start3A_116] : memref<7696x128xf32, #tpu.memory_space<vmem_shared>> -> memref<97x128xf32, #tpu.memory_space<vmem_shared>>
        %dma_start3A_118 = arith.constant 0 : i32
        %dma_start3A_119 = tpu.memref_slice %arg12[%add3A_25, %dma_start3A_118] : memref<7696x128xf32, #tpu.memory_space<vmem_shared>> -> memref<97x128xf32, #tpu.memory_space<vmem_shared>>
        %dma_start3A_120 = arith.constant 0 : i32
        %dma_start3A_121 = arith.constant 0 : i32
        %dma_start3A_122 = tpu.memref_slice %arg11[%dma_start3A_120, %dma_start3A_121] : memref<128x128xf32, #tpu.memory_space<vmem>> -> memref<97x128xf32, #tpu.memory_space<vmem>>
        tpu.enqueue_dma source(%dma_start3A_122 : memref<97x128xf32, #tpu.memory_space<vmem>>) target(%dma_start3A_119 : memref<97x128xf32, #tpu.memory_space<vmem_shared>>) target_semaphore(%run_scoped3A_112 : memref<!tpu.dma_semaphore, #tpu.memory_space<semaphore_mem>>)
        %dma_wait3A_123 = arith.constant 0 : i32
        %dma_wait3A_124 = arith.constant 0 : i32
        %dma_wait3A_125 = tpu.memref_slice %arg11[%dma_wait3A_123, %dma_wait3A_124] : memref<128x128xf32, #tpu.memory_space<vmem>> -> memref<97x128xf32, #tpu.memory_space<vmem>>
        %dma_wait3A_126 = arith.constant 0 : i32
        %dma_wait3A_127 = tpu.memref_slice %arg12[%add3A_25, %dma_wait3A_126] : memref<7696x128xf32, #tpu.memory_space<vmem_shared>> -> memref<97x128xf32, #tpu.memory_space<vmem_shared>>
        %dma_wait3A_128 = arith.constant 0 : i32
        %dma_wait3A_129 = tpu.memref_slice %arg12[%add3A_25, %dma_wait3A_128] : memref<7696x128xf32, #tpu.memory_space<vmem_shared>> -> memref<97x128xf32, #tpu.memory_space<vmem_shared>>
        %dma_wait3A_130 = arith.constant 0 : i32
        %dma_wait3A_131 = arith.constant 0 : i32
        %dma_wait3A_132 = tpu.memref_slice %arg11[%dma_wait3A_130, %dma_wait3A_131] : memref<128x128xf32, #tpu.memory_space<vmem>> -> memref<97x128xf32, #tpu.memory_space<vmem>>
        tpu.wait_dma2 semaphore(%run_scoped3A_112 : memref<!tpu.dma_semaphore, #tpu.memory_space<semaphore_mem>>) src(%dma_wait3A_132 : memref<97x128xf32, #tpu.memory_space<vmem>>) dst(%dma_wait3A_129 : memref<97x128xf32, #tpu.memory_space<vmem_shared>>)
        tpu.yield
      }) : () -> ()
      %barrier3A = arith.constant 0 : index
      tpu.barrier barrier_id(%barrier3A)
      %multiple_of3A = arith.constant 0 : i32
      %multiple_of3A_26 = tpu.assume_multiple %multiple_of3A, 2048 : i32
      %dma_start3A = arith.constant 0 : i32
      %dma_start3A_27 = tpu.memref_slice %arg3[%arg1, %dma_start3A, %multiple_of3A_26] : memref<16x3x51200xi32, #tpu.memory_space<hbm>> -> memref<1x3x2048xi32, #tpu.memory_space<hbm>>
      %dma_start3A_28 = tpu.memref_squeeze %dma_start3A_27 : memref<1x3x2048xi32, #tpu.memory_space<hbm>> -> memref<3x2048xi32, #tpu.memory_space<hbm>>
      %dma_start3A_29 = arith.constant 0 : i32
      %dma_start3A_30 = tpu.memref_slice %arg3[%arg1, %dma_start3A_29, %multiple_of3A_26] : memref<16x3x51200xi32, #tpu.memory_space<hbm>> -> memref<1x3x2048xi32, #tpu.memory_space<hbm>>
      %dma_start3A_31 = tpu.memref_squeeze %dma_start3A_30 : memref<1x3x2048xi32, #tpu.memory_space<hbm>> -> memref<3x2048xi32, #tpu.memory_space<hbm>>
      tpu.enqueue_dma source(%dma_start3A_31 : memref<3x2048xi32, #tpu.memory_space<hbm>>) target(%arg6 : memref<3x2048xi32, #tpu.memory_space<vmem>>) target_semaphore(%arg14 : memref<!tpu.dma_semaphore, #tpu.memory_space<semaphore_mem>>)
      %dma_wait3A = arith.constant 0 : i32
      %dma_wait3A_32 = tpu.memref_slice %arg3[%arg1, %dma_wait3A, %multiple_of3A_26] : memref<16x3x51200xi32, #tpu.memory_space<hbm>> -> memref<1x3x2048xi32, #tpu.memory_space<hbm>>
      %dma_wait3A_33 = tpu.memref_squeeze %dma_wait3A_32 : memref<1x3x2048xi32, #tpu.memory_space<hbm>> -> memref<3x2048xi32, #tpu.memory_space<hbm>>
      %dma_wait3A_34 = arith.constant 0 : i32
      %dma_wait3A_35 = tpu.memref_slice %arg3[%arg1, %dma_wait3A_34, %multiple_of3A_26] : memref<16x3x51200xi32, #tpu.memory_space<hbm>> -> memref<1x3x2048xi32, #tpu.memory_space<hbm>>
      %dma_wait3A_36 = tpu.memref_squeeze %dma_wait3A_35 : memref<1x3x2048xi32, #tpu.memory_space<hbm>> -> memref<3x2048xi32, #tpu.memory_space<hbm>>
      tpu.wait_dma2 semaphore(%arg14 : memref<!tpu.dma_semaphore, #tpu.memory_space<semaphore_mem>>) src(%dma_wait3A_36 : memref<3x2048xi32, #tpu.memory_space<hbm>>) dst(%arg6 : memref<3x2048xi32, #tpu.memory_space<vmem>>)
      %scan3A_37 = arith.constant 0 : i32
      %scan3A_38 = arith.constant 0 : i32
      %scan3A_39 = arith.constant 0 : i32
      %scan3A_40 = arith.constant 12 : i32
      %scan3A_41 = arith.addi %scan3A_39, %scan3A_40 : i32
      %scan3A_42 = arith.constant 1 : i32
      %scan3A_43:2 = scf.for %scan3A_112 = %scan3A_39 to %scan3A_41 step %scan3A_42 iter_args(%scan3A_113 = %scan3A_37, %scan3A_114 = %scan3A_38) -> (i32, i32)  : i32 {
        %mul3A_115 = arith.constant 2 : i32
        %mul3A_116 = arith.muli %mul3A_115, %scan3A_112 : i32
        %add3A_117 = arith.constant 1 : i32
        %add3A_118 = arith.addi %mul3A_116, %add3A_117 : i32
        %mul3A_119 = arith.constant 2048 : i32
        %mul3A_120 = arith.muli %add3A_118, %mul3A_119 : i32
        %multiple_of3A_121 = tpu.assume_multiple %mul3A_120, 2048 : i32
        %dma_start3A_122 = arith.constant 0 : i32
        %dma_start3A_123 = tpu.memref_slice %arg3[%arg1, %dma_start3A_122, %multiple_of3A_121] : memref<16x3x51200xi32, #tpu.memory_space<hbm>> -> memref<1x3x2048xi32, #tpu.memory_space<hbm>>
        %dma_start3A_124 = tpu.memref_squeeze %dma_start3A_123 : memref<1x3x2048xi32, #tpu.memory_space<hbm>> -> memref<3x2048xi32, #tpu.memory_space<hbm>>
        %dma_start3A_125 = arith.constant 0 : i32
        %dma_start3A_126 = tpu.memref_slice %arg3[%arg1, %dma_start3A_125, %multiple_of3A_121] : memref<16x3x51200xi32, #tpu.memory_space<hbm>> -> memref<1x3x2048xi32, #tpu.memory_space<hbm>>
        %dma_start3A_127 = tpu.memref_squeeze %dma_start3A_126 : memref<1x3x2048xi32, #tpu.memory_space<hbm>> -> memref<3x2048xi32, #tpu.memory_space<hbm>>
        tpu.enqueue_dma source(%dma_start3A_127 : memref<3x2048xi32, #tpu.memory_space<hbm>>) target(%arg7 : memref<3x2048xi32, #tpu.memory_space<vmem>>) target_semaphore(%arg14 : memref<!tpu.dma_semaphore, #tpu.memory_space<semaphore_mem>>)
        %broadcast_in_dim3A_128 = vector.broadcast %scan3A_113 : i32 to vector<16xi32>
        %parallel_loop3A_129 = arith.constant 0 : i32
        %parallel_loop3A_130 = arith.constant 128 : i32
        %parallel_loop3A_131 = arith.constant 1 : i32
        %parallel_loop3A_132 = scf.for %parallel_loop3A_251 = %parallel_loop3A_129 to %parallel_loop3A_130 step %parallel_loop3A_131 iter_args(%parallel_loop3A_252 = %broadcast_in_dim3A_128) -> (vector<16xi32>)  : i32 {
          %parallel_loop3A_253 = arith.constant 16 : i32
          %parallel_loop3A_254 = arith.muli %parallel_loop3A_251, %parallel_loop3A_253 : i32
          %parallel_loop3A_255 = tpu.assume_multiple %parallel_loop3A_254, 16 : i32
          %parallel_loop3A_256 = arith.constant 0 : i32
          %parallel_loop3A_257 = arith.index_cast %parallel_loop3A_256 : i32 to index
          %parallel_loop3A_258 = arith.index_cast %parallel_loop3A_255 : i32 to index
          %parallel_loop3A_259 = tpu.vector_load %arg6[%parallel_loop3A_257, %parallel_loop3A_258] {strides = array<i32>} : memref<3x2048xi32, #tpu.memory_space<vmem>>, vector<16xi32>,
          %parallel_loop3A_260 = arith.constant 1 : i32
          %parallel_loop3A_261 = arith.index_cast %parallel_loop3A_260 : i32 to index
          %parallel_loop3A_262 = arith.index_cast %parallel_loop3A_255 : i32 to index
          %parallel_loop3A_263 = tpu.vector_load %arg6[%parallel_loop3A_261, %parallel_loop3A_262] {strides = array<i32>} : memref<3x2048xi32, #tpu.memory_space<vmem>>, vector<16xi32>,
          %parallel_loop3A_264 = arith.constant 2 : i32
          %parallel_loop3A_265 = arith.index_cast %parallel_loop3A_264 : i32 to index
          %parallel_loop3A_266 = arith.index_cast %parallel_loop3A_255 : i32 to index
          %parallel_loop3A_267 = tpu.vector_load %arg6[%parallel_loop3A_265, %parallel_loop3A_266] {strides = array<i32>} : memref<3x2048xi32, #tpu.memory_space<vmem>>, vector<16xi32>,
          %parallel_loop3A_268 = vector.broadcast %mul3A_15 : i32 to vector<16xi32>
          %parallel_loop3A_269 = arith.subi %parallel_loop3A_263, %parallel_loop3A_268 : vector<16xi32>
          %parallel_loop3A_270 = arith.constant 0 : i32
          %parallel_loop3A_271 = vector.broadcast %parallel_loop3A_270 : i32 to vector<16xi32>
          %parallel_loop3A_272 = arith.cmpi sge, %parallel_loop3A_269, %parallel_loop3A_271 : vector<16xi32>
          %parallel_loop3A_273 = arith.constant 2560 : i32
          %parallel_loop3A_274 = vector.broadcast %parallel_loop3A_273 : i32 to vector<16xi32>
          %parallel_loop3A_275 = arith.cmpi slt, %parallel_loop3A_269, %parallel_loop3A_274 : vector<16xi32>
          %parallel_loop3A_276 = arith.andi %parallel_loop3A_272, %parallel_loop3A_275 : vector<16xi1>
          %parallel_loop3A_277 = arith.constant 2560 : i32
          %parallel_loop3A_278 = vector.broadcast %parallel_loop3A_277 : i32 to vector<16xi32>
          %parallel_loop3A_279 = arith.muli %parallel_loop3A_267, %parallel_loop3A_278 : vector<16xi32>
          %parallel_loop3A_280 = arith.addi %parallel_loop3A_279, %parallel_loop3A_269 : vector<16xi32>
          %parallel_loop3A_281 = arith.extui %parallel_loop3A_276 : vector<16xi1> to vector<16xi32>
          %parallel_loop3A_282 = arith.constant true
          %parallel_loop3A_283 = vector.broadcast %parallel_loop3A_282 : i1 to vector<16xi1>
          %parallel_loop3A_284 = tpu.scan <sum>, %parallel_loop3A_281 masked %parallel_loop3A_283 : vector<16xi32>, vector<16xi1> -> vector<16xi32>
          %parallel_loop3A_285 = arith.addi %parallel_loop3A_252, %parallel_loop3A_284 : vector<16xi32>
          %parallel_loop3A_286 = arith.constant 1 : i32
          %parallel_loop3A_287 = vector.broadcast %parallel_loop3A_286 : i32 to vector<16xi32>
          %parallel_loop3A_288 = arith.subi %parallel_loop3A_285, %parallel_loop3A_287 : vector<16xi32>
          %parallel_loop3A_289 = arith.constant 128 : i32
          %parallel_loop3A_290 = vector.broadcast %parallel_loop3A_289 : i32 to vector<16xi32>
          %parallel_loop3A_291 = arith.divsi %parallel_loop3A_288, %parallel_loop3A_290 : vector<16xi32>
          %parallel_loop3A_292 = arith.constant 0 : i32
          %parallel_loop3A_293 = vector.broadcast %parallel_loop3A_292 : i32 to vector<16xi32>
          %parallel_loop3A_294 = arith.cmpi sgt, %parallel_loop3A_288, %parallel_loop3A_293 : vector<16xi32>
          %parallel_loop3A_295 = arith.extui %parallel_loop3A_294 : vector<16xi1> to vector<16xi32>
          %parallel_loop3A_296 = arith.constant 0 : i32
          %parallel_loop3A_297 = vector.broadcast %parallel_loop3A_296 : i32 to vector<16xi32>
          %parallel_loop3A_298 = arith.cmpi slt, %parallel_loop3A_288, %parallel_loop3A_297 : vector<16xi32>
          %parallel_loop3A_299 = arith.extui %parallel_loop3A_298 : vector<16xi1> to vector<16xi32>
          %parallel_loop3A_300 = arith.subi %parallel_loop3A_295, %parallel_loop3A_299 : vector<16xi32>
          %parallel_loop3A_301 = arith.constant 0 : i32
          %parallel_loop3A_302 = arith.cmpi sgt, %parallel_loop3A_289, %parallel_loop3A_301 : i32
          %parallel_loop3A_303 = arith.extui %parallel_loop3A_302 : i1 to i32
          %parallel_loop3A_304 = arith.constant 0 : i32
          %parallel_loop3A_305 = arith.cmpi slt, %parallel_loop3A_289, %parallel_loop3A_304 : i32
          %parallel_loop3A_306 = arith.extui %parallel_loop3A_305 : i1 to i32
          %parallel_loop3A_307 = arith.subi %parallel_loop3A_303, %parallel_loop3A_306 : i32
          %parallel_loop3A_308 = vector.broadcast %parallel_loop3A_307 : i32 to vector<16xi32>
          %parallel_loop3A_309 = arith.cmpi ne, %parallel_loop3A_300, %parallel_loop3A_308 : vector<16xi32>
          %parallel_loop3A_310 = vector.broadcast %parallel_loop3A_289 : i32 to vector<16xi32>
          %parallel_loop3A_311 = arith.remsi %parallel_loop3A_288, %parallel_loop3A_310 : vector<16xi32>
          %parallel_loop3A_312 = arith.constant 0 : i32
          %parallel_loop3A_313 = vector.broadcast %parallel_loop3A_312 : i32 to vector<16xi32>
          %parallel_loop3A_314 = arith.cmpi ne, %parallel_loop3A_311, %parallel_loop3A_313 : vector<16xi32>
          %parallel_loop3A_315 = arith.andi %parallel_loop3A_309, %parallel_loop3A_314 : vector<16xi1>
          %parallel_loop3A_316 = arith.constant 1 : i32
          %parallel_loop3A_317 = vector.broadcast %parallel_loop3A_316 : i32 to vector<16xi32>
          %parallel_loop3A_318 = arith.subi %parallel_loop3A_291, %parallel_loop3A_317 : vector<16xi32>
          %parallel_loop3A_319 = arith.select %parallel_loop3A_315, %parallel_loop3A_318, %parallel_loop3A_291 : vector<16xi1>, vector<16xi32>
          %parallel_loop3A_320 = arith.constant 63 : i32
          %parallel_loop3A_321 = vector.broadcast %parallel_loop3A_320 : i32 to vector<16xi32>
          %parallel_loop3A_322 = arith.andi %parallel_loop3A_319, %parallel_loop3A_321 : vector<16xi32>
          %parallel_loop3A_323 = arith.constant 127 : i32
          %parallel_loop3A_324 = vector.broadcast %parallel_loop3A_323 : i32 to vector<16xi32>
          %parallel_loop3A_325 = arith.andi %parallel_loop3A_288, %parallel_loop3A_324 : vector<16xi32>
          tpu.vector_store_idx %arg8[%parallel_loop3A_322, %parallel_loop3A_325], %parallel_loop3A_259 masked %parallel_loop3A_276 : memref<64x128xi32, #tpu.memory_space<vmem>>[vector<16xi32>, vector<16xi32>], vector<16xi32>, vector<16xi1>
          tpu.vector_store_idx %arg9[%parallel_loop3A_322, %parallel_loop3A_325], %parallel_loop3A_280 masked %parallel_loop3A_276 : memref<64x128xi32, #tpu.memory_space<vmem>>[vector<16xi32>, vector<16xi32>], vector<16xi32>, vector<16xi1>
          %parallel_loop3A_326 = arith.constant 0 : i32
          %parallel_loop3A_327 = vector.broadcast %parallel_loop3A_326 : i32 to vector<16xi32>
          %parallel_loop3A_328 = arith.cmpi slt, %broadcast_in_dim3A_2, %parallel_loop3A_327 : vector<16xi32>
          %parallel_loop3A_329 = arith.constant 16 : i32
          %parallel_loop3A_330 = vector.broadcast %parallel_loop3A_329 : i32 to vector<16xi32>
          %parallel_loop3A_331 = arith.addi %broadcast_in_dim3A_2, %parallel_loop3A_330 : vector<16xi32>
          %parallel_loop3A_332 = arith.select %parallel_loop3A_328, %parallel_loop3A_331, %broadcast_in_dim3A_2 : vector<16xi1>, vector<16xi32>
          %parallel_loop3A_333 = vector.shape_cast %parallel_loop3A_332 : vector<16xi32> to vector<16x1xi32>
          %parallel_loop3A_334 = vector.shape_cast %parallel_loop3A_333 : vector<16x1xi32> to vector<16xi32>
          %parallel_loop3A_335 = tpu.dynamic_gather %parallel_loop3A_288[%parallel_loop3A_334] in [0] : vector<16xi32>, vector<16xi32> -> vector<16xi32>
          %parallel_loop3A_336 = arith.constant 1 : i32
          %parallel_loop3A_337 = vector.broadcast %parallel_loop3A_336 : i32 to vector<16xi32>
          %parallel_loop3A_338 = arith.addi %parallel_loop3A_335, %parallel_loop3A_337 : vector<16xi32>
          scf.yield %parallel_loop3A_338 : vector<16xi32>
        } {sc.loop_unroll_factor = 8 : i64, sc.parallel_access}
        %reduce_max3A_133 = arith.constant true
        %reduce_max3A_134 = vector.broadcast %reduce_max3A_133 : i1 to vector<16xi1>
        %reduce_max3A_135 = arith.constant -2147483648 : i32
        %reduce_max3A_136 = vector.broadcast %reduce_max3A_135 : i32 to vector<16xi32>
        %reduce_max3A_137 = arith.xori %parallel_loop3A_132, %reduce_max3A_136 : vector<16xi32>
        %reduce_max3A_138 = tpu.scan <max>, %reduce_max3A_137 masked %reduce_max3A_134 : vector<16xi32>, vector<16xi1> -> vector<16xi32>
        %reduce_max3A_139 = arith.xori %reduce_max3A_138, %reduce_max3A_136 : vector<16xi32>
        %reduce_max3A_140 = vector.extract %reduce_max3A_139[15] : i32 from vector<16xi32>
        %sub3A_141 = arith.subi %reduce_max3A_140, %scan3A_114 : i32
        %jit3A_142 = arith.constant 128 : i32
        %div3A_143 = arith.divsi %sub3A_141, %jit3A_142 : i32
        %sign3A_144 = arith.constant 0 : i32
        %sign3A_145 = arith.cmpi sgt, %sub3A_141, %sign3A_144 : i32
        %sign3A_146 = arith.extui %sign3A_145 : i1 to i32
        %sign3A_147 = arith.constant 0 : i32
        %sign3A_148 = arith.cmpi slt, %sub3A_141, %sign3A_147 : i32
        %sign3A_149 = arith.extui %sign3A_148 : i1 to i32
        %sign3A_150 = arith.subi %sign3A_146, %sign3A_149 : i32
        %sign3A_151 = arith.constant 0 : i32
        %sign3A_152 = arith.cmpi sgt, %jit3A_142, %sign3A_151 : i32
        %sign3A_153 = arith.extui %sign3A_152 : i1 to i32
        %sign3A_154 = arith.constant 0 : i32
        %sign3A_155 = arith.cmpi slt, %jit3A_142, %sign3A_154 : i32
        %sign3A_156 = arith.extui %sign3A_155 : i1 to i32
        %sign3A_157 = arith.subi %sign3A_153, %sign3A_156 : i32
        %ne3A_158 = arith.cmpi ne, %sign3A_150, %sign3A_157 : i32
        %rem3A_159 = arith.remsi %sub3A_141, %jit3A_142 : i32
        %ne3A_160 = arith.constant 0 : i32
        %ne3A_161 = arith.cmpi ne, %rem3A_159, %ne3A_160 : i32
        %and3A_162 = arith.andi %ne3A_158, %ne3A_161 : i1
        %sub3A_163 = arith.constant 1 : i32
        %sub3A_164 = arith.subi %div3A_143, %sub3A_163 : i32
        %select_n3A_165 = arith.select %and3A_162, %sub3A_164, %div3A_143 : i32
        %while3A_166 = arith.constant 0 : i32
        %while3A_167 = arith.subi %select_n3A_165, %while3A_166 : i32
        %while3A_168 = arith.addi %while3A_166, %while3A_167 : i32
        %while3A_169 = arith.constant 1 : i32
        %while3A_170 = arith.divsi %while3A_167, %while3A_169 : i32
        %while3A_171 = arith.muli %while3A_170, %while3A_169 : i32
        %while3A_172 = arith.addi %while3A_166, %while3A_171 : i32
        %while3A_173 = arith.constant 1 : i32
        %while3A_174 = scf.for %while3A_251 = %while3A_166 to %while3A_172 step %while3A_173 iter_args(%while3A_252 = %scan3A_114) -> (i32)  : i32 {
          %jit3A_253 = arith.constant 128 : i32
          %div3A_254 = arith.divsi %while3A_252, %jit3A_253 : i32
          %sign3A_255 = arith.constant 0 : i32
          %sign3A_256 = arith.cmpi sgt, %while3A_252, %sign3A_255 : i32
          %sign3A_257 = arith.extui %sign3A_256 : i1 to i32
          %sign3A_258 = arith.constant 0 : i32
          %sign3A_259 = arith.cmpi slt, %while3A_252, %sign3A_258 : i32
          %sign3A_260 = arith.extui %sign3A_259 : i1 to i32
          %sign3A_261 = arith.subi %sign3A_257, %sign3A_260 : i32
          %sign3A_262 = arith.constant 0 : i32
          %sign3A_263 = arith.cmpi sgt, %jit3A_253, %sign3A_262 : i32
          %sign3A_264 = arith.extui %sign3A_263 : i1 to i32
          %sign3A_265 = arith.constant 0 : i32
          %sign3A_266 = arith.cmpi slt, %jit3A_253, %sign3A_265 : i32
          %sign3A_267 = arith.extui %sign3A_266 : i1 to i32
          %sign3A_268 = arith.subi %sign3A_264, %sign3A_267 : i32
          %ne3A_269 = arith.cmpi ne, %sign3A_261, %sign3A_268 : i32
          %rem3A_270 = arith.remsi %while3A_252, %jit3A_253 : i32
          %ne3A_271 = arith.constant 0 : i32
          %ne3A_272 = arith.cmpi ne, %rem3A_270, %ne3A_271 : i32
          %and3A_273 = arith.andi %ne3A_269, %ne3A_272 : i1
          %sub3A_274 = arith.constant 1 : i32
          %sub3A_275 = arith.subi %div3A_254, %sub3A_274 : i32
          %select_n3A_276 = arith.select %and3A_273, %sub3A_275, %div3A_254 : i32
          %and3A_277 = arith.constant 63 : i32
          %and3A_278 = arith.andi %select_n3A_276, %and3A_277 : i32
          %dma_start3A_279 = arith.constant 0 : i32
          %dma_start3A_280 = tpu.memref_slice %arg8[%and3A_278, %dma_start3A_279] : memref<64x128xi32, #tpu.memory_space<vmem>> -> memref<1x128xi32, #tpu.memory_space<vmem>>
          %dma_start3A_281 = tpu.memref_squeeze %dma_start3A_280 : memref<1x128xi32, #tpu.memory_space<vmem>> -> memref<128xi32, #tpu.memory_space<vmem>>
          %dma_start3A_282 = arith.constant 0 : i32
          %dma_start3A_283 = arith.constant 0 : i32
          %dma_start3A_284 = tpu.memref_slice %arg2[%dma_start3A_282, %dma_start3A_283] : memref<50000x128xf32, #tpu.memory_space<hbm>> -> memref<50000x128xf32, #tpu.memory_space<hbm>>
          tpu.enqueue_indirect_dma source(%dma_start3A_284 : memref<50000x128xf32, #tpu.memory_space<hbm>>) target(%arg10 : memref<128x128xf32, #tpu.memory_space<vmem>>) offsets(%dma_start3A_281 : memref<128xi32, #tpu.memory_space<vmem>>) semaphore(%arg13 : memref<!tpu.dma_semaphore, #tpu.memory_space<semaphore_mem>>)
          %dma_wait3A_285 = arith.constant 0 : i32
          %dma_wait3A_286 = tpu.memref_slice %arg8[%and3A_278, %dma_wait3A_285] : memref<64x128xi32, #tpu.memory_space<vmem>> -> memref<1x128xi32, #tpu.memory_space<vmem>>
          %dma_wait3A_287 = tpu.memref_squeeze %dma_wait3A_286 : memref<1x128xi32, #tpu.memory_space<vmem>> -> memref<128xi32, #tpu.memory_space<vmem>>
          %dma_wait3A_288 = arith.constant 0 : i32
          %dma_wait3A_289 = arith.constant 0 : i32
          %dma_wait3A_290 = tpu.memref_slice %arg2[%dma_wait3A_288, %dma_wait3A_289] : memref<50000x128xf32, #tpu.memory_space<hbm>> -> memref<50000x128xf32, #tpu.memory_space<hbm>>
          tpu.wait_indirect_dma semaphore(%arg13 : memref<!tpu.dma_semaphore, #tpu.memory_space<semaphore_mem>>) src(%dma_wait3A_290 : memref<50000x128xf32, #tpu.memory_space<hbm>>) dst(%arg10 : memref<128x128xf32, #tpu.memory_space<vmem>>)
          "tpu.region"() ({
            %run_scoped3A_293 = tpu.sem_alloc : memref<!tpu.dma_semaphore, #tpu.memory_space<semaphore_mem>>
            %dma_start3A_294 = arith.constant 0 : i32
            %dma_start3A_295 = tpu.memref_slice %arg9[%and3A_278, %dma_start3A_294] : memref<64x128xi32, #tpu.memory_space<vmem>> -> memref<1x128xi32, #tpu.memory_space<vmem>>
            %dma_start3A_296 = tpu.memref_squeeze %dma_start3A_295 : memref<1x128xi32, #tpu.memory_space<vmem>> -> memref<128xi32, #tpu.memory_space<vmem>>
            %dma_start3A_297 = arith.constant 0 : i32
            %dma_start3A_298 = arith.constant 0 : i32
            %dma_start3A_299 = tpu.memref_slice %arg12[%dma_start3A_297, %dma_start3A_298] : memref<7696x128xf32, #tpu.memory_space<vmem_shared>> -> memref<7696x128xf32, #tpu.memory_space<vmem_shared>>
            tpu.enqueue_indirect_dma source(%arg10 : memref<128x128xf32, #tpu.memory_space<vmem>>) target(%dma_start3A_299 : memref<7696x128xf32, #tpu.memory_space<vmem_shared>>) offsets(%dma_start3A_296 : memref<128xi32, #tpu.memory_space<vmem>>) semaphore(%run_scoped3A_293 : memref<!tpu.dma_semaphore, #tpu.memory_space<semaphore_mem>>) {add = true}
            %dma_wait3A_300 = arith.constant 0 : i32
            %dma_wait3A_301 = tpu.memref_slice %arg9[%and3A_278, %dma_wait3A_300] : memref<64x128xi32, #tpu.memory_space<vmem>> -> memref<1x128xi32, #tpu.memory_space<vmem>>
            %dma_wait3A_302 = tpu.memref_squeeze %dma_wait3A_301 : memref<1x128xi32, #tpu.memory_space<vmem>> -> memref<128xi32, #tpu.memory_space<vmem>>
            %dma_wait3A_303 = arith.constant 0 : i32
            %dma_wait3A_304 = arith.constant 0 : i32
            %dma_wait3A_305 = tpu.memref_slice %arg12[%dma_wait3A_303, %dma_wait3A_304] : memref<7696x128xf32, #tpu.memory_space<vmem_shared>> -> memref<7696x128xf32, #tpu.memory_space<vmem_shared>>
            tpu.wait_indirect_dma semaphore(%run_scoped3A_293 : memref<!tpu.dma_semaphore, #tpu.memory_space<semaphore_mem>>) src(%arg10 : memref<128x128xf32, #tpu.memory_space<vmem>>) dst(%dma_wait3A_305 : memref<7696x128xf32, #tpu.memory_space<vmem_shared>>)
            tpu.yield
          }) : () -> ()
          %add3A_291 = arith.constant 128 : i32
          %add3A_292 = arith.addi %while3A_252, %add3A_291 : i32
          scf.yield %add3A_292 : i32
        }
        %while3A_175 = arith.constant 1 : i32
        %while3A_176 = scf.for %while3A_251 = %while3A_172 to %while3A_168 step %while3A_175 iter_args(%while3A_252 = %while3A_174) -> (i32)  : i32 {
          %jit3A_253 = arith.constant 128 : i32
          %div3A_254 = arith.divsi %while3A_252, %jit3A_253 : i32
          %sign3A_255 = arith.constant 0 : i32
          %sign3A_256 = arith.cmpi sgt, %while3A_252, %sign3A_255 : i32
          %sign3A_257 = arith.extui %sign3A_256 : i1 to i32
          %sign3A_258 = arith.constant 0 : i32
          %sign3A_259 = arith.cmpi slt, %while3A_252, %sign3A_258 : i32
          %sign3A_260 = arith.extui %sign3A_259 : i1 to i32
          %sign3A_261 = arith.subi %sign3A_257, %sign3A_260 : i32
          %sign3A_262 = arith.constant 0 : i32
          %sign3A_263 = arith.cmpi sgt, %jit3A_253, %sign3A_262 : i32
          %sign3A_264 = arith.extui %sign3A_263 : i1 to i32
          %sign3A_265 = arith.constant 0 : i32
          %sign3A_266 = arith.cmpi slt, %jit3A_253, %sign3A_265 : i32
          %sign3A_267 = arith.extui %sign3A_266 : i1 to i32
          %sign3A_268 = arith.subi %sign3A_264, %sign3A_267 : i32
          %ne3A_269 = arith.cmpi ne, %sign3A_261, %sign3A_268 : i32
          %rem3A_270 = arith.remsi %while3A_252, %jit3A_253 : i32
          %ne3A_271 = arith.constant 0 : i32
          %ne3A_272 = arith.cmpi ne, %rem3A_270, %ne3A_271 : i32
          %and3A_273 = arith.andi %ne3A_269, %ne3A_272 : i1
          %sub3A_274 = arith.constant 1 : i32
          %sub3A_275 = arith.subi %div3A_254, %sub3A_274 : i32
          %select_n3A_276 = arith.select %and3A_273, %sub3A_275, %div3A_254 : i32
          %and3A_277 = arith.constant 63 : i32
          %and3A_278 = arith.andi %select_n3A_276, %and3A_277 : i32
          %dma_start3A_279 = arith.constant 0 : i32
          %dma_start3A_280 = tpu.memref_slice %arg8[%and3A_278, %dma_start3A_279] : memref<64x128xi32, #tpu.memory_space<vmem>> -> memref<1x128xi32, #tpu.memory_space<vmem>>
          %dma_start3A_281 = tpu.memref_squeeze %dma_start3A_280 : memref<1x128xi32, #tpu.memory_space<vmem>> -> memref<128xi32, #tpu.memory_space<vmem>>
          %dma_start3A_282 = arith.constant 0 : i32
          %dma_start3A_283 = arith.constant 0 : i32
          %dma_start3A_284 = tpu.memref_slice %arg2[%dma_start3A_282, %dma_start3A_283] : memref<50000x128xf32, #tpu.memory_space<hbm>> -> memref<50000x128xf32, #tpu.memory_space<hbm>>
          tpu.enqueue_indirect_dma source(%dma_start3A_284 : memref<50000x128xf32, #tpu.memory_space<hbm>>) target(%arg10 : memref<128x128xf32, #tpu.memory_space<vmem>>) offsets(%dma_start3A_281 : memref<128xi32, #tpu.memory_space<vmem>>) semaphore(%arg13 : memref<!tpu.dma_semaphore, #tpu.memory_space<semaphore_mem>>)
          %dma_wait3A_285 = arith.constant 0 : i32
          %dma_wait3A_286 = tpu.memref_slice %arg8[%and3A_278, %dma_wait3A_285] : memref<64x128xi32, #tpu.memory_space<vmem>> -> memref<1x128xi32, #tpu.memory_space<vmem>>
          %dma_wait3A_287 = tpu.memref_squeeze %dma_wait3A_286 : memref<1x128xi32, #tpu.memory_space<vmem>> -> memref<128xi32, #tpu.memory_space<vmem>>
          %dma_wait3A_288 = arith.constant 0 : i32
          %dma_wait3A_289 = arith.constant 0 : i32
          %dma_wait3A_290 = tpu.memref_slice %arg2[%dma_wait3A_288, %dma_wait3A_289] : memref<50000x128xf32, #tpu.memory_space<hbm>> -> memref<50000x128xf32, #tpu.memory_space<hbm>>
          tpu.wait_indirect_dma semaphore(%arg13 : memref<!tpu.dma_semaphore, #tpu.memory_space<semaphore_mem>>) src(%dma_wait3A_290 : memref<50000x128xf32, #tpu.memory_space<hbm>>) dst(%arg10 : memref<128x128xf32, #tpu.memory_space<vmem>>)
          "tpu.region"() ({
            %run_scoped3A_293 = tpu.sem_alloc : memref<!tpu.dma_semaphore, #tpu.memory_space<semaphore_mem>>
            %dma_start3A_294 = arith.constant 0 : i32
            %dma_start3A_295 = tpu.memref_slice %arg9[%and3A_278, %dma_start3A_294] : memref<64x128xi32, #tpu.memory_space<vmem>> -> memref<1x128xi32, #tpu.memory_space<vmem>>
            %dma_start3A_296 = tpu.memref_squeeze %dma_start3A_295 : memref<1x128xi32, #tpu.memory_space<vmem>> -> memref<128xi32, #tpu.memory_space<vmem>>
            %dma_start3A_297 = arith.constant 0 : i32
            %dma_start3A_298 = arith.constant 0 : i32
            %dma_start3A_299 = tpu.memref_slice %arg12[%dma_start3A_297, %dma_start3A_298] : memref<7696x128xf32, #tpu.memory_space<vmem_shared>> -> memref<7696x128xf32, #tpu.memory_space<vmem_shared>>
            tpu.enqueue_indirect_dma source(%arg10 : memref<128x128xf32, #tpu.memory_space<vmem>>) target(%dma_start3A_299 : memref<7696x128xf32, #tpu.memory_space<vmem_shared>>) offsets(%dma_start3A_296 : memref<128xi32, #tpu.memory_space<vmem>>) semaphore(%run_scoped3A_293 : memref<!tpu.dma_semaphore, #tpu.memory_space<semaphore_mem>>) {add = true}
            %dma_wait3A_300 = arith.constant 0 : i32
            %dma_wait3A_301 = tpu.memref_slice %arg9[%and3A_278, %dma_wait3A_300] : memref<64x128xi32, #tpu.memory_space<vmem>> -> memref<1x128xi32, #tpu.memory_space<vmem>>
            %dma_wait3A_302 = tpu.memref_squeeze %dma_wait3A_301 : memref<1x128xi32, #tpu.memory_space<vmem>> -> memref<128xi32, #tpu.memory_space<vmem>>
            %dma_wait3A_303 = arith.constant 0 : i32
            %dma_wait3A_304 = arith.constant 0 : i32
            %dma_wait3A_305 = tpu.memref_slice %arg12[%dma_wait3A_303, %dma_wait3A_304] : memref<7696x128xf32, #tpu.memory_space<vmem_shared>> -> memref<7696x128xf32, #tpu.memory_space<vmem_shared>>
            tpu.wait_indirect_dma semaphore(%run_scoped3A_293 : memref<!tpu.dma_semaphore, #tpu.memory_space<semaphore_mem>>) src(%arg10 : memref<128x128xf32, #tpu.memory_space<vmem>>) dst(%dma_wait3A_305 : memref<7696x128xf32, #tpu.memory_space<vmem_shared>>)
            tpu.yield
          }) : () -> ()
          %add3A_291 = arith.constant 128 : i32
          %add3A_292 = arith.addi %while3A_252, %add3A_291 : i32
          scf.yield %add3A_292 : i32
        }
        %dma_wait3A_177 = arith.constant 0 : i32
        %dma_wait3A_178 = tpu.memref_slice %arg3[%arg1, %dma_wait3A_177, %multiple_of3A_121] : memref<16x3x51200xi32, #tpu.memory_space<hbm>> -> memref<1x3x2048xi32, #tpu.memory_space<hbm>>
        %dma_wait3A_179 = tpu.memref_squeeze %dma_wait3A_178 : memref<1x3x2048xi32, #tpu.memory_space<hbm>> -> memref<3x2048xi32, #tpu.memory_space<hbm>>
        %dma_wait3A_180 = arith.constant 0 : i32
        %dma_wait3A_181 = tpu.memref_slice %arg3[%arg1, %dma_wait3A_180, %multiple_of3A_121] : memref<16x3x51200xi32, #tpu.memory_space<hbm>> -> memref<1x3x2048xi32, #tpu.memory_space<hbm>>
        %dma_wait3A_182 = tpu.memref_squeeze %dma_wait3A_181 : memref<1x3x2048xi32, #tpu.memory_space<hbm>> -> memref<3x2048xi32, #tpu.memory_space<hbm>>
        tpu.wait_dma2 semaphore(%arg14 : memref<!tpu.dma_semaphore, #tpu.memory_space<semaphore_mem>>) src(%dma_wait3A_182 : memref<3x2048xi32, #tpu.memory_space<hbm>>) dst(%arg7 : memref<3x2048xi32, #tpu.memory_space<vmem>>)
        %mul3A_183 = arith.constant 2 : i32
        %mul3A_184 = arith.muli %mul3A_183, %scan3A_112 : i32
        %add3A_185 = arith.constant 2 : i32
        %add3A_186 = arith.addi %mul3A_184, %add3A_185 : i32
        %mul3A_187 = arith.constant 2048 : i32
        %mul3A_188 = arith.muli %add3A_186, %mul3A_187 : i32
        %multiple_of3A_189 = tpu.assume_multiple %mul3A_188, 2048 : i32
        %dma_start3A_190 = arith.constant 0 : i32
        %dma_start3A_191 = tpu.memref_slice %arg3[%arg1, %dma_start3A_190, %multiple_of3A_189] : memref<16x3x51200xi32, #tpu.memory_space<hbm>> -> memref<1x3x2048xi32, #tpu.memory_space<hbm>>
        %dma_start3A_192 = tpu.memref_squeeze %dma_start3A_191 : memref<1x3x2048xi32, #tpu.memory_space<hbm>> -> memref<3x2048xi32, #tpu.memory_space<hbm>>
        %dma_start3A_193 = arith.constant 0 : i32
        %dma_start3A_194 = tpu.memref_slice %arg3[%arg1, %dma_start3A_193, %multiple_of3A_189] : memref<16x3x51200xi32, #tpu.memory_space<hbm>> -> memref<1x3x2048xi32, #tpu.memory_space<hbm>>
        %dma_start3A_195 = tpu.memref_squeeze %dma_start3A_194 : memref<1x3x2048xi32, #tpu.memory_space<hbm>> -> memref<3x2048xi32, #tpu.memory_space<hbm>>
        tpu.enqueue_dma source(%dma_start3A_195 : memref<3x2048xi32, #tpu.memory_space<hbm>>) target(%arg6 : memref<3x2048xi32, #tpu.memory_space<vmem>>) target_semaphore(%arg14 : memref<!tpu.dma_semaphore, #tpu.memory_space<semaphore_mem>>)
        %broadcast_in_dim3A_196 = vector.broadcast %reduce_max3A_140 : i32 to vector<16xi32>
        %parallel_loop3A_197 = arith.constant 0 : i32
        %parallel_loop3A_198 = arith.constant 128 : i32
        %parallel_loop3A_199 = arith.constant 1 : i32
        %parallel_loop3A_200 = scf.for %parallel_loop3A_251 = %parallel_loop3A_197 to %parallel_loop3A_198 step %parallel_loop3A_199 iter_args(%parallel_loop3A_252 = %broadcast_in_dim3A_196) -> (vector<16xi32>)  : i32 {
          %parallel_loop3A_253 = arith.constant 16 : i32
          %parallel_loop3A_254 = arith.muli %parallel_loop3A_251, %parallel_loop3A_253 : i32
          %parallel_loop3A_255 = tpu.assume_multiple %parallel_loop3A_254, 16 : i32
          %parallel_loop3A_256 = arith.constant 0 : i32
          %parallel_loop3A_257 = arith.index_cast %parallel_loop3A_256 : i32 to index
          %parallel_loop3A_258 = arith.index_cast %parallel_loop3A_255 : i32 to index
          %parallel_loop3A_259 = tpu.vector_load %arg7[%parallel_loop3A_257, %parallel_loop3A_258] {strides = array<i32>} : memref<3x2048xi32, #tpu.memory_space<vmem>>, vector<16xi32>,
          %parallel_loop3A_260 = arith.constant 1 : i32
          %parallel_loop3A_261 = arith.index_cast %parallel_loop3A_260 : i32 to index
          %parallel_loop3A_262 = arith.index_cast %parallel_loop3A_255 : i32 to index
          %parallel_loop3A_263 = tpu.vector_load %arg7[%parallel_loop3A_261, %parallel_loop3A_262] {strides = array<i32>} : memref<3x2048xi32, #tpu.memory_space<vmem>>, vector<16xi32>,
          %parallel_loop3A_264 = arith.constant 2 : i32
          %parallel_loop3A_265 = arith.index_cast %parallel_loop3A_264 : i32 to index
          %parallel_loop3A_266 = arith.index_cast %parallel_loop3A_255 : i32 to index
          %parallel_loop3A_267 = tpu.vector_load %arg7[%parallel_loop3A_265, %parallel_loop3A_266] {strides = array<i32>} : memref<3x2048xi32, #tpu.memory_space<vmem>>, vector<16xi32>,
          %parallel_loop3A_268 = vector.broadcast %mul3A_15 : i32 to vector<16xi32>
          %parallel_loop3A_269 = arith.subi %parallel_loop3A_263, %parallel_loop3A_268 : vector<16xi32>
          %parallel_loop3A_270 = arith.constant 0 : i32
          %parallel_loop3A_271 = vector.broadcast %parallel_loop3A_270 : i32 to vector<16xi32>
          %parallel_loop3A_272 = arith.cmpi sge, %parallel_loop3A_269, %parallel_loop3A_271 : vector<16xi32>
          %parallel_loop3A_273 = arith.constant 2560 : i32
          %parallel_loop3A_274 = vector.broadcast %parallel_loop3A_273 : i32 to vector<16xi32>
          %parallel_loop3A_275 = arith.cmpi slt, %parallel_loop3A_269, %parallel_loop3A_274 : vector<16xi32>
          %parallel_loop3A_276 = arith.andi %parallel_loop3A_272, %parallel_loop3A_275 : vector<16xi1>
          %parallel_loop3A_277 = arith.constant 2560 : i32
          %parallel_loop3A_278 = vector.broadcast %parallel_loop3A_277 : i32 to vector<16xi32>
          %parallel_loop3A_279 = arith.muli %parallel_loop3A_267, %parallel_loop3A_278 : vector<16xi32>
          %parallel_loop3A_280 = arith.addi %parallel_loop3A_279, %parallel_loop3A_269 : vector<16xi32>
          %parallel_loop3A_281 = arith.extui %parallel_loop3A_276 : vector<16xi1> to vector<16xi32>
          %parallel_loop3A_282 = arith.constant true
          %parallel_loop3A_283 = vector.broadcast %parallel_loop3A_282 : i1 to vector<16xi1>
          %parallel_loop3A_284 = tpu.scan <sum>, %parallel_loop3A_281 masked %parallel_loop3A_283 : vector<16xi32>, vector<16xi1> -> vector<16xi32>
          %parallel_loop3A_285 = arith.addi %parallel_loop3A_252, %parallel_loop3A_284 : vector<16xi32>
          %parallel_loop3A_286 = arith.constant 1 : i32
          %parallel_loop3A_287 = vector.broadcast %parallel_loop3A_286 : i32 to vector<16xi32>
          %parallel_loop3A_288 = arith.subi %parallel_loop3A_285, %parallel_loop3A_287 : vector<16xi32>
          %parallel_loop3A_289 = arith.constant 128 : i32
          %parallel_loop3A_290 = vector.broadcast %parallel_loop3A_289 : i32 to vector<16xi32>
          %parallel_loop3A_291 = arith.divsi %parallel_loop3A_288, %parallel_loop3A_290 : vector<16xi32>
          %parallel_loop3A_292 = arith.constant 0 : i32
          %parallel_loop3A_293 = vector.broadcast %parallel_loop3A_292 : i32 to vector<16xi32>
          %parallel_loop3A_294 = arith.cmpi sgt, %parallel_loop3A_288, %parallel_loop3A_293 : vector<16xi32>
          %parallel_loop3A_295 = arith.extui %parallel_loop3A_294 : vector<16xi1> to vector<16xi32>
          %parallel_loop3A_296 = arith.constant 0 : i32
          %parallel_loop3A_297 = vector.broadcast %parallel_loop3A_296 : i32 to vector<16xi32>
          %parallel_loop3A_298 = arith.cmpi slt, %parallel_loop3A_288, %parallel_loop3A_297 : vector<16xi32>
          %parallel_loop3A_299 = arith.extui %parallel_loop3A_298 : vector<16xi1> to vector<16xi32>
          %parallel_loop3A_300 = arith.subi %parallel_loop3A_295, %parallel_loop3A_299 : vector<16xi32>
          %parallel_loop3A_301 = arith.constant 0 : i32
          %parallel_loop3A_302 = arith.cmpi sgt, %parallel_loop3A_289, %parallel_loop3A_301 : i32
          %parallel_loop3A_303 = arith.extui %parallel_loop3A_302 : i1 to i32
          %parallel_loop3A_304 = arith.constant 0 : i32
          %parallel_loop3A_305 = arith.cmpi slt, %parallel_loop3A_289, %parallel_loop3A_304 : i32
          %parallel_loop3A_306 = arith.extui %parallel_loop3A_305 : i1 to i32
          %parallel_loop3A_307 = arith.subi %parallel_loop3A_303, %parallel_loop3A_306 : i32
          %parallel_loop3A_308 = vector.broadcast %parallel_loop3A_307 : i32 to vector<16xi32>
          %parallel_loop3A_309 = arith.cmpi ne, %parallel_loop3A_300, %parallel_loop3A_308 : vector<16xi32>
          %parallel_loop3A_310 = vector.broadcast %parallel_loop3A_289 : i32 to vector<16xi32>
          %parallel_loop3A_311 = arith.remsi %parallel_loop3A_288, %parallel_loop3A_310 : vector<16xi32>
          %parallel_loop3A_312 = arith.constant 0 : i32
          %parallel_loop3A_313 = vector.broadcast %parallel_loop3A_312 : i32 to vector<16xi32>
          %parallel_loop3A_314 = arith.cmpi ne, %parallel_loop3A_311, %parallel_loop3A_313 : vector<16xi32>
          %parallel_loop3A_315 = arith.andi %parallel_loop3A_309, %parallel_loop3A_314 : vector<16xi1>
          %parallel_loop3A_316 = arith.constant 1 : i32
          %parallel_loop3A_317 = vector.broadcast %parallel_loop3A_316 : i32 to vector<16xi32>
          %parallel_loop3A_318 = arith.subi %parallel_loop3A_291, %parallel_loop3A_317 : vector<16xi32>
          %parallel_loop3A_319 = arith.select %parallel_loop3A_315, %parallel_loop3A_318, %parallel_loop3A_291 : vector<16xi1>, vector<16xi32>
          %parallel_loop3A_320 = arith.constant 63 : i32
          %parallel_loop3A_321 = vector.broadcast %parallel_loop3A_320 : i32 to vector<16xi32>
          %parallel_loop3A_322 = arith.andi %parallel_loop3A_319, %parallel_loop3A_321 : vector<16xi32>
          %parallel_loop3A_323 = arith.constant 127 : i32
          %parallel_loop3A_324 = vector.broadcast %parallel_loop3A_323 : i32 to vector<16xi32>
          %parallel_loop3A_325 = arith.andi %parallel_loop3A_288, %parallel_loop3A_324 : vector<16xi32>
          tpu.vector_store_idx %arg8[%parallel_loop3A_322, %parallel_loop3A_325], %parallel_loop3A_259 masked %parallel_loop3A_276 : memref<64x128xi32, #tpu.memory_space<vmem>>[vector<16xi32>, vector<16xi32>], vector<16xi32>, vector<16xi1>
          tpu.vector_store_idx %arg9[%parallel_loop3A_322, %parallel_loop3A_325], %parallel_loop3A_280 masked %parallel_loop3A_276 : memref<64x128xi32, #tpu.memory_space<vmem>>[vector<16xi32>, vector<16xi32>], vector<16xi32>, vector<16xi1>
          %parallel_loop3A_326 = arith.constant 0 : i32
          %parallel_loop3A_327 = vector.broadcast %parallel_loop3A_326 : i32 to vector<16xi32>
          %parallel_loop3A_328 = arith.cmpi slt, %broadcast_in_dim3A_2, %parallel_loop3A_327 : vector<16xi32>
          %parallel_loop3A_329 = arith.constant 16 : i32
          %parallel_loop3A_330 = vector.broadcast %parallel_loop3A_329 : i32 to vector<16xi32>
          %parallel_loop3A_331 = arith.addi %broadcast_in_dim3A_2, %parallel_loop3A_330 : vector<16xi32>
          %parallel_loop3A_332 = arith.select %parallel_loop3A_328, %parallel_loop3A_331, %broadcast_in_dim3A_2 : vector<16xi1>, vector<16xi32>
          %parallel_loop3A_333 = vector.shape_cast %parallel_loop3A_332 : vector<16xi32> to vector<16x1xi32>
          %parallel_loop3A_334 = vector.shape_cast %parallel_loop3A_333 : vector<16x1xi32> to vector<16xi32>
          %parallel_loop3A_335 = tpu.dynamic_gather %parallel_loop3A_288[%parallel_loop3A_334] in [0] : vector<16xi32>, vector<16xi32> -> vector<16xi32>
          %parallel_loop3A_336 = arith.constant 1 : i32
          %parallel_loop3A_337 = vector.broadcast %parallel_loop3A_336 : i32 to vector<16xi32>
          %parallel_loop3A_338 = arith.addi %parallel_loop3A_335, %parallel_loop3A_337 : vector<16xi32>
          scf.yield %parallel_loop3A_338 : vector<16xi32>
        } {sc.loop_unroll_factor = 8 : i64, sc.parallel_access}
        %reduce_max3A_201 = arith.constant true
        %reduce_max3A_202 = vector.broadcast %reduce_max3A_201 : i1 to vector<16xi1>
        %reduce_max3A_203 = arith.constant -2147483648 : i32
        %reduce_max3A_204 = vector.broadcast %reduce_max3A_203 : i32 to vector<16xi32>
        %reduce_max3A_205 = arith.xori %parallel_loop3A_200, %reduce_max3A_204 : vector<16xi32>
        %reduce_max3A_206 = tpu.scan <max>, %reduce_max3A_205 masked %reduce_max3A_202 : vector<16xi32>, vector<16xi1> -> vector<16xi32>
        %reduce_max3A_207 = arith.xori %reduce_max3A_206, %reduce_max3A_204 : vector<16xi32>
        %reduce_max3A_208 = vector.extract %reduce_max3A_207[15] : i32 from vector<16xi32>
        %sub3A_209 = arith.subi %reduce_max3A_208, %while3A_176 : i32
        %jit3A_210 = arith.constant 128 : i32
        %div3A_211 = arith.divsi %sub3A_209, %jit3A_210 : i32
        %sign3A_212 = arith.constant 0 : i32
        %sign3A_213 = arith.cmpi sgt, %sub3A_209, %sign3A_212 : i32
        %sign3A_214 = arith.extui %sign3A_213 : i1 to i32
        %sign3A_215 = arith.constant 0 : i32
        %sign3A_216 = arith.cmpi slt, %sub3A_209, %sign3A_215 : i32
        %sign3A_217 = arith.extui %sign3A_216 : i1 to i32
        %sign3A_218 = arith.subi %sign3A_214, %sign3A_217 : i32
        %sign3A_219 = arith.constant 0 : i32
        %sign3A_220 = arith.cmpi sgt, %jit3A_210, %sign3A_219 : i32
        %sign3A_221 = arith.extui %sign3A_220 : i1 to i32
        %sign3A_222 = arith.constant 0 : i32
        %sign3A_223 = arith.cmpi slt, %jit3A_210, %sign3A_222 : i32
        %sign3A_224 = arith.extui %sign3A_223 : i1 to i32
        %sign3A_225 = arith.subi %sign3A_221, %sign3A_224 : i32
        %ne3A_226 = arith.cmpi ne, %sign3A_218, %sign3A_225 : i32
        %rem3A_227 = arith.remsi %sub3A_209, %jit3A_210 : i32
        %ne3A_228 = arith.constant 0 : i32
        %ne3A_229 = arith.cmpi ne, %rem3A_227, %ne3A_228 : i32
        %and3A_230 = arith.andi %ne3A_226, %ne3A_229 : i1
        %sub3A_231 = arith.constant 1 : i32
        %sub3A_232 = arith.subi %div3A_211, %sub3A_231 : i32
        %select_n3A_233 = arith.select %and3A_230, %sub3A_232, %div3A_211 : i32
        %while3A_234 = arith.constant 0 : i32
        %while3A_235 = arith.subi %select_n3A_233, %while3A_234 : i32
        %while3A_236 = arith.addi %while3A_234, %while3A_235 : i32
        %while3A_237 = arith.constant 1 : i32
        %while3A_238 = arith.divsi %while3A_235, %while3A_237 : i32
        %while3A_239 = arith.muli %while3A_238, %while3A_237 : i32
        %while3A_240 = arith.addi %while3A_234, %while3A_239 : i32
        %while3A_241 = arith.constant 1 : i32
        %while3A_242 = scf.for %while3A_251 = %while3A_234 to %while3A_240 step %while3A_241 iter_args(%while3A_252 = %while3A_176) -> (i32)  : i32 {
          %jit3A_253 = arith.constant 128 : i32
          %div3A_254 = arith.divsi %while3A_252, %jit3A_253 : i32
          %sign3A_255 = arith.constant 0 : i32
          %sign3A_256 = arith.cmpi sgt, %while3A_252, %sign3A_255 : i32
          %sign3A_257 = arith.extui %sign3A_256 : i1 to i32
          %sign3A_258 = arith.constant 0 : i32
          %sign3A_259 = arith.cmpi slt, %while3A_252, %sign3A_258 : i32
          %sign3A_260 = arith.extui %sign3A_259 : i1 to i32
          %sign3A_261 = arith.subi %sign3A_257, %sign3A_260 : i32
          %sign3A_262 = arith.constant 0 : i32
          %sign3A_263 = arith.cmpi sgt, %jit3A_253, %sign3A_262 : i32
          %sign3A_264 = arith.extui %sign3A_263 : i1 to i32
          %sign3A_265 = arith.constant 0 : i32
          %sign3A_266 = arith.cmpi slt, %jit3A_253, %sign3A_265 : i32
          %sign3A_267 = arith.extui %sign3A_266 : i1 to i32
          %sign3A_268 = arith.subi %sign3A_264, %sign3A_267 : i32
          %ne3A_269 = arith.cmpi ne, %sign3A_261, %sign3A_268 : i32
          %rem3A_270 = arith.remsi %while3A_252, %jit3A_253 : i32
          %ne3A_271 = arith.constant 0 : i32
          %ne3A_272 = arith.cmpi ne, %rem3A_270, %ne3A_271 : i32
          %and3A_273 = arith.andi %ne3A_269, %ne3A_272 : i1
          %sub3A_274 = arith.constant 1 : i32
          %sub3A_275 = arith.subi %div3A_254, %sub3A_274 : i32
          %select_n3A_276 = arith.select %and3A_273, %sub3A_275, %div3A_254 : i32
          %and3A_277 = arith.constant 63 : i32
          %and3A_278 = arith.andi %select_n3A_276, %and3A_277 : i32
          %dma_start3A_279 = arith.constant 0 : i32
          %dma_start3A_280 = tpu.memref_slice %arg8[%and3A_278, %dma_start3A_279] : memref<64x128xi32, #tpu.memory_space<vmem>> -> memref<1x128xi32, #tpu.memory_space<vmem>>
          %dma_start3A_281 = tpu.memref_squeeze %dma_start3A_280 : memref<1x128xi32, #tpu.memory_space<vmem>> -> memref<128xi32, #tpu.memory_space<vmem>>
          %dma_start3A_282 = arith.constant 0 : i32
          %dma_start3A_283 = arith.constant 0 : i32
          %dma_start3A_284 = tpu.memref_slice %arg2[%dma_start3A_282, %dma_start3A_283] : memref<50000x128xf32, #tpu.memory_space<hbm>> -> memref<50000x128xf32, #tpu.memory_space<hbm>>
          tpu.enqueue_indirect_dma source(%dma_start3A_284 : memref<50000x128xf32, #tpu.memory_space<hbm>>) target(%arg10 : memref<128x128xf32, #tpu.memory_space<vmem>>) offsets(%dma_start3A_281 : memref<128xi32, #tpu.memory_space<vmem>>) semaphore(%arg13 : memref<!tpu.dma_semaphore, #tpu.memory_space<semaphore_mem>>)
          %dma_wait3A_285 = arith.constant 0 : i32
          %dma_wait3A_286 = tpu.memref_slice %arg8[%and3A_278, %dma_wait3A_285] : memref<64x128xi32, #tpu.memory_space<vmem>> -> memref<1x128xi32, #tpu.memory_space<vmem>>
          %dma_wait3A_287 = tpu.memref_squeeze %dma_wait3A_286 : memref<1x128xi32, #tpu.memory_space<vmem>> -> memref<128xi32, #tpu.memory_space<vmem>>
          %dma_wait3A_288 = arith.constant 0 : i32
          %dma_wait3A_289 = arith.constant 0 : i32
          %dma_wait3A_290 = tpu.memref_slice %arg2[%dma_wait3A_288, %dma_wait3A_289] : memref<50000x128xf32, #tpu.memory_space<hbm>> -> memref<50000x128xf32, #tpu.memory_space<hbm>>
          tpu.wait_indirect_dma semaphore(%arg13 : memref<!tpu.dma_semaphore, #tpu.memory_space<semaphore_mem>>) src(%dma_wait3A_290 : memref<50000x128xf32, #tpu.memory_space<hbm>>) dst(%arg10 : memref<128x128xf32, #tpu.memory_space<vmem>>)
          "tpu.region"() ({
            %run_scoped3A_293 = tpu.sem_alloc : memref<!tpu.dma_semaphore, #tpu.memory_space<semaphore_mem>>
            %dma_start3A_294 = arith.constant 0 : i32
            %dma_start3A_295 = tpu.memref_slice %arg9[%and3A_278, %dma_start3A_294] : memref<64x128xi32, #tpu.memory_space<vmem>> -> memref<1x128xi32, #tpu.memory_space<vmem>>
            %dma_start3A_296 = tpu.memref_squeeze %dma_start3A_295 : memref<1x128xi32, #tpu.memory_space<vmem>> -> memref<128xi32, #tpu.memory_space<vmem>>
            %dma_start3A_297 = arith.constant 0 : i32
            %dma_start3A_298 = arith.constant 0 : i32
            %dma_start3A_299 = tpu.memref_slice %arg12[%dma_start3A_297, %dma_start3A_298] : memref<7696x128xf32, #tpu.memory_space<vmem_shared>> -> memref<7696x128xf32, #tpu.memory_space<vmem_shared>>
            tpu.enqueue_indirect_dma source(%arg10 : memref<128x128xf32, #tpu.memory_space<vmem>>) target(%dma_start3A_299 : memref<7696x128xf32, #tpu.memory_space<vmem_shared>>) offsets(%dma_start3A_296 : memref<128xi32, #tpu.memory_space<vmem>>) semaphore(%run_scoped3A_293 : memref<!tpu.dma_semaphore, #tpu.memory_space<semaphore_mem>>) {add = true}
            %dma_wait3A_300 = arith.constant 0 : i32
            %dma_wait3A_301 = tpu.memref_slice %arg9[%and3A_278, %dma_wait3A_300] : memref<64x128xi32, #tpu.memory_space<vmem>> -> memref<1x128xi32, #tpu.memory_space<vmem>>
            %dma_wait3A_302 = tpu.memref_squeeze %dma_wait3A_301 : memref<1x128xi32, #tpu.memory_space<vmem>> -> memref<128xi32, #tpu.memory_space<vmem>>
            %dma_wait3A_303 = arith.constant 0 : i32
            %dma_wait3A_304 = arith.constant 0 : i32
            %dma_wait3A_305 = tpu.memref_slice %arg12[%dma_wait3A_303, %dma_wait3A_304] : memref<7696x128xf32, #tpu.memory_space<vmem_shared>> -> memref<7696x128xf32, #tpu.memory_space<vmem_shared>>
            tpu.wait_indirect_dma semaphore(%run_scoped3A_293 : memref<!tpu.dma_semaphore, #tpu.memory_space<semaphore_mem>>) src(%arg10 : memref<128x128xf32, #tpu.memory_space<vmem>>) dst(%dma_wait3A_305 : memref<7696x128xf32, #tpu.memory_space<vmem_shared>>)
            tpu.yield
          }) : () -> ()
          %add3A_291 = arith.constant 128 : i32
          %add3A_292 = arith.addi %while3A_252, %add3A_291 : i32
          scf.yield %add3A_292 : i32
        }
        %while3A_243 = arith.constant 1 : i32
        %while3A_244 = scf.for %while3A_251 = %while3A_240 to %while3A_236 step %while3A_243 iter_args(%while3A_252 = %while3A_242) -> (i32)  : i32 {
          %jit3A_253 = arith.constant 128 : i32
          %div3A_254 = arith.divsi %while3A_252, %jit3A_253 : i32
          %sign3A_255 = arith.constant 0 : i32
          %sign3A_256 = arith.cmpi sgt, %while3A_252, %sign3A_255 : i32
          %sign3A_257 = arith.extui %sign3A_256 : i1 to i32
          %sign3A_258 = arith.constant 0 : i32
          %sign3A_259 = arith.cmpi slt, %while3A_252, %sign3A_258 : i32
          %sign3A_260 = arith.extui %sign3A_259 : i1 to i32
          %sign3A_261 = arith.subi %sign3A_257, %sign3A_260 : i32
          %sign3A_262 = arith.constant 0 : i32
          %sign3A_263 = arith.cmpi sgt, %jit3A_253, %sign3A_262 : i32
          %sign3A_264 = arith.extui %sign3A_263 : i1 to i32
          %sign3A_265 = arith.constant 0 : i32
          %sign3A_266 = arith.cmpi slt, %jit3A_253, %sign3A_265 : i32
          %sign3A_267 = arith.extui %sign3A_266 : i1 to i32
          %sign3A_268 = arith.subi %sign3A_264, %sign3A_267 : i32
          %ne3A_269 = arith.cmpi ne, %sign3A_261, %sign3A_268 : i32
          %rem3A_270 = arith.remsi %while3A_252, %jit3A_253 : i32
          %ne3A_271 = arith.constant 0 : i32
          %ne3A_272 = arith.cmpi ne, %rem3A_270, %ne3A_271 : i32
          %and3A_273 = arith.andi %ne3A_269, %ne3A_272 : i1
          %sub3A_274 = arith.constant 1 : i32
          %sub3A_275 = arith.subi %div3A_254, %sub3A_274 : i32
          %select_n3A_276 = arith.select %and3A_273, %sub3A_275, %div3A_254 : i32
          %and3A_277 = arith.constant 63 : i32
          %and3A_278 = arith.andi %select_n3A_276, %and3A_277 : i32
          %dma_start3A_279 = arith.constant 0 : i32
          %dma_start3A_280 = tpu.memref_slice %arg8[%and3A_278, %dma_start3A_279] : memref<64x128xi32, #tpu.memory_space<vmem>> -> memref<1x128xi32, #tpu.memory_space<vmem>>
          %dma_start3A_281 = tpu.memref_squeeze %dma_start3A_280 : memref<1x128xi32, #tpu.memory_space<vmem>> -> memref<128xi32, #tpu.memory_space<vmem>>
          %dma_start3A_282 = arith.constant 0 : i32
          %dma_start3A_283 = arith.constant 0 : i32
          %dma_start3A_284 = tpu.memref_slice %arg2[%dma_start3A_282, %dma_start3A_283] : memref<50000x128xf32, #tpu.memory_space<hbm>> -> memref<50000x128xf32, #tpu.memory_space<hbm>>
          tpu.enqueue_indirect_dma source(%dma_start3A_284 : memref<50000x128xf32, #tpu.memory_space<hbm>>) target(%arg10 : memref<128x128xf32, #tpu.memory_space<vmem>>) offsets(%dma_start3A_281 : memref<128xi32, #tpu.memory_space<vmem>>) semaphore(%arg13 : memref<!tpu.dma_semaphore, #tpu.memory_space<semaphore_mem>>)
          %dma_wait3A_285 = arith.constant 0 : i32
          %dma_wait3A_286 = tpu.memref_slice %arg8[%and3A_278, %dma_wait3A_285] : memref<64x128xi32, #tpu.memory_space<vmem>> -> memref<1x128xi32, #tpu.memory_space<vmem>>
          %dma_wait3A_287 = tpu.memref_squeeze %dma_wait3A_286 : memref<1x128xi32, #tpu.memory_space<vmem>> -> memref<128xi32, #tpu.memory_space<vmem>>
          %dma_wait3A_288 = arith.constant 0 : i32
          %dma_wait3A_289 = arith.constant 0 : i32
          %dma_wait3A_290 = tpu.memref_slice %arg2[%dma_wait3A_288, %dma_wait3A_289] : memref<50000x128xf32, #tpu.memory_space<hbm>> -> memref<50000x128xf32, #tpu.memory_space<hbm>>
          tpu.wait_indirect_dma semaphore(%arg13 : memref<!tpu.dma_semaphore, #tpu.memory_space<semaphore_mem>>) src(%dma_wait3A_290 : memref<50000x128xf32, #tpu.memory_space<hbm>>) dst(%arg10 : memref<128x128xf32, #tpu.memory_space<vmem>>)
          "tpu.region"() ({
            %run_scoped3A_293 = tpu.sem_alloc : memref<!tpu.dma_semaphore, #tpu.memory_space<semaphore_mem>>
            %dma_start3A_294 = arith.constant 0 : i32
            %dma_start3A_295 = tpu.memref_slice %arg9[%and3A_278, %dma_start3A_294] : memref<64x128xi32, #tpu.memory_space<vmem>> -> memref<1x128xi32, #tpu.memory_space<vmem>>
            %dma_start3A_296 = tpu.memref_squeeze %dma_start3A_295 : memref<1x128xi32, #tpu.memory_space<vmem>> -> memref<128xi32, #tpu.memory_space<vmem>>
            %dma_start3A_297 = arith.constant 0 : i32
            %dma_start3A_298 = arith.constant 0 : i32
            %dma_start3A_299 = tpu.memref_slice %arg12[%dma_start3A_297, %dma_start3A_298] : memref<7696x128xf32, #tpu.memory_space<vmem_shared>> -> memref<7696x128xf32, #tpu.memory_space<vmem_shared>>
            tpu.enqueue_indirect_dma source(%arg10 : memref<128x128xf32, #tpu.memory_space<vmem>>) target(%dma_start3A_299 : memref<7696x128xf32, #tpu.memory_space<vmem_shared>>) offsets(%dma_start3A_296 : memref<128xi32, #tpu.memory_space<vmem>>) semaphore(%run_scoped3A_293 : memref<!tpu.dma_semaphore, #tpu.memory_space<semaphore_mem>>) {add = true}
            %dma_wait3A_300 = arith.constant 0 : i32
            %dma_wait3A_301 = tpu.memref_slice %arg9[%and3A_278, %dma_wait3A_300] : memref<64x128xi32, #tpu.memory_space<vmem>> -> memref<1x128xi32, #tpu.memory_space<vmem>>
            %dma_wait3A_302 = tpu.memref_squeeze %dma_wait3A_301 : memref<1x128xi32, #tpu.memory_space<vmem>> -> memref<128xi32, #tpu.memory_space<vmem>>
            %dma_wait3A_303 = arith.constant 0 : i32
            %dma_wait3A_304 = arith.constant 0 : i32
            %dma_wait3A_305 = tpu.memref_slice %arg12[%dma_wait3A_303, %dma_wait3A_304] : memref<7696x128xf32, #tpu.memory_space<vmem_shared>> -> memref<7696x128xf32, #tpu.memory_space<vmem_shared>>
            tpu.wait_indirect_dma semaphore(%run_scoped3A_293 : memref<!tpu.dma_semaphore, #tpu.memory_space<semaphore_mem>>) src(%arg10 : memref<128x128xf32, #tpu.memory_space<vmem>>) dst(%dma_wait3A_305 : memref<7696x128xf32, #tpu.memory_space<vmem_shared>>)
            tpu.yield
          }) : () -> ()
          %add3A_291 = arith.constant 128 : i32
          %add3A_292 = arith.addi %while3A_252, %add3A_291 : i32
          scf.yield %add3A_292 : i32
        }
        %dma_wait3A_245 = arith.constant 0 : i32
        %dma_wait3A_246 = tpu.memref_slice %arg3[%arg1, %dma_wait3A_245, %multiple_of3A_189] : memref<16x3x51200xi32, #tpu.memory_space<hbm>> -> memref<1x3x2048xi32, #tpu.memory_space<hbm>>
        %dma_wait3A_247 = tpu.memref_squeeze %dma_wait3A_246 : memref<1x3x2048xi32, #tpu.memory_space<hbm>> -> memref<3x2048xi32, #tpu.memory_space<hbm>>
        %dma_wait3A_248 = arith.constant 0 : i32
        %dma_wait3A_249 = tpu.memref_slice %arg3[%arg1, %dma_wait3A_248, %multiple_of3A_189] : memref<16x3x51200xi32, #tpu.memory_space<hbm>> -> memref<1x3x2048xi32, #tpu.memory_space<hbm>>
        %dma_wait3A_250 = tpu.memref_squeeze %dma_wait3A_249 : memref<1x3x2048xi32, #tpu.memory_space<hbm>> -> memref<3x2048xi32, #tpu.memory_space<hbm>>
        tpu.wait_dma2 semaphore(%arg14 : memref<!tpu.dma_semaphore, #tpu.memory_space<semaphore_mem>>) src(%dma_wait3A_250 : memref<3x2048xi32, #tpu.memory_space<hbm>>) dst(%arg6 : memref<3x2048xi32, #tpu.memory_space<vmem>>)
        scf.yield %reduce_max3A_208, %while3A_244 : i32, i32
      }
      %scan3A_44 = arith.constant 12 : i32
      %broadcast_in_dim3A_45 = vector.broadcast %scan3A_43#0 : i32 to vector<16xi32>
      %parallel_loop3A = arith.constant 0 : i32
      %parallel_loop3A_46 = arith.constant 128 : i32
      %parallel_loop3A_47 = arith.constant 1 : i32
      %parallel_loop3A_48 = scf.for %parallel_loop3A_112 = %parallel_loop3A to %parallel_loop3A_46 step %parallel_loop3A_47 iter_args(%parallel_loop3A_113 = %broadcast_in_dim3A_45) -> (vector<16xi32>)  : i32 {
        %parallel_loop3A_114 = arith.constant 16 : i32
        %parallel_loop3A_115 = arith.muli %parallel_loop3A_112, %parallel_loop3A_114 : i32
        %parallel_loop3A_116 = tpu.assume_multiple %parallel_loop3A_115, 16 : i32
        %parallel_loop3A_117 = arith.constant 0 : i32
        %parallel_loop3A_118 = arith.index_cast %parallel_loop3A_117 : i32 to index
        %parallel_loop3A_119 = arith.index_cast %parallel_loop3A_116 : i32 to index
        %parallel_loop3A_120 = tpu.vector_load %arg6[%parallel_loop3A_118, %parallel_loop3A_119] {strides = array<i32>} : memref<3x2048xi32, #tpu.memory_space<vmem>>, vector<16xi32>,
        %parallel_loop3A_121 = arith.constant 1 : i32
        %parallel_loop3A_122 = arith.index_cast %parallel_loop3A_121 : i32 to index
        %parallel_loop3A_123 = arith.index_cast %parallel_loop3A_116 : i32 to index
        %parallel_loop3A_124 = tpu.vector_load %arg6[%parallel_loop3A_122, %parallel_loop3A_123] {strides = array<i32>} : memref<3x2048xi32, #tpu.memory_space<vmem>>, vector<16xi32>,
        %parallel_loop3A_125 = arith.constant 2 : i32
        %parallel_loop3A_126 = arith.index_cast %parallel_loop3A_125 : i32 to index
        %parallel_loop3A_127 = arith.index_cast %parallel_loop3A_116 : i32 to index
        %parallel_loop3A_128 = tpu.vector_load %arg6[%parallel_loop3A_126, %parallel_loop3A_127] {strides = array<i32>} : memref<3x2048xi32, #tpu.memory_space<vmem>>, vector<16xi32>,
        %parallel_loop3A_129 = vector.broadcast %mul3A_15 : i32 to vector<16xi32>
        %parallel_loop3A_130 = arith.subi %parallel_loop3A_124, %parallel_loop3A_129 : vector<16xi32>
        %parallel_loop3A_131 = arith.constant 0 : i32
        %parallel_loop3A_132 = vector.broadcast %parallel_loop3A_131 : i32 to vector<16xi32>
        %parallel_loop3A_133 = arith.cmpi sge, %parallel_loop3A_130, %parallel_loop3A_132 : vector<16xi32>
        %parallel_loop3A_134 = arith.constant 2560 : i32
        %parallel_loop3A_135 = vector.broadcast %parallel_loop3A_134 : i32 to vector<16xi32>
        %parallel_loop3A_136 = arith.cmpi slt, %parallel_loop3A_130, %parallel_loop3A_135 : vector<16xi32>
        %parallel_loop3A_137 = arith.andi %parallel_loop3A_133, %parallel_loop3A_136 : vector<16xi1>
        %parallel_loop3A_138 = arith.constant 2560 : i32
        %parallel_loop3A_139 = vector.broadcast %parallel_loop3A_138 : i32 to vector<16xi32>
        %parallel_loop3A_140 = arith.muli %parallel_loop3A_128, %parallel_loop3A_139 : vector<16xi32>
        %parallel_loop3A_141 = arith.addi %parallel_loop3A_140, %parallel_loop3A_130 : vector<16xi32>
        %parallel_loop3A_142 = arith.extui %parallel_loop3A_137 : vector<16xi1> to vector<16xi32>
        %parallel_loop3A_143 = arith.constant true
        %parallel_loop3A_144 = vector.broadcast %parallel_loop3A_143 : i1 to vector<16xi1>
        %parallel_loop3A_145 = tpu.scan <sum>, %parallel_loop3A_142 masked %parallel_loop3A_144 : vector<16xi32>, vector<16xi1> -> vector<16xi32>
        %parallel_loop3A_146 = arith.addi %parallel_loop3A_113, %parallel_loop3A_145 : vector<16xi32>
        %parallel_loop3A_147 = arith.constant 1 : i32
        %parallel_loop3A_148 = vector.broadcast %parallel_loop3A_147 : i32 to vector<16xi32>
        %parallel_loop3A_149 = arith.subi %parallel_loop3A_146, %parallel_loop3A_148 : vector<16xi32>
        %parallel_loop3A_150 = arith.constant 128 : i32
        %parallel_loop3A_151 = vector.broadcast %parallel_loop3A_150 : i32 to vector<16xi32>
        %parallel_loop3A_152 = arith.divsi %parallel_loop3A_149, %parallel_loop3A_151 : vector<16xi32>
        %parallel_loop3A_153 = arith.constant 0 : i32
        %parallel_loop3A_154 = vector.broadcast %parallel_loop3A_153 : i32 to vector<16xi32>
        %parallel_loop3A_155 = arith.cmpi sgt, %parallel_loop3A_149, %parallel_loop3A_154 : vector<16xi32>
        %parallel_loop3A_156 = arith.extui %parallel_loop3A_155 : vector<16xi1> to vector<16xi32>
        %parallel_loop3A_157 = arith.constant 0 : i32
        %parallel_loop3A_158 = vector.broadcast %parallel_loop3A_157 : i32 to vector<16xi32>
        %parallel_loop3A_159 = arith.cmpi slt, %parallel_loop3A_149, %parallel_loop3A_158 : vector<16xi32>
        %parallel_loop3A_160 = arith.extui %parallel_loop3A_159 : vector<16xi1> to vector<16xi32>
        %parallel_loop3A_161 = arith.subi %parallel_loop3A_156, %parallel_loop3A_160 : vector<16xi32>
        %parallel_loop3A_162 = arith.constant 0 : i32
        %parallel_loop3A_163 = arith.cmpi sgt, %parallel_loop3A_150, %parallel_loop3A_162 : i32
        %parallel_loop3A_164 = arith.extui %parallel_loop3A_163 : i1 to i32
        %parallel_loop3A_165 = arith.constant 0 : i32
        %parallel_loop3A_166 = arith.cmpi slt, %parallel_loop3A_150, %parallel_loop3A_165 : i32
        %parallel_loop3A_167 = arith.extui %parallel_loop3A_166 : i1 to i32
        %parallel_loop3A_168 = arith.subi %parallel_loop3A_164, %parallel_loop3A_167 : i32
        %parallel_loop3A_169 = vector.broadcast %parallel_loop3A_168 : i32 to vector<16xi32>
        %parallel_loop3A_170 = arith.cmpi ne, %parallel_loop3A_161, %parallel_loop3A_169 : vector<16xi32>
        %parallel_loop3A_171 = vector.broadcast %parallel_loop3A_150 : i32 to vector<16xi32>
        %parallel_loop3A_172 = arith.remsi %parallel_loop3A_149, %parallel_loop3A_171 : vector<16xi32>
        %parallel_loop3A_173 = arith.constant 0 : i32
        %parallel_loop3A_174 = vector.broadcast %parallel_loop3A_173 : i32 to vector<16xi32>
        %parallel_loop3A_175 = arith.cmpi ne, %parallel_loop3A_172, %parallel_loop3A_174 : vector<16xi32>
        %parallel_loop3A_176 = arith.andi %parallel_loop3A_170, %parallel_loop3A_175 : vector<16xi1>
        %parallel_loop3A_177 = arith.constant 1 : i32
        %parallel_loop3A_178 = vector.broadcast %parallel_loop3A_177 : i32 to vector<16xi32>
        %parallel_loop3A_179 = arith.subi %parallel_loop3A_152, %parallel_loop3A_178 : vector<16xi32>
        %parallel_loop3A_180 = arith.select %parallel_loop3A_176, %parallel_loop3A_179, %parallel_loop3A_152 : vector<16xi1>, vector<16xi32>
        %parallel_loop3A_181 = arith.constant 63 : i32
        %parallel_loop3A_182 = vector.broadcast %parallel_loop3A_181 : i32 to vector<16xi32>
        %parallel_loop3A_183 = arith.andi %parallel_loop3A_180, %parallel_loop3A_182 : vector<16xi32>
        %parallel_loop3A_184 = arith.constant 127 : i32
        %parallel_loop3A_185 = vector.broadcast %parallel_loop3A_184 : i32 to vector<16xi32>
        %parallel_loop3A_186 = arith.andi %parallel_loop3A_149, %parallel_loop3A_185 : vector<16xi32>
        tpu.vector_store_idx %arg8[%parallel_loop3A_183, %parallel_loop3A_186], %parallel_loop3A_120 masked %parallel_loop3A_137 : memref<64x128xi32, #tpu.memory_space<vmem>>[vector<16xi32>, vector<16xi32>], vector<16xi32>, vector<16xi1>
        tpu.vector_store_idx %arg9[%parallel_loop3A_183, %parallel_loop3A_186], %parallel_loop3A_141 masked %parallel_loop3A_137 : memref<64x128xi32, #tpu.memory_space<vmem>>[vector<16xi32>, vector<16xi32>], vector<16xi32>, vector<16xi1>
        %parallel_loop3A_187 = arith.constant 0 : i32
        %parallel_loop3A_188 = vector.broadcast %parallel_loop3A_187 : i32 to vector<16xi32>
        %parallel_loop3A_189 = arith.cmpi slt, %broadcast_in_dim3A_2, %parallel_loop3A_188 : vector<16xi32>
        %parallel_loop3A_190 = arith.constant 16 : i32
        %parallel_loop3A_191 = vector.broadcast %parallel_loop3A_190 : i32 to vector<16xi32>
        %parallel_loop3A_192 = arith.addi %broadcast_in_dim3A_2, %parallel_loop3A_191 : vector<16xi32>
        %parallel_loop3A_193 = arith.select %parallel_loop3A_189, %parallel_loop3A_192, %broadcast_in_dim3A_2 : vector<16xi1>, vector<16xi32>
        %parallel_loop3A_194 = vector.shape_cast %parallel_loop3A_193 : vector<16xi32> to vector<16x1xi32>
        %parallel_loop3A_195 = vector.shape_cast %parallel_loop3A_194 : vector<16x1xi32> to vector<16xi32>
        %parallel_loop3A_196 = tpu.dynamic_gather %parallel_loop3A_149[%parallel_loop3A_195] in [0] : vector<16xi32>, vector<16xi32> -> vector<16xi32>
        %parallel_loop3A_197 = arith.constant 1 : i32
        %parallel_loop3A_198 = vector.broadcast %parallel_loop3A_197 : i32 to vector<16xi32>
        %parallel_loop3A_199 = arith.addi %parallel_loop3A_196, %parallel_loop3A_198 : vector<16xi32>
        scf.yield %parallel_loop3A_199 : vector<16xi32>
      } {sc.loop_unroll_factor = 8 : i64, sc.parallel_access}
      %reduce_max3A = arith.constant true
      %reduce_max3A_49 = vector.broadcast %reduce_max3A : i1 to vector<16xi1>
      %reduce_max3A_50 = arith.constant -2147483648 : i32
      %reduce_max3A_51 = vector.broadcast %reduce_max3A_50 : i32 to vector<16xi32>
      %reduce_max3A_52 = arith.xori %parallel_loop3A_48, %reduce_max3A_51 : vector<16xi32>
      %reduce_max3A_53 = tpu.scan <max>, %reduce_max3A_52 masked %reduce_max3A_49 : vector<16xi32>, vector<16xi1> -> vector<16xi32>
      %reduce_max3A_54 = arith.xori %reduce_max3A_53, %reduce_max3A_51 : vector<16xi32>
      %reduce_max3A_55 = vector.extract %reduce_max3A_54[15] : i32 from vector<16xi32>
      %sub3A = arith.subi %reduce_max3A_55, %scan3A_43#1 : i32
      %jit3A = arith.constant 128 : i32
      %div3A = arith.divsi %sub3A, %jit3A : i32
      %sign3A = arith.constant 0 : i32
      %sign3A_56 = arith.cmpi sgt, %sub3A, %sign3A : i32
      %sign3A_57 = arith.extui %sign3A_56 : i1 to i32
      %sign3A_58 = arith.constant 0 : i32
      %sign3A_59 = arith.cmpi slt, %sub3A, %sign3A_58 : i32
      %sign3A_60 = arith.extui %sign3A_59 : i1 to i32
      %sign3A_61 = arith.subi %sign3A_57, %sign3A_60 : i32
      %sign3A_62 = arith.constant 0 : i32
      %sign3A_63 = arith.cmpi sgt, %jit3A, %sign3A_62 : i32
      %sign3A_64 = arith.extui %sign3A_63 : i1 to i32
      %sign3A_65 = arith.constant 0 : i32
      %sign3A_66 = arith.cmpi slt, %jit3A, %sign3A_65 : i32
      %sign3A_67 = arith.extui %sign3A_66 : i1 to i32
      %sign3A_68 = arith.subi %sign3A_64, %sign3A_67 : i32
      %ne3A = arith.cmpi ne, %sign3A_61, %sign3A_68 : i32
      %rem3A = arith.remsi %sub3A, %jit3A : i32
      %ne3A_69 = arith.constant 0 : i32
      %ne3A_70 = arith.cmpi ne, %rem3A, %ne3A_69 : i32
      %and3A = arith.andi %ne3A, %ne3A_70 : i1
      %sub3A_71 = arith.constant 1 : i32
      %sub3A_72 = arith.subi %div3A, %sub3A_71 : i32
      %select_n3A = arith.select %and3A, %sub3A_72, %div3A : i32
      %while3A = arith.constant 0 : i32
      %while3A_73 = arith.subi %select_n3A, %while3A : i32
      %while3A_74 = arith.addi %while3A, %while3A_73 : i32
      %while3A_75 = arith.constant 1 : i32
      %while3A_76 = arith.divsi %while3A_73, %while3A_75 : i32
      %while3A_77 = arith.muli %while3A_76, %while3A_75 : i32
      %while3A_78 = arith.addi %while3A, %while3A_77 : i32
      %while3A_79 = arith.constant 1 : i32
      %while3A_80 = scf.for %while3A_112 = %while3A to %while3A_78 step %while3A_79 iter_args(%while3A_113 = %scan3A_43#1) -> (i32)  : i32 {
        %jit3A_114 = arith.constant 128 : i32
        %div3A_115 = arith.divsi %while3A_113, %jit3A_114 : i32
        %sign3A_116 = arith.constant 0 : i32
        %sign3A_117 = arith.cmpi sgt, %while3A_113, %sign3A_116 : i32
        %sign3A_118 = arith.extui %sign3A_117 : i1 to i32
        %sign3A_119 = arith.constant 0 : i32
        %sign3A_120 = arith.cmpi slt, %while3A_113, %sign3A_119 : i32
        %sign3A_121 = arith.extui %sign3A_120 : i1 to i32
        %sign3A_122 = arith.subi %sign3A_118, %sign3A_121 : i32
        %sign3A_123 = arith.constant 0 : i32
        %sign3A_124 = arith.cmpi sgt, %jit3A_114, %sign3A_123 : i32
        %sign3A_125 = arith.extui %sign3A_124 : i1 to i32
        %sign3A_126 = arith.constant 0 : i32
        %sign3A_127 = arith.cmpi slt, %jit3A_114, %sign3A_126 : i32
        %sign3A_128 = arith.extui %sign3A_127 : i1 to i32
        %sign3A_129 = arith.subi %sign3A_125, %sign3A_128 : i32
        %ne3A_130 = arith.cmpi ne, %sign3A_122, %sign3A_129 : i32
        %rem3A_131 = arith.remsi %while3A_113, %jit3A_114 : i32
        %ne3A_132 = arith.constant 0 : i32
        %ne3A_133 = arith.cmpi ne, %rem3A_131, %ne3A_132 : i32
        %and3A_134 = arith.andi %ne3A_130, %ne3A_133 : i1
        %sub3A_135 = arith.constant 1 : i32
        %sub3A_136 = arith.subi %div3A_115, %sub3A_135 : i32
        %select_n3A_137 = arith.select %and3A_134, %sub3A_136, %div3A_115 : i32
        %and3A_138 = arith.constant 63 : i32
        %and3A_139 = arith.andi %select_n3A_137, %and3A_138 : i32
        %dma_start3A_140 = arith.constant 0 : i32
        %dma_start3A_141 = tpu.memref_slice %arg8[%and3A_139, %dma_start3A_140] : memref<64x128xi32, #tpu.memory_space<vmem>> -> memref<1x128xi32, #tpu.memory_space<vmem>>
        %dma_start3A_142 = tpu.memref_squeeze %dma_start3A_141 : memref<1x128xi32, #tpu.memory_space<vmem>> -> memref<128xi32, #tpu.memory_space<vmem>>
        %dma_start3A_143 = arith.constant 0 : i32
        %dma_start3A_144 = arith.constant 0 : i32
        %dma_start3A_145 = tpu.memref_slice %arg2[%dma_start3A_143, %dma_start3A_144] : memref<50000x128xf32, #tpu.memory_space<hbm>> -> memref<50000x128xf32, #tpu.memory_space<hbm>>
        tpu.enqueue_indirect_dma source(%dma_start3A_145 : memref<50000x128xf32, #tpu.memory_space<hbm>>) target(%arg10 : memref<128x128xf32, #tpu.memory_space<vmem>>) offsets(%dma_start3A_142 : memref<128xi32, #tpu.memory_space<vmem>>) semaphore(%arg13 : memref<!tpu.dma_semaphore, #tpu.memory_space<semaphore_mem>>)
        %dma_wait3A_146 = arith.constant 0 : i32
        %dma_wait3A_147 = tpu.memref_slice %arg8[%and3A_139, %dma_wait3A_146] : memref<64x128xi32, #tpu.memory_space<vmem>> -> memref<1x128xi32, #tpu.memory_space<vmem>>
        %dma_wait3A_148 = tpu.memref_squeeze %dma_wait3A_147 : memref<1x128xi32, #tpu.memory_space<vmem>> -> memref<128xi32, #tpu.memory_space<vmem>>
        %dma_wait3A_149 = arith.constant 0 : i32
        %dma_wait3A_150 = arith.constant 0 : i32
        %dma_wait3A_151 = tpu.memref_slice %arg2[%dma_wait3A_149, %dma_wait3A_150] : memref<50000x128xf32, #tpu.memory_space<hbm>> -> memref<50000x128xf32, #tpu.memory_space<hbm>>
        tpu.wait_indirect_dma semaphore(%arg13 : memref<!tpu.dma_semaphore, #tpu.memory_space<semaphore_mem>>) src(%dma_wait3A_151 : memref<50000x128xf32, #tpu.memory_space<hbm>>) dst(%arg10 : memref<128x128xf32, #tpu.memory_space<vmem>>)
        "tpu.region"() ({
          %run_scoped3A_154 = tpu.sem_alloc : memref<!tpu.dma_semaphore, #tpu.memory_space<semaphore_mem>>
          %dma_start3A_155 = arith.constant 0 : i32
          %dma_start3A_156 = tpu.memref_slice %arg9[%and3A_139, %dma_start3A_155] : memref<64x128xi32, #tpu.memory_space<vmem>> -> memref<1x128xi32, #tpu.memory_space<vmem>>
          %dma_start3A_157 = tpu.memref_squeeze %dma_start3A_156 : memref<1x128xi32, #tpu.memory_space<vmem>> -> memref<128xi32, #tpu.memory_space<vmem>>
          %dma_start3A_158 = arith.constant 0 : i32
          %dma_start3A_159 = arith.constant 0 : i32
          %dma_start3A_160 = tpu.memref_slice %arg12[%dma_start3A_158, %dma_start3A_159] : memref<7696x128xf32, #tpu.memory_space<vmem_shared>> -> memref<7696x128xf32, #tpu.memory_space<vmem_shared>>
          tpu.enqueue_indirect_dma source(%arg10 : memref<128x128xf32, #tpu.memory_space<vmem>>) target(%dma_start3A_160 : memref<7696x128xf32, #tpu.memory_space<vmem_shared>>) offsets(%dma_start3A_157 : memref<128xi32, #tpu.memory_space<vmem>>) semaphore(%run_scoped3A_154 : memref<!tpu.dma_semaphore, #tpu.memory_space<semaphore_mem>>) {add = true}
          %dma_wait3A_161 = arith.constant 0 : i32
          %dma_wait3A_162 = tpu.memref_slice %arg9[%and3A_139, %dma_wait3A_161] : memref<64x128xi32, #tpu.memory_space<vmem>> -> memref<1x128xi32, #tpu.memory_space<vmem>>
          %dma_wait3A_163 = tpu.memref_squeeze %dma_wait3A_162 : memref<1x128xi32, #tpu.memory_space<vmem>> -> memref<128xi32, #tpu.memory_space<vmem>>
          %dma_wait3A_164 = arith.constant 0 : i32
          %dma_wait3A_165 = arith.constant 0 : i32
          %dma_wait3A_166 = tpu.memref_slice %arg12[%dma_wait3A_164, %dma_wait3A_165] : memref<7696x128xf32, #tpu.memory_space<vmem_shared>> -> memref<7696x128xf32, #tpu.memory_space<vmem_shared>>
          tpu.wait_indirect_dma semaphore(%run_scoped3A_154 : memref<!tpu.dma_semaphore, #tpu.memory_space<semaphore_mem>>) src(%arg10 : memref<128x128xf32, #tpu.memory_space<vmem>>) dst(%dma_wait3A_166 : memref<7696x128xf32, #tpu.memory_space<vmem_shared>>)
          tpu.yield
        }) : () -> ()
        %add3A_152 = arith.constant 128 : i32
        %add3A_153 = arith.addi %while3A_113, %add3A_152 : i32
        scf.yield %add3A_153 : i32
      }
      %while3A_81 = arith.constant 1 : i32
      %while3A_82 = scf.for %while3A_112 = %while3A_78 to %while3A_74 step %while3A_81 iter_args(%while3A_113 = %while3A_80) -> (i32)  : i32 {
        %jit3A_114 = arith.constant 128 : i32
        %div3A_115 = arith.divsi %while3A_113, %jit3A_114 : i32
        %sign3A_116 = arith.constant 0 : i32
        %sign3A_117 = arith.cmpi sgt, %while3A_113, %sign3A_116 : i32
        %sign3A_118 = arith.extui %sign3A_117 : i1 to i32
        %sign3A_119 = arith.constant 0 : i32
        %sign3A_120 = arith.cmpi slt, %while3A_113, %sign3A_119 : i32
        %sign3A_121 = arith.extui %sign3A_120 : i1 to i32
        %sign3A_122 = arith.subi %sign3A_118, %sign3A_121 : i32
        %sign3A_123 = arith.constant 0 : i32
        %sign3A_124 = arith.cmpi sgt, %jit3A_114, %sign3A_123 : i32
        %sign3A_125 = arith.extui %sign3A_124 : i1 to i32
        %sign3A_126 = arith.constant 0 : i32
        %sign3A_127 = arith.cmpi slt, %jit3A_114, %sign3A_126 : i32
        %sign3A_128 = arith.extui %sign3A_127 : i1 to i32
        %sign3A_129 = arith.subi %sign3A_125, %sign3A_128 : i32
        %ne3A_130 = arith.cmpi ne, %sign3A_122, %sign3A_129 : i32
        %rem3A_131 = arith.remsi %while3A_113, %jit3A_114 : i32
        %ne3A_132 = arith.constant 0 : i32
        %ne3A_133 = arith.cmpi ne, %rem3A_131, %ne3A_132 : i32
        %and3A_134 = arith.andi %ne3A_130, %ne3A_133 : i1
        %sub3A_135 = arith.constant 1 : i32
        %sub3A_136 = arith.subi %div3A_115, %sub3A_135 : i32
        %select_n3A_137 = arith.select %and3A_134, %sub3A_136, %div3A_115 : i32
        %and3A_138 = arith.constant 63 : i32
        %and3A_139 = arith.andi %select_n3A_137, %and3A_138 : i32
        %dma_start3A_140 = arith.constant 0 : i32
        %dma_start3A_141 = tpu.memref_slice %arg8[%and3A_139, %dma_start3A_140] : memref<64x128xi32, #tpu.memory_space<vmem>> -> memref<1x128xi32, #tpu.memory_space<vmem>>
        %dma_start3A_142 = tpu.memref_squeeze %dma_start3A_141 : memref<1x128xi32, #tpu.memory_space<vmem>> -> memref<128xi32, #tpu.memory_space<vmem>>
        %dma_start3A_143 = arith.constant 0 : i32
        %dma_start3A_144 = arith.constant 0 : i32
        %dma_start3A_145 = tpu.memref_slice %arg2[%dma_start3A_143, %dma_start3A_144] : memref<50000x128xf32, #tpu.memory_space<hbm>> -> memref<50000x128xf32, #tpu.memory_space<hbm>>
        tpu.enqueue_indirect_dma source(%dma_start3A_145 : memref<50000x128xf32, #tpu.memory_space<hbm>>) target(%arg10 : memref<128x128xf32, #tpu.memory_space<vmem>>) offsets(%dma_start3A_142 : memref<128xi32, #tpu.memory_space<vmem>>) semaphore(%arg13 : memref<!tpu.dma_semaphore, #tpu.memory_space<semaphore_mem>>)
        %dma_wait3A_146 = arith.constant 0 : i32
        %dma_wait3A_147 = tpu.memref_slice %arg8[%and3A_139, %dma_wait3A_146] : memref<64x128xi32, #tpu.memory_space<vmem>> -> memref<1x128xi32, #tpu.memory_space<vmem>>
        %dma_wait3A_148 = tpu.memref_squeeze %dma_wait3A_147 : memref<1x128xi32, #tpu.memory_space<vmem>> -> memref<128xi32, #tpu.memory_space<vmem>>
        %dma_wait3A_149 = arith.constant 0 : i32
        %dma_wait3A_150 = arith.constant 0 : i32
        %dma_wait3A_151 = tpu.memref_slice %arg2[%dma_wait3A_149, %dma_wait3A_150] : memref<50000x128xf32, #tpu.memory_space<hbm>> -> memref<50000x128xf32, #tpu.memory_space<hbm>>
        tpu.wait_indirect_dma semaphore(%arg13 : memref<!tpu.dma_semaphore, #tpu.memory_space<semaphore_mem>>) src(%dma_wait3A_151 : memref<50000x128xf32, #tpu.memory_space<hbm>>) dst(%arg10 : memref<128x128xf32, #tpu.memory_space<vmem>>)
        "tpu.region"() ({
          %run_scoped3A_154 = tpu.sem_alloc : memref<!tpu.dma_semaphore, #tpu.memory_space<semaphore_mem>>
          %dma_start3A_155 = arith.constant 0 : i32
          %dma_start3A_156 = tpu.memref_slice %arg9[%and3A_139, %dma_start3A_155] : memref<64x128xi32, #tpu.memory_space<vmem>> -> memref<1x128xi32, #tpu.memory_space<vmem>>
          %dma_start3A_157 = tpu.memref_squeeze %dma_start3A_156 : memref<1x128xi32, #tpu.memory_space<vmem>> -> memref<128xi32, #tpu.memory_space<vmem>>
          %dma_start3A_158 = arith.constant 0 : i32
          %dma_start3A_159 = arith.constant 0 : i32
          %dma_start3A_160 = tpu.memref_slice %arg12[%dma_start3A_158, %dma_start3A_159] : memref<7696x128xf32, #tpu.memory_space<vmem_shared>> -> memref<7696x128xf32, #tpu.memory_space<vmem_shared>>
          tpu.enqueue_indirect_dma source(%arg10 : memref<128x128xf32, #tpu.memory_space<vmem>>) target(%dma_start3A_160 : memref<7696x128xf32, #tpu.memory_space<vmem_shared>>) offsets(%dma_start3A_157 : memref<128xi32, #tpu.memory_space<vmem>>) semaphore(%run_scoped3A_154 : memref<!tpu.dma_semaphore, #tpu.memory_space<semaphore_mem>>) {add = true}
          %dma_wait3A_161 = arith.constant 0 : i32
          %dma_wait3A_162 = tpu.memref_slice %arg9[%and3A_139, %dma_wait3A_161] : memref<64x128xi32, #tpu.memory_space<vmem>> -> memref<1x128xi32, #tpu.memory_space<vmem>>
          %dma_wait3A_163 = tpu.memref_squeeze %dma_wait3A_162 : memref<1x128xi32, #tpu.memory_space<vmem>> -> memref<128xi32, #tpu.memory_space<vmem>>
          %dma_wait3A_164 = arith.constant 0 : i32
          %dma_wait3A_165 = arith.constant 0 : i32
          %dma_wait3A_166 = tpu.memref_slice %arg12[%dma_wait3A_164, %dma_wait3A_165] : memref<7696x128xf32, #tpu.memory_space<vmem_shared>> -> memref<7696x128xf32, #tpu.memory_space<vmem_shared>>
          tpu.wait_indirect_dma semaphore(%run_scoped3A_154 : memref<!tpu.dma_semaphore, #tpu.memory_space<semaphore_mem>>) src(%arg10 : memref<128x128xf32, #tpu.memory_space<vmem>>) dst(%dma_wait3A_166 : memref<7696x128xf32, #tpu.memory_space<vmem_shared>>)
          tpu.yield
        }) : () -> ()
        %add3A_152 = arith.constant 128 : i32
        %add3A_153 = arith.addi %while3A_113, %add3A_152 : i32
        scf.yield %add3A_153 : i32
      }
      %sub3A_83 = arith.subi %reduce_max3A_55, %while3A_82 : i32
      %gt3A = arith.constant 0 : i32
      %gt3A_84 = arith.cmpi sgt, %sub3A_83, %gt3A : i32
      %convert_element_type3A = arith.extui %gt3A_84 : i1 to i32
      %cond3A = arith.constant 0 : i32
      %cond3A_85 = arith.cmpi ne, %convert_element_type3A, %cond3A : i32
      scf.if %cond3A_85 {
        %scan3A_112 = arith.constant 0 : i32
        %scan3A_113 = arith.constant 0 : i32
        %scan3A_114 = arith.constant 8 : i32
        %scan3A_115 = arith.addi %scan3A_113, %scan3A_114 : i32
        %scan3A_116 = arith.constant 1 : i32
        %scan3A_117 = scf.for %scan3A_159 = %scan3A_113 to %scan3A_115 step %scan3A_116 iter_args(%scan3A_160 = %scan3A_112) -> (i32)  : i32 {
          %mul3A_161 = arith.constant 16 : i32
          %mul3A_162 = arith.muli %scan3A_159, %mul3A_161 : i32
          %add3A_163 = arith.addi %reduce_max3A_55, %mul3A_162 : i32
          %add3A_164 = vector.broadcast %add3A_163 : i32 to vector<16xi32>
          %add3A_165 = arith.addi %add3A_164, %iota3A : vector<16xi32>
          %add3A_166 = arith.constant 128 : i32
          %add3A_167 = arith.addi %while3A_82, %add3A_166 : i32
          %lt3A = vector.broadcast %add3A_167 : i32 to vector<16xi32>
          %lt3A_168 = arith.cmpi slt, %add3A_165, %lt3A : vector<16xi32>
          %jit3A_169 = arith.constant 128 : i32
          %div3A_170 = vector.broadcast %jit3A_169 : i32 to vector<16xi32>
          %div3A_171 = arith.divsi %add3A_165, %div3A_170 : vector<16xi32>
          %sign3A_172 = arith.constant 0 : i32
          %sign3A_173 = vector.broadcast %sign3A_172 : i32 to vector<16xi32>
          %sign3A_174 = arith.cmpi sgt, %add3A_165, %sign3A_173 : vector<16xi32>
          %sign3A_175 = arith.extui %sign3A_174 : vector<16xi1> to vector<16xi32>
          %sign3A_176 = arith.constant 0 : i32
          %sign3A_177 = vector.broadcast %sign3A_176 : i32 to vector<16xi32>
          %sign3A_178 = arith.cmpi slt, %add3A_165, %sign3A_177 : vector<16xi32>
          %sign3A_179 = arith.extui %sign3A_178 : vector<16xi1> to vector<16xi32>
          %sign3A_180 = arith.subi %sign3A_175, %sign3A_179 : vector<16xi32>
          %sign3A_181 = arith.constant 0 : i32
          %sign3A_182 = arith.cmpi sgt, %jit3A_169, %sign3A_181 : i32
          %sign3A_183 = arith.extui %sign3A_182 : i1 to i32
          %sign3A_184 = arith.constant 0 : i32
          %sign3A_185 = arith.cmpi slt, %jit3A_169, %sign3A_184 : i32
          %sign3A_186 = arith.extui %sign3A_185 : i1 to i32
          %sign3A_187 = arith.subi %sign3A_183, %sign3A_186 : i32
          %ne3A_188 = vector.broadcast %sign3A_187 : i32 to vector<16xi32>
          %ne3A_189 = arith.cmpi ne, %sign3A_180, %ne3A_188 : vector<16xi32>
          %rem3A_190 = vector.broadcast %jit3A_169 : i32 to vector<16xi32>
          %rem3A_191 = arith.remsi %add3A_165, %rem3A_190 : vector<16xi32>
          %ne3A_192 = arith.constant 0 : i32
          %ne3A_193 = vector.broadcast %ne3A_192 : i32 to vector<16xi32>
          %ne3A_194 = arith.cmpi ne, %rem3A_191, %ne3A_193 : vector<16xi32>
          %and3A_195 = arith.andi %ne3A_189, %ne3A_194 : vector<16xi1>
          %sub3A_196 = arith.constant 1 : i32
          %sub3A_197 = vector.broadcast %sub3A_196 : i32 to vector<16xi32>
          %sub3A_198 = arith.subi %div3A_171, %sub3A_197 : vector<16xi32>
          %select_n3A_199 = arith.select %and3A_195, %sub3A_198, %div3A_171 : vector<16xi1>, vector<16xi32>
          %and3A_200 = arith.constant 63 : i32
          %and3A_201 = vector.broadcast %and3A_200 : i32 to vector<16xi32>
          %and3A_202 = arith.andi %select_n3A_199, %and3A_201 : vector<16xi32>
          %and3A_203 = arith.constant 127 : i32
          %and3A_204 = vector.broadcast %and3A_203 : i32 to vector<16xi32>
          %and3A_205 = arith.andi %add3A_165, %and3A_204 : vector<16xi32>
          %mul3A_206 = arith.constant 64 : i32
          %mul3A_207 = arith.muli %arg1, %mul3A_206 : i32
          %broadcast_in_dim3A_208 = vector.broadcast %mul3A_207 : i32 to vector<16xi32>
          tpu.vector_store_idx %arg8[%and3A_202, %and3A_205], %broadcast_in_dim3A_208 masked %lt3A_168 : memref<64x128xi32, #tpu.memory_space<vmem>>[vector<16xi32>, vector<16xi32>], vector<16xi32>, vector<16xi1>
          %broadcast_in_dim3A_209 = vector.broadcast %add3A_1 : i32 to vector<16xi32>
          tpu.vector_store_idx %arg9[%and3A_202, %and3A_205], %broadcast_in_dim3A_209 masked %lt3A_168 : memref<64x128xi32, #tpu.memory_space<vmem>>[vector<16xi32>, vector<16xi32>], vector<16xi32>, vector<16xi1>
          %scan3A_210 = arith.constant 0 : i32
          scf.yield %scan3A_210 : i32
        }
        %scan3A_118 = arith.constant 8 : i32
        %jit3A_119 = arith.constant 128 : i32
        %div3A_120 = arith.divsi %while3A_82, %jit3A_119 : i32
        %sign3A_121 = arith.constant 0 : i32
        %sign3A_122 = arith.cmpi sgt, %while3A_82, %sign3A_121 : i32
        %sign3A_123 = arith.extui %sign3A_122 : i1 to i32
        %sign3A_124 = arith.constant 0 : i32
        %sign3A_125 = arith.cmpi slt, %while3A_82, %sign3A_124 : i32
        %sign3A_126 = arith.extui %sign3A_125 : i1 to i32
        %sign3A_127 = arith.subi %sign3A_123, %sign3A_126 : i32
        %sign3A_128 = arith.constant 0 : i32
        %sign3A_129 = arith.cmpi sgt, %jit3A_119, %sign3A_128 : i32
        %sign3A_130 = arith.extui %sign3A_129 : i1 to i32
        %sign3A_131 = arith.constant 0 : i32
        %sign3A_132 = arith.cmpi slt, %jit3A_119, %sign3A_131 : i32
        %sign3A_133 = arith.extui %sign3A_132 : i1 to i32
        %sign3A_134 = arith.subi %sign3A_130, %sign3A_133 : i32
        %ne3A_135 = arith.cmpi ne, %sign3A_127, %sign3A_134 : i32
        %rem3A_136 = arith.remsi %while3A_82, %jit3A_119 : i32
        %ne3A_137 = arith.constant 0 : i32
        %ne3A_138 = arith.cmpi ne, %rem3A_136, %ne3A_137 : i32
        %and3A_139 = arith.andi %ne3A_135, %ne3A_138 : i1
        %sub3A_140 = arith.constant 1 : i32
        %sub3A_141 = arith.subi %div3A_120, %sub3A_140 : i32
        %select_n3A_142 = arith.select %and3A_139, %sub3A_141, %div3A_120 : i32
        %and3A_143 = arith.constant 63 : i32
        %and3A_144 = arith.andi %select_n3A_142, %and3A_143 : i32
        %dma_start3A_145 = arith.constant 0 : i32
        %dma_start3A_146 = tpu.memref_slice %arg8[%and3A_144, %dma_start3A_145] : memref<64x128xi32, #tpu.memory_space<vmem>> -> memref<1x128xi32, #tpu.memory_space<vmem>>
        %dma_start3A_147 = tpu.memref_squeeze %dma_start3A_146 : memref<1x128xi32, #tpu.memory_space<vmem>> -> memref<128xi32, #tpu.memory_space<vmem>>
        %dma_start3A_148 = arith.constant 0 : i32
        %dma_start3A_149 = arith.constant 0 : i32
        %dma_start3A_150 = tpu.memref_slice %arg2[%dma_start3A_148, %dma_start3A_149] : memref<50000x128xf32, #tpu.memory_space<hbm>> -> memref<50000x128xf32, #tpu.memory_space<hbm>>
        tpu.enqueue_indirect_dma source(%dma_start3A_150 : memref<50000x128xf32, #tpu.memory_space<hbm>>) target(%arg10 : memref<128x128xf32, #tpu.memory_space<vmem>>) offsets(%dma_start3A_147 : memref<128xi32, #tpu.memory_space<vmem>>) semaphore(%arg13 : memref<!tpu.dma_semaphore, #tpu.memory_space<semaphore_mem>>)
        %dma_wait3A_151 = arith.constant 0 : i32
        %dma_wait3A_152 = tpu.memref_slice %arg8[%and3A_144, %dma_wait3A_151] : memref<64x128xi32, #tpu.memory_space<vmem>> -> memref<1x128xi32, #tpu.memory_space<vmem>>
        %dma_wait3A_153 = tpu.memref_squeeze %dma_wait3A_152 : memref<1x128xi32, #tpu.memory_space<vmem>> -> memref<128xi32, #tpu.memory_space<vmem>>
        %dma_wait3A_154 = arith.constant 0 : i32
        %dma_wait3A_155 = arith.constant 0 : i32
        %dma_wait3A_156 = tpu.memref_slice %arg2[%dma_wait3A_154, %dma_wait3A_155] : memref<50000x128xf32, #tpu.memory_space<hbm>> -> memref<50000x128xf32, #tpu.memory_space<hbm>>
        tpu.wait_indirect_dma semaphore(%arg13 : memref<!tpu.dma_semaphore, #tpu.memory_space<semaphore_mem>>) src(%dma_wait3A_156 : memref<50000x128xf32, #tpu.memory_space<hbm>>) dst(%arg10 : memref<128x128xf32, #tpu.memory_space<vmem>>)
        "tpu.region"() ({
          %run_scoped3A_159 = tpu.sem_alloc : memref<!tpu.dma_semaphore, #tpu.memory_space<semaphore_mem>>
          %dma_start3A_160 = arith.constant 0 : i32
          %dma_start3A_161 = tpu.memref_slice %arg9[%and3A_144, %dma_start3A_160] : memref<64x128xi32, #tpu.memory_space<vmem>> -> memref<1x128xi32, #tpu.memory_space<vmem>>
          %dma_start3A_162 = tpu.memref_squeeze %dma_start3A_161 : memref<1x128xi32, #tpu.memory_space<vmem>> -> memref<128xi32, #tpu.memory_space<vmem>>
          %dma_start3A_163 = arith.constant 0 : i32
          %dma_start3A_164 = arith.constant 0 : i32
          %dma_start3A_165 = tpu.memref_slice %arg12[%dma_start3A_163, %dma_start3A_164] : memref<7696x128xf32, #tpu.memory_space<vmem_shared>> -> memref<7696x128xf32, #tpu.memory_space<vmem_shared>>
          tpu.enqueue_indirect_dma source(%arg10 : memref<128x128xf32, #tpu.memory_space<vmem>>) target(%dma_start3A_165 : memref<7696x128xf32, #tpu.memory_space<vmem_shared>>) offsets(%dma_start3A_162 : memref<128xi32, #tpu.memory_space<vmem>>) semaphore(%run_scoped3A_159 : memref<!tpu.dma_semaphore, #tpu.memory_space<semaphore_mem>>) {add = true}
          %dma_wait3A_166 = arith.constant 0 : i32
          %dma_wait3A_167 = tpu.memref_slice %arg9[%and3A_144, %dma_wait3A_166] : memref<64x128xi32, #tpu.memory_space<vmem>> -> memref<1x128xi32, #tpu.memory_space<vmem>>
          %dma_wait3A_168 = tpu.memref_squeeze %dma_wait3A_167 : memref<1x128xi32, #tpu.memory_space<vmem>> -> memref<128xi32, #tpu.memory_space<vmem>>
          %dma_wait3A_169 = arith.constant 0 : i32
          %dma_wait3A_170 = arith.constant 0 : i32
          %dma_wait3A_171 = tpu.memref_slice %arg12[%dma_wait3A_169, %dma_wait3A_170] : memref<7696x128xf32, #tpu.memory_space<vmem_shared>> -> memref<7696x128xf32, #tpu.memory_space<vmem_shared>>
          tpu.wait_indirect_dma semaphore(%run_scoped3A_159 : memref<!tpu.dma_semaphore, #tpu.memory_space<semaphore_mem>>) src(%arg10 : memref<128x128xf32, #tpu.memory_space<vmem>>) dst(%dma_wait3A_171 : memref<7696x128xf32, #tpu.memory_space<vmem_shared>>)
          tpu.yield
        }) : () -> ()
        %add3A_157 = arith.constant 128 : i32
        %add3A_158 = arith.addi %while3A_82, %add3A_157 : i32
      } else {
      }
      %barrier3A_86 = arith.constant 0 : index
      tpu.barrier barrier_id(%barrier3A_86)
      %mul3A_87 = arith.constant 160 : i32
      %mul3A_88 = arith.muli %arg1, %mul3A_87 : i32
      %add3A_89 = arith.constant 0 : i32
      %add3A_90 = arith.addi %add3A_89, %mul3A_88 : i32
      %mul3A_91 = arith.constant 160 : i32
      %mul3A_92 = arith.muli %arg1, %mul3A_91 : i32
      %add3A_93 = arith.addi %mul3A_15, %mul3A_92 : i32
      %run_scoped3A = arith.constant 0 : i32
      "tpu.region"() ({
        %run_scoped3A_112 = tpu.sem_alloc : memref<!tpu.dma_semaphore, #tpu.memory_space<semaphore_mem>>
        %dma_start3A_113 = arith.constant 0 : i32
        %dma_start3A_114 = tpu.memref_slice %arg5[%run_scoped3A, %add3A_93, %dma_start3A_113] : memref<3x51200x128xf32, #tpu.memory_space<hbm>> -> memref<1x160x128xf32, #tpu.memory_space<hbm>>
        %dma_start3A_115 = tpu.memref_squeeze %dma_start3A_114 : memref<1x160x128xf32, #tpu.memory_space<hbm>> -> memref<160x128xf32, #tpu.memory_space<hbm>>
        %dma_start3A_116 = arith.constant 0 : i32
        %dma_start3A_117 = tpu.memref_slice %arg12[%add3A_90, %dma_start3A_116] : memref<7696x128xf32, #tpu.memory_space<vmem_shared>> -> memref<160x128xf32, #tpu.memory_space<vmem_shared>>
        tpu.enqueue_dma source(%dma_start3A_117 : memref<160x128xf32, #tpu.memory_space<vmem_shared>>) target(%dma_start3A_115 : memref<160x128xf32, #tpu.memory_space<hbm>>) target_semaphore(%run_scoped3A_112 : memref<!tpu.dma_semaphore, #tpu.memory_space<semaphore_mem>>)
        %dma_wait3A_118 = arith.constant 0 : i32
        %dma_wait3A_119 = tpu.memref_slice %arg5[%run_scoped3A, %add3A_93, %dma_wait3A_118] : memref<3x51200x128xf32, #tpu.memory_space<hbm>> -> memref<1x160x128xf32, #tpu.memory_space<hbm>>
        %dma_wait3A_120 = tpu.memref_squeeze %dma_wait3A_119 : memref<1x160x128xf32, #tpu.memory_space<hbm>> -> memref<160x128xf32, #tpu.memory_space<hbm>>
        %dma_wait3A_121 = arith.constant 0 : i32
        %dma_wait3A_122 = tpu.memref_slice %arg12[%add3A_90, %dma_wait3A_121] : memref<7696x128xf32, #tpu.memory_space<vmem_shared>> -> memref<160x128xf32, #tpu.memory_space<vmem_shared>>
        tpu.wait_dma2 semaphore(%run_scoped3A_112 : memref<!tpu.dma_semaphore, #tpu.memory_space<semaphore_mem>>) src(%dma_wait3A_122 : memref<160x128xf32, #tpu.memory_space<vmem_shared>>) dst(%dma_wait3A_120 : memref<160x128xf32, #tpu.memory_space<hbm>>)
        tpu.yield
      }) : () -> ()
      %mul3A_94 = arith.constant 160 : i32
      %mul3A_95 = arith.muli %arg1, %mul3A_94 : i32
      %add3A_96 = arith.constant 2560 : i32
      %add3A_97 = arith.addi %add3A_96, %mul3A_95 : i32
      %mul3A_98 = arith.constant 160 : i32
      %mul3A_99 = arith.muli %arg1, %mul3A_98 : i32
      %add3A_100 = arith.addi %mul3A_15, %mul3A_99 : i32
      %run_scoped3A_101 = arith.constant 1 : i32
      "tpu.region"() ({
        %run_scoped3A_112 = tpu.sem_alloc : memref<!tpu.dma_semaphore, #tpu.memory_space<semaphore_mem>>
        %dma_start3A_113 = arith.constant 0 : i32
        %dma_start3A_114 = tpu.memref_slice %arg5[%run_scoped3A_101, %add3A_100, %dma_start3A_113] : memref<3x51200x128xf32, #tpu.memory_space<hbm>> -> memref<1x160x128xf32, #tpu.memory_space<hbm>>
        %dma_start3A_115 = tpu.memref_squeeze %dma_start3A_114 : memref<1x160x128xf32, #tpu.memory_space<hbm>> -> memref<160x128xf32, #tpu.memory_space<hbm>>
        %dma_start3A_116 = arith.constant 0 : i32
        %dma_start3A_117 = tpu.memref_slice %arg12[%add3A_97, %dma_start3A_116] : memref<7696x128xf32, #tpu.memory_space<vmem_shared>> -> memref<160x128xf32, #tpu.memory_space<vmem_shared>>
        tpu.enqueue_dma source(%dma_start3A_117 : memref<160x128xf32, #tpu.memory_space<vmem_shared>>) target(%dma_start3A_115 : memref<160x128xf32, #tpu.memory_space<hbm>>) target_semaphore(%run_scoped3A_112 : memref<!tpu.dma_semaphore, #tpu.memory_space<semaphore_mem>>)
        %dma_wait3A_118 = arith.constant 0 : i32
        %dma_wait3A_119 = tpu.memref_slice %arg5[%run_scoped3A_101, %add3A_100, %dma_wait3A_118] : memref<3x51200x128xf32, #tpu.memory_space<hbm>> -> memref<1x160x128xf32, #tpu.memory_space<hbm>>
        %dma_wait3A_120 = tpu.memref_squeeze %dma_wait3A_119 : memref<1x160x128xf32, #tpu.memory_space<hbm>> -> memref<160x128xf32, #tpu.memory_space<hbm>>
        %dma_wait3A_121 = arith.constant 0 : i32
        %dma_wait3A_122 = tpu.memref_slice %arg12[%add3A_97, %dma_wait3A_121] : memref<7696x128xf32, #tpu.memory_space<vmem_shared>> -> memref<160x128xf32, #tpu.memory_space<vmem_shared>>
        tpu.wait_dma2 semaphore(%run_scoped3A_112 : memref<!tpu.dma_semaphore, #tpu.memory_space<semaphore_mem>>) src(%dma_wait3A_122 : memref<160x128xf32, #tpu.memory_space<vmem_shared>>) dst(%dma_wait3A_120 : memref<160x128xf32, #tpu.memory_space<hbm>>)
        tpu.yield
      }) : () -> ()
      %mul3A_102 = arith.constant 160 : i32
      %mul3A_103 = arith.muli %arg1, %mul3A_102 : i32
      %add3A_104 = arith.constant 5120 : i32
      %add3A_105 = arith.addi %add3A_104, %mul3A_103 : i32
      %mul3A_106 = arith.constant 160 : i32
      %mul3A_107 = arith.muli %arg1, %mul3A_106 : i32
      %add3A_108 = arith.addi %mul3A_15, %mul3A_107 : i32
      %run_scoped3A_109 = arith.constant 2 : i32
      "tpu.region"() ({
        %run_scoped3A_112 = tpu.sem_alloc : memref<!tpu.dma_semaphore, #tpu.memory_space<semaphore_mem>>
        %dma_start3A_113 = arith.constant 0 : i32
        %dma_start3A_114 = tpu.memref_slice %arg5[%run_scoped3A_109, %add3A_108, %dma_start3A_113] : memref<3x51200x128xf32, #tpu.memory_space<hbm>> -> memref<1x160x128xf32, #tpu.memory_space<hbm>>
        %dma_start3A_115 = tpu.memref_squeeze %dma_start3A_114 : memref<1x160x128xf32, #tpu.memory_space<hbm>> -> memref<160x128xf32, #tpu.memory_space<hbm>>
        %dma_start3A_116 = arith.constant 0 : i32
        %dma_start3A_117 = tpu.memref_slice %arg12[%add3A_105, %dma_start3A_116] : memref<7696x128xf32, #tpu.memory_space<vmem_shared>> -> memref<160x128xf32, #tpu.memory_space<vmem_shared>>
        tpu.enqueue_dma source(%dma_start3A_117 : memref<160x128xf32, #tpu.memory_space<vmem_shared>>) target(%dma_start3A_115 : memref<160x128xf32, #tpu.memory_space<hbm>>) target_semaphore(%run_scoped3A_112 : memref<!tpu.dma_semaphore, #tpu.memory_space<semaphore_mem>>)
        %dma_wait3A_118 = arith.constant 0 : i32
        %dma_wait3A_119 = tpu.memref_slice %arg5[%run_scoped3A_109, %add3A_108, %dma_wait3A_118] : memref<3x51200x128xf32, #tpu.memory_space<hbm>> -> memref<1x160x128xf32, #tpu.memory_space<hbm>>
        %dma_wait3A_120 = tpu.memref_squeeze %dma_wait3A_119 : memref<1x160x128xf32, #tpu.memory_space<hbm>> -> memref<160x128xf32, #tpu.memory_space<hbm>>
        %dma_wait3A_121 = arith.constant 0 : i32
        %dma_wait3A_122 = tpu.memref_slice %arg12[%add3A_105, %dma_wait3A_121] : memref<7696x128xf32, #tpu.memory_space<vmem_shared>> -> memref<160x128xf32, #tpu.memory_space<vmem_shared>>
        tpu.wait_dma2 semaphore(%run_scoped3A_112 : memref<!tpu.dma_semaphore, #tpu.memory_space<semaphore_mem>>) src(%dma_wait3A_122 : memref<160x128xf32, #tpu.memory_space<vmem_shared>>) dst(%dma_wait3A_120 : memref<160x128xf32, #tpu.memory_space<hbm>>)
        tpu.yield
      }) : () -> ()
      %barrier3A_110 = arith.constant 0 : index
      tpu.barrier barrier_id(%barrier3A_110)
      %scan3A_111 = arith.constant 0 : i32
      scf.yield %scan3A_111 : i32
    }
    %scan3A_8 = arith.constant 10 : i32
    return
  }
}

module attributes {stable_mosaic.version = 14 : i64} {
  func.func @_enc_kernel(%arg0: i32, %arg1: memref<1000x5xf32, #tpu.memory_space<vmem>>, %arg2: memref<1000x3xf32, #tpu.memory_space<vmem>>, %arg3: memref<1000x768xf32, #tpu.memory_space<vmem>>, %arg4: memref<1000x768xf32, #tpu.memory_space<vmem>>, %arg5: memref<1000x768xf32, #tpu.memory_space<vmem>>, %arg6: memref<5x128xf32, #tpu.memory_space<vmem>>, %arg7: memref<3x128xf32, #tpu.memory_space<vmem>>, %arg8: memref<768x128xf32, #tpu.memory_space<vmem>>, %arg9: memref<768x128xf32, #tpu.memory_space<vmem>>, %arg10: memref<768x128xf32, #tpu.memory_space<vmem>>, %arg11: memref<5x128xf32, #tpu.memory_space<vmem>>, %arg12: memref<128x128xf32, #tpu.memory_space<vmem>>, %arg13: memref<3x128xf32, #tpu.memory_space<vmem>>, %arg14: memref<1000x128xf32, #tpu.memory_space<vmem>>) attributes {dimension_semantics = [#tpu.dimension_semantics<arbitrary>], iteration_bounds = array<i64: 50>, scalar_prefetch = 0 : i64, scratch_operands = 0 : i64, tpu.core_type = #tpu.core_type<tc>, window_params = [{transform_indices = @transform_0, window_bounds = array<i64: 1000, 5>}, {transform_indices = @transform_1, window_bounds = array<i64: 1000, 3>}, {transform_indices = @transform_2, window_bounds = array<i64: 1000, 768>}, {transform_indices = @transform_3, window_bounds = array<i64: 1000, 768>}, {transform_indices = @transform_4, window_bounds = array<i64: 1000, 768>}, {pipeline_mode = #tpu.pipeline_mode<synchronous>, transform_indices = @transform_5, window_bounds = array<i64: 5, 128>}, {pipeline_mode = #tpu.pipeline_mode<synchronous>, transform_indices = @transform_6, window_bounds = array<i64: 3, 128>}, {pipeline_mode = #tpu.pipeline_mode<synchronous>, transform_indices = @transform_7, window_bounds = array<i64: 768, 128>}, {pipeline_mode = #tpu.pipeline_mode<synchronous>, transform_indices = @transform_8, window_bounds = array<i64: 768, 128>}, {pipeline_mode = #tpu.pipeline_mode<synchronous>, transform_indices = @transform_9, window_bounds = array<i64: 768, 128>}, {pipeline_mode = #tpu.pipeline_mode<synchronous>, transform_indices = @transform_10, window_bounds = array<i64: 5, 128>}, {pipeline_mode = #tpu.pipeline_mode<synchronous>, transform_indices = @transform_11, window_bounds = array<i64: 128, 128>}, {pipeline_mode = #tpu.pipeline_mode<synchronous>, transform_indices = @transform_12, window_bounds = array<i64: 3, 128>}, {transform_indices = @transform_13, window_bounds = array<i64: 1000, 128>}]} {
    %get3A = arith.constant 0 : index
    %get3A_0 = arith.constant 0 : index
    %get3A_1 = vector.load %arg1[%get3A, %get3A_0] : memref<1000x5xf32, #tpu.memory_space<vmem>>, vector<1000x5xf32>
    %get3A_2 = arith.constant 0 : index
    %get3A_3 = arith.constant 0 : index
    %get3A_4 = vector.load %arg6[%get3A_2, %get3A_3] : memref<5x128xf32, #tpu.memory_space<vmem>>, vector<5x128xf32>
    %dot_general3A = arith.constant dense<0.000000e+00> : vector<1000x128xf32>
    %dot_general3A_5 = tpu.matmul %get3A_1, %get3A_4, %dot_general3A {dimension_numbers = #tpu.dot_dimension_numbers<[1], [0], [0], [1], [0, 0, 1, 1], [], []>, transpose_lhs_hint = false} : vector<1000x5xf32>, vector<5x128xf32>, vector<1000x128xf32> -> vector<1000x128xf32>
    %get3A_6 = arith.constant 0 : index
    %get3A_7 = arith.constant 0 : index
    %get3A_8 = vector.load %arg11[%get3A_6, %get3A_7] : memref<5x128xf32, #tpu.memory_space<vmem>>, vector<1x128xf32>
    %get3A_9 = vector.shape_cast %get3A_8 : vector<1x128xf32> to vector<128xf32>
    %broadcast_in_dim3A = vector.shape_cast %get3A_9 : vector<128xf32> to vector<1x128xf32>
    %add3A = vector.broadcast %broadcast_in_dim3A : vector<1x128xf32> to vector<1000x128xf32>
    %add3A_10 = arith.addf %dot_general3A_5, %add3A : vector<1000x128xf32>
    %gt3A = arith.constant 0.000000e+00 : f32
    %gt3A_11 = vector.broadcast %gt3A : f32 to vector<1000x128xf32>
    %gt3A_12 = arith.cmpf ogt, %add3A_10, %gt3A_11 : vector<1000x128xf32>
    %mul3A = arith.constant 0.00999999977 : f32
    %mul3A_13 = vector.broadcast %mul3A : f32 to vector<1000x128xf32>
    %mul3A_14 = arith.mulf %mul3A_13, %add3A_10 : vector<1000x128xf32>
    %select_n3A = arith.select %gt3A_12, %add3A_10, %mul3A_14 : vector<1000x128xi1>, vector<1000x128xf32>
    %slice3A = vector.extract_strided_slice %select_n3A {offsets = [0, 0], sizes = [1000, 20], strides = [1, 1]} : vector<1000x128xf32> to vector<1000x20xf32>
    %get3A_15 = arith.constant 0 : index
    %get3A_16 = arith.constant 0 : index
    %get3A_17 = vector.load %arg2[%get3A_15, %get3A_16] : memref<1000x3xf32, #tpu.memory_space<vmem>>, vector<1000x3xf32>
    %get3A_18 = arith.constant 0 : index
    %get3A_19 = arith.constant 0 : index
    %get3A_20 = vector.load %arg7[%get3A_18, %get3A_19] : memref<3x128xf32, #tpu.memory_space<vmem>>, vector<3x128xf32>
    %dot_general3A_21 = arith.constant dense<0.000000e+00> : vector<1000x128xf32>
    %dot_general3A_22 = tpu.matmul %get3A_17, %get3A_20, %dot_general3A_21 {dimension_numbers = #tpu.dot_dimension_numbers<[1], [0], [0], [1], [0, 0, 1, 1], [], []>, transpose_lhs_hint = false} : vector<1000x3xf32>, vector<3x128xf32>, vector<1000x128xf32> -> vector<1000x128xf32>
    %get3A_23 = arith.constant 1 : index
    %get3A_24 = arith.constant 0 : index
    %get3A_25 = vector.load %arg11[%get3A_23, %get3A_24] : memref<5x128xf32, #tpu.memory_space<vmem>>, vector<1x128xf32>
    %get3A_26 = vector.shape_cast %get3A_25 : vector<1x128xf32> to vector<128xf32>
    %broadcast_in_dim3A_27 = vector.shape_cast %get3A_26 : vector<128xf32> to vector<1x128xf32>
    %add3A_28 = vector.broadcast %broadcast_in_dim3A_27 : vector<1x128xf32> to vector<1000x128xf32>
    %add3A_29 = arith.addf %dot_general3A_22, %add3A_28 : vector<1000x128xf32>
    %gt3A_30 = arith.constant 0.000000e+00 : f32
    %gt3A_31 = vector.broadcast %gt3A_30 : f32 to vector<1000x128xf32>
    %gt3A_32 = arith.cmpf ogt, %add3A_29, %gt3A_31 : vector<1000x128xf32>
    %mul3A_33 = arith.constant 0.00999999977 : f32
    %mul3A_34 = vector.broadcast %mul3A_33 : f32 to vector<1000x128xf32>
    %mul3A_35 = arith.mulf %mul3A_34, %add3A_29 : vector<1000x128xf32>
    %select_n3A_36 = arith.select %gt3A_32, %add3A_29, %mul3A_35 : vector<1000x128xi1>, vector<1000x128xf32>
    %slice3A_37 = vector.extract_strided_slice %select_n3A_36 {offsets = [0, 0], sizes = [1000, 20], strides = [1, 1]} : vector<1000x128xf32> to vector<1000x20xf32>
    %get3A_38 = arith.constant 0 : index
    %get3A_39 = arith.constant 0 : index
    %get3A_40 = vector.load %arg3[%get3A_38, %get3A_39] : memref<1000x768xf32, #tpu.memory_space<vmem>>, vector<1000x768xf32>
    %get3A_41 = arith.constant 0 : index
    %get3A_42 = arith.constant 0 : index
    %get3A_43 = vector.load %arg8[%get3A_41, %get3A_42] : memref<768x128xf32, #tpu.memory_space<vmem>>, vector<768x128xf32>
    %dot_general3A_44 = arith.constant dense<0.000000e+00> : vector<1000x128xf32>
    %dot_general3A_45 = tpu.matmul %get3A_40, %get3A_43, %dot_general3A_44 {dimension_numbers = #tpu.dot_dimension_numbers<[1], [0], [0], [1], [0, 0, 1, 1], [], []>, transpose_lhs_hint = false} : vector<1000x768xf32>, vector<768x128xf32>, vector<1000x128xf32> -> vector<1000x128xf32>
    %get3A_46 = arith.constant 2 : index
    %get3A_47 = arith.constant 0 : index
    %get3A_48 = vector.load %arg11[%get3A_46, %get3A_47] : memref<5x128xf32, #tpu.memory_space<vmem>>, vector<1x128xf32>
    %get3A_49 = vector.shape_cast %get3A_48 : vector<1x128xf32> to vector<128xf32>
    %broadcast_in_dim3A_50 = vector.shape_cast %get3A_49 : vector<128xf32> to vector<1x128xf32>
    %add3A_51 = vector.broadcast %broadcast_in_dim3A_50 : vector<1x128xf32> to vector<1000x128xf32>
    %add3A_52 = arith.addf %dot_general3A_45, %add3A_51 : vector<1000x128xf32>
    %gt3A_53 = arith.constant 0.000000e+00 : f32
    %gt3A_54 = vector.broadcast %gt3A_53 : f32 to vector<1000x128xf32>
    %gt3A_55 = arith.cmpf ogt, %add3A_52, %gt3A_54 : vector<1000x128xf32>
    %mul3A_56 = arith.constant 0.00999999977 : f32
    %mul3A_57 = vector.broadcast %mul3A_56 : f32 to vector<1000x128xf32>
    %mul3A_58 = arith.mulf %mul3A_57, %add3A_52 : vector<1000x128xf32>
    %select_n3A_59 = arith.select %gt3A_55, %add3A_52, %mul3A_58 : vector<1000x128xi1>, vector<1000x128xf32>
    %slice3A_60 = vector.extract_strided_slice %select_n3A_59 {offsets = [0, 0], sizes = [1000, 20], strides = [1, 1]} : vector<1000x128xf32> to vector<1000x20xf32>
    %get3A_61 = arith.constant 0 : index
    %get3A_62 = arith.constant 0 : index
    %get3A_63 = vector.load %arg4[%get3A_61, %get3A_62] : memref<1000x768xf32, #tpu.memory_space<vmem>>, vector<1000x768xf32>
    %get3A_64 = arith.constant 0 : index
    %get3A_65 = arith.constant 0 : index
    %get3A_66 = vector.load %arg9[%get3A_64, %get3A_65] : memref<768x128xf32, #tpu.memory_space<vmem>>, vector<768x128xf32>
    %dot_general3A_67 = arith.constant dense<0.000000e+00> : vector<1000x128xf32>
    %dot_general3A_68 = tpu.matmul %get3A_63, %get3A_66, %dot_general3A_67 {dimension_numbers = #tpu.dot_dimension_numbers<[1], [0], [0], [1], [0, 0, 1, 1], [], []>, transpose_lhs_hint = false} : vector<1000x768xf32>, vector<768x128xf32>, vector<1000x128xf32> -> vector<1000x128xf32>
    %get3A_69 = arith.constant 3 : index
    %get3A_70 = arith.constant 0 : index
    %get3A_71 = vector.load %arg11[%get3A_69, %get3A_70] : memref<5x128xf32, #tpu.memory_space<vmem>>, vector<1x128xf32>
    %get3A_72 = vector.shape_cast %get3A_71 : vector<1x128xf32> to vector<128xf32>
    %broadcast_in_dim3A_73 = vector.shape_cast %get3A_72 : vector<128xf32> to vector<1x128xf32>
    %add3A_74 = vector.broadcast %broadcast_in_dim3A_73 : vector<1x128xf32> to vector<1000x128xf32>
    %add3A_75 = arith.addf %dot_general3A_68, %add3A_74 : vector<1000x128xf32>
    %gt3A_76 = arith.constant 0.000000e+00 : f32
    %gt3A_77 = vector.broadcast %gt3A_76 : f32 to vector<1000x128xf32>
    %gt3A_78 = arith.cmpf ogt, %add3A_75, %gt3A_77 : vector<1000x128xf32>
    %mul3A_79 = arith.constant 0.00999999977 : f32
    %mul3A_80 = vector.broadcast %mul3A_79 : f32 to vector<1000x128xf32>
    %mul3A_81 = arith.mulf %mul3A_80, %add3A_75 : vector<1000x128xf32>
    %select_n3A_82 = arith.select %gt3A_78, %add3A_75, %mul3A_81 : vector<1000x128xi1>, vector<1000x128xf32>
    %slice3A_83 = vector.extract_strided_slice %select_n3A_82 {offsets = [0, 0], sizes = [1000, 20], strides = [1, 1]} : vector<1000x128xf32> to vector<1000x20xf32>
    %get3A_84 = arith.constant 0 : index
    %get3A_85 = arith.constant 0 : index
    %get3A_86 = vector.load %arg5[%get3A_84, %get3A_85] : memref<1000x768xf32, #tpu.memory_space<vmem>>, vector<1000x768xf32>
    %get3A_87 = arith.constant 0 : index
    %get3A_88 = arith.constant 0 : index
    %get3A_89 = vector.load %arg10[%get3A_87, %get3A_88] : memref<768x128xf32, #tpu.memory_space<vmem>>, vector<768x128xf32>
    %dot_general3A_90 = arith.constant dense<0.000000e+00> : vector<1000x128xf32>
    %dot_general3A_91 = tpu.matmul %get3A_86, %get3A_89, %dot_general3A_90 {dimension_numbers = #tpu.dot_dimension_numbers<[1], [0], [0], [1], [0, 0, 1, 1], [], []>, transpose_lhs_hint = false} : vector<1000x768xf32>, vector<768x128xf32>, vector<1000x128xf32> -> vector<1000x128xf32>
    %get3A_92 = arith.constant 4 : index
    %get3A_93 = arith.constant 0 : index
    %get3A_94 = vector.load %arg11[%get3A_92, %get3A_93] : memref<5x128xf32, #tpu.memory_space<vmem>>, vector<1x128xf32>
    %get3A_95 = vector.shape_cast %get3A_94 : vector<1x128xf32> to vector<128xf32>
    %broadcast_in_dim3A_96 = vector.shape_cast %get3A_95 : vector<128xf32> to vector<1x128xf32>
    %add3A_97 = vector.broadcast %broadcast_in_dim3A_96 : vector<1x128xf32> to vector<1000x128xf32>
    %add3A_98 = arith.addf %dot_general3A_91, %add3A_97 : vector<1000x128xf32>
    %gt3A_99 = arith.constant 0.000000e+00 : f32
    %gt3A_100 = vector.broadcast %gt3A_99 : f32 to vector<1000x128xf32>
    %gt3A_101 = arith.cmpf ogt, %add3A_98, %gt3A_100 : vector<1000x128xf32>
    %mul3A_102 = arith.constant 0.00999999977 : f32
    %mul3A_103 = vector.broadcast %mul3A_102 : f32 to vector<1000x128xf32>
    %mul3A_104 = arith.mulf %mul3A_103, %add3A_98 : vector<1000x128xf32>
    %select_n3A_105 = arith.select %gt3A_101, %add3A_98, %mul3A_104 : vector<1000x128xi1>, vector<1000x128xf32>
    %slice3A_106 = vector.extract_strided_slice %select_n3A_105 {offsets = [0, 0], sizes = [1000, 20], strides = [1, 1]} : vector<1000x128xf32> to vector<1000x20xf32>
    %broadcast_in_dim3A_107 = arith.constant 0.000000e+00 : f32
    %broadcast_in_dim3A_108 = vector.broadcast %broadcast_in_dim3A_107 : f32 to vector<1000x28xf32>
    %concatenate3A = tpu.concatenate %slice3A, %slice3A_37, %slice3A_60, %slice3A_83, %slice3A_106, %broadcast_in_dim3A_108 in 1 : vector<1000x20xf32>, vector<1000x20xf32>, vector<1000x20xf32>, vector<1000x20xf32>, vector<1000x20xf32>, vector<1000x28xf32> -> vector<1000x128xf32>
    %get3A_109 = arith.constant 0 : index
    %get3A_110 = arith.constant 0 : index
    %get3A_111 = vector.load %arg12[%get3A_109, %get3A_110] : memref<128x128xf32, #tpu.memory_space<vmem>>, vector<128x128xf32>
    %dot_general3A_112 = arith.constant dense<0.000000e+00> : vector<1000x128xf32>
    %dot_general3A_113 = tpu.matmul %concatenate3A, %get3A_111, %dot_general3A_112 {dimension_numbers = #tpu.dot_dimension_numbers<[1], [0], [0], [1], [0, 0, 1, 1], [], []>, transpose_lhs_hint = false} : vector<1000x128xf32>, vector<128x128xf32>, vector<1000x128xf32> -> vector<1000x128xf32>
    %get3A_114 = arith.constant 1 : index
    %get3A_115 = arith.constant 0 : index
    %get3A_116 = vector.load %arg13[%get3A_114, %get3A_115] : memref<3x128xf32, #tpu.memory_space<vmem>>, vector<1x128xf32>
    %get3A_117 = vector.shape_cast %get3A_116 : vector<1x128xf32> to vector<128xf32>
    %broadcast_in_dim3A_118 = vector.shape_cast %get3A_117 : vector<128xf32> to vector<1x128xf32>
    %add3A_119 = vector.broadcast %broadcast_in_dim3A_118 : vector<1x128xf32> to vector<1000x128xf32>
    %add3A_120 = arith.addf %dot_general3A_113, %add3A_119 : vector<1000x128xf32>
    %gt3A_121 = arith.constant 0.000000e+00 : f32
    %gt3A_122 = vector.broadcast %gt3A_121 : f32 to vector<1000x128xf32>
    %gt3A_123 = arith.cmpf ogt, %add3A_120, %gt3A_122 : vector<1000x128xf32>
    %mul3A_124 = arith.constant 0.00999999977 : f32
    %mul3A_125 = vector.broadcast %mul3A_124 : f32 to vector<1000x128xf32>
    %mul3A_126 = arith.mulf %mul3A_125, %add3A_120 : vector<1000x128xf32>
    %select_n3A_127 = arith.select %gt3A_123, %add3A_120, %mul3A_126 : vector<1000x128xi1>, vector<1000x128xf32>
    %get3A_128 = arith.constant 0 : index
    %get3A_129 = arith.constant 0 : index
    %get3A_130 = vector.load %arg13[%get3A_128, %get3A_129] : memref<3x128xf32, #tpu.memory_space<vmem>>, vector<1x128xf32>
    %get3A_131 = vector.shape_cast %get3A_130 : vector<1x128xf32> to vector<128xf32>
    %broadcast_in_dim3A_132 = vector.shape_cast %get3A_131 : vector<128xf32> to vector<1x128xf32>
    %sub3A = arith.constant 1.000000e+00 : f32
    %sub3A_133 = vector.broadcast %sub3A : f32 to vector<1x128xf32>
    %sub3A_134 = arith.subf %sub3A_133, %broadcast_in_dim3A_132 : vector<1x128xf32>
    %mul3A_135 = vector.broadcast %sub3A_134 : vector<1x128xf32> to vector<1000x128xf32>
    %mul3A_136 = arith.mulf %select_n3A_127, %mul3A_135 : vector<1000x128xf32>
    %add3A_137 = vector.broadcast %broadcast_in_dim3A_132 : vector<1x128xf32> to vector<1000x128xf32>
    %add3A_138 = arith.addf %mul3A_136, %add3A_137 : vector<1000x128xf32>
    %swap3A = arith.constant 0 : index
    %swap3A_139 = arith.constant 0 : index
    %swap3A_140 = vector.load %arg14[%swap3A, %swap3A_139] : memref<1000x128xf32, #tpu.memory_space<vmem>>, vector<1000x128xf32>
    tpu.vector_store %arg14[%swap3A, %swap3A_139], %add3A_138 {strides = array<i32>} : memref<1000x128xf32, #tpu.memory_space<vmem>>, vector<1000x128xf32>,
    return
  }
  func.func @transform_0(%arg0: i32) -> (i32, i32) {
    %c0_i32 = arith.constant 0 : i32
    %c0_i32_0 = arith.constant 0 : i32
    return %arg0, %c0_i32 : i32, i32
  }
  func.func @transform_1(%arg0: i32) -> (i32, i32) {
    %c0_i32 = arith.constant 0 : i32
    %c0_i32_0 = arith.constant 0 : i32
    return %arg0, %c0_i32 : i32, i32
  }
  func.func @transform_2(%arg0: i32) -> (i32, i32) {
    %c0_i32 = arith.constant 0 : i32
    %c0_i32_0 = arith.constant 0 : i32
    return %arg0, %c0_i32 : i32, i32
  }
  func.func @transform_3(%arg0: i32) -> (i32, i32) {
    %c0_i32 = arith.constant 0 : i32
    %c0_i32_0 = arith.constant 0 : i32
    return %arg0, %c0_i32 : i32, i32
  }
  func.func @transform_4(%arg0: i32) -> (i32, i32) {
    %c0_i32 = arith.constant 0 : i32
    %c0_i32_0 = arith.constant 0 : i32
    return %arg0, %c0_i32 : i32, i32
  }
  func.func @transform_5(%arg0: i32) -> (i32, i32) {
    %c0_i32 = arith.constant 0 : i32
    %c0_i32_0 = arith.constant 0 : i32
    %c0_i32_1 = arith.constant 0 : i32
    return %c0_i32, %c0_i32_0 : i32, i32
  }
  func.func @transform_6(%arg0: i32) -> (i32, i32) {
    %c0_i32 = arith.constant 0 : i32
    %c0_i32_0 = arith.constant 0 : i32
    %c0_i32_1 = arith.constant 0 : i32
    return %c0_i32, %c0_i32_0 : i32, i32
  }
  func.func @transform_7(%arg0: i32) -> (i32, i32) {
    %c0_i32 = arith.constant 0 : i32
    %c0_i32_0 = arith.constant 0 : i32
    %c0_i32_1 = arith.constant 0 : i32
    return %c0_i32, %c0_i32_0 : i32, i32
  }
  func.func @transform_8(%arg0: i32) -> (i32, i32) {
    %c0_i32 = arith.constant 0 : i32
    %c0_i32_0 = arith.constant 0 : i32
    %c0_i32_1 = arith.constant 0 : i32
    return %c0_i32, %c0_i32_0 : i32, i32
  }
  func.func @transform_9(%arg0: i32) -> (i32, i32) {
    %c0_i32 = arith.constant 0 : i32
    %c0_i32_0 = arith.constant 0 : i32
    %c0_i32_1 = arith.constant 0 : i32
    return %c0_i32, %c0_i32_0 : i32, i32
  }
  func.func @transform_10(%arg0: i32) -> (i32, i32) {
    %c0_i32 = arith.constant 0 : i32
    %c0_i32_0 = arith.constant 0 : i32
    %c0_i32_1 = arith.constant 0 : i32
    return %c0_i32, %c0_i32_0 : i32, i32
  }
  func.func @transform_11(%arg0: i32) -> (i32, i32) {
    %c0_i32 = arith.constant 0 : i32
    %c0_i32_0 = arith.constant 0 : i32
    %c0_i32_1 = arith.constant 0 : i32
    return %c0_i32, %c0_i32_0 : i32, i32
  }
  func.func @transform_12(%arg0: i32) -> (i32, i32) {
    %c0_i32 = arith.constant 0 : i32
    %c0_i32_0 = arith.constant 0 : i32
    %c0_i32_1 = arith.constant 0 : i32
    return %c0_i32, %c0_i32_0 : i32, i32
  }
  func.func @transform_13(%arg0: i32) -> (i32, i32) {
    %c0_i32 = arith.constant 0 : i32
    %c0_i32_0 = arith.constant 0 : i32
    return %arg0, %c0_i32 : i32, i32
  }
}

module attributes {stable_mosaic.version = 14 : i64} {
  func.func @_combine_kernel(%arg0: i32, %arg1: memref<1000x128xf32, #tpu.memory_space<vmem>>, %arg2: memref<3x1000x128xf32, #tpu.memory_space<vmem>>, %arg3: memref<128x128xf32, #tpu.memory_space<vmem>>, %arg4: memref<3x128x128xf32, #tpu.memory_space<vmem>>, %arg5: memref<1x128xf32, #tpu.memory_space<vmem>>, %arg6: memref<1000x128xf32, #tpu.memory_space<vmem>>, %arg7: memref<2x128xf32, #tpu.memory_space<vmem>>, %arg8: memref<2x128xf32, #tpu.memory_space<vmem>>) attributes {dimension_semantics = [#tpu.dimension_semantics<arbitrary>], iteration_bounds = array<i64: 50>, scalar_prefetch = 0 : i64, scratch_operands = 1 : i64, tpu.core_type = #tpu.core_type<tc>, window_params = [{transform_indices = @transform_0, window_bounds = array<i64: 1000, 128>}, {transform_indices = @transform_1, window_bounds = array<i64: 3, 1000, 128>}, {pipeline_mode = #tpu.pipeline_mode<synchronous>, transform_indices = @transform_2, window_bounds = array<i64: 128, 128>}, {pipeline_mode = #tpu.pipeline_mode<synchronous>, transform_indices = @transform_3, window_bounds = array<i64: 3, 128, 128>}, {pipeline_mode = #tpu.pipeline_mode<synchronous>, transform_indices = @transform_4, window_bounds = array<i64: 1, 128>}, {transform_indices = @transform_5, window_bounds = array<i64: 1000, 128>}, {pipeline_mode = #tpu.pipeline_mode<synchronous>, transform_indices = @transform_6, window_bounds = array<i64: 2, 128>}]} {
    %get3A = arith.constant 0 : index
    %get3A_0 = arith.constant 0 : index
    %get3A_1 = vector.load %arg1[%get3A, %get3A_0] : memref<1000x128xf32, #tpu.memory_space<vmem>>, vector<1000x128xf32>
    %get3A_2 = arith.constant 0 : index
    %get3A_3 = arith.constant 0 : index
    %get3A_4 = vector.load %arg3[%get3A_2, %get3A_3] : memref<128x128xf32, #tpu.memory_space<vmem>>, vector<128x128xf32>
    %dot_general3A = arith.constant dense<0.000000e+00> : vector<1000x128xf32>
    %dot_general3A_5 = tpu.matmul %get3A_1, %get3A_4, %dot_general3A {dimension_numbers = #tpu.dot_dimension_numbers<[1], [0], [0], [1], [0, 0, 1, 1], [], []>, transpose_lhs_hint = false} : vector<1000x128xf32>, vector<128x128xf32>, vector<1000x128xf32> -> vector<1000x128xf32>
    %get3A_6 = arith.constant 0 : index
    %get3A_7 = arith.constant 0 : index
    %get3A_8 = vector.load %arg5[%get3A_6, %get3A_7] : memref<1x128xf32, #tpu.memory_space<vmem>>, vector<1x128xf32>
    %get3A_9 = vector.shape_cast %get3A_8 : vector<1x128xf32> to vector<128xf32>
    %broadcast_in_dim3A = vector.shape_cast %get3A_9 : vector<128xf32> to vector<1x128xf32>
    %add3A = vector.broadcast %broadcast_in_dim3A : vector<1x128xf32> to vector<1000x128xf32>
    %add3A_10 = arith.addf %dot_general3A_5, %add3A : vector<1000x128xf32>
    %get3A_11 = arith.constant 0 : index
    %get3A_12 = arith.constant 0 : index
    %get3A_13 = arith.constant 0 : index
    %get3A_14 = vector.load %arg2[%get3A_11, %get3A_12, %get3A_13] : memref<3x1000x128xf32, #tpu.memory_space<vmem>>, vector<1x1000x128xf32>
    %get3A_15 = vector.shape_cast %get3A_14 : vector<1x1000x128xf32> to vector<1000x128xf32>
    %slice3A = vector.extract_strided_slice %get3A_15 {offsets = [0, 112], sizes = [1000, 16], strides = [1, 1]} : vector<1000x128xf32> to vector<1000x16xf32>
    %reduce_max3A = arith.constant dense<0xFF800000> : vector<1000xf32>
    %reduce_max3A_16 = vector.multi_reduction <maximumf>, %slice3A, %reduce_max3A [1] : vector<1000x16xf32> to vector<1000xf32>
    %broadcast_in_dim3A_17 = vector.shape_cast %reduce_max3A_16 : vector<1000xf32> to vector<1000x1xf32>
    %max3A = arith.constant 1.000000e+00 : f32
    %max3A_18 = vector.broadcast %max3A : f32 to vector<1000x1xf32>
    %max3A_19 = arith.maximumf %broadcast_in_dim3A_17, %max3A_18 : vector<1000x1xf32>
    %div3A = vector.broadcast %max3A_19 : vector<1000x1xf32> to vector<1000x128xf32>
    %div3A_20 = arith.divf %get3A_15, %div3A : vector<1000x128xf32>
    %get3A_21 = arith.constant 0 : index
    %get3A_22 = arith.constant 0 : index
    %get3A_23 = arith.constant 0 : index
    %get3A_24 = vector.load %arg4[%get3A_21, %get3A_22, %get3A_23] : memref<3x128x128xf32, #tpu.memory_space<vmem>>, vector<1x128x128xf32>
    %get3A_25 = vector.shape_cast %get3A_24 : vector<1x128x128xf32> to vector<128x128xf32>
    %dot_general3A_26 = arith.constant dense<0.000000e+00> : vector<1000x128xf32>
    %dot_general3A_27 = tpu.matmul %div3A_20, %get3A_25, %dot_general3A_26 {dimension_numbers = #tpu.dot_dimension_numbers<[1], [0], [0], [1], [0, 0, 1, 1], [], []>, transpose_lhs_hint = false} : vector<1000x128xf32>, vector<128x128xf32>, vector<1000x128xf32> -> vector<1000x128xf32>
    %add3A_28 = arith.addf %add3A_10, %dot_general3A_27 : vector<1000x128xf32>
    %get3A_29 = arith.constant 1 : index
    %get3A_30 = arith.constant 0 : index
    %get3A_31 = arith.constant 0 : index
    %get3A_32 = vector.load %arg2[%get3A_29, %get3A_30, %get3A_31] : memref<3x1000x128xf32, #tpu.memory_space<vmem>>, vector<1x1000x128xf32>
    %get3A_33 = vector.shape_cast %get3A_32 : vector<1x1000x128xf32> to vector<1000x128xf32>
    %slice3A_34 = vector.extract_strided_slice %get3A_33 {offsets = [0, 112], sizes = [1000, 16], strides = [1, 1]} : vector<1000x128xf32> to vector<1000x16xf32>
    %reduce_max3A_35 = arith.constant dense<0xFF800000> : vector<1000xf32>
    %reduce_max3A_36 = vector.multi_reduction <maximumf>, %slice3A_34, %reduce_max3A_35 [1] : vector<1000x16xf32> to vector<1000xf32>
    %broadcast_in_dim3A_37 = vector.shape_cast %reduce_max3A_36 : vector<1000xf32> to vector<1000x1xf32>
    %max3A_38 = arith.constant 1.000000e+00 : f32
    %max3A_39 = vector.broadcast %max3A_38 : f32 to vector<1000x1xf32>
    %max3A_40 = arith.maximumf %broadcast_in_dim3A_37, %max3A_39 : vector<1000x1xf32>
    %div3A_41 = vector.broadcast %max3A_40 : vector<1000x1xf32> to vector<1000x128xf32>
    %div3A_42 = arith.divf %get3A_33, %div3A_41 : vector<1000x128xf32>
    %get3A_43 = arith.constant 1 : index
    %get3A_44 = arith.constant 0 : index
    %get3A_45 = arith.constant 0 : index
    %get3A_46 = vector.load %arg4[%get3A_43, %get3A_44, %get3A_45] : memref<3x128x128xf32, #tpu.memory_space<vmem>>, vector<1x128x128xf32>
    %get3A_47 = vector.shape_cast %get3A_46 : vector<1x128x128xf32> to vector<128x128xf32>
    %dot_general3A_48 = arith.constant dense<0.000000e+00> : vector<1000x128xf32>
    %dot_general3A_49 = tpu.matmul %div3A_42, %get3A_47, %dot_general3A_48 {dimension_numbers = #tpu.dot_dimension_numbers<[1], [0], [0], [1], [0, 0, 1, 1], [], []>, transpose_lhs_hint = false} : vector<1000x128xf32>, vector<128x128xf32>, vector<1000x128xf32> -> vector<1000x128xf32>
    %add3A_50 = arith.addf %add3A_28, %dot_general3A_49 : vector<1000x128xf32>
    %get3A_51 = arith.constant 2 : index
    %get3A_52 = arith.constant 0 : index
    %get3A_53 = arith.constant 0 : index
    %get3A_54 = vector.load %arg2[%get3A_51, %get3A_52, %get3A_53] : memref<3x1000x128xf32, #tpu.memory_space<vmem>>, vector<1x1000x128xf32>
    %get3A_55 = vector.shape_cast %get3A_54 : vector<1x1000x128xf32> to vector<1000x128xf32>
    %slice3A_56 = vector.extract_strided_slice %get3A_55 {offsets = [0, 112], sizes = [1000, 16], strides = [1, 1]} : vector<1000x128xf32> to vector<1000x16xf32>
    %reduce_max3A_57 = arith.constant dense<0xFF800000> : vector<1000xf32>
    %reduce_max3A_58 = vector.multi_reduction <maximumf>, %slice3A_56, %reduce_max3A_57 [1] : vector<1000x16xf32> to vector<1000xf32>
    %broadcast_in_dim3A_59 = vector.shape_cast %reduce_max3A_58 : vector<1000xf32> to vector<1000x1xf32>
    %max3A_60 = arith.constant 1.000000e+00 : f32
    %max3A_61 = vector.broadcast %max3A_60 : f32 to vector<1000x1xf32>
    %max3A_62 = arith.maximumf %broadcast_in_dim3A_59, %max3A_61 : vector<1000x1xf32>
    %div3A_63 = vector.broadcast %max3A_62 : vector<1000x1xf32> to vector<1000x128xf32>
    %div3A_64 = arith.divf %get3A_55, %div3A_63 : vector<1000x128xf32>
    %get3A_65 = arith.constant 2 : index
    %get3A_66 = arith.constant 0 : index
    %get3A_67 = arith.constant 0 : index
    %get3A_68 = vector.load %arg4[%get3A_65, %get3A_66, %get3A_67] : memref<3x128x128xf32, #tpu.memory_space<vmem>>, vector<1x128x128xf32>
    %get3A_69 = vector.shape_cast %get3A_68 : vector<1x128x128xf32> to vector<128x128xf32>
    %dot_general3A_70 = arith.constant dense<0.000000e+00> : vector<1000x128xf32>
    %dot_general3A_71 = tpu.matmul %div3A_64, %get3A_69, %dot_general3A_70 {dimension_numbers = #tpu.dot_dimension_numbers<[1], [0], [0], [1], [0, 0, 1, 1], [], []>, transpose_lhs_hint = false} : vector<1000x128xf32>, vector<128x128xf32>, vector<1000x128xf32> -> vector<1000x128xf32>
    %add3A_72 = arith.addf %add3A_50, %dot_general3A_71 : vector<1000x128xf32>
    %swap3A = arith.constant 0 : index
    %swap3A_73 = arith.constant 0 : index
    %swap3A_74 = vector.load %arg6[%swap3A, %swap3A_73] : memref<1000x128xf32, #tpu.memory_space<vmem>>, vector<1000x128xf32>
    tpu.vector_store %arg6[%swap3A, %swap3A_73], %add3A_72 {strides = array<i32>} : memref<1000x128xf32, #tpu.memory_space<vmem>>, vector<1000x128xf32>,
    %eq3A = arith.constant 0 : i32
    %eq3A_75 = arith.cmpi eq, %arg0, %eq3A : i32
    %convert_element_type3A = arith.extui %eq3A_75 : i1 to i32
    %cond3A = arith.constant 0 : i32
    %cond3A_76 = arith.cmpi ne, %convert_element_type3A, %cond3A : i32
    scf.if %cond3A_76 {
      %broadcast_in_dim3A_105 = arith.constant 0.000000e+00 : f32
      %broadcast_in_dim3A_106 = vector.broadcast %broadcast_in_dim3A_105 : f32 to vector<2x128xf32>
      %swap3A_107 = arith.constant 0 : index
      %swap3A_108 = arith.constant 0 : index
      %swap3A_109 = vector.load %arg8[%swap3A_107, %swap3A_108] : memref<2x128xf32, #tpu.memory_space<vmem>>, vector<2x128xf32>
      tpu.vector_store %arg8[%swap3A_107, %swap3A_108], %broadcast_in_dim3A_106 {strides = array<i32>} : memref<2x128xf32, #tpu.memory_space<vmem>>, vector<2x128xf32>,
    } else {
    }
    %get3A_77 = arith.constant 0 : index
    %get3A_78 = arith.constant 0 : index
    %get3A_79 = vector.load %arg8[%get3A_77, %get3A_78] : memref<2x128xf32, #tpu.memory_space<vmem>>, vector<1x128xf32>
    %get3A_80 = vector.shape_cast %get3A_79 : vector<1x128xf32> to vector<128xf32>
    %reduce_sum3A = arith.constant dense<0.000000e+00> : vector<128xf32>
    %reduce_sum3A_81 = vector.multi_reduction <add>, %add3A_72, %reduce_sum3A [0] : vector<1000x128xf32> to vector<128xf32>
    %add3A_82 = arith.addf %get3A_80, %reduce_sum3A_81 : vector<128xf32>
    %swap3A_83 = arith.constant 0 : index
    %swap3A_84 = arith.constant 0 : index
    %swap3A_85 = vector.load %arg8[%swap3A_83, %swap3A_84] : memref<2x128xf32, #tpu.memory_space<vmem>>, vector<1x128xf32>
    %swap3A_86 = vector.shape_cast %swap3A_85 : vector<1x128xf32> to vector<128xf32>
    %swap3A_87 = vector.shape_cast %add3A_82 : vector<128xf32> to vector<1x128xf32>
    tpu.vector_store %arg8[%swap3A_83, %swap3A_84], %swap3A_87 {strides = array<i32>} : memref<2x128xf32, #tpu.memory_space<vmem>>, vector<1x128xf32>,
    %get3A_88 = arith.constant 1 : index
    %get3A_89 = arith.constant 0 : index
    %get3A_90 = vector.load %arg8[%get3A_88, %get3A_89] : memref<2x128xf32, #tpu.memory_space<vmem>>, vector<1x128xf32>
    %get3A_91 = vector.shape_cast %get3A_90 : vector<1x128xf32> to vector<128xf32>
    %mul3A = arith.mulf %add3A_72, %add3A_72 : vector<1000x128xf32>
    %reduce_sum3A_92 = arith.constant dense<0.000000e+00> : vector<128xf32>
    %reduce_sum3A_93 = vector.multi_reduction <add>, %mul3A, %reduce_sum3A_92 [0] : vector<1000x128xf32> to vector<128xf32>
    %add3A_94 = arith.addf %get3A_91, %reduce_sum3A_93 : vector<128xf32>
    %swap3A_95 = arith.constant 1 : index
    %swap3A_96 = arith.constant 0 : index
    %swap3A_97 = vector.load %arg8[%swap3A_95, %swap3A_96] : memref<2x128xf32, #tpu.memory_space<vmem>>, vector<1x128xf32>
    %swap3A_98 = vector.shape_cast %swap3A_97 : vector<1x128xf32> to vector<128xf32>
    %swap3A_99 = vector.shape_cast %add3A_94 : vector<128xf32> to vector<1x128xf32>
    tpu.vector_store %arg8[%swap3A_95, %swap3A_96], %swap3A_99 {strides = array<i32>} : memref<2x128xf32, #tpu.memory_space<vmem>>, vector<1x128xf32>,
    %eq3A_100 = arith.constant 49 : i32
    %eq3A_101 = arith.cmpi eq, %arg0, %eq3A_100 : i32
    %convert_element_type3A_102 = arith.extui %eq3A_101 : i1 to i32
    %cond3A_103 = arith.constant 0 : i32
    %cond3A_104 = arith.cmpi ne, %convert_element_type3A_102, %cond3A_103 : i32
    scf.if %cond3A_104 {
      %get3A_105 = arith.constant 0 : index
      %get3A_106 = arith.constant 0 : index
      %get3A_107 = vector.load %arg8[%get3A_105, %get3A_106] : memref<2x128xf32, #tpu.memory_space<vmem>>, vector<2x128xf32>
      %swap3A_108 = arith.constant 0 : index
      %swap3A_109 = arith.constant 0 : index
      %swap3A_110 = vector.load %arg7[%swap3A_108, %swap3A_109] : memref<2x128xf32, #tpu.memory_space<vmem>>, vector<2x128xf32>
      tpu.vector_store %arg7[%swap3A_108, %swap3A_109], %get3A_107 {strides = array<i32>} : memref<2x128xf32, #tpu.memory_space<vmem>>, vector<2x128xf32>,
    } else {
    }
    return
  }
  func.func @transform_0(%arg0: i32) -> (i32, i32) {
    %c0_i32 = arith.constant 0 : i32
    %c0_i32_0 = arith.constant 0 : i32
    return %arg0, %c0_i32 : i32, i32
  }
  func.func @transform_1(%arg0: i32) -> (i32, i32, i32) {
    %c0_i32 = arith.constant 0 : i32
    %c0_i32_0 = arith.constant 0 : i32
    %c0_i32_1 = arith.constant 0 : i32
    return %c0_i32, %arg0, %c0_i32_0 : i32, i32, i32
  }
  func.func @transform_2(%arg0: i32) -> (i32, i32) {
    %c0_i32 = arith.constant 0 : i32
    %c0_i32_0 = arith.constant 0 : i32
    %c0_i32_1 = arith.constant 0 : i32
    return %c0_i32, %c0_i32_0 : i32, i32
  }
  func.func @transform_3(%arg0: i32) -> (i32, i32, i32) {
    %c0_i32 = arith.constant 0 : i32
    %c0_i32_0 = arith.constant 0 : i32
    %c0_i32_1 = arith.constant 0 : i32
    %c0_i32_2 = arith.constant 0 : i32
    return %c0_i32, %c0_i32_0, %c0_i32_1 : i32, i32, i32
  }
  func.func @transform_4(%arg0: i32) -> (i32, i32) {
    %c0_i32 = arith.constant 0 : i32
    %c0_i32_0 = arith.constant 0 : i32
    %c0_i32_1 = arith.constant 0 : i32
    return %c0_i32, %c0_i32_0 : i32, i32
  }
  func.func @transform_5(%arg0: i32) -> (i32, i32) {
    %c0_i32 = arith.constant 0 : i32
    %c0_i32_0 = arith.constant 0 : i32
    return %arg0, %c0_i32 : i32, i32
  }
  func.func @transform_6(%arg0: i32) -> (i32, i32) {
    %c0_i32 = arith.constant 0 : i32
    %c0_i32_0 = arith.constant 0 : i32
    %c0_i32_1 = arith.constant 0 : i32
    return %c0_i32, %c0_i32_0 : i32, i32
  }
}

module attributes {stable_mosaic.version = 14 : i64} {
  func.func @_bn_kernel(%arg0: i32, %arg1: memref<1000x128xf32, #tpu.memory_space<vmem>>, %arg2: memref<2x128xf32, #tpu.memory_space<vmem>>, %arg3: memref<2x128xf32, #tpu.memory_space<vmem>>, %arg4: memref<3x128xf32, #tpu.memory_space<vmem>>, %arg5: memref<1000x128xf32, #tpu.memory_space<vmem>>) attributes {dimension_semantics = [#tpu.dimension_semantics<arbitrary>], iteration_bounds = array<i64: 50>, scalar_prefetch = 0 : i64, scratch_operands = 0 : i64, tpu.core_type = #tpu.core_type<tc>, window_params = [{transform_indices = @transform_0, window_bounds = array<i64: 1000, 128>}, {pipeline_mode = #tpu.pipeline_mode<synchronous>, transform_indices = @transform_1, window_bounds = array<i64: 2, 128>}, {pipeline_mode = #tpu.pipeline_mode<synchronous>, transform_indices = @transform_2, window_bounds = array<i64: 2, 128>}, {pipeline_mode = #tpu.pipeline_mode<synchronous>, transform_indices = @transform_3, window_bounds = array<i64: 3, 128>}, {transform_indices = @transform_4, window_bounds = array<i64: 1000, 128>}]} {
    %get3A = arith.constant 0 : index
    %get3A_0 = arith.constant 0 : index
    %get3A_1 = vector.load %arg1[%get3A, %get3A_0] : memref<1000x128xf32, #tpu.memory_space<vmem>>, vector<1000x128xf32>
    %get3A_2 = arith.constant 0 : index
    %get3A_3 = arith.constant 0 : index
    %get3A_4 = vector.load %arg2[%get3A_2, %get3A_3] : memref<2x128xf32, #tpu.memory_space<vmem>>, vector<1x128xf32>
    %get3A_5 = vector.shape_cast %get3A_4 : vector<1x128xf32> to vector<128xf32>
    %mul3A = arith.constant 2.000000e-05 : f32
    %mul3A_6 = vector.broadcast %mul3A : f32 to vector<128xf32>
    %mul3A_7 = arith.mulf %get3A_5, %mul3A_6 : vector<128xf32>
    %get3A_8 = arith.constant 1 : index
    %get3A_9 = arith.constant 0 : index
    %get3A_10 = vector.load %arg2[%get3A_8, %get3A_9] : memref<2x128xf32, #tpu.memory_space<vmem>>, vector<1x128xf32>
    %get3A_11 = vector.shape_cast %get3A_10 : vector<1x128xf32> to vector<128xf32>
    %mul3A_12 = arith.constant 2.000000e-05 : f32
    %mul3A_13 = vector.broadcast %mul3A_12 : f32 to vector<128xf32>
    %mul3A_14 = arith.mulf %get3A_11, %mul3A_13 : vector<128xf32>
    %mul3A_15 = arith.mulf %mul3A_7, %mul3A_7 : vector<128xf32>
    %sub3A = arith.subf %mul3A_14, %mul3A_15 : vector<128xf32>
    %get3A_16 = arith.constant 0 : index
    %get3A_17 = arith.constant 0 : index
    %get3A_18 = vector.load %arg3[%get3A_16, %get3A_17] : memref<2x128xf32, #tpu.memory_space<vmem>>, vector<1x128xf32>
    %get3A_19 = vector.shape_cast %get3A_18 : vector<1x128xf32> to vector<128xf32>
    %add3A = arith.constant 9.99999974E-6 : f32
    %add3A_20 = vector.broadcast %add3A : f32 to vector<128xf32>
    %add3A_21 = arith.addf %sub3A, %add3A_20 : vector<128xf32>
    %sqrt3A = math.sqrt %add3A_21 : vector<128xf32>
    %div3A = arith.divf %get3A_19, %sqrt3A : vector<128xf32>
    %broadcast_in_dim3A = vector.shape_cast %mul3A_7 : vector<128xf32> to vector<1x128xf32>
    %sub3A_22 = vector.broadcast %broadcast_in_dim3A : vector<1x128xf32> to vector<1000x128xf32>
    %sub3A_23 = arith.subf %get3A_1, %sub3A_22 : vector<1000x128xf32>
    %broadcast_in_dim3A_24 = vector.shape_cast %div3A : vector<128xf32> to vector<1x128xf32>
    %mul3A_25 = vector.broadcast %broadcast_in_dim3A_24 : vector<1x128xf32> to vector<1000x128xf32>
    %mul3A_26 = arith.mulf %sub3A_23, %mul3A_25 : vector<1000x128xf32>
    %get3A_27 = arith.constant 1 : index
    %get3A_28 = arith.constant 0 : index
    %get3A_29 = vector.load %arg3[%get3A_27, %get3A_28] : memref<2x128xf32, #tpu.memory_space<vmem>>, vector<1x128xf32>
    %get3A_30 = vector.shape_cast %get3A_29 : vector<1x128xf32> to vector<128xf32>
    %broadcast_in_dim3A_31 = vector.shape_cast %get3A_30 : vector<128xf32> to vector<1x128xf32>
    %add3A_32 = vector.broadcast %broadcast_in_dim3A_31 : vector<1x128xf32> to vector<1000x128xf32>
    %add3A_33 = arith.addf %mul3A_26, %add3A_32 : vector<1000x128xf32>
    %gt3A = arith.constant 0.000000e+00 : f32
    %gt3A_34 = vector.broadcast %gt3A : f32 to vector<1000x128xf32>
    %gt3A_35 = arith.cmpf ogt, %add3A_33, %gt3A_34 : vector<1000x128xf32>
    %mul3A_36 = arith.constant 0.00999999977 : f32
    %mul3A_37 = vector.broadcast %mul3A_36 : f32 to vector<1000x128xf32>
    %mul3A_38 = arith.mulf %mul3A_37, %add3A_33 : vector<1000x128xf32>
    %select_n3A = arith.select %gt3A_35, %add3A_33, %mul3A_38 : vector<1000x128xi1>, vector<1000x128xf32>
    %get3A_39 = arith.constant 0 : index
    %get3A_40 = arith.constant 0 : index
    %get3A_41 = vector.load %arg4[%get3A_39, %get3A_40] : memref<3x128xf32, #tpu.memory_space<vmem>>, vector<1x128xf32>
    %get3A_42 = vector.shape_cast %get3A_41 : vector<1x128xf32> to vector<128xf32>
    %broadcast_in_dim3A_43 = vector.shape_cast %get3A_42 : vector<128xf32> to vector<1x128xf32>
    %sub3A_44 = arith.constant 1.000000e+00 : f32
    %sub3A_45 = vector.broadcast %sub3A_44 : f32 to vector<1x128xf32>
    %sub3A_46 = arith.subf %sub3A_45, %broadcast_in_dim3A_43 : vector<1x128xf32>
    %mul3A_47 = vector.broadcast %sub3A_46 : vector<1x128xf32> to vector<1000x128xf32>
    %mul3A_48 = arith.mulf %select_n3A, %mul3A_47 : vector<1000x128xf32>
    %add3A_49 = vector.broadcast %broadcast_in_dim3A_43 : vector<1x128xf32> to vector<1000x128xf32>
    %add3A_50 = arith.addf %mul3A_48, %add3A_49 : vector<1000x128xf32>
    %swap3A = arith.constant 0 : index
    %swap3A_51 = arith.constant 0 : index
    %swap3A_52 = vector.load %arg5[%swap3A, %swap3A_51] : memref<1000x128xf32, #tpu.memory_space<vmem>>, vector<1000x128xf32>
    tpu.vector_store %arg5[%swap3A, %swap3A_51], %add3A_50 {strides = array<i32>} : memref<1000x128xf32, #tpu.memory_space<vmem>>, vector<1000x128xf32>,
    return
  }
  func.func @transform_0(%arg0: i32) -> (i32, i32) {
    %c0_i32 = arith.constant 0 : i32
    %c0_i32_0 = arith.constant 0 : i32
    return %arg0, %c0_i32 : i32, i32
  }
  func.func @transform_1(%arg0: i32) -> (i32, i32) {
    %c0_i32 = arith.constant 0 : i32
    %c0_i32_0 = arith.constant 0 : i32
    %c0_i32_1 = arith.constant 0 : i32
    return %c0_i32, %c0_i32_0 : i32, i32
  }
  func.func @transform_2(%arg0: i32) -> (i32, i32) {
    %c0_i32 = arith.constant 0 : i32
    %c0_i32_0 = arith.constant 0 : i32
    %c0_i32_1 = arith.constant 0 : i32
    return %c0_i32, %c0_i32_0 : i32, i32
  }
  func.func @transform_3(%arg0: i32) -> (i32, i32) {
    %c0_i32 = arith.constant 0 : i32
    %c0_i32_0 = arith.constant 0 : i32
    %c0_i32_1 = arith.constant 0 : i32
    return %c0_i32, %c0_i32_0 : i32, i32
  }
  func.func @transform_4(%arg0: i32) -> (i32, i32) {
    %c0_i32 = arith.constant 0 : i32
    %c0_i32_0 = arith.constant 0 : i32
    return %arg0, %c0_i32 : i32, i32
  }
}

module attributes {stable_mosaic.version = 14 : i64} {
  func.func @_head_kernel(%arg0: i32, %arg1: memref<1000x128xf32, #tpu.memory_space<vmem>>, %arg2: memref<2x128xf32, #tpu.memory_space<vmem>>, %arg3: memref<2x128xf32, #tpu.memory_space<vmem>>, %arg4: memref<128x128xf32, #tpu.memory_space<vmem>>, %arg5: memref<128xf32, #tpu.memory_space<vmem>>, %arg6: memref<128x128xf32, #tpu.memory_space<vmem>>, %arg7: memref<128xf32, #tpu.memory_space<vmem>>, %arg8: memref<128x128xf32, #tpu.memory_space<vmem>>, %arg9: memref<128xf32, #tpu.memory_space<vmem>>, %arg10: memref<1000x128xf32, #tpu.memory_space<vmem>>) attributes {dimension_semantics = [#tpu.dimension_semantics<arbitrary>], iteration_bounds = array<i64: 50>, scalar_prefetch = 0 : i64, scratch_operands = 0 : i64, tpu.core_type = #tpu.core_type<tc>, window_params = [{transform_indices = @transform_0, window_bounds = array<i64: 1000, 128>}, {pipeline_mode = #tpu.pipeline_mode<synchronous>, transform_indices = @transform_1, window_bounds = array<i64: 2, 128>}, {pipeline_mode = #tpu.pipeline_mode<synchronous>, transform_indices = @transform_2, window_bounds = array<i64: 2, 128>}, {pipeline_mode = #tpu.pipeline_mode<synchronous>, transform_indices = @transform_3, window_bounds = array<i64: 128, 128>}, {pipeline_mode = #tpu.pipeline_mode<synchronous>, transform_indices = @transform_4, window_bounds = array<i64: 128>}, {pipeline_mode = #tpu.pipeline_mode<synchronous>, transform_indices = @transform_5, window_bounds = array<i64: 128, 128>}, {pipeline_mode = #tpu.pipeline_mode<synchronous>, transform_indices = @transform_6, window_bounds = array<i64: 128>}, {pipeline_mode = #tpu.pipeline_mode<synchronous>, transform_indices = @transform_7, window_bounds = array<i64: 128, 128>}, {pipeline_mode = #tpu.pipeline_mode<synchronous>, transform_indices = @transform_8, window_bounds = array<i64: 128>}, {transform_indices = @transform_9, window_bounds = array<i64: 1000, 128>}]} {
    %get3A = arith.constant 0 : index
    %get3A_0 = arith.constant 0 : index
    %get3A_1 = vector.load %arg1[%get3A, %get3A_0] : memref<1000x128xf32, #tpu.memory_space<vmem>>, vector<1000x128xf32>
    %get3A_2 = arith.constant 0 : index
    %get3A_3 = arith.constant 0 : index
    %get3A_4 = vector.load %arg2[%get3A_2, %get3A_3] : memref<2x128xf32, #tpu.memory_space<vmem>>, vector<1x128xf32>
    %get3A_5 = vector.shape_cast %get3A_4 : vector<1x128xf32> to vector<128xf32>
    %mul3A = arith.constant 2.000000e-05 : f32
    %mul3A_6 = vector.broadcast %mul3A : f32 to vector<128xf32>
    %mul3A_7 = arith.mulf %get3A_5, %mul3A_6 : vector<128xf32>
    %get3A_8 = arith.constant 1 : index
    %get3A_9 = arith.constant 0 : index
    %get3A_10 = vector.load %arg2[%get3A_8, %get3A_9] : memref<2x128xf32, #tpu.memory_space<vmem>>, vector<1x128xf32>
    %get3A_11 = vector.shape_cast %get3A_10 : vector<1x128xf32> to vector<128xf32>
    %mul3A_12 = arith.constant 2.000000e-05 : f32
    %mul3A_13 = vector.broadcast %mul3A_12 : f32 to vector<128xf32>
    %mul3A_14 = arith.mulf %get3A_11, %mul3A_13 : vector<128xf32>
    %mul3A_15 = arith.mulf %mul3A_7, %mul3A_7 : vector<128xf32>
    %sub3A = arith.subf %mul3A_14, %mul3A_15 : vector<128xf32>
    %get3A_16 = arith.constant 0 : index
    %get3A_17 = arith.constant 0 : index
    %get3A_18 = vector.load %arg3[%get3A_16, %get3A_17] : memref<2x128xf32, #tpu.memory_space<vmem>>, vector<1x128xf32>
    %get3A_19 = vector.shape_cast %get3A_18 : vector<1x128xf32> to vector<128xf32>
    %add3A = arith.constant 9.99999974E-6 : f32
    %add3A_20 = vector.broadcast %add3A : f32 to vector<128xf32>
    %add3A_21 = arith.addf %sub3A, %add3A_20 : vector<128xf32>
    %sqrt3A = math.sqrt %add3A_21 : vector<128xf32>
    %div3A = arith.divf %get3A_19, %sqrt3A : vector<128xf32>
    %broadcast_in_dim3A = vector.shape_cast %mul3A_7 : vector<128xf32> to vector<1x128xf32>
    %sub3A_22 = vector.broadcast %broadcast_in_dim3A : vector<1x128xf32> to vector<1000x128xf32>
    %sub3A_23 = arith.subf %get3A_1, %sub3A_22 : vector<1000x128xf32>
    %broadcast_in_dim3A_24 = vector.shape_cast %div3A : vector<128xf32> to vector<1x128xf32>
    %mul3A_25 = vector.broadcast %broadcast_in_dim3A_24 : vector<1x128xf32> to vector<1000x128xf32>
    %mul3A_26 = arith.mulf %sub3A_23, %mul3A_25 : vector<1000x128xf32>
    %get3A_27 = arith.constant 1 : index
    %get3A_28 = arith.constant 0 : index
    %get3A_29 = vector.load %arg3[%get3A_27, %get3A_28] : memref<2x128xf32, #tpu.memory_space<vmem>>, vector<1x128xf32>
    %get3A_30 = vector.shape_cast %get3A_29 : vector<1x128xf32> to vector<128xf32>
    %broadcast_in_dim3A_31 = vector.shape_cast %get3A_30 : vector<128xf32> to vector<1x128xf32>
    %add3A_32 = vector.broadcast %broadcast_in_dim3A_31 : vector<1x128xf32> to vector<1000x128xf32>
    %add3A_33 = arith.addf %mul3A_26, %add3A_32 : vector<1000x128xf32>
    %gt3A = arith.constant 0.000000e+00 : f32
    %gt3A_34 = vector.broadcast %gt3A : f32 to vector<1000x128xf32>
    %gt3A_35 = arith.cmpf ogt, %add3A_33, %gt3A_34 : vector<1000x128xf32>
    %mul3A_36 = arith.constant 0.00999999977 : f32
    %mul3A_37 = vector.broadcast %mul3A_36 : f32 to vector<1000x128xf32>
    %mul3A_38 = arith.mulf %mul3A_37, %add3A_33 : vector<1000x128xf32>
    %select_n3A = arith.select %gt3A_35, %add3A_33, %mul3A_38 : vector<1000x128xi1>, vector<1000x128xf32>
    %get3A_39 = arith.constant 0 : index
    %get3A_40 = arith.constant 0 : index
    %get3A_41 = vector.load %arg4[%get3A_39, %get3A_40] : memref<128x128xf32, #tpu.memory_space<vmem>>, vector<128x128xf32>
    %dot_general3A = arith.constant dense<0.000000e+00> : vector<1000x128xf32>
    %dot_general3A_42 = tpu.matmul %select_n3A, %get3A_41, %dot_general3A {dimension_numbers = #tpu.dot_dimension_numbers<[1], [0], [0], [1], [0, 0, 1, 1], [], []>, transpose_lhs_hint = false} : vector<1000x128xf32>, vector<128x128xf32>, vector<1000x128xf32> -> vector<1000x128xf32>
    %get3A_43 = arith.constant 0 : index
    %get3A_44 = vector.load %arg5[%get3A_43] : memref<128xf32, #tpu.memory_space<vmem>>, vector<128xf32>
    %broadcast_in_dim3A_45 = vector.shape_cast %get3A_44 : vector<128xf32> to vector<1x128xf32>
    %add3A_46 = vector.broadcast %broadcast_in_dim3A_45 : vector<1x128xf32> to vector<1000x128xf32>
    %add3A_47 = arith.addf %dot_general3A_42, %add3A_46 : vector<1000x128xf32>
    %gt3A_48 = arith.constant 0.000000e+00 : f32
    %gt3A_49 = vector.broadcast %gt3A_48 : f32 to vector<1000x128xf32>
    %gt3A_50 = arith.cmpf ogt, %add3A_47, %gt3A_49 : vector<1000x128xf32>
    %mul3A_51 = arith.constant 0.00999999977 : f32
    %mul3A_52 = vector.broadcast %mul3A_51 : f32 to vector<1000x128xf32>
    %mul3A_53 = arith.mulf %mul3A_52, %add3A_47 : vector<1000x128xf32>
    %select_n3A_54 = arith.select %gt3A_50, %add3A_47, %mul3A_53 : vector<1000x128xi1>, vector<1000x128xf32>
    %get3A_55 = arith.constant 0 : index
    %get3A_56 = arith.constant 0 : index
    %get3A_57 = vector.load %arg6[%get3A_55, %get3A_56] : memref<128x128xf32, #tpu.memory_space<vmem>>, vector<128x128xf32>
    %dot_general3A_58 = arith.constant dense<0.000000e+00> : vector<1000x128xf32>
    %dot_general3A_59 = tpu.matmul %select_n3A_54, %get3A_57, %dot_general3A_58 {dimension_numbers = #tpu.dot_dimension_numbers<[1], [0], [0], [1], [0, 0, 1, 1], [], []>, transpose_lhs_hint = false} : vector<1000x128xf32>, vector<128x128xf32>, vector<1000x128xf32> -> vector<1000x128xf32>
    %get3A_60 = arith.constant 0 : index
    %get3A_61 = vector.load %arg7[%get3A_60] : memref<128xf32, #tpu.memory_space<vmem>>, vector<128xf32>
    %broadcast_in_dim3A_62 = vector.shape_cast %get3A_61 : vector<128xf32> to vector<1x128xf32>
    %add3A_63 = vector.broadcast %broadcast_in_dim3A_62 : vector<1x128xf32> to vector<1000x128xf32>
    %add3A_64 = arith.addf %dot_general3A_59, %add3A_63 : vector<1000x128xf32>
    %gt3A_65 = arith.constant 0.000000e+00 : f32
    %gt3A_66 = vector.broadcast %gt3A_65 : f32 to vector<1000x128xf32>
    %gt3A_67 = arith.cmpf ogt, %add3A_64, %gt3A_66 : vector<1000x128xf32>
    %mul3A_68 = arith.constant 0.00999999977 : f32
    %mul3A_69 = vector.broadcast %mul3A_68 : f32 to vector<1000x128xf32>
    %mul3A_70 = arith.mulf %mul3A_69, %add3A_64 : vector<1000x128xf32>
    %select_n3A_71 = arith.select %gt3A_67, %add3A_64, %mul3A_70 : vector<1000x128xi1>, vector<1000x128xf32>
    %get3A_72 = arith.constant 0 : index
    %get3A_73 = arith.constant 0 : index
    %get3A_74 = vector.load %arg8[%get3A_72, %get3A_73] : memref<128x128xf32, #tpu.memory_space<vmem>>, vector<128x128xf32>
    %dot_general3A_75 = arith.constant dense<0.000000e+00> : vector<1000x128xf32>
    %dot_general3A_76 = tpu.matmul %select_n3A_71, %get3A_74, %dot_general3A_75 {dimension_numbers = #tpu.dot_dimension_numbers<[1], [0], [0], [1], [0, 0, 1, 1], [], []>, transpose_lhs_hint = false} : vector<1000x128xf32>, vector<128x128xf32>, vector<1000x128xf32> -> vector<1000x128xf32>
    %get3A_77 = arith.constant 0 : index
    %get3A_78 = vector.load %arg9[%get3A_77] : memref<128xf32, #tpu.memory_space<vmem>>, vector<128xf32>
    %broadcast_in_dim3A_79 = vector.shape_cast %get3A_78 : vector<128xf32> to vector<1x128xf32>
    %add3A_80 = vector.broadcast %broadcast_in_dim3A_79 : vector<1x128xf32> to vector<1000x128xf32>
    %add3A_81 = arith.addf %dot_general3A_76, %add3A_80 : vector<1000x128xf32>
    %swap3A = arith.constant 0 : index
    %swap3A_82 = arith.constant 0 : index
    %swap3A_83 = vector.load %arg10[%swap3A, %swap3A_82] : memref<1000x128xf32, #tpu.memory_space<vmem>>, vector<1000x128xf32>
    tpu.vector_store %arg10[%swap3A, %swap3A_82], %add3A_81 {strides = array<i32>} : memref<1000x128xf32, #tpu.memory_space<vmem>>, vector<1000x128xf32>,
    return
  }
  func.func @transform_0(%arg0: i32) -> (i32, i32) {
    %c0_i32 = arith.constant 0 : i32
    %c0_i32_0 = arith.constant 0 : i32
    return %arg0, %c0_i32 : i32, i32
  }
  func.func @transform_1(%arg0: i32) -> (i32, i32) {
    %c0_i32 = arith.constant 0 : i32
    %c0_i32_0 = arith.constant 0 : i32
    %c0_i32_1 = arith.constant 0 : i32
    return %c0_i32, %c0_i32_0 : i32, i32
  }
  func.func @transform_2(%arg0: i32) -> (i32, i32) {
    %c0_i32 = arith.constant 0 : i32
    %c0_i32_0 = arith.constant 0 : i32
    %c0_i32_1 = arith.constant 0 : i32
    return %c0_i32, %c0_i32_0 : i32, i32
  }
  func.func @transform_3(%arg0: i32) -> (i32, i32) {
    %c0_i32 = arith.constant 0 : i32
    %c0_i32_0 = arith.constant 0 : i32
    %c0_i32_1 = arith.constant 0 : i32
    return %c0_i32, %c0_i32_0 : i32, i32
  }
  func.func @transform_4(%arg0: i32) -> i32 {
    %c0_i32 = arith.constant 0 : i32
    %c0_i32_0 = arith.constant 0 : i32
    return %c0_i32 : i32
  }
  func.func @transform_5(%arg0: i32) -> (i32, i32) {
    %c0_i32 = arith.constant 0 : i32
    %c0_i32_0 = arith.constant 0 : i32
    %c0_i32_1 = arith.constant 0 : i32
    return %c0_i32, %c0_i32_0 : i32, i32
  }
  func.func @transform_6(%arg0: i32) -> i32 {
    %c0_i32 = arith.constant 0 : i32
    %c0_i32_0 = arith.constant 0 : i32
    return %c0_i32 : i32
  }
  func.func @transform_7(%arg0: i32) -> (i32, i32) {
    %c0_i32 = arith.constant 0 : i32
    %c0_i32_0 = arith.constant 0 : i32
    %c0_i32_1 = arith.constant 0 : i32
    return %c0_i32, %c0_i32_0 : i32, i32
  }
  func.func @transform_8(%arg0: i32) -> i32 {
    %c0_i32 = arith.constant 0 : i32
    %c0_i32_0 = arith.constant 0 : i32
    return %c0_i32 : i32
  }
  func.func @transform_9(%arg0: i32) -> (i32, i32) {
    %c0_i32 = arith.constant 0 : i32
    %c0_i32_0 = arith.constant 0 : i32
    return %arg0, %c0_i32 : i32, i32
  }
}

</mosaic_0001>

<sc_bundles>
// kernel: kernel.12.cloned.1.call-start
scs
__scs_entry_jumppad:
0x0: {  	(pc) =	sbr.rel $0x88, $3  }
0x1: {  	(tag) =	ssettag $0x0;
	lr =	simm.s32 $0x1  }
0x2: {  	[smem:$0x3F7E] =	sst lr;
	_ =	strace $0xD0000000  }
0x3: {  	_ = 	snop  }
0x4: {  	_ = 	snop  }
0x5: {  	_ = 	snop  }
0x6: {  	_ = 	snop  }
0x7: {  	_ = 	snop  }
__scs_overlays_trampoline_lowered:
0x8: {  	[smem:$0x3F8D] =	sst s0  }
0x9: {  	[smem:$0x3F8E] =	sst s1  }
0xa: {  	[smem:$0x3F8F] =	sst s2  }
0xb: {  	[smem:$0x3F90] =	sst s3  }
0xc: {  	[smem:$0x3F91] =	sst s4  }
0xd: {  	[smem:$0x3F92] =	sst s5  }
0xe: {  	[smem:$0x3F93] =	sst s6  }
0xf: {  	[smem:$0x3F94] =	sst s7  }
0x10: {  	[smem:$0x3F95] =	sst s8  }
0x11: {  	[smem:$0x3F96] =	sst s9;
	s0 =	simm.s32 @!p0 $0x0  }
0x12: {  	s1 =	sld [smem:$0x3F7C];
	s0 =	simm.s32 @p0 $0x1  }
0x13: {  	[smem:$0x3F97] =	sst s0;
	s0 =	simm.s32 @!p1 $0x0  }
0x14: {  	s2 =	sld [smem:$0x3F7B];
	s0 =	simm.s32 @p1 $0x1  }
0x15: {  	[smem:$0x3F98] =	sst s0;
	s0 =	simm.s32 @!p2 $0x0  }
0x16: {  	s3 =	sld [smem:$0x3FDB];
	s0 =	simm.s32 @p2 $0x1  }
0x17: {  	s4 =	simm.s32 $0x1BF5;
	[smem:$0x3F9A] =	sst s0  }
0x18: {  	s0 =	sld [smem:$0x3F7D];
	_ =	swait.ge [sflag:s4], $0x0  }
0x19: {  	s7 =	sld [smem:$0x3F7E]  }
0x1a: {  	s8 =	sadd.s32 $0xFFFFE003, lr  }
0x1b: {  	s9 =	sadd.s32 $0xFFFFFEF7, lr;
	s5 =	simm.s32 $0xFFFFFFFF;
	p2 =	slt.u32 s8, $0xFFFFF086  }
0x1c: {  	p1 =	slt.u32 s9, $0xF7A;
	s5 =	simm.s32 @!p2 $0x0  }
0x1d: {  	s5 =	simm.s32 @p1 $0x1;
	p0 =	seq.s32 s7, s2  }
0x1e: {  	s7 =	smul.u32 @!p0 $0xF7A, s2;
	p2 =	seq.s32 @!p0 s5, $0x0  }
0x1f: {  	s9 =	smul.u32 $0xF7A, s1;
	s8 =	simm.s32 @!p0 $0x1BF5;
	p2 =	por !p2, p0  }
0x20: {  	[sflag:s8] =	ssyncset.s32 @!p0 $0xFFFFF086;
	s6 =	sadd.s32 @!p0 s3, s7;
	s7 =	simm.s32 @!p0 $0x108  }
0x21: {  	s3 =	sadd.s32 s3, s9;
	s6 =	sadd.s32 @!p0 $0x88, s6;
	s7 =	simm.s32 @p2 $0x1082  }
0x22: {  	[simem:s7], [sflag:s8] =	dma.local @!p0 [hbm:s6], $0xF7A  }
0x23: {  	s9 =	sor.u32 $0xD0000000, s2;
	s6 =	simm.s32 $0x108;
	_ =	swait.ge @!p0 [sflag:s8], $0x0  }
0x24: {  	s3 =	sadd.s32 $0x88, s3;
	s6 =	simm.s32 @!p1 $0x1082;
	[sflag:s4] =	ssyncset.s32 $0xFFFFF086  }
0x25: {  	[simem:s6], [sflag:s4] =	dma.local [hbm:s3], $0xF7A  }
0x26: {  	[smem:$0x3F7E] =	sst s1;
	(tag) =	ssettag s2;
	_ =	strace s9  }
0x27: {  	s1 =	sld [smem:$0x3F8E]  }
0x28: {  	s2 =	sld [smem:$0x3F8F]  }
0x29: {  	s4 =	sld [smem:$0x3F91]  }
0x2a: {  	p0 =	seq.s32 s5, $0x0;
	s5 =	sld [smem:$0x3F92]  }
0x2b: {  	s6 =	sld [smem:$0x3F93]  }
0x2c: {  	s7 =	sld [smem:$0x3F94]  }
0x2d: {  	s3 =	simm.s32 $0x108;
	s8 =	sld [smem:$0x3F95]  }
0x2e: {  	s3 =	simm.s32 @!p0 $0x1082;
	s9 =	sld [smem:$0x3F96]  }
0x2f: {  	lr =	sadd.s32 s0, s3;
	s0 =	sld [smem:$0x3F8D]  }
0x30: {  	s3 =	sld [smem:$0x3F90]  }
0x31: {  	[smem:$0x3F99] =	sst s10  }
0x32: {  	s10 =	sld [smem:$0x3F97];
	_ =	sdelay $0x3  }
0x33: {  	p0 =	seq.s32 s10, $0x1;
	s10 =	sld [smem:$0x3F99];
	_ =	sdelay $0x3  }
0x34: {  	[smem:$0x3F99] =	sst s10  }
0x35: {  	s10 =	sld [smem:$0x3F98];
	_ =	sdelay $0x3  }
0x36: {  	p1 =	seq.s32 s10, $0x1;
	s10 =	sld [smem:$0x3F99];
	_ =	sdelay $0x3  }
0x37: {  	[smem:$0x3F99] =	sst s10  }
0x38: {  	s10 =	sld [smem:$0x3F9A]  }
0x39: {  	_ = 	snop;
	(pc) =	sbr.ind lr, $3  }
0x3a: {  	_ = 	snop  }
0x3b: {  	_ = 	snop  }
0x3c: {  	p2 =	seq.s32 s10, $0x1;
	s10 =	sld [smem:$0x3F99]  }
0x3d: {  	_ =	shalt  }
0x3e: {  	_ =	shalt  }
0x3f: {  	_ =	shalt  }
0x40: {  	_ =	shalt  }
0x41: {  	_ =	shalt  }
0x42: {  	_ =	shalt  }
0x43: {  	_ =	shalt  }
0x44: {  	_ =	shalt  }
0x45: {  	_ =	shalt  }
0x46: {  	_ =	shalt  }
0x47: {  	_ =	shalt  }
0x48: {  	_ =	shalt  }
0x49: {  	_ =	shalt  }
0x4a: {  	_ =	shalt  }
0x4b: {  	_ =	shalt  }
0x4c: {  	_ =	shalt  }
0x4d: {  	_ =	shalt  }
0x4e: {  	_ =	shalt  }
0x4f: {  	_ =	shalt  }
0x50: {  	_ =	shalt  }
0x51: {  	_ =	shalt  }
0x52: {  	_ =	shalt  }
0x53: {  	_ =	shalt  }
0x54: {  	_ =	shalt  }
0x55: {  	_ =	shalt  }
0x56: {  	_ =	shalt  }
0x57: {  	_ =	shalt  }
0x58: {  	_ =	shalt  }
0x59: {  	_ =	shalt  }
0x5a: {  	_ =	shalt  }
0x5b: {  	_ =	shalt  }
0x5c: {  	_ =	shalt  }
0x5d: {  	_ =	shalt  }
0x5e: {  	_ =	shalt  }
0x5f: {  	_ =	shalt  }
0x60: {  	_ =	shalt  }
0x61: {  	_ =	shalt  }
0x62: {  	_ =	shalt  }
0x63: {  	_ =	shalt  }
0x64: {  	_ =	shalt  }
0x65: {  	_ =	shalt  }
0x66: {  	_ =	shalt  }
0x67: {  	_ =	shalt  }
0x68: {  	_ =	shalt  }
0x69: {  	_ =	shalt  }
0x6a: {  	_ =	shalt  }
0x6b: {  	_ =	shalt  }
0x6c: {  	_ =	shalt  }
0x6d: {  	_ =	shalt  }
0x6e: {  	_ =	shalt  }
0x6f: {  	_ =	shalt  }
0x70: {  	_ =	shalt  }
0x71: {  	_ =	shalt  }
0x72: {  	_ =	shalt  }
0x73: {  	_ =	shalt  }
0x74: {  	_ =	shalt  }
0x75: {  	_ =	shalt  }
0x76: {  	_ =	shalt  }
0x77: {  	_ =	shalt  }
0x78: {  	_ =	shalt  }
0x79: {  	_ =	shalt  }
0x7a: {  	_ =	shalt  }
0x7b: {  	_ =	shalt  }
0x7c: {  	_ =	shalt  }
0x7d: {  	_ =	shalt  }
0x7e: {  	_ =	shalt  }
0x7f: {  	_ =	shalt  }
0x80: {  	_ =	shalt  }
0x81: {  	_ =	shalt  }
0x82: {  	_ =	shalt  }
0x83: {  	_ =	shalt  }
0x84: {  	_ =	shalt  }
0x85: {  	_ =	shalt  }
0x86: {  	_ =	shalt  }
0x87: {  	_ =	shalt  }
.Lfunc_end0:
.L_simem_size_0:
called_computation.1_lowered:
.L_overlay_start_0:
0x88: {  	s2 =	sld [smem:$0x3FD9]  }
0x89: {  	s3 =	sld [smem:$0x3FFE];
	_ =	sdelay $0x1  }
0x8a: {  	s1 =	srdreg.scid  }
0x8b: {  	s0 =	sand.u32 $0x1, s1  }
0x8c: {  	s17 =	sshll.u32 s0, $0xA;
	s2 =	sadd.s32 s3, s2  }
0x8d: {  	s2 =	sadd.s32 s2, s17  }
0x8e: {  	[smem:$0x3FA5] =	sst s2  }
0x8f: {  	_ = 	snop  }
0x90: {  	s2 =	sld [smem:$0x3FD0];
	(tm) =	ssettm $0x1  }
0x91: {  	s18 =	sld [smem:$0x3FFB];
	_ =	sdelay $0x3  }
0x92: {  	_ =	strace s18  }
0x93: {  	s3 =	sld [smem:$0x3FFC];
	_ =	sdelay $0x3  }
0x94: {  	_ =	strace s3  }
0x95: {  	s3 =	sld [smem:$0x3FFD];
	_ =	sdelay $0x3  }
0x96: {  	_ =	strace s3  }
0x97: {  	_ =	strace $0x8FFFFFFF  }
0x98: {  	s19 =	sld [smem:$0x3FDB];
	_ =	sdelay $0x1  }
0x99: {  	s4 =	simm.s32 $_scs_section_size  }
0x9a: {  	s5 =	simm.s32 $_size__tile_overlayer_lowered;
	s6 =	simm.s32 $_tile_overlayer_lowered  }
0x9b: {  	s22 =	simm.s32 $0x1BFF;
	s21 =	sshll.u32 s6, $0x1;
	s3 =	sadd.s32 s4, s19  }
0x9c: {  	s7 =	simm.s32 $0x0;
	s20 =	sshll.u32 s5, $0x1;
	s5 =	sadd.s32 s21, s3  }
0x9d: {  	[timem:s7], [sflag:s22] =	dma.local [hbm:s5], s20  }
0x9e: {  	_ =	swait.ge [sflag:s22], s20  }
0x9f: {  	s4 =	ssub.s32 $0x0, s20;
	[sflag:s22] =	ssyncset.done $0x0  }
0xa0: {  	[sflag:s22] =	ssyncadd.s32 s4;
	_ =	sdelay $0x1  }
0xa1: {  	s23 =	simm.s32 $0x1B8B  }
0xa2: {  	_ =	swait.ge [sflag:s23], $0x1  }
0xa3: {  	[sflag:s23] =	ssyncset.done $0x0  }
0xa4: {  	s25 =	simm.s32 $0x1B8E;
	s24 =	sld [smem:$0x3FFE];
	[sflag:s23] =	ssyncadd.s32 $0xFFFFFFFF  }
0xa5: {  	s26 =	simm.s32 $execute0_lowered;
	[smem:$0x3FD2] =	sst s25  }
0xa6: {  	s5 =	sshll.u32 s26, $0x1;
	_ =	strace $0x80000049;
	[dreg:$0x1] =	wrdreg $0xFFFFFFFF  }
0xa7: {  	s28 =	simm.s32 $_size_execute0_lowered;
	s3 =	sadd.s32 s3, s5;
	[dreg:$0x0] =	wrdreg $0x0  }
0xa8: {  	s5 =	sshll.u32 s28, $0x1;
	[dreg:$0x2] =	wrdreg s3  }
0xa9: {  	[dreg:$0x3] =	wrdreg s5  }
0xaa: {  	[dreg:$0x4] =	wrdreg $0xC0  }
0xab: {  	_ =	task [dreg:s7], $0x5FFFF  }
0xac: {  	[dreg:$0x1] =	wrdreg $0xFFFFFFFF  }
0xad: {  	[dreg:$0x0] =	wrdreg $0x60  }
0xae: {  	[dreg:$0x2] =	wrdreg s24  }
0xaf: {  	[dreg:$0x3] =	wrdreg s2  }
0xb0: {  	[dreg:$0x4] =	wrdreg $0x100000  }
0xb1: {  	[dreg:$0x5] =	wrdreg $0x9  }
0xb2: {  	_ =	task.clear_ibuf [dreg:s7], $0x6FFFF;
	_ =	strace $0x90000049  }
0xb3: {  	s29 =	simm.s32 $0x9;
	_ =	strace $0x8000004B  }
0xb4: {  	_ =	swait.ge [sflag:s29], $0x1  }
0xb5: {  	[sflag:s29] =	ssyncadd.s32 $0xFFFFFFFF  }
0xb6: {  	_ =	strace $0x9000004B  }
0xb7: {  	_ =	sfence  }
0xb8: {  	s30 =	sld [smem:$0x0];
	_ =	sdelay $0x2  }
0xb9: {  	s31 =	sshll.u32 s1, $0xD;
	s1 =	sshrl.u32 s1, $0x2  }
0xba: {  	s3 =	sand.u32 $0x4000, s31;
	s1 =	sadd.s32 s1, s30  }
0xbb: {  	s0 =	sor.u32 s3, s0;
	s1 =	sshll.u32 s1, $0x11  }
0xbc: {  	s0 =	sor.u32 s1, s0  }
0xbd: {  	s0 =	sadd.s32 $0x8F2B, s0  }
0xbe: {  	[sflag:s0] =	ssyncadd.remote.s32 $0x1  }
0xbf: {  	_ =	sfence.sel $0xFFFF  }
0xc0: {  	[dreg:$0x0] =	wrdreg $0xFFFFFFFF;
	(pc) =	sbr.abs _section_cstart, $3  }
0xc1: {  	[dreg:$0x1] =	wrdreg $0xFFFFFFFF  }
0xc2: {  	_ =	task.clear_ibuf [dreg:s7], $0x2FFFF;
	_ =	strace $0x9FFFFFFF  }
0xc3: {  	(tm) =	ssettm $0x7FFFFFFF  }
tec
execute0_lowered:
.L_overlay_start_1:
0x0: {  	(tag) =	ssettag $0x1  }
0x1: {  	s0 =	rddreg [dreg:$0x0]  }
0x2: {  	s2 =	rddreg [dreg:$0x2]  }
0x3: {  	s4 =	simm.s32 $0x0;
	s1 =	srdreg.scid;
	s10 =	stileid.u32  }
0x4: {  	s20 =	simm.s32 $0xC000;
	s21 =	simm.s32 $0x3;
	s22 =	simm.s32 $0x2  }
0x5: {  	s28 =	simm.s32 $0x6000;
	s29 =	simm.s32 $0x1;
	s30 =	simm.s32 $0x80  }
0x6: {  	s31 =	simm.s32 $0x8000;
	[smem:$0x7FF] =	sst s4;
	s8 =	smul.u32 $0x3C200, s10  }
0x7: {  	s1 =	sand.u32 $0x1, s1;
	s5 =	sadd.s32 $0xC8600, s0;
	s13 =	smul.u32 $0x32000, s10  }
0x8: {  	s6 =	sadd.s32 $0x18C000, s0;
	s7 =	sadd.s32 $0x1F0000, s0;
	s17 =	smul.u32 $0x14000, s10  }
0x9: {  	s9 =	sor.u32 $0x1E00, s10;
	s19 =	sshll.u32 s10, $0x6;
	s24 =	smul.u32 $0xA0, s10  }
0xa: {  	_ =	strace $0x8000004A;
	s3 =	ssub.s32 $0x2, s1;
	s1 =	smul.u32 $0xA, s1  }
0xb: {  	s11 =	sshrl.u32 s3, $0x1;
	s12 =	sshrl.u32 s8, $0x2;
	s15 =	sshrl.u32 s13, $0x3  }
0xc: {  	s18 =	sshrl.u32 s17, $0x2;
	[dreg:$0x9] =	wrdreg s24;
	s0 =	ssub.s32 s3, s11  }
0xd: {  	[dreg:$0x4] =	wrdreg s1;
	s11 =	sadd.s32 s12, s2;
	s1 =	sadd.s32 s6, s15  }
0xe: {  	s15 =	sadd.s32 $0x4000, s13;
	s25 =	sadd.s32 s18, s2;
	s18 =	smov.u32 s19  }
0xf: {  	s14 =	sadd.s32 $0x4000, s11;
	s12 =	sadd.s32 $0x8000, s11;
	s16 =	smov.u32 s11  }
0x10: {  	s11 =	sadd.s32 $0xC000, s11;
	[dreg:$0x8] =	wrdreg s1;
	s1 =	sadd.s32 $0x50000, s25  }
.Ltmp0:
0x11: {  	s23 =	smov.u32 s25;
	[dreg:$0x5] =	wrdreg s14;
	(pc) =	sbr.rel .LBB2_1-.Ltmp0, $4  }
0x12: {  	s3 =	sadd.s32 $0xA0000, s25;
	s0 =	smax.u32 s0, $0x1;
	[dreg:$0x6] =	wrdreg s12  }
0x13: {  	s25 =	simm.s32 $0x2000;
	[dreg:$0x7] =	wrdreg s11;
	s14 =	sadd.s32 $0x2000, s13  }
0x14: {  	v2 =	vimm.s32 $0x0;
	v3 =	vimm.s32 $0xF;
	[dreg:$0xa] =	wrdreg s0;
	s26 =	sshrl.u32 s1, $0x3;
	s24 =	sshrl.u32 s3, $0x3  }
0x15: {  	v4 =	vlaneseq.u32;
	v0 =	vmov s9;
	v1 =	vmov s19;
	s1 =	simm.s32 $0x0;
	[dreg:$0xb] =	wrdreg s26;
	s26 =	simm.s32 $0x4000  }
.LBB2_33:
0x16: {  	s1 =	rddreg [dreg:$0xc]  }
0x17: {  	s0 =	rddreg [dreg:$0xa];
	s1 =	sadd.s32 $0x1, s1  }
0x18: {  	p0 =	sne.s32 s1, s0  }
.Ltmp1:
0x19: {  	_ = 	snop;
	(pc) =	sbr.rel @!p0 .LBB2_34-.Ltmp1, $1  }
0x1a: {  	_ =	sdelay $0x3  }
.LBB2_1:
0x1b: {  	[dreg:$0xc] =	wrdreg s1  }
.Ltmp2:
0x1c: {  	s0 =	rddreg [dreg:$0x1];
	(pc) =	sbr.rel .LBB2_2-.Ltmp2, $4  }
0x1d: {  	[tilespmem:s20], [sflag:$0x3] =	stream.linear.gather [hbm4b:s0+s4], $0x4000, $0x38;
	[tilespmem:$0x1F080] =	vst v63  }
0x1e: {  	_ =	swait.ge [sflag:s21], $0x4000  }
0x1f: {  	[sflag:s21] =	ssyncset.done $0x0  }
0x20: {  	s3 =	simm.s32 $0x0;
	[sflag:s21] =	ssyncadd.s32 $0xFFFFC000  }
.LBB2_32:
0x21: {  	s0 =	rddreg [dreg:$0x9]  }
0x22: {  	s0 =	sadd.s32 s0, s1  }
0x23: {  	[bflag:$0x0] =	sbarrier.arrive $0xFFFF;
	s0 =	sshll.u32 s0, $0x4  }
0x24: {  	s8 =	sor.u32 $0x1C03, s18;
	s9 =	sshrl.u32 s23, $0x3;
	s13 =	sadd.s32 s7, s0  }
0x25: {  	[hbm:s13], [sflag:s8] =	dma.local [spmem:s9], $0xA00  }
0x26: {  	s0 =	sand.u32 $0x1FFFFFF0, s0;
	_ =	swait.ge [sflag:s21], $0xA00  }
0x27: {  	s0 =	sadd.s32 s7, s0;
	[sflag:s21] =	ssyncset.done $0x0  }
0x28: {  	s17 =	sadd.s32 $0xC8000, s0;
	s19 =	rddreg [dreg:$0xb];
	[sflag:s21] =	ssyncadd.s32 $0xFFFFF600  }
0x29: {  	[hbm:s17], [sflag:s8] =	dma.local [spmem:s19], $0xA00  }
0x2a: {  	_ =	swait.ge [sflag:s21], $0xA00  }
0x2b: {  	s3 =	sadd.s32 $0x1, s3;
	[sflag:s21] =	ssyncset.done $0x0  }
0x2c: {  	p0 =	sne.s32 s3, $0xA;
	s0 =	sadd.s32 $0x190000, s0;
	[sflag:s21] =	ssyncadd.s32 $0xFFFFF600  }
0x2d: {  	[hbm:s0], [sflag:s8] =	dma.local [spmem:s24], $0xA00  }
.Ltmp3:
0x2e: {  	_ =	swait.ge [sflag:s21], $0xA00;
	(pc) =	sbr.rel @!p0 .LBB2_33-.Ltmp3, $3  }
0x2f: {  	[sflag:s21] =	ssyncset.done $0x0  }
0x30: {  	[sflag:s21] =	ssyncadd.s32 $0xFFFFF600  }
0x31: {  	[bflag:$0x0] =	sbarrier.arrive $0xFFFF;
	_ =	sdelay $0x1  }
.LBB2_2:
0x32: {  	[spmem:s16] =	stream.linear.scatter [tilespmem:s20], [sflag:$0x3], $0x4000, $0x38;
	[tilespmem:$0x1F080] =	vst v63  }
0x33: {  	_ =	swait.ge [sflag:s21], $0x4000  }
0x34: {  	[sflag:s21] =	ssyncset.done $0x0  }
0x35: {  	s0 =	rddreg [dreg:$0x5];
	[sflag:s21] =	ssyncadd.s32 $0xFFFFC000  }
0x36: {  	[spmem:s0] =	stream.linear.scatter [tilespmem:s20], [sflag:$0x3], $0x4000, $0x38;
	[tilespmem:$0x1F080] =	vst v63  }
0x37: {  	_ =	swait.ge [sflag:s21], $0x4000  }
0x38: {  	[sflag:s21] =	ssyncset.done $0x0  }
0x39: {  	s13 =	rddreg [dreg:$0x6];
	[sflag:s21] =	ssyncadd.s32 $0xFFFFC000  }
0x3a: {  	[spmem:s13] =	stream.linear.scatter [tilespmem:s20], [sflag:$0x3], $0x4000, $0x38;
	[tilespmem:$0x1F080] =	vst v63  }
0x3b: {  	_ =	swait.ge [sflag:s21], $0x4000  }
0x3c: {  	[sflag:s21] =	ssyncset.done $0x0  }
0x3d: {  	s17 =	rddreg [dreg:$0x7];
	[sflag:s21] =	ssyncadd.s32 $0xFFFFC000  }
0x3e: {  	[spmem:s17] =	stream.linear.scatter [tilespmem:s20], [sflag:$0x3], $0x3080, $0x38;
	[tilespmem:$0x1F080] =	vst v63  }
0x3f: {  	_ =	swait.ge [sflag:s21], $0x3080  }
0x40: {  	[sflag:s21] =	ssyncset.done $0x0  }
0x41: {  	s19 =	rddreg [dreg:$0x4];
	[sflag:s21] =	ssyncadd.s32 $0xFFFFCF80  }
0x42: {  	s0 =	sadd.s32 s19, s3;
	[bflag:$0x0] =	sbarrier.arrive $0xFFFF  }
.Ltmp4:
0x43: {  	s19 =	simm.s32 $0x0;
	s1 =	rddreg [dreg:$0x8];
	(pc) =	sbr.rel .LBB2_3-.Ltmp4, $4  }
0x44: {  	[tilespmem:s19], [sflag:$0x2] =	stream.linear.gather [hbm4b:s1+s19], $0x2000, $0x38;
	[tilespmem:$0x1F080] =	vst v63  }
0x45: {  	s1 =	smul.u32 $0xA00, s0;
	_ =	swait.ge [sflag:s22], $0x2000  }
0x46: {  	[sflag:s22] =	ssyncset.done $0x0  }
0x47: {  	s11 =	simm.s32 $0x0;
	s0 =	simm.s32 $0x0;
	v5 =	vmov s1;
	[sflag:s22] =	ssyncadd.s32 $0xFFFFE000  }
.LBB2_15:
0x48: {  	_ = 	snop  }
.LBB2_18:
0x49: {  	[sflag:s29] =	ssyncset.done @p1 $0x0  }
0x4a: {  	s9 =	ssub.s32 s12, s9;
	s8 =	sor.u32 @p1 $0x6000, s8;
	[sflag:s29] =	ssyncadd.s32 @p1 $0xFFFFC000  }
0x4b: {  	[spmem:s2] =	stream.indirect.scatter.add.f32 @p1 [tilespmem:s31], [sflag:$0x3], $0x80, s8, s30, $0xb8;
	[tilespmem:$0x1F080] =	vst v63  }
0x4c: {  	s13 =	sshll.u32 s9, $0x7;
	_ =	swait.ge @p1 [sflag:s21], $0x4000  }
0x4d: {  	s8 =	sand.u32 $0x1F80, s13;
	[sflag:s21] =	ssyncset.done @p1 $0x0  }
0x4e: {  	s17 =	sor.u32 $0x4000, s8;
	[sflag:s21] =	ssyncadd.s32 @p1 $0xFFFFC000  }
0x4f: {  	[tilespmem:s31], [sflag:$0x1] =	stream.indirect.gather [hbm4b:s5+s30], $0x80, s17, s30, $0xb8;
	[tilespmem:$0x1F080] =	vst v63  }
0x50: {  	_ =	swait.ge [sflag:s29], $0x4000  }
0x51: {  	[sflag:s29] =	ssyncset.done $0x0  }
0x52: {  	s8 =	sor.u32 $0x6000, s8;
	[sflag:s29] =	ssyncadd.s32 $0xFFFFC000  }
0x53: {  	[spmem:s2] =	stream.indirect.scatter.add.f32 [tilespmem:s31], [sflag:$0x3], $0x80, s8, s30, $0xb8;
	[tilespmem:$0x1F080] =	vst v63  }
0x54: {  	_ =	swait.ge [sflag:s21], $0x4000  }
0x55: {  	[sflag:s21] =	ssyncset.done $0x0  }
0x56: {  	s19 =	sadd.s32 $0x80, s19;
	[sflag:s21] =	ssyncadd.s32 $0xFFFFC000  }
.LBB2_19:
0x57: {  	s0 =	sadd.s32 $0x1, s0  }
0x58: {  	p0 =	sne.s32 s0, $0xC  }
.Ltmp5:
0x59: {  	_ = 	snop;
	(pc) =	sbr.rel @!p0 .LBB2_20-.Ltmp5, $4  }
0x5a: {  	_ = 	snop  }
0x5b: {  	_ =	swait.ge [sflag:s22], $0x2000  }
0x5c: {  	[sflag:s22] =	ssyncset.done $0x0  }
0x5d: {  	[sflag:s22] =	ssyncadd.s32 $0xFFFFE000  }
.LBB2_3:
0x5e: {  	s8 =	sshll.u32 s0, $0xE  }
0x5f: {  	s9 =	sadd.s32 s8, s14  }
0x60: {  	s9 =	sshrl.u32 s9, $0x3  }
0x61: {  	s10 =	simm.s32 $0xC0;
	s9 =	sadd.s32 s6, s9  }
0x62: {  	[tilespmem:s25], [sflag:$0x2] =	stream.linear.gather [hbm4b:s9+s4], $0x2000, $0x38;
	[tilespmem:$0x1F080] =	vst v63  }
0x63: {  	v6 =	vld [tilespmem:s10+$0xFFFFFFC0];
	_ =	sdelay $0x1  }
0x64: {  	v7 =	vld [tilespmem:s10+$0xA0]  }
0x65: {  	v8 =	vld [tilespmem:s10+$0x40]  }
0x66: {  	v9 =	vld [tilespmem:s10+$0x30]  }
0x67: {  	v10 =	vld [tilespmem:s10+$0x20];
	v11 =	vsub.s32 v6, v5  }
0x68: {  	v15 =	vld [tilespmem:s10+$0xFFFFFFD0];
	vm10 =	vlt.u32 v11, $0xA00  }
0x69: {  	v16 =	vld [tilespmem:s10+$0x0];
	v14 =	vsel vm10, $0x1, v2  }
0x6a: {  	v13 =	vmov s11;
	v12 =	vld [tilespmem:s10+$0xFFFFFFE0];
	(xrf0) =	vadd.scan.msk.s32 $0xffff, v14  }
0x6b: {  	v13 =	vadd.s32 $0xFFFFFFFF, v13;
	v6 =	vld [tilespmem:s10+$0xFFFFFFF0];
	v8 =	vmul.u32 $0xA00, v8  }
0x6c: {  	v13 =	vbroadcast v13, $0x0;
	v23 =	vld [tilespmem:s10+$0xB0]  }
0x6d: {  	v10 =	vsub.s32 v10, v5;
	v7 =	vmul.u32 $0xA00, v7;
	v22 =	vadd.s32 v11, v8  }
0x6e: {  	v8 =	vsub.s32 v15, v5;
	v14 =	vsub.s32 v9, v5;
	v9 =	vsub.s32 v16, v5  }
0x6f: {  	vm4 =	vlt.u32 v10, $0xA00;
	vm0 =	vlt.u32 v8, $0xA00;
	vm3 =	vlt.u32 v9, $0xA00  }
0x70: {  	v19 =	vld [tilespmem:s10+$0x10];
	v18 =	vsel vm0, $0x1, v2;
	v17 =	vsub.s32 v6, v5;
	v6 =	vsub.s32 v12, v5;
	v11, _, _ =	vpop (xrf0)  }
0x71: {  	v15 =	vld [tilespmem:s10+$0x90];
	v21 =	vsel vm3, $0x1, v2;
	(xrf0) =	vadd.scan.msk.s32 $0xffff, v18;
	v18 =	vmul.u32 $0xA00, v23;
	v13 =	vadd.s32 v11, v13  }
0x72: {  	v12 =	vld [tilespmem:s10+$0x70];
	vm1 =	vlt.u32 v6, $0xA00;
	v11 =	vadd.s32 v10, v7;
	v7 =	vshra.s32 v13, $0x1F  }
0x73: {  	v16 =	vsel vm1, $0x1, v2;
	v10 =	vperm.xlane v13, v3;
	v7 =	vshrl.u32 v7, $0x19  }
0x74: {  	v24 =	vand.u32 $0x7F, v13;
	vm5 =	vlt.s32 v13, $0x1;
	v7 =	vadd.s32 v7, v13  }
0x75: {  	(xrf0) =	vadd.scan.msk.s32 $0xffff, v16;
	vm7 =	vne.s32 v24, $0x0;
	v13 =	vshrl.u32 v7, $0x7;
	v7 =	vsub.s32 v19, v5  }
0x76: {  	vm2 =	vlt.u32 v17, $0xA00;
	v15 =	vmul.u32 $0xA00, v15;
	vm11 =	vmand vm5, vm7  }
0x77: {  	v20 =	vsel vm2, $0x1, v2;
	v16 =	vmul.u32 $0xA00, v12;
	v30 =	vsel vm11, $0xFFFFFFFF, v2  }
0x78: {  	(xrf0) =	vadd.scan.msk.s32 $0xffff, v20;
	vm6 =	vlt.u32 v7, $0xA00;
	v12 =	vadd.s32 v7, v15;
	v13 =	vadd.s32 v30, v13;
	v7, _, _ =	vpop (xrf0)  }
0x79: {  	v15 =	vsel vm6, $0x1, v2;
	v13 =	vshll.u32 v13, $0x7;
	v19 =	vadd.s32 v10, v7  }
0x7a: {  	(xrf0) =	vadd.scan.msk.s32 $0xffff, v15;
	v13 =	vand.u32 $0x1F80, v13;
	v10 =	vadd.s32 v14, v18;
	v18 =	vperm.xlane v19, v3  }
0x7b: {  	vm2 =	vmmov vm2;
	v7 =	vadd.s32 v17, v16;
	v20, _, _ =	vpop (xrf0);
	(xrf0) =	vadd.scan.msk.s32 $0xffff, v21;
	v24 =	vor.u32 v24, v13  }
0x7c: {  	v16 =	vshra.s32 v19, $0x1F;
	v15 =	vand.u32 $0x7F, v19;
	v18 =	vadd.s32 v18, v20  }
0x7d: {  	vm5 =	vlt.s32 v19, $0x1;
	vm7 =	vne.s32 v15, $0x0;
	v20 =	vperm.xlane v18, v3  }
0x7e: {  	v16 =	vshrl.u32 v16, $0x19;
	vm8 =	vmand vm5, vm7;
	vm5 =	vlt.u32 v14, $0xA00;
	v14, _, _ =	vpop (xrf0)  }
0x7f: {  	v17 =	vadd.s32 v16, v19;
	v16 =	vshra.s32 v18, $0x1F;
	v14 =	vadd.s32 v20, v14  }
0x80: {  	vm7 =	vlt.s32 v18, $0x1;
	v23, _, _ =	vpop (xrf0);
	v20 =	vsel vm4, $0x1, v2;
	v26 =	vperm.xlane v14, v3  }
0x81: {  	v21 =	vsel vm5, $0x1, v2;
	v19 =	vshrl.u32 v16, $0x19;
	v27, _, _ =	vpop (xrf0);
	v25 =	vshra.s32 v14, $0x1F;
	(xrf0) =	vadd.scan.msk.s32 $0xffff, v20  }
0x82: {  	v16 =	vand.u32 $0x7F, v18;
	v25 =	vshrl.u32 v25, $0x19;
	v20 =	vadd.s32 v26, v27  }
0x83: {  	v34 =	vld [tilespmem:s10+$0xFFFFFF40];
	vm9 =	vne.s32 v16, $0x0;
	v29 =	vadd.s32 v25, v14;
	v27 =	vperm.xlane v20, v3  }
0x84: {  	(xrf0) =	vadd.scan.msk.s32 $0xffff, v21;
	v25 =	vshra.s32 v20, $0x1F;
	v26 =	vand.u32 $0x7F, v20;
	vm12 =	vlt.s32 v20, $0x1  }
0x85: {  	v25 =	vshrl.u32 v25, $0x19;
	vm13 =	vne.s32 v26, $0x0;
	v21 =	vadd.s32 v27, v23  }
0x86: {  	v20 =	vadd.s32 v25, v20;
	v23 =	vshra.s32 v21, $0x1F;
	v27 =	vperm.xlane v21, v3  }
0x87: {  	vm12 =	vmand vm12, vm13;
	v25 =	vand.u32 $0x7F, v21;
	v28, _, _ =	vpop (xrf0);
	v23 =	vshrl.u32 v23, $0x19  }
0x88: {  	[tilespmem:v24+s26+$0x0] =	vst.idx.msk vm10, v34;
	vm13 =	vlt.s32 v21, $0x1;
	v21 =	vadd.s32 v23, v21;
	v27 =	vadd.s32 v27, v28  }
0x89: {  	[tilespmem:v24+s28+$0x0] =	vst.idx.msk vm10, v22;
	v22 =	vshrl.u32 v29, $0x7;
	v23 =	vshrl.u32 v21, $0x7;
	v21 =	vperm.xlane v27, v3  }
0x8a: {  	v30 =	vshrl.u32 v20, $0x7;
	v37 =	vsel vm12, $0xFFFFFFFF, v2;
	vm14 =	vne.s32 v25, $0x0;
	v28, _, _ =	vpop (xrf0)  }
0x8b: {  	v60 =	vadd.s32 v37, v30;
	vm11 =	vmand vm13, vm14;
	v33 =	vadd.s32 v21, v28  }
0x8c: {  	v31 =	vand.u32 $0x7F, v27;
	v13 =	vshra.s32 v33, $0x1F;
	v28 =	vand.u32 $0x7F, v33  }
0x8d: {  	vm14 =	vlt.s32 v33, $0x1;
	v13 =	vshrl.u32 v13, $0x19;
	vm15 =	vne.s32 v28, $0x0  }
0x8e: {  	v35 =	vsel vm11, $0xFFFFFFFF, v2;
	v20 =	vadd.s32 v13, v33;
	vm14 =	vmand vm14, vm15  }
0x8f: {  	vm11 =	vlt.s32 v27, $0x1;
	v20 =	vshrl.u32 v20, $0x7;
	v32 =	vsel vm14, $0xFFFFFFFF, v2  }
0x90: {  	v59 =	vld [tilespmem:s10+$0xFFFFFFB0];
	vm13 =	vne.s32 v31, $0x0;
	v21 =	vshra.s32 v27, $0x1F;
	v20 =	vadd.s32 v32, v20  }
0x91: {  	v29 =	vld [tilespmem:s10+$0xFFFFFF80];
	v57 =	vadd.s32 v35, v23;
	v36 =	vshrl.u32 v21, $0x19;
	v20 =	vshll.u32 v20, $0x7  }
0x92: {  	v30 =	vld [tilespmem:s10+$0xFFFFFF90];
	vm11 =	vmand vm11, vm13;
	v27 =	vadd.s32 v36, v27;
	v20 =	vand.u32 $0x1F80, v20  }
0x93: {  	v23 =	vld [tilespmem:s10+$0xFFFFFF50];
	v58 =	vsel vm11, $0xFFFFFFFF, v2;
	v27 =	vshrl.u32 v27, $0x7;
	v20 =	vor.u32 v28, v20  }
0x94: {  	vm9 =	vmand vm7, vm9;
	v21 =	vld [tilespmem:s10+$0xFFFFFF60];
	v27 =	vadd.s32 v58, v27;
	v32 =	vshll.u32 v57, $0x7  }
0x95: {  	vm7 =	vlt.s32 v14, $0x1;
	v61 =	vshll.u32 v27, $0x7;
	v27 =	vld [tilespmem:s10+$0x50];
	v32 =	vand.u32 $0x1F80, v32  }
0x96: {  	v62 =	vshll.u32 v60, $0x7;
	v63 =	vand.u32 $0x1F80, v61;
	v25 =	vor.u32 v25, v32;
	v32 =	vld [tilespmem:s10+$0x80]  }
0x97: {  	v14 =	vand.u32 $0x7F, v14;
	v34 =	vand.u32 $0x1F80, v62;
	v31 =	vor.u32 v31, v63;
	v28 =	vld [tilespmem:s10+$0xFFFFFFA0]  }
0x98: {  	s11 =	simm.s32 $0x0;
	s12 =	simm.s32 $0x2C0;
	v26 =	vor.u32 v26, v34;
	v24 =	vperm.xlane v33, v3;
	vm11 =	vne.s32 v14, $0x0;
	v13 =	vld [tilespmem:s10+$0x60];
	[tilespmem:v20+s26+$0x0] =	vst.idx.msk vm5, v59  }
.LBB2_4:
0x99: {  	v33 =	vld [tilespmem:s12+$0xFFFFFFC0];
	s11 =	sadd.s32 $0x8, s11;
	v17 =	vshrl.u32 v17, $0x7;
	v34 =	vsel vm8, $0xFFFFFFFF, v2;
	v18 =	vadd.s32 v19, v18  }
0x9a: {  	v19 =	vld [tilespmem:s12+$0xA0];
	p0 =	slt.u32 s11, $0x78;
	v17 =	vadd.s32 v34, v17;
	v18 =	vshrl.u32 v18, $0x7;
	v34 =	vsel vm9, $0xFFFFFFFF, v2  }
0x9b: {  	v35 =	vld [tilespmem:s12+$0x40];
	v27 =	vmul.u32 $0xA00, v27;
	v17 =	vshll.u32 v17, $0x7;
	v18 =	vadd.s32 v34, v18;
	[tilespmem:v25+s26+$0x0] =	vst.idx.msk vm6, v30  }
0x9c: {  	v30 =	vld [tilespmem:s12+$0x30];
	v17 =	vand.u32 $0x1F80, v17;
	v18 =	vshll.u32 v18, $0x7;
	v32 =	vmul.u32 $0xA00, v32;
	[tilespmem:v31+s26+$0x0] =	vst.idx.msk vm4, v28  }
0x9d: {  	v28 =	vld [tilespmem:s12+$0x20];
	v8 =	vadd.s32 v8, v27;
	v15 =	vor.u32 v15, v17;
	v17 =	vand.u32 $0x1F80, v18;
	[tilespmem:v31+s28+$0x0] =	vst.idx.msk vm4, v11  }
0x9e: {  	v13 =	vmul.u32 $0xA00, v13;
	v11 =	vsub.s32 v33, v5;
	v18 =	vld [tilespmem:s12+$0xFFFFFFF0];
	v16 =	vor.u32 v16, v17;
	[tilespmem:v25+s28+$0x0] =	vst.idx.msk vm6, v12  }
0x9f: {  	vm4 =	vmand vm7, vm11;
	v9 =	vadd.s32 v9, v32;
	vm10 =	vlt.u32 v11, $0xA00;
	v12 =	vld [tilespmem:s12+$0xFFFFFFE0];
	[tilespmem:v26+s26+$0x0] =	vst.idx.msk vm3, v29  }
0xa0: {  	v27 =	vadd.s32 v6, v13;
	v6 =	vsel vm4, $0xFFFFFFFF, v2;
	v17 =	vsel vm10, $0x1, v2;
	v25 =	vld [tilespmem:s12+$0x0];
	[tilespmem:v26+s28+$0x0] =	vst.idx.msk vm3, v9  }
0xa1: {  	v6 =	vadd.s32 v6, v22;
	v9 =	vmul.u32 $0xA00, v35;
	v26 =	vld [tilespmem:s12+$0xFFFFFFD0];
	v29 =	vsub.s32 v30, v5;
	(xrf0) =	vadd.scan.msk.s32 $0xffff, v17  }
0xa2: {  	v19 =	vmul.u32 $0xA00, v19;
	v6 =	vshll.u32 v6, $0x7;
	v13 =	vld [tilespmem:s12+$0x60];
	v17 =	vsub.s32 v28, v5;
	[tilespmem:v15+s26+$0x0] =	vst.idx.msk vm0, v23  }
0xa3: {  	v18 =	vsub.s32 v18, v5;
	vm4 =	vlt.u32 v17, $0xA00;
	[tilespmem:v16+s26+$0x0] =	vst.idx.msk vm1, v21;
	v21 =	vand.u32 $0x1F80, v6  }
0xa4: {  	v6 =	vsub.s32 v12, v5;
	vm6 =	vlt.u32 v18, $0xA00;
	[tilespmem:v16+s28+$0x0] =	vst.idx.msk vm1, v27;
	v12 =	vld [tilespmem:s10+$0xFFFFFF70];
	v14 =	vor.u32 v14, v21;
	s10 =	smov.u32 s12  }
0xa5: {  	v22 =	vadd.s32 v11, v9;
	vm1 =	vlt.u32 v6, $0xA00;
	v9 =	vsub.s32 v25, v5;
	[tilespmem:v15+s28+$0x0] =	vst.idx.msk vm0, v8  }
0xa6: {  	v8 =	vsub.s32 v26, v5;
	v15 =	vsel vm1, $0x1, v2;
	v16 =	vld [tilespmem:s12+$0x70];
	vm3 =	vlt.u32 v9, $0xA00  }
0xa7: {  	v21 =	vsel vm6, $0x1, v2;
	vm0 =	vlt.u32 v8, $0xA00;
	v23 =	vsel vm3, $0x1, v2;
	v25 =	vld [tilespmem:s12+$0x90];
	v11, _, _ =	vpop (xrf0)  }
0xa8: {  	v24 =	vadd.s32 v11, v24;
	v26 =	vsel vm0, $0x1, v2;
	v27 =	vld [tilespmem:s12+$0x10];
	v11 =	vadd.s32 v17, v19;
	[tilespmem:v20+s28+$0x0] =	vst.idx.msk vm5, v10  }
0xa9: {  	v10 =	vshra.s32 v24, $0x1F;
	v17 =	vperm.xlane v24, v3;
	v19 =	vld [tilespmem:s12+$0xB0];
	(xrf0) =	vadd.scan.msk.s32 $0xffff, v26;
	[tilespmem:v14+s26+$0x0] =	vst.idx.msk vm2, v12  }
0xaa: {  	v20 =	vand.u32 $0x7F, v24;
	v10 =	vshrl.u32 v10, $0x19;
	[tilespmem:v14+s28+$0x0] =	vst.idx.msk vm2, v7;
	vm2 =	vmmov vm6  }
0xab: {  	vm5 =	vlt.s32 v24, $0x1;
	vm6 =	vne.s32 v20, $0x0;
	v7 =	vadd.s32 v10, v24  }
0xac: {  	vm11 =	vmand vm5, vm6;
	v24 =	vshrl.u32 v7, $0x7;
	(xrf0) =	vadd.scan.msk.s32 $0xffff, v15  }
0xad: {  	v10 =	vmul.u32 $0xA00, v25;
	v26 =	vsub.s32 v27, v5  }
0xae: {  	v14 =	vmul.u32 $0xA00, v16;
	vm6 =	vlt.u32 v26, $0xA00;
	v15 =	vmul.u32 $0xA00, v19  }
0xaf: {  	v12 =	vadd.s32 v26, v10;
	v16 =	vsel vm6, $0x1, v2;
	v7, _, _ =	vpop (xrf0);
	(xrf0) =	vadd.scan.msk.s32 $0xffff, v21  }
0xb0: {  	v17 =	vadd.s32 v17, v7;
	v7 =	vadd.s32 v18, v14;
	v10 =	vadd.s32 v29, v15;
	(xrf0) =	vadd.scan.msk.s32 $0xffff, v16  }
0xb1: {  	v14 =	vshra.s32 v17, $0x1F;
	v15 =	vand.u32 $0x7F, v17;
	v16 =	vperm.xlane v17, v3  }
0xb2: {  	vm5 =	vlt.s32 v17, $0x1;
	v14 =	vshrl.u32 v14, $0x19;
	vm7 =	vne.s32 v15, $0x0;
	v18, _, _ =	vpop (xrf0);
	(xrf0) =	vadd.scan.msk.s32 $0xffff, v23  }
0xb3: {  	v17 =	vadd.s32 v14, v17;
	vm8 =	vmand vm5, vm7;
	v18 =	vadd.s32 v16, v18  }
0xb4: {  	v23 =	vshra.s32 v18, $0x1F;
	vm7 =	vlt.s32 v18, $0x1;
	v21 =	vperm.xlane v18, v3  }
0xb5: {  	vm5 =	vlt.u32 v29, $0xA00;
	v16 =	vand.u32 $0x7F, v18;
	v19 =	vshrl.u32 v23, $0x19;
	v14, _, _ =	vpop (xrf0)  }
0xb6: {  	v23 =	vsel vm5, $0x1, v2;
	v14 =	vadd.s32 v21, v14;
	v21 =	vsel vm4, $0x1, v2;
	v25, _, _ =	vpop (xrf0)  }
0xb7: {  	vm9 =	vne.s32 v16, $0x0;
	v26 =	vshra.s32 v14, $0x1F;
	v27 =	vperm.xlane v14, v3  }
0xb8: {  	vm9 =	vmand vm7, vm9;
	vm7 =	vlt.s32 v14, $0x1;
	v26 =	vshrl.u32 v26, $0x19;
	v28, _, _ =	vpop (xrf0);
	(xrf0) =	vadd.scan.msk.s32 $0xffff, v21  }
0xb9: {  	v26 =	vadd.s32 v26, v14;
	v14 =	vand.u32 $0x7F, v14;
	v21 =	vadd.s32 v27, v28  }
0xba: {  	v27 =	vshra.s32 v21, $0x1F;
	v33 =	vand.u32 $0x7F, v21;
	v28 =	vperm.xlane v21, v3  }
0xbb: {  	vm12 =	vlt.s32 v21, $0x1;
	v27 =	vshrl.u32 v27, $0x19;
	vm13 =	vne.s32 v33, $0x0;
	(xrf0) =	vadd.scan.msk.s32 $0xffff, v23  }
0xbc: {  	v21 =	vadd.s32 v27, v21;
	vm12 =	vmand vm12, vm13;
	v23 =	vadd.s32 v28, v25  }
0xbd: {  	v25 =	vshra.s32 v23, $0x1F;
	v29 =	vand.u32 $0x7F, v23;
	v27 =	vperm.xlane v23, v3  }
0xbe: {  	vm13 =	vlt.s32 v23, $0x1;
	v25 =	vshrl.u32 v25, $0x19;
	vm14 =	vne.s32 v29, $0x0;
	v28, _, _ =	vpop (xrf0)  }
0xbf: {  	v30 =	vsel vm11, $0xFFFFFFFF, v2;
	v23 =	vadd.s32 v25, v23;
	v25 =	vadd.s32 v27, v28  }
0xc0: {  	v24 =	vadd.s32 v30, v24;
	v23 =	vshrl.u32 v23, $0x7;
	v27 =	vperm.xlane v25, v3  }
0xc1: {  	v24 =	vshll.u32 v24, $0x7;
	vm11 =	vmand vm13, vm14;
	v31 =	vand.u32 $0x7F, v25;
	v28, _, _ =	vpop (xrf0)  }
0xc2: {  	v24 =	vand.u32 $0x1F80, v24;
	vm13 =	vne.s32 v31, $0x0;
	v34 =	vadd.s32 v27, v28  }
0xc3: {  	v24 =	vor.u32 v20, v24;
	v20 =	vshra.s32 v34, $0x1F;
	v27 =	vand.u32 $0x7F, v34  }
0xc4: {  	vm14 =	vlt.s32 v34, $0x1;
	v20 =	vshrl.u32 v20, $0x19;
	vm15 =	vne.s32 v27, $0x0  }
0xc5: {  	v30 =	vshrl.u32 v21, $0x7;
	v28 =	vld [tilespmem:s12+$0xFFFFFF40];
	v20 =	vadd.s32 v20, v34;
	vm14 =	vmand vm14, vm15  }
0xc6: {  	v21 =	vshra.s32 v25, $0x1F;
	v20 =	vshrl.u32 v20, $0x7;
	v32 =	vsel vm14, $0xFFFFFFFF, v2  }
0xc7: {  	v35 =	vsel vm11, $0xFFFFFFFF, v2;
	v36 =	vshrl.u32 v21, $0x19;
	v20 =	vadd.s32 v32, v20  }
0xc8: {  	vm11 =	vlt.s32 v25, $0x1;
	v32 =	vadd.s32 v35, v23;
	v21 =	vld [tilespmem:s12+$0xFFFFFF60];
	v20 =	vshll.u32 v20, $0x7  }
0xc9: {  	v25 =	vadd.s32 v36, v25;
	vm11 =	vmand vm11, vm13;
	v23 =	vld [tilespmem:s12+$0xFFFFFF50];
	v20 =	vand.u32 $0x1F80, v20  }
0xca: {  	v25 =	vshrl.u32 v25, $0x7;
	v35 =	vsel vm11, $0xFFFFFFFF, v2;
	[tilespmem:v24+s26+$0x0] =	vst.idx.msk vm10, v28;
	v36 =	vld [tilespmem:s12+$0xFFFFFFB0];
	v20 =	vor.u32 v27, v20  }
.Ltmp6:
0xcb: {  	v25 =	vadd.s32 v35, v25;
	[tilespmem:v24+s28+$0x0] =	vst.idx.msk vm10, v22;
	v22 =	vsel vm12, $0xFFFFFFFF, v2;
	v24 =	vshll.u32 v32, $0x7;
	v28 =	vld [tilespmem:s12+$0xFFFFFFA0];
	(pc) =	sbr.rel @p0 .LBB2_4-.Ltmp6, $4  }
0xcc: {  	v32 =	vshll.u32 v25, $0x7;
	v22 =	vadd.s32 v22, v30;
	v30 =	vld [tilespmem:s12+$0xFFFFFF90];
	v24 =	vand.u32 $0x1F80, v24  }
0xcd: {  	v27 =	vld [tilespmem:s12+$0x50];
	v22 =	vshll.u32 v22, $0x7;
	v25 =	vor.u32 v29, v24;
	v24 =	vand.u32 $0x1F80, v32  }
0xce: {  	v32 =	vld [tilespmem:s12+$0x80];
	v35 =	vand.u32 $0x1F80, v22;
	v31 =	vor.u32 v31, v24;
	v24 =	vperm.xlane v34, v3  }
0xcf: {  	vm11 =	vne.s32 v14, $0x0;
	v22 =	vshrl.u32 v26, $0x7;
	s12 =	sadd.s32 $0x200, s12;
	v29 =	vld [tilespmem:s10+$0xFFFFFF80];
	v26 =	vor.u32 v33, v35;
	[tilespmem:v20+s26+$0x0] =	vst.idx.msk vm5, v36  }
0xd0: {  	v24 =	vadd.s32 $0x80000001, v24  }
0xd1: {  	(xrf0) =	vmax.scan.msk.u32 $0xffff, v24;
	_ =	sdelay $0x5  }
0xd2: {  	v24, _, _ =	vpop (xrf0)  }
0xd3: {  	(v2sf) =	vpush v24, $0xF;
	_ =	sdelay $0xe  }
0xd4: {  	s9 =	spop (v2sf)  }
0xd5: {  	v17 =	vshrl.u32 v17, $0x7;
	v54 =	vsel vm8, $0xFFFFFFFF, v2;
	v18 =	vadd.s32 v19, v18;
	s11 =	sxor.u32 $0x80000000, s9  }
0xd6: {  	v55 =	vsel vm9, $0xFFFFFFFF, v2;
	s12 =	simm.s32 $0x1;
	v17 =	vadd.s32 v54, v17;
	v18 =	vshrl.u32 v18, $0x7;
	s9 =	ssub.s32 s11, s19;
	p0 =	sne.s32 s11, s19  }
0xd7: {  	[tilespmem:v31+s26+$0x0] =	vst.idx.msk vm4, v28;
	v17 =	vshll.u32 v17, $0x7;
	v18 =	vadd.s32 v55, v18;
	s13 =	sshra.s32 s9, $0x1F;
	s12 =	simm.s32 @!p0 $0x0  }
0xd8: {  	vm7 =	vmand vm7, vm11;
	[tilespmem:v20+s28+$0x0] =	vst.idx.msk vm5, v10;
	v17 =	vand.u32 $0x1F80, v17;
	v18 =	vshll.u32 v18, $0x7;
	s17 =	sand.u32 $0x7F, s9;
	s12 =	sor.u32 s12, s13  }
0xd9: {  	[tilespmem:v25+s26+$0x0] =	vst.idx.msk vm6, v30;
	v59 =	vsel vm7, $0xFFFFFFFF, v2;
	v15 =	vor.u32 v15, v17;
	v56 =	vand.u32 $0x1F80, v18;
	p1 =	sne.s32 s17, $0x0;
	p6 =	sne.s32 s12, $0x1  }
0xda: {  	[tilespmem:v31+s28+$0x0] =	vst.idx.msk vm4, v11;
	v60 =	vadd.s32 v59, v22;
	v57 =	vmul.u32 $0xA00, v32;
	v58 =	vor.u32 v16, v56;
	s17 =	sshrl.u32 s13, $0x19;
	p0 =	por !p1, !p6  }
0xdb: {  	v62 =	vld [tilespmem:s10+$0xFFFFFF70];
	s10 =	simm.s32 $0x1;
	[tilespmem:v25+s28+$0x0] =	vst.idx.msk vm6, v12;
	v12 =	vshll.u32 v60, $0x7;
	s9 =	sadd.s32 s17, s9;
	p0 =	por !p0, !p0  }
0xdc: {  	[tilespmem:v26+s26+$0x0] =	vst.idx.msk vm3, v29;
	v61 =	vand.u32 $0x1F80, v12;
	v9 =	vadd.s32 v9, v57;
	s9 =	sshra.s32 s9, $0x7;
	s10 =	simm.s32 @!p0 $0x0  }
0xdd: {  	v63 =	vmul.u32 $0xA00, v27;
	[tilespmem:v26+s28+$0x0] =	vst.idx.msk vm3, v9;
	v9 =	vor.u32 v14, v61;
	s9 =	ssub.s32 s9, s10  }
0xde: {  	v13 =	vmul.u32 $0xA00, v13;
	[tilespmem:v15+s26+$0x0] =	vst.idx.msk vm0, v23;
	p0 =	slt.s32 s9, $0x1  }
.Ltmp7:
0xdf: {  	v8 =	vadd.s32 v8, v63;
	[tilespmem:v58+s26+$0x0] =	vst.idx.msk vm1, v21;
	(pc) =	sbr.rel @p0 .LBB2_11-.Ltmp7, $4  }
0xe0: {  	v6 =	vadd.s32 v6, v13;
	[tilespmem:v15+s28+$0x0] =	vst.idx.msk vm0, v8  }
0xe1: {  	[tilespmem:v58+s28+$0x0] =	vst.idx.msk vm1, v6  }
0xe2: {  	[tilespmem:v9+s26+$0x0] =	vst.idx.msk vm2, v62  }
0xe3: {  	[tilespmem:v9+s28+$0x0] =	vst.idx.msk vm2, v7  }
0xe4: {  	p2 =	sne.s32 s9, $0x1  }
.Ltmp8:
0xe5: {  	s10 =	sand.u32 $0x7F, s19;
	(pc) =	sbr.rel @!p2 .LBB2_7-.Ltmp8, $4  }
0xe6: {  	s13 =	sshra.s32 s19, $0x1F;
	p1 =	slt.s32 s19, $0x1;
	p0 =	sne.s32 s10, $0x0  }
0xe7: {  	s12 =	sadd.s32 $0xFFFFFFFF, s9;
	s17 =	sshrl.u32 s13, $0x19;
	p1 =	por !p1, !p0  }
0xe8: {  	s9 =	simm.s32 $0x1;
	s10 =	sadd.s32 s17, s19;
	p1 =	por !p1, !p1  }
0xe9: {  	s13 =	sshrl.u32 s10, $0x7;
	s9 =	simm.s32 @!p1 $0x0;
	p1 =	por $0x0, $0x0  }
0xea: {  	s9 =	ssub.s32 s13, s9  }
0xeb: {  	s19 =	sadd.s32 $0x80, s19;
	p2 =	sne.s32 s12, $0x1;
	s9 =	sshll.u32 s9, $0x7  }
0xec: {  	p1 =	slt.s32 s19, $0x1;
	s10 =	sand.u32 $0x1F80, s9;
	s9 =	sshra.s32 s19, $0x1F  }
.Ltmp9:
0xed: {  	s17 =	sor.u32 $0x4000, s10;
	s9 =	sshrl.u32 s9, $0x19;
	(pc) =	sbr.rel @!p2 .LBB2_10-.Ltmp9, $4  }
0xee: {  	[tilespmem:s31], [sflag:$0x1] =	stream.indirect.gather [hbm4b:s5+s30], $0x80, s17, s30, $0xb8;
	[tilespmem:$0x1F080] =	vst v63  }
0xef: {  	s12 =	sadd.s32 $0xFFFFFFFF, s12;
	p1 =	por !p1, !p0;
	s9 =	sadd.s32 s9, s19  }
0xf0: {  	p1 =	por !p1, !p1;
	s13 =	sshrl.u32 s9, $0x7;
	s9 =	simm.s32 $0x1  }
0xf1: {  	_ =	swait.ge [sflag:s29], $0x4000;
	s9 =	simm.s32 @!p1 $0x0;
	p1 =	por $0x1, $0x1  }
.LBB2_9:
0xf2: {  	p2 =	sne.s32 s12, $0x1;
	s9 =	ssub.s32 s13, s9;
	[sflag:s29] =	ssyncset.done $0x0  }
0xf3: {  	s13 =	sor.u32 $0x6000, s10;
	s9 =	sshll.u32 s9, $0x7;
	[sflag:s29] =	ssyncadd.s32 $0xFFFFC000  }
0xf4: {  	s12 =	sadd.s32 $0xFFFFFFFF, s12;
	s19 =	sadd.s32 $0x80, s19;
	s10 =	sand.u32 $0x1F80, s9  }
0xf5: {  	[spmem:s2] =	stream.indirect.scatter.add.f32 [tilespmem:s31], [sflag:$0x3], $0x80, s13, s30, $0xb8;
	[tilespmem:$0x1F080] =	vst v63  }
0xf6: {  	p3 =	slt.s32 s19, $0x1;
	_ =	swait.ge [sflag:s21], $0x4000  }
0xf7: {  	s9 =	sshra.s32 s19, $0x1F;
	s13 =	sor.u32 $0x4000, s10;
	[sflag:s21] =	ssyncset.done $0x0  }
.Ltmp10:
0xf8: {  	s9 =	sshrl.u32 s9, $0x19;
	[sflag:s21] =	ssyncadd.s32 $0xFFFFC000;
	(pc) =	sbr.rel @p2 .LBB2_9-.Ltmp10, $4  }
0xf9: {  	[tilespmem:s31], [sflag:$0x1] =	stream.indirect.gather [hbm4b:s5+s30], $0x80, s13, s30, $0xb8;
	[tilespmem:$0x1F080] =	vst v63  }
0xfa: {  	p3 =	por !p3, !p0;
	s9 =	sadd.s32 s9, s19  }
0xfb: {  	p3 =	por !p3, !p3;
	s13 =	sshrl.u32 s9, $0x7;
	s9 =	simm.s32 $0x1  }
0xfc: {  	s9 =	simm.s32 @!p3 $0x0;
	_ =	swait.ge [sflag:s29], $0x4000  }
.LBB2_10:
0xfd: {  	[sflag:s29] =	ssyncset.done @p1 $0x0  }
0xfe: {  	s9 =	ssub.s32 s13, s9;
	s10 =	sor.u32 @p1 $0x6000, s10;
	[sflag:s29] =	ssyncadd.s32 @p1 $0xFFFFC000  }
0xff: {  	[spmem:s2] =	stream.indirect.scatter.add.f32 @p1 [tilespmem:s31], [sflag:$0x3], $0x80, s10, s30, $0xb8;
	[tilespmem:$0x1F080] =	vst v63  }
0x100: {  	s9 =	sshll.u32 s9, $0x7;
	_ =	swait.ge @p1 [sflag:s21], $0x4000  }
0x101: {  	s9 =	sand.u32 $0x1F80, s9;
	[sflag:s21] =	ssyncset.done @p1 $0x0  }
0x102: {  	s17 =	sor.u32 $0x4000, s9;
	[sflag:s21] =	ssyncadd.s32 @p1 $0xFFFFC000  }
0x103: {  	[tilespmem:s31], [sflag:$0x1] =	stream.indirect.gather [hbm4b:s5+s30], $0x80, s17, s30, $0xb8;
	[tilespmem:$0x1F080] =	vst v63  }
0x104: {  	_ =	swait.ge [sflag:s29], $0x4000  }
0x105: {  	[sflag:s29] =	ssyncset.done $0x0  }
0x106: {  	s9 =	sor.u32 $0x6000, s9;
	[sflag:s29] =	ssyncadd.s32 $0xFFFFC000  }
0x107: {  	[spmem:s2] =	stream.indirect.scatter.add.f32 [tilespmem:s31], [sflag:$0x3], $0x80, s9, s30, $0xb8;
	[tilespmem:$0x1F080] =	vst v63  }
0x108: {  	_ =	swait.ge [sflag:s21], $0x4000  }
0x109: {  	[sflag:s21] =	ssyncset.done $0x0  }
0x10a: {  	s19 =	sadd.s32 $0x80, s19;
	[sflag:s21] =	ssyncadd.s32 $0xFFFFC000  }
.LBB2_11:
0x10b: {  	_ =	swait.ge [sflag:s22], $0x2000;
	s8 =	sadd.s32 s8, s15  }
0x10c: {  	[sflag:s22] =	ssyncset.done $0x0;
	s8 =	sshrl.u32 s8, $0x3  }
0x10d: {  	[sflag:s22] =	ssyncadd.s32 $0xFFFFE000;
	s8 =	sadd.s32 s6, s8  }
0x10e: {  	[tilespmem:s4], [sflag:$0x2] =	stream.linear.gather [hbm4b:s8+s4], $0x2000, $0x38;
	[tilespmem:$0x1F080] =	vst v63  }
0x10f: {  	s8 =	simm.s32 $0x20C0  }
0x110: {  	v6 =	vld [tilespmem:s8+$0xFFFFFFC0];
	_ =	sdelay $0x1  }
0x111: {  	v7 =	vld [tilespmem:s8+$0xA0]  }
0x112: {  	v8 =	vld [tilespmem:s8+$0x40]  }
0x113: {  	v9 =	vld [tilespmem:s8+$0x30]  }
0x114: {  	v10 =	vld [tilespmem:s8+$0x20];
	v11 =	vsub.s32 v6, v5  }
0x115: {  	v15 =	vld [tilespmem:s8+$0xFFFFFFD0];
	vm10 =	vlt.u32 v11, $0xA00  }
0x116: {  	v16 =	vld [tilespmem:s8+$0x0];
	v14 =	vsel vm10, $0x1, v2  }
0x117: {  	v13 =	vmov s11;
	v12 =	vld [tilespmem:s8+$0xFFFFFFE0];
	(xrf0) =	vadd.scan.msk.s32 $0xffff, v14  }
0x118: {  	v13 =	vadd.s32 $0xFFFFFFFF, v13;
	v6 =	vld [tilespmem:s8+$0xFFFFFFF0];
	v8 =	vmul.u32 $0xA00, v8  }
0x119: {  	v13 =	vbroadcast v13, $0x0;
	v23 =	vld [tilespmem:s8+$0xB0]  }
0x11a: {  	v10 =	vsub.s32 v10, v5;
	v7 =	vmul.u32 $0xA00, v7;
	v22 =	vadd.s32 v11, v8  }
0x11b: {  	v8 =	vsub.s32 v15, v5;
	v14 =	vsub.s32 v9, v5;
	v9 =	vsub.s32 v16, v5  }
0x11c: {  	vm4 =	vlt.u32 v10, $0xA00;
	vm0 =	vlt.u32 v8, $0xA00;
	vm3 =	vlt.u32 v9, $0xA00  }
0x11d: {  	v19 =	vld [tilespmem:s8+$0x10];
	v18 =	vsel vm0, $0x1, v2;
	v17 =	vsub.s32 v6, v5;
	v6 =	vsub.s32 v12, v5;
	v11, _, _ =	vpop (xrf0)  }
0x11e: {  	v15 =	vld [tilespmem:s8+$0x90];
	v21 =	vsel vm3, $0x1, v2;
	(xrf0) =	vadd.scan.msk.s32 $0xffff, v18;
	v18 =	vmul.u32 $0xA00, v23;
	v13 =	vadd.s32 v11, v13  }
0x11f: {  	v12 =	vld [tilespmem:s8+$0x70];
	vm1 =	vlt.u32 v6, $0xA00;
	v11 =	vadd.s32 v10, v7;
	v7 =	vshra.s32 v13, $0x1F  }
0x120: {  	v16 =	vsel vm1, $0x1, v2;
	v10 =	vperm.xlane v13, v3;
	v7 =	vshrl.u32 v7, $0x19  }
0x121: {  	v24 =	vand.u32 $0x7F, v13;
	vm5 =	vlt.s32 v13, $0x1;
	v7 =	vadd.s32 v7, v13  }
0x122: {  	(xrf0) =	vadd.scan.msk.s32 $0xffff, v16;
	vm7 =	vne.s32 v24, $0x0;
	v13 =	vshrl.u32 v7, $0x7;
	v7 =	vsub.s32 v19, v5  }
0x123: {  	vm2 =	vlt.u32 v17, $0xA00;
	v15 =	vmul.u32 $0xA00, v15;
	vm11 =	vmand vm5, vm7  }
0x124: {  	v20 =	vsel vm2, $0x1, v2;
	v16 =	vmul.u32 $0xA00, v12;
	v30 =	vsel vm11, $0xFFFFFFFF, v2  }
0x125: {  	(xrf0) =	vadd.scan.msk.s32 $0xffff, v20;
	vm6 =	vlt.u32 v7, $0xA00;
	v12 =	vadd.s32 v7, v15;
	v13 =	vadd.s32 v30, v13;
	v7, _, _ =	vpop (xrf0)  }
0x126: {  	v15 =	vsel vm6, $0x1, v2;
	v13 =	vshll.u32 v13, $0x7;
	v19 =	vadd.s32 v10, v7  }
0x127: {  	(xrf0) =	vadd.scan.msk.s32 $0xffff, v15;
	v13 =	vand.u32 $0x1F80, v13;
	v10 =	vadd.s32 v14, v18;
	v18 =	vperm.xlane v19, v3  }
0x128: {  	vm2 =	vmmov vm2;
	v7 =	vadd.s32 v17, v16;
	v20, _, _ =	vpop (xrf0);
	(xrf0) =	vadd.scan.msk.s32 $0xffff, v21;
	v24 =	vor.u32 v24, v13  }
0x129: {  	v16 =	vshra.s32 v19, $0x1F;
	v15 =	vand.u32 $0x7F, v19;
	v18 =	vadd.s32 v18, v20  }
0x12a: {  	vm5 =	vlt.s32 v19, $0x1;
	vm7 =	vne.s32 v15, $0x0;
	v20 =	vperm.xlane v18, v3  }
0x12b: {  	v16 =	vshrl.u32 v16, $0x19;
	vm8 =	vmand vm5, vm7;
	vm5 =	vlt.u32 v14, $0xA00;
	v14, _, _ =	vpop (xrf0)  }
0x12c: {  	v17 =	vadd.s32 v16, v19;
	v16 =	vshra.s32 v18, $0x1F;
	v14 =	vadd.s32 v20, v14  }
0x12d: {  	vm7 =	vlt.s32 v18, $0x1;
	v23, _, _ =	vpop (xrf0);
	v20 =	vsel vm4, $0x1, v2;
	v26 =	vperm.xlane v14, v3  }
0x12e: {  	v21 =	vsel vm5, $0x1, v2;
	v19 =	vshrl.u32 v16, $0x19;
	v27, _, _ =	vpop (xrf0);
	v25 =	vshra.s32 v14, $0x1F;
	(xrf0) =	vadd.scan.msk.s32 $0xffff, v20  }
0x12f: {  	v16 =	vand.u32 $0x7F, v18;
	v25 =	vshrl.u32 v25, $0x19;
	v20 =	vadd.s32 v26, v27  }
0x130: {  	v34 =	vld [tilespmem:s8+$0xFFFFFF40];
	vm9 =	vne.s32 v16, $0x0;
	v29 =	vadd.s32 v25, v14;
	v27 =	vperm.xlane v20, v3  }
0x131: {  	(xrf0) =	vadd.scan.msk.s32 $0xffff, v21;
	v25 =	vshra.s32 v20, $0x1F;
	v26 =	vand.u32 $0x7F, v20;
	vm12 =	vlt.s32 v20, $0x1  }
0x132: {  	v25 =	vshrl.u32 v25, $0x19;
	vm13 =	vne.s32 v26, $0x0;
	v21 =	vadd.s32 v27, v23  }
0x133: {  	v20 =	vadd.s32 v25, v20;
	v23 =	vshra.s32 v21, $0x1F;
	v27 =	vperm.xlane v21, v3  }
0x134: {  	vm12 =	vmand vm12, vm13;
	v25 =	vand.u32 $0x7F, v21;
	v28, _, _ =	vpop (xrf0);
	v23 =	vshrl.u32 v23, $0x19  }
0x135: {  	[tilespmem:v24+s26+$0x0] =	vst.idx.msk vm10, v34;
	vm13 =	vlt.s32 v21, $0x1;
	v21 =	vadd.s32 v23, v21;
	v27 =	vadd.s32 v27, v28  }
0x136: {  	[tilespmem:v24+s28+$0x0] =	vst.idx.msk vm10, v22;
	v22 =	vshrl.u32 v29, $0x7;
	v23 =	vshrl.u32 v21, $0x7;
	v21 =	vperm.xlane v27, v3  }
0x137: {  	v30 =	vshrl.u32 v20, $0x7;
	v37 =	vsel vm12, $0xFFFFFFFF, v2;
	vm14 =	vne.s32 v25, $0x0;
	v28, _, _ =	vpop (xrf0)  }
0x138: {  	v60 =	vadd.s32 v37, v30;
	vm11 =	vmand vm13, vm14;
	v33 =	vadd.s32 v21, v28  }
0x139: {  	v31 =	vand.u32 $0x7F, v27;
	v13 =	vshra.s32 v33, $0x1F;
	v28 =	vand.u32 $0x7F, v33  }
0x13a: {  	vm14 =	vlt.s32 v33, $0x1;
	v13 =	vshrl.u32 v13, $0x19;
	vm15 =	vne.s32 v28, $0x0  }
0x13b: {  	v35 =	vsel vm11, $0xFFFFFFFF, v2;
	v20 =	vadd.s32 v13, v33;
	vm14 =	vmand vm14, vm15  }
0x13c: {  	vm11 =	vlt.s32 v27, $0x1;
	v20 =	vshrl.u32 v20, $0x7;
	v32 =	vsel vm14, $0xFFFFFFFF, v2  }
0x13d: {  	v59 =	vld [tilespmem:s8+$0xFFFFFFB0];
	vm13 =	vne.s32 v31, $0x0;
	v21 =	vshra.s32 v27, $0x1F;
	v20 =	vadd.s32 v32, v20  }
0x13e: {  	v29 =	vld [tilespmem:s8+$0xFFFFFF80];
	v57 =	vadd.s32 v35, v23;
	v36 =	vshrl.u32 v21, $0x19;
	v20 =	vshll.u32 v20, $0x7  }
0x13f: {  	v30 =	vld [tilespmem:s8+$0xFFFFFF90];
	vm11 =	vmand vm11, vm13;
	v27 =	vadd.s32 v36, v27;
	v20 =	vand.u32 $0x1F80, v20  }
0x140: {  	v23 =	vld [tilespmem:s8+$0xFFFFFF50];
	v58 =	vsel vm11, $0xFFFFFFFF, v2;
	v27 =	vshrl.u32 v27, $0x7;
	v20 =	vor.u32 v28, v20  }
0x141: {  	vm9 =	vmand vm7, vm9;
	v21 =	vld [tilespmem:s8+$0xFFFFFF60];
	v27 =	vadd.s32 v58, v27;
	v32 =	vshll.u32 v57, $0x7  }
0x142: {  	vm7 =	vlt.s32 v14, $0x1;
	v61 =	vshll.u32 v27, $0x7;
	v27 =	vld [tilespmem:s8+$0x50];
	v32 =	vand.u32 $0x1F80, v32  }
0x143: {  	v62 =	vshll.u32 v60, $0x7;
	v63 =	vand.u32 $0x1F80, v61;
	v25 =	vor.u32 v25, v32;
	v32 =	vld [tilespmem:s8+$0x80]  }
0x144: {  	v14 =	vand.u32 $0x7F, v14;
	v34 =	vand.u32 $0x1F80, v62;
	v31 =	vor.u32 v31, v63;
	v28 =	vld [tilespmem:s8+$0xFFFFFFA0]  }
0x145: {  	s10 =	simm.s32 $0x0;
	s11 =	simm.s32 $0x22C0;
	v26 =	vor.u32 v26, v34;
	v24 =	vperm.xlane v33, v3;
	vm11 =	vne.s32 v14, $0x0;
	v13 =	vld [tilespmem:s8+$0x60];
	[tilespmem:v20+s26+$0x0] =	vst.idx.msk vm5, v59  }
.LBB2_12:
0x146: {  	v33 =	vld [tilespmem:s11+$0xFFFFFFC0];
	s10 =	sadd.s32 $0x8, s10;
	v17 =	vshrl.u32 v17, $0x7;
	v34 =	vsel vm8, $0xFFFFFFFF, v2;
	v18 =	vadd.s32 v19, v18  }
0x147: {  	v19 =	vld [tilespmem:s11+$0xA0];
	p0 =	slt.u32 s10, $0x78;
	v17 =	vadd.s32 v34, v17;
	v18 =	vshrl.u32 v18, $0x7;
	v34 =	vsel vm9, $0xFFFFFFFF, v2  }
0x148: {  	v35 =	vld [tilespmem:s11+$0x40];
	v27 =	vmul.u32 $0xA00, v27;
	v17 =	vshll.u32 v17, $0x7;
	v18 =	vadd.s32 v34, v18;
	[tilespmem:v25+s26+$0x0] =	vst.idx.msk vm6, v30  }
0x149: {  	v30 =	vld [tilespmem:s11+$0x30];
	v17 =	vand.u32 $0x1F80, v17;
	v18 =	vshll.u32 v18, $0x7;
	v32 =	vmul.u32 $0xA00, v32;
	[tilespmem:v31+s26+$0x0] =	vst.idx.msk vm4, v28  }
0x14a: {  	v28 =	vld [tilespmem:s11+$0x20];
	v8 =	vadd.s32 v8, v27;
	v15 =	vor.u32 v15, v17;
	v17 =	vand.u32 $0x1F80, v18;
	[tilespmem:v31+s28+$0x0] =	vst.idx.msk vm4, v11  }
0x14b: {  	v13 =	vmul.u32 $0xA00, v13;
	v11 =	vsub.s32 v33, v5;
	v18 =	vld [tilespmem:s11+$0xFFFFFFF0];
	v16 =	vor.u32 v16, v17;
	[tilespmem:v25+s28+$0x0] =	vst.idx.msk vm6, v12  }
0x14c: {  	vm4 =	vmand vm7, vm11;
	v9 =	vadd.s32 v9, v32;
	vm10 =	vlt.u32 v11, $0xA00;
	v12 =	vld [tilespmem:s11+$0xFFFFFFE0];
	[tilespmem:v26+s26+$0x0] =	vst.idx.msk vm3, v29  }
0x14d: {  	v27 =	vadd.s32 v6, v13;
	v6 =	vsel vm4, $0xFFFFFFFF, v2;
	v17 =	vsel vm10, $0x1, v2;
	v25 =	vld [tilespmem:s11+$0x0];
	[tilespmem:v26+s28+$0x0] =	vst.idx.msk vm3, v9  }
0x14e: {  	v6 =	vadd.s32 v6, v22;
	v9 =	vmul.u32 $0xA00, v35;
	v26 =	vld [tilespmem:s11+$0xFFFFFFD0];
	v29 =	vsub.s32 v30, v5;
	(xrf0) =	vadd.scan.msk.s32 $0xffff, v17  }
0x14f: {  	v19 =	vmul.u32 $0xA00, v19;
	v6 =	vshll.u32 v6, $0x7;
	v13 =	vld [tilespmem:s11+$0x60];
	v17 =	vsub.s32 v28, v5;
	[tilespmem:v15+s26+$0x0] =	vst.idx.msk vm0, v23  }
0x150: {  	v18 =	vsub.s32 v18, v5;
	vm4 =	vlt.u32 v17, $0xA00;
	[tilespmem:v16+s26+$0x0] =	vst.idx.msk vm1, v21;
	v21 =	vand.u32 $0x1F80, v6  }
0x151: {  	v6 =	vsub.s32 v12, v5;
	vm6 =	vlt.u32 v18, $0xA00;
	[tilespmem:v16+s28+$0x0] =	vst.idx.msk vm1, v27;
	v12 =	vld [tilespmem:s8+$0xFFFFFF70];
	v14 =	vor.u32 v14, v21;
	s8 =	smov.u32 s11  }
0x152: {  	v22 =	vadd.s32 v11, v9;
	vm1 =	vlt.u32 v6, $0xA00;
	v9 =	vsub.s32 v25, v5;
	[tilespmem:v15+s28+$0x0] =	vst.idx.msk vm0, v8  }
0x153: {  	v8 =	vsub.s32 v26, v5;
	v15 =	vsel vm1, $0x1, v2;
	v16 =	vld [tilespmem:s11+$0x70];
	vm3 =	vlt.u32 v9, $0xA00  }
0x154: {  	v21 =	vsel vm6, $0x1, v2;
	vm0 =	vlt.u32 v8, $0xA00;
	v23 =	vsel vm3, $0x1, v2;
	v25 =	vld [tilespmem:s11+$0x90];
	v11, _, _ =	vpop (xrf0)  }
0x155: {  	v24 =	vadd.s32 v11, v24;
	v26 =	vsel vm0, $0x1, v2;
	v27 =	vld [tilespmem:s11+$0x10];
	v11 =	vadd.s32 v17, v19;
	[tilespmem:v20+s28+$0x0] =	vst.idx.msk vm5, v10  }
0x156: {  	v10 =	vshra.s32 v24, $0x1F;
	v17 =	vperm.xlane v24, v3;
	v19 =	vld [tilespmem:s11+$0xB0];
	(xrf0) =	vadd.scan.msk.s32 $0xffff, v26;
	[tilespmem:v14+s26+$0x0] =	vst.idx.msk vm2, v12  }
0x157: {  	v20 =	vand.u32 $0x7F, v24;
	v10 =	vshrl.u32 v10, $0x19;
	[tilespmem:v14+s28+$0x0] =	vst.idx.msk vm2, v7;
	vm2 =	vmmov vm6  }
0x158: {  	vm5 =	vlt.s32 v24, $0x1;
	vm6 =	vne.s32 v20, $0x0;
	v7 =	vadd.s32 v10, v24  }
0x159: {  	vm11 =	vmand vm5, vm6;
	v24 =	vshrl.u32 v7, $0x7;
	(xrf0) =	vadd.scan.msk.s32 $0xffff, v15  }
0x15a: {  	v10 =	vmul.u32 $0xA00, v25;
	v26 =	vsub.s32 v27, v5  }
0x15b: {  	v14 =	vmul.u32 $0xA00, v16;
	vm6 =	vlt.u32 v26, $0xA00;
	v15 =	vmul.u32 $0xA00, v19  }
0x15c: {  	v12 =	vadd.s32 v26, v10;
	v16 =	vsel vm6, $0x1, v2;
	v7, _, _ =	vpop (xrf0);
	(xrf0) =	vadd.scan.msk.s32 $0xffff, v21  }
0x15d: {  	v17 =	vadd.s32 v17, v7;
	v7 =	vadd.s32 v18, v14;
	v10 =	vadd.s32 v29, v15;
	(xrf0) =	vadd.scan.msk.s32 $0xffff, v16  }
0x15e: {  	v14 =	vshra.s32 v17, $0x1F;
	v15 =	vand.u32 $0x7F, v17;
	v16 =	vperm.xlane v17, v3  }
0x15f: {  	vm5 =	vlt.s32 v17, $0x1;
	v14 =	vshrl.u32 v14, $0x19;
	vm7 =	vne.s32 v15, $0x0;
	v18, _, _ =	vpop (xrf0);
	(xrf0) =	vadd.scan.msk.s32 $0xffff, v23  }
0x160: {  	v17 =	vadd.s32 v14, v17;
	vm8 =	vmand vm5, vm7;
	v18 =	vadd.s32 v16, v18  }
0x161: {  	v23 =	vshra.s32 v18, $0x1F;
	vm7 =	vlt.s32 v18, $0x1;
	v21 =	vperm.xlane v18, v3  }
0x162: {  	vm5 =	vlt.u32 v29, $0xA00;
	v16 =	vand.u32 $0x7F, v18;
	v19 =	vshrl.u32 v23, $0x19;
	v14, _, _ =	vpop (xrf0)  }
0x163: {  	v23 =	vsel vm5, $0x1, v2;
	v14 =	vadd.s32 v21, v14;
	v21 =	vsel vm4, $0x1, v2;
	v25, _, _ =	vpop (xrf0)  }
0x164: {  	vm9 =	vne.s32 v16, $0x0;
	v26 =	vshra.s32 v14, $0x1F;
	v27 =	vperm.xlane v14, v3  }
0x165: {  	vm9 =	vmand vm7, vm9;
	vm7 =	vlt.s32 v14, $0x1;
	v26 =	vshrl.u32 v26, $0x19;
	v28, _, _ =	vpop (xrf0);
	(xrf0) =	vadd.scan.msk.s32 $0xffff, v21  }
0x166: {  	v26 =	vadd.s32 v26, v14;
	v14 =	vand.u32 $0x7F, v14;
	v21 =	vadd.s32 v27, v28  }
0x167: {  	v27 =	vshra.s32 v21, $0x1F;
	v33 =	vand.u32 $0x7F, v21;
	v28 =	vperm.xlane v21, v3  }
0x168: {  	vm12 =	vlt.s32 v21, $0x1;
	v27 =	vshrl.u32 v27, $0x19;
	vm13 =	vne.s32 v33, $0x0;
	(xrf0) =	vadd.scan.msk.s32 $0xffff, v23  }
0x169: {  	v21 =	vadd.s32 v27, v21;
	vm12 =	vmand vm12, vm13;
	v23 =	vadd.s32 v28, v25  }
0x16a: {  	v25 =	vshra.s32 v23, $0x1F;
	v29 =	vand.u32 $0x7F, v23;
	v27 =	vperm.xlane v23, v3  }
0x16b: {  	vm13 =	vlt.s32 v23, $0x1;
	v25 =	vshrl.u32 v25, $0x19;
	vm14 =	vne.s32 v29, $0x0;
	v28, _, _ =	vpop (xrf0)  }
0x16c: {  	v30 =	vsel vm11, $0xFFFFFFFF, v2;
	v23 =	vadd.s32 v25, v23;
	v25 =	vadd.s32 v27, v28  }
0x16d: {  	v24 =	vadd.s32 v30, v24;
	v23 =	vshrl.u32 v23, $0x7;
	v27 =	vperm.xlane v25, v3  }
0x16e: {  	v24 =	vshll.u32 v24, $0x7;
	vm11 =	vmand vm13, vm14;
	v31 =	vand.u32 $0x7F, v25;
	v28, _, _ =	vpop (xrf0)  }
0x16f: {  	v24 =	vand.u32 $0x1F80, v24;
	vm13 =	vne.s32 v31, $0x0;
	v34 =	vadd.s32 v27, v28  }
0x170: {  	v24 =	vor.u32 v20, v24;
	v20 =	vshra.s32 v34, $0x1F;
	v27 =	vand.u32 $0x7F, v34  }
0x171: {  	vm14 =	vlt.s32 v34, $0x1;
	v20 =	vshrl.u32 v20, $0x19;
	vm15 =	vne.s32 v27, $0x0  }
0x172: {  	v30 =	vshrl.u32 v21, $0x7;
	v28 =	vld [tilespmem:s11+$0xFFFFFF40];
	v20 =	vadd.s32 v20, v34;
	vm14 =	vmand vm14, vm15  }
0x173: {  	v21 =	vshra.s32 v25, $0x1F;
	v20 =	vshrl.u32 v20, $0x7;
	v32 =	vsel vm14, $0xFFFFFFFF, v2  }
0x174: {  	v35 =	vsel vm11, $0xFFFFFFFF, v2;
	v36 =	vshrl.u32 v21, $0x19;
	v20 =	vadd.s32 v32, v20  }
0x175: {  	vm11 =	vlt.s32 v25, $0x1;
	v32 =	vadd.s32 v35, v23;
	v21 =	vld [tilespmem:s11+$0xFFFFFF60];
	v20 =	vshll.u32 v20, $0x7  }
0x176: {  	v25 =	vadd.s32 v36, v25;
	vm11 =	vmand vm11, vm13;
	v23 =	vld [tilespmem:s11+$0xFFFFFF50];
	v20 =	vand.u32 $0x1F80, v20  }
0x177: {  	v25 =	vshrl.u32 v25, $0x7;
	v35 =	vsel vm11, $0xFFFFFFFF, v2;
	[tilespmem:v24+s26+$0x0] =	vst.idx.msk vm10, v28;
	v36 =	vld [tilespmem:s11+$0xFFFFFFB0];
	v20 =	vor.u32 v27, v20  }
.Ltmp11:
0x178: {  	v25 =	vadd.s32 v35, v25;
	[tilespmem:v24+s28+$0x0] =	vst.idx.msk vm10, v22;
	v22 =	vsel vm12, $0xFFFFFFFF, v2;
	v24 =	vshll.u32 v32, $0x7;
	v28 =	vld [tilespmem:s11+$0xFFFFFFA0];
	(pc) =	sbr.rel @p0 .LBB2_12-.Ltmp11, $4  }
0x179: {  	v32 =	vshll.u32 v25, $0x7;
	v22 =	vadd.s32 v22, v30;
	v30 =	vld [tilespmem:s11+$0xFFFFFF90];
	v24 =	vand.u32 $0x1F80, v24  }
0x17a: {  	v27 =	vld [tilespmem:s11+$0x50];
	v22 =	vshll.u32 v22, $0x7;
	v25 =	vor.u32 v29, v24;
	v24 =	vand.u32 $0x1F80, v32  }
0x17b: {  	v32 =	vld [tilespmem:s11+$0x80];
	v35 =	vand.u32 $0x1F80, v22;
	v31 =	vor.u32 v31, v24;
	v24 =	vperm.xlane v34, v3  }
0x17c: {  	vm11 =	vne.s32 v14, $0x0;
	v22 =	vshrl.u32 v26, $0x7;
	s11 =	sadd.s32 $0x200, s11;
	v29 =	vld [tilespmem:s8+$0xFFFFFF80];
	v26 =	vor.u32 v33, v35;
	[tilespmem:v20+s26+$0x0] =	vst.idx.msk vm5, v36  }
0x17d: {  	v24 =	vadd.s32 $0x80000001, v24  }
0x17e: {  	(xrf0) =	vmax.scan.msk.u32 $0xffff, v24;
	_ =	sdelay $0x5  }
0x17f: {  	v24, _, _ =	vpop (xrf0)  }
0x180: {  	(v2sf) =	vpush v24, $0xF;
	_ =	sdelay $0xe  }
0x181: {  	s9 =	spop (v2sf)  }
0x182: {  	v17 =	vshrl.u32 v17, $0x7;
	v54 =	vsel vm8, $0xFFFFFFFF, v2;
	v18 =	vadd.s32 v19, v18;
	s11 =	sxor.u32 $0x80000000, s9  }
0x183: {  	v55 =	vsel vm9, $0xFFFFFFFF, v2;
	s10 =	simm.s32 $0x1;
	v17 =	vadd.s32 v54, v17;
	v18 =	vshrl.u32 v18, $0x7;
	s9 =	ssub.s32 s11, s19;
	p0 =	sne.s32 s11, s19  }
0x184: {  	[tilespmem:v31+s26+$0x0] =	vst.idx.msk vm4, v28;
	v17 =	vshll.u32 v17, $0x7;
	v18 =	vadd.s32 v55, v18;
	s12 =	sshra.s32 s9, $0x1F;
	s10 =	simm.s32 @!p0 $0x0  }
0x185: {  	vm7 =	vmand vm7, vm11;
	[tilespmem:v20+s28+$0x0] =	vst.idx.msk vm5, v10;
	v17 =	vand.u32 $0x1F80, v17;
	v18 =	vshll.u32 v18, $0x7;
	s13 =	sand.u32 $0x7F, s9;
	s10 =	sor.u32 s10, s12  }
0x186: {  	[tilespmem:v25+s26+$0x0] =	vst.idx.msk vm6, v30;
	v59 =	vsel vm7, $0xFFFFFFFF, v2;
	v15 =	vor.u32 v15, v17;
	v56 =	vand.u32 $0x1F80, v18;
	p1 =	sne.s32 s13, $0x0;
	p6 =	sne.s32 s10, $0x1  }
0x187: {  	[tilespmem:v31+s28+$0x0] =	vst.idx.msk vm4, v11;
	v60 =	vadd.s32 v59, v22;
	v57 =	vmul.u32 $0xA00, v32;
	v58 =	vor.u32 v16, v56;
	s17 =	sshrl.u32 s12, $0x19;
	p0 =	por !p1, !p6  }
0x188: {  	v62 =	vld [tilespmem:s8+$0xFFFFFF70];
	[tilespmem:v25+s28+$0x0] =	vst.idx.msk vm6, v12;
	v12 =	vshll.u32 v60, $0x7;
	s8 =	sadd.s32 s17, s9;
	s9 =	simm.s32 $0x1;
	p0 =	por !p0, !p0  }
0x189: {  	[tilespmem:v26+s26+$0x0] =	vst.idx.msk vm3, v29;
	v61 =	vand.u32 $0x1F80, v12;
	v9 =	vadd.s32 v9, v57;
	s8 =	sshra.s32 s8, $0x7;
	s9 =	simm.s32 @!p0 $0x0  }
0x18a: {  	v63 =	vmul.u32 $0xA00, v27;
	[tilespmem:v26+s28+$0x0] =	vst.idx.msk vm3, v9;
	v9 =	vor.u32 v14, v61;
	s8 =	ssub.s32 s8, s9  }
0x18b: {  	v13 =	vmul.u32 $0xA00, v13;
	[tilespmem:v15+s26+$0x0] =	vst.idx.msk vm0, v23;
	p0 =	slt.s32 s8, $0x1  }
.Ltmp12:
0x18c: {  	v8 =	vadd.s32 v8, v63;
	[tilespmem:v58+s26+$0x0] =	vst.idx.msk vm1, v21;
	(pc) =	sbr.rel @p0 .LBB2_19-.Ltmp12, $4  }
0x18d: {  	v6 =	vadd.s32 v6, v13;
	[tilespmem:v15+s28+$0x0] =	vst.idx.msk vm0, v8  }
0x18e: {  	[tilespmem:v58+s28+$0x0] =	vst.idx.msk vm1, v6  }
0x18f: {  	[tilespmem:v9+s26+$0x0] =	vst.idx.msk vm2, v62  }
0x190: {  	[tilespmem:v9+s28+$0x0] =	vst.idx.msk vm2, v7  }
0x191: {  	p2 =	sne.s32 s8, $0x1  }
.Ltmp13:
0x192: {  	s9 =	sand.u32 $0x7F, s19;
	(pc) =	sbr.rel @!p2 .LBB2_15-.Ltmp13, $4  }
0x193: {  	s13 =	sshra.s32 s19, $0x1F;
	p1 =	slt.s32 s19, $0x1;
	p0 =	sne.s32 s9, $0x0  }
0x194: {  	s10 =	sadd.s32 $0xFFFFFFFF, s8;
	s17 =	sshrl.u32 s13, $0x19;
	p1 =	por !p1, !p0  }
0x195: {  	s9 =	simm.s32 $0x1;
	s8 =	sadd.s32 s17, s19;
	p1 =	por !p1, !p1  }
0x196: {  	s12 =	sshrl.u32 s8, $0x7;
	s9 =	simm.s32 @!p1 $0x0;
	p1 =	por $0x0, $0x0  }
0x197: {  	s8 =	ssub.s32 s12, s9  }
0x198: {  	s19 =	sadd.s32 $0x80, s19;
	p2 =	sne.s32 s10, $0x1;
	s10 =	sadd.s32 $0xFFFFFFFF, s10  }
0x199: {  	s8 =	sshll.u32 s8, $0x7;
	s13 =	sshra.s32 s19, $0x1F;
	p1 =	slt.s32 s19, $0x1  }
.Ltmp14:
0x19a: {  	s8 =	sand.u32 $0x1F80, s8;
	s9 =	sshrl.u32 s13, $0x19;
	(pc) =	sbr.rel @!p2 .LBB2_18-.Ltmp14, $4  }
0x19b: {  	p1 =	por !p1, !p0;
	s17 =	sor.u32 $0x4000, s8;
	s9 =	sadd.s32 s9, s19  }
0x19c: {  	[tilespmem:s31], [sflag:$0x1] =	stream.indirect.gather [hbm4b:s5+s30], $0x80, s17, s30, $0xb8;
	[tilespmem:$0x1F080] =	vst v63  }
0x19d: {  	p1 =	por !p1, !p1;
	s12 =	sshrl.u32 s9, $0x7;
	s9 =	simm.s32 $0x1  }
0x19e: {  	s9 =	simm.s32 @!p1 $0x0;
	_ =	swait.ge [sflag:s29], $0x4000;
	p1 =	por $0x1, $0x1  }
.LBB2_17:
0x19f: {  	p2 =	sne.s32 s10, $0x1;
	s9 =	ssub.s32 s12, s9;
	[sflag:s29] =	ssyncset.done $0x0  }
0x1a0: {  	s12 =	sor.u32 $0x6000, s8;
	s9 =	sshll.u32 s9, $0x7;
	[sflag:s29] =	ssyncadd.s32 $0xFFFFC000  }
0x1a1: {  	s10 =	sadd.s32 $0xFFFFFFFF, s10;
	s19 =	sadd.s32 $0x80, s19;
	s8 =	sand.u32 $0x1F80, s9  }
0x1a2: {  	[spmem:s2] =	stream.indirect.scatter.add.f32 [tilespmem:s31], [sflag:$0x3], $0x80, s12, s30, $0xb8;
	[tilespmem:$0x1F080] =	vst v63  }
0x1a3: {  	p3 =	slt.s32 s19, $0x1;
	_ =	swait.ge [sflag:s21], $0x4000  }
0x1a4: {  	s9 =	sshra.s32 s19, $0x1F;
	s12 =	sor.u32 $0x4000, s8;
	[sflag:s21] =	ssyncset.done $0x0  }
.Ltmp15:
0x1a5: {  	s9 =	sshrl.u32 s9, $0x19;
	[sflag:s21] =	ssyncadd.s32 $0xFFFFC000;
	(pc) =	sbr.rel @p2 .LBB2_17-.Ltmp15, $4  }
0x1a6: {  	[tilespmem:s31], [sflag:$0x1] =	stream.indirect.gather [hbm4b:s5+s30], $0x80, s12, s30, $0xb8;
	[tilespmem:$0x1F080] =	vst v63  }
0x1a7: {  	p3 =	por !p3, !p0;
	s9 =	sadd.s32 s9, s19  }
0x1a8: {  	p3 =	por !p3, !p3;
	s12 =	sshrl.u32 s9, $0x7;
	s9 =	simm.s32 $0x1  }
0x1a9: {  	s9 =	simm.s32 @!p3 $0x0;
	_ =	swait.ge [sflag:s29], $0x4000  }
.Ltmp16:
0x1aa: {  	_ = 	snop;
	(pc) =	sbr.rel .LBB2_18-.Ltmp16, $1  }
0x1ab: {  	_ =	sdelay $0x3  }
.LBB2_7:
.Ltmp17:
0x1ac: {  	(pc) =	sbr.rel .LBB2_10-.Ltmp17, $2  }
0x1ad: {  	_ =	sdelay $0x2  }
0x1ae: {  	_ = 	snop  }
.LBB2_20:
0x1af: {  	s0 =	simm.s32 $0xC0  }
0x1b0: {  	v6 =	vld [tilespmem:s0+$0xFFFFFFC0];
	_ =	sdelay $0x1  }
0x1b1: {  	v7 =	vld [tilespmem:s0+$0xA0]  }
0x1b2: {  	v8 =	vld [tilespmem:s0+$0x40]  }
0x1b3: {  	v9 =	vld [tilespmem:s0+$0x30]  }
0x1b4: {  	v10 =	vld [tilespmem:s0+$0x20];
	v11 =	vsub.s32 v6, v5  }
0x1b5: {  	v15 =	vld [tilespmem:s0+$0xFFFFFFD0];
	vm10 =	vlt.u32 v11, $0xA00  }
0x1b6: {  	v16 =	vld [tilespmem:s0+$0x0];
	v14 =	vsel vm10, $0x1, v2  }
0x1b7: {  	v13 =	vmov s11;
	v12 =	vld [tilespmem:s0+$0xFFFFFFE0];
	(xrf0) =	vadd.scan.msk.s32 $0xffff, v14  }
0x1b8: {  	v13 =	vadd.s32 $0xFFFFFFFF, v13;
	v6 =	vld [tilespmem:s0+$0xFFFFFFF0];
	v8 =	vmul.u32 $0xA00, v8  }
0x1b9: {  	v23 =	vld [tilespmem:s0+$0xB0];
	v13 =	vbroadcast v13, $0x0  }
0x1ba: {  	v10 =	vsub.s32 v10, v5;
	v7 =	vmul.u32 $0xA00, v7;
	v22 =	vadd.s32 v11, v8  }
0x1bb: {  	v8 =	vsub.s32 v15, v5;
	v14 =	vsub.s32 v9, v5;
	v9 =	vsub.s32 v16, v5  }
0x1bc: {  	vm4 =	vlt.u32 v10, $0xA00;
	vm0 =	vlt.u32 v8, $0xA00;
	vm3 =	vlt.u32 v9, $0xA00  }
0x1bd: {  	v19 =	vld [tilespmem:s0+$0x10];
	v18 =	vsel vm0, $0x1, v2;
	v17 =	vsub.s32 v6, v5;
	v6 =	vsub.s32 v12, v5;
	v11, _, _ =	vpop (xrf0)  }
0x1be: {  	v15 =	vld [tilespmem:s0+$0x90];
	v21 =	vsel vm3, $0x1, v2;
	(xrf0) =	vadd.scan.msk.s32 $0xffff, v18;
	v18 =	vmul.u32 $0xA00, v23;
	v13 =	vadd.s32 v11, v13  }
0x1bf: {  	v12 =	vld [tilespmem:s0+$0x70];
	vm1 =	vlt.u32 v6, $0xA00;
	v11 =	vadd.s32 v10, v7;
	v7 =	vshra.s32 v13, $0x1F  }
0x1c0: {  	v16 =	vsel vm1, $0x1, v2;
	v10 =	vperm.xlane v13, v3;
	v7 =	vshrl.u32 v7, $0x19  }
0x1c1: {  	v24 =	vand.u32 $0x7F, v13;
	vm5 =	vlt.s32 v13, $0x1;
	v7 =	vadd.s32 v7, v13  }
0x1c2: {  	(xrf0) =	vadd.scan.msk.s32 $0xffff, v16;
	vm7 =	vne.s32 v24, $0x0;
	v13 =	vshrl.u32 v7, $0x7;
	v7 =	vsub.s32 v19, v5  }
0x1c3: {  	vm2 =	vlt.u32 v17, $0xA00;
	v15 =	vmul.u32 $0xA00, v15;
	vm11 =	vmand vm5, vm7  }
0x1c4: {  	v20 =	vsel vm2, $0x1, v2;
	v16 =	vmul.u32 $0xA00, v12;
	v30 =	vsel vm11, $0xFFFFFFFF, v2  }
0x1c5: {  	(xrf0) =	vadd.scan.msk.s32 $0xffff, v20;
	vm6 =	vlt.u32 v7, $0xA00;
	v12 =	vadd.s32 v7, v15;
	v13 =	vadd.s32 v30, v13;
	v7, _, _ =	vpop (xrf0)  }
0x1c6: {  	v15 =	vsel vm6, $0x1, v2;
	v13 =	vshll.u32 v13, $0x7;
	v19 =	vadd.s32 v10, v7  }
0x1c7: {  	(xrf0) =	vadd.scan.msk.s32 $0xffff, v15;
	v13 =	vand.u32 $0x1F80, v13;
	v10 =	vadd.s32 v14, v18;
	v18 =	vperm.xlane v19, v3  }
0x1c8: {  	vm2 =	vmmov vm2;
	v7 =	vadd.s32 v17, v16;
	v20, _, _ =	vpop (xrf0);
	(xrf0) =	vadd.scan.msk.s32 $0xffff, v21;
	v24 =	vor.u32 v24, v13  }
0x1c9: {  	v16 =	vshra.s32 v19, $0x1F;
	v15 =	vand.u32 $0x7F, v19;
	v18 =	vadd.s32 v18, v20  }
0x1ca: {  	vm5 =	vlt.s32 v19, $0x1;
	vm7 =	vne.s32 v15, $0x0;
	v20 =	vperm.xlane v18, v3  }
0x1cb: {  	v16 =	vshrl.u32 v16, $0x19;
	vm8 =	vmand vm5, vm7;
	vm5 =	vlt.u32 v14, $0xA00;
	v14, _, _ =	vpop (xrf0)  }
0x1cc: {  	v17 =	vadd.s32 v16, v19;
	v16 =	vshra.s32 v18, $0x1F;
	v14 =	vadd.s32 v20, v14  }
0x1cd: {  	vm7 =	vlt.s32 v18, $0x1;
	v23, _, _ =	vpop (xrf0);
	v20 =	vsel vm4, $0x1, v2;
	v26 =	vperm.xlane v14, v3  }
0x1ce: {  	v21 =	vsel vm5, $0x1, v2;
	v19 =	vshrl.u32 v16, $0x19;
	v27, _, _ =	vpop (xrf0);
	v25 =	vshra.s32 v14, $0x1F;
	(xrf0) =	vadd.scan.msk.s32 $0xffff, v20  }
0x1cf: {  	v16 =	vand.u32 $0x7F, v18;
	v25 =	vshrl.u32 v25, $0x19;
	v20 =	vadd.s32 v26, v27  }
0x1d0: {  	v34 =	vld [tilespmem:s0+$0xFFFFFF40];
	vm9 =	vne.s32 v16, $0x0;
	v29 =	vadd.s32 v25, v14;
	v27 =	vperm.xlane v20, v3  }
0x1d1: {  	(xrf0) =	vadd.scan.msk.s32 $0xffff, v21;
	v25 =	vshra.s32 v20, $0x1F;
	v26 =	vand.u32 $0x7F, v20;
	vm12 =	vlt.s32 v20, $0x1  }
0x1d2: {  	v25 =	vshrl.u32 v25, $0x19;
	vm13 =	vne.s32 v26, $0x0;
	v21 =	vadd.s32 v27, v23  }
0x1d3: {  	v20 =	vadd.s32 v25, v20;
	v23 =	vshra.s32 v21, $0x1F;
	v27 =	vperm.xlane v21, v3  }
0x1d4: {  	vm12 =	vmand vm12, vm13;
	v25 =	vand.u32 $0x7F, v21;
	v28, _, _ =	vpop (xrf0);
	v23 =	vshrl.u32 v23, $0x19  }
0x1d5: {  	[tilespmem:v24+s26+$0x0] =	vst.idx.msk vm10, v34;
	vm13 =	vlt.s32 v21, $0x1;
	v21 =	vadd.s32 v23, v21;
	v27 =	vadd.s32 v27, v28  }
0x1d6: {  	[tilespmem:v24+s28+$0x0] =	vst.idx.msk vm10, v22;
	v22 =	vshrl.u32 v29, $0x7;
	v23 =	vshrl.u32 v21, $0x7;
	v21 =	vperm.xlane v27, v3  }
0x1d7: {  	v30 =	vshrl.u32 v20, $0x7;
	v37 =	vsel vm12, $0xFFFFFFFF, v2;
	vm14 =	vne.s32 v25, $0x0;
	v28, _, _ =	vpop (xrf0)  }
0x1d8: {  	v60 =	vadd.s32 v37, v30;
	vm11 =	vmand vm13, vm14;
	v33 =	vadd.s32 v21, v28  }
0x1d9: {  	v31 =	vand.u32 $0x7F, v27;
	v13 =	vshra.s32 v33, $0x1F;
	v28 =	vand.u32 $0x7F, v33  }
0x1da: {  	vm14 =	vlt.s32 v33, $0x1;
	v13 =	vshrl.u32 v13, $0x19;
	vm15 =	vne.s32 v28, $0x0  }
0x1db: {  	v35 =	vsel vm11, $0xFFFFFFFF, v2;
	v20 =	vadd.s32 v13, v33;
	vm14 =	vmand vm14, vm15  }
0x1dc: {  	vm11 =	vlt.s32 v27, $0x1;
	v20 =	vshrl.u32 v20, $0x7;
	v32 =	vsel vm14, $0xFFFFFFFF, v2  }
0x1dd: {  	v59 =	vld [tilespmem:s0+$0xFFFFFFB0];
	vm13 =	vne.s32 v31, $0x0;
	v21 =	vshra.s32 v27, $0x1F;
	v20 =	vadd.s32 v32, v20  }
0x1de: {  	v29 =	vld [tilespmem:s0+$0xFFFFFF80];
	v57 =	vadd.s32 v35, v23;
	v36 =	vshrl.u32 v21, $0x19;
	v20 =	vshll.u32 v20, $0x7  }
0x1df: {  	v30 =	vld [tilespmem:s0+$0xFFFFFF90];
	vm11 =	vmand vm11, vm13;
	v27 =	vadd.s32 v36, v27;
	v20 =	vand.u32 $0x1F80, v20  }
0x1e0: {  	v23 =	vld [tilespmem:s0+$0xFFFFFF50];
	v58 =	vsel vm11, $0xFFFFFFFF, v2;
	v27 =	vshrl.u32 v27, $0x7;
	v20 =	vor.u32 v28, v20  }
0x1e1: {  	vm9 =	vmand vm7, vm9;
	v21 =	vld [tilespmem:s0+$0xFFFFFF60];
	v27 =	vadd.s32 v58, v27;
	v32 =	vshll.u32 v57, $0x7  }
0x1e2: {  	vm7 =	vlt.s32 v14, $0x1;
	v61 =	vshll.u32 v27, $0x7;
	v27 =	vld [tilespmem:s0+$0x50];
	v32 =	vand.u32 $0x1F80, v32  }
0x1e3: {  	v62 =	vshll.u32 v60, $0x7;
	v63 =	vand.u32 $0x1F80, v61;
	v25 =	vor.u32 v25, v32;
	v32 =	vld [tilespmem:s0+$0x80]  }
0x1e4: {  	v14 =	vand.u32 $0x7F, v14;
	v34 =	vand.u32 $0x1F80, v62;
	v31 =	vor.u32 v31, v63;
	v28 =	vld [tilespmem:s0+$0xFFFFFFA0]  }
0x1e5: {  	s8 =	simm.s32 $0x0;
	s10 =	simm.s32 $0x2C0;
	v26 =	vor.u32 v26, v34;
	v24 =	vperm.xlane v33, v3;
	vm11 =	vne.s32 v14, $0x0;
	v13 =	vld [tilespmem:s0+$0x60];
	[tilespmem:v20+s26+$0x0] =	vst.idx.msk vm5, v59  }
.LBB2_21:
0x1e6: {  	v33 =	vld [tilespmem:s10+$0xFFFFFFC0];
	s8 =	sadd.s32 $0x8, s8;
	v17 =	vshrl.u32 v17, $0x7;
	v34 =	vsel vm8, $0xFFFFFFFF, v2;
	v18 =	vadd.s32 v19, v18  }
0x1e7: {  	v19 =	vld [tilespmem:s10+$0xA0];
	p0 =	slt.u32 s8, $0x78;
	v17 =	vadd.s32 v34, v17;
	v18 =	vshrl.u32 v18, $0x7;
	v34 =	vsel vm9, $0xFFFFFFFF, v2  }
0x1e8: {  	v35 =	vld [tilespmem:s10+$0x40];
	v27 =	vmul.u32 $0xA00, v27;
	v17 =	vshll.u32 v17, $0x7;
	v18 =	vadd.s32 v34, v18;
	[tilespmem:v25+s26+$0x0] =	vst.idx.msk vm6, v30  }
0x1e9: {  	v30 =	vld [tilespmem:s10+$0x30];
	v17 =	vand.u32 $0x1F80, v17;
	v18 =	vshll.u32 v18, $0x7;
	v32 =	vmul.u32 $0xA00, v32;
	[tilespmem:v31+s26+$0x0] =	vst.idx.msk vm4, v28  }
0x1ea: {  	v28 =	vld [tilespmem:s10+$0x20];
	v8 =	vadd.s32 v8, v27;
	v15 =	vor.u32 v15, v17;
	v17 =	vand.u32 $0x1F80, v18;
	[tilespmem:v31+s28+$0x0] =	vst.idx.msk vm4, v11  }
0x1eb: {  	v13 =	vmul.u32 $0xA00, v13;
	v11 =	vsub.s32 v33, v5;
	v18 =	vld [tilespmem:s10+$0xFFFFFFF0];
	v16 =	vor.u32 v16, v17;
	[tilespmem:v25+s28+$0x0] =	vst.idx.msk vm6, v12  }
0x1ec: {  	vm4 =	vmand vm7, vm11;
	v9 =	vadd.s32 v9, v32;
	vm10 =	vlt.u32 v11, $0xA00;
	v12 =	vld [tilespmem:s10+$0xFFFFFFE0];
	[tilespmem:v26+s26+$0x0] =	vst.idx.msk vm3, v29  }
0x1ed: {  	v27 =	vadd.s32 v6, v13;
	v6 =	vsel vm4, $0xFFFFFFFF, v2;
	v17 =	vsel vm10, $0x1, v2;
	v25 =	vld [tilespmem:s10+$0x0];
	[tilespmem:v26+s28+$0x0] =	vst.idx.msk vm3, v9  }
0x1ee: {  	v6 =	vadd.s32 v6, v22;
	v9 =	vmul.u32 $0xA00, v35;
	v26 =	vld [tilespmem:s10+$0xFFFFFFD0];
	v29 =	vsub.s32 v30, v5;
	(xrf0) =	vadd.scan.msk.s32 $0xffff, v17  }
0x1ef: {  	v19 =	vmul.u32 $0xA00, v19;
	v6 =	vshll.u32 v6, $0x7;
	v13 =	vld [tilespmem:s10+$0x60];
	v17 =	vsub.s32 v28, v5;
	[tilespmem:v15+s26+$0x0] =	vst.idx.msk vm0, v23  }
0x1f0: {  	v18 =	vsub.s32 v18, v5;
	vm4 =	vlt.u32 v17, $0xA00;
	[tilespmem:v16+s26+$0x0] =	vst.idx.msk vm1, v21;
	v21 =	vand.u32 $0x1F80, v6  }
0x1f1: {  	v6 =	vsub.s32 v12, v5;
	vm6 =	vlt.u32 v18, $0xA00;
	[tilespmem:v16+s28+$0x0] =	vst.idx.msk vm1, v27;
	v12 =	vld [tilespmem:s0+$0xFFFFFF70];
	v14 =	vor.u32 v14, v21;
	s0 =	smov.u32 s10  }
0x1f2: {  	v22 =	vadd.s32 v11, v9;
	vm1 =	vlt.u32 v6, $0xA00;
	v9 =	vsub.s32 v25, v5;
	[tilespmem:v15+s28+$0x0] =	vst.idx.msk vm0, v8  }
0x1f3: {  	v8 =	vsub.s32 v26, v5;
	v15 =	vsel vm1, $0x1, v2;
	v16 =	vld [tilespmem:s10+$0x70];
	vm3 =	vlt.u32 v9, $0xA00  }
0x1f4: {  	v21 =	vsel vm6, $0x1, v2;
	vm0 =	vlt.u32 v8, $0xA00;
	v23 =	vsel vm3, $0x1, v2;
	v25 =	vld [tilespmem:s10+$0x90];
	v11, _, _ =	vpop (xrf0)  }
0x1f5: {  	v24 =	vadd.s32 v11, v24;
	v26 =	vsel vm0, $0x1, v2;
	v27 =	vld [tilespmem:s10+$0x10];
	v11 =	vadd.s32 v17, v19;
	[tilespmem:v20+s28+$0x0] =	vst.idx.msk vm5, v10  }
0x1f6: {  	v10 =	vshra.s32 v24, $0x1F;
	v17 =	vperm.xlane v24, v3;
	v19 =	vld [tilespmem:s10+$0xB0];
	(xrf0) =	vadd.scan.msk.s32 $0xffff, v26;
	[tilespmem:v14+s26+$0x0] =	vst.idx.msk vm2, v12  }
0x1f7: {  	v20 =	vand.u32 $0x7F, v24;
	v10 =	vshrl.u32 v10, $0x19;
	[tilespmem:v14+s28+$0x0] =	vst.idx.msk vm2, v7;
	vm2 =	vmmov vm6  }
0x1f8: {  	vm5 =	vlt.s32 v24, $0x1;
	vm6 =	vne.s32 v20, $0x0;
	v7 =	vadd.s32 v10, v24  }
0x1f9: {  	vm11 =	vmand vm5, vm6;
	v24 =	vshrl.u32 v7, $0x7;
	(xrf0) =	vadd.scan.msk.s32 $0xffff, v15  }
0x1fa: {  	v10 =	vmul.u32 $0xA00, v25;
	v26 =	vsub.s32 v27, v5  }
0x1fb: {  	v14 =	vmul.u32 $0xA00, v16;
	vm6 =	vlt.u32 v26, $0xA00;
	v15 =	vmul.u32 $0xA00, v19  }
0x1fc: {  	v12 =	vadd.s32 v26, v10;
	v16 =	vsel vm6, $0x1, v2;
	v7, _, _ =	vpop (xrf0);
	(xrf0) =	vadd.scan.msk.s32 $0xffff, v21  }
0x1fd: {  	v17 =	vadd.s32 v17, v7;
	v7 =	vadd.s32 v18, v14;
	v10 =	vadd.s32 v29, v15;
	(xrf0) =	vadd.scan.msk.s32 $0xffff, v16  }
0x1fe: {  	v14 =	vshra.s32 v17, $0x1F;
	v15 =	vand.u32 $0x7F, v17;
	v16 =	vperm.xlane v17, v3  }
0x1ff: {  	vm5 =	vlt.s32 v17, $0x1;
	v14 =	vshrl.u32 v14, $0x19;
	vm7 =	vne.s32 v15, $0x0;
	v18, _, _ =	vpop (xrf0);
	(xrf0) =	vadd.scan.msk.s32 $0xffff, v23  }
0x200: {  	v17 =	vadd.s32 v14, v17;
	vm8 =	vmand vm5, vm7;
	v18 =	vadd.s32 v16, v18  }
0x201: {  	v23 =	vshra.s32 v18, $0x1F;
	vm7 =	vlt.s32 v18, $0x1;
	v21 =	vperm.xlane v18, v3  }
0x202: {  	vm5 =	vlt.u32 v29, $0xA00;
	v16 =	vand.u32 $0x7F, v18;
	v19 =	vshrl.u32 v23, $0x19;
	v14, _, _ =	vpop (xrf0)  }
0x203: {  	v23 =	vsel vm5, $0x1, v2;
	v14 =	vadd.s32 v21, v14;
	v21 =	vsel vm4, $0x1, v2;
	v25, _, _ =	vpop (xrf0)  }
0x204: {  	vm9 =	vne.s32 v16, $0x0;
	v26 =	vshra.s32 v14, $0x1F;
	v27 =	vperm.xlane v14, v3  }
0x205: {  	vm9 =	vmand vm7, vm9;
	vm7 =	vlt.s32 v14, $0x1;
	v26 =	vshrl.u32 v26, $0x19;
	v28, _, _ =	vpop (xrf0);
	(xrf0) =	vadd.scan.msk.s32 $0xffff, v21  }
0x206: {  	v26 =	vadd.s32 v26, v14;
	v14 =	vand.u32 $0x7F, v14;
	v21 =	vadd.s32 v27, v28  }
0x207: {  	v27 =	vshra.s32 v21, $0x1F;
	v33 =	vand.u32 $0x7F, v21;
	v28 =	vperm.xlane v21, v3  }
0x208: {  	vm12 =	vlt.s32 v21, $0x1;
	v27 =	vshrl.u32 v27, $0x19;
	vm13 =	vne.s32 v33, $0x0;
	(xrf0) =	vadd.scan.msk.s32 $0xffff, v23  }
0x209: {  	v21 =	vadd.s32 v27, v21;
	vm12 =	vmand vm12, vm13;
	v23 =	vadd.s32 v28, v25  }
0x20a: {  	v25 =	vshra.s32 v23, $0x1F;
	v29 =	vand.u32 $0x7F, v23;
	v27 =	vperm.xlane v23, v3  }
0x20b: {  	vm13 =	vlt.s32 v23, $0x1;
	v25 =	vshrl.u32 v25, $0x19;
	vm14 =	vne.s32 v29, $0x0;
	v28, _, _ =	vpop (xrf0)  }
0x20c: {  	v30 =	vsel vm11, $0xFFFFFFFF, v2;
	v23 =	vadd.s32 v25, v23;
	v25 =	vadd.s32 v27, v28  }
0x20d: {  	v24 =	vadd.s32 v30, v24;
	v23 =	vshrl.u32 v23, $0x7;
	v27 =	vperm.xlane v25, v3  }
0x20e: {  	v24 =	vshll.u32 v24, $0x7;
	vm11 =	vmand vm13, vm14;
	v31 =	vand.u32 $0x7F, v25;
	v28, _, _ =	vpop (xrf0)  }
0x20f: {  	v24 =	vand.u32 $0x1F80, v24;
	vm13 =	vne.s32 v31, $0x0;
	v34 =	vadd.s32 v27, v28  }
0x210: {  	v24 =	vor.u32 v20, v24;
	v20 =	vshra.s32 v34, $0x1F;
	v27 =	vand.u32 $0x7F, v34  }
0x211: {  	vm14 =	vlt.s32 v34, $0x1;
	v20 =	vshrl.u32 v20, $0x19;
	vm15 =	vne.s32 v27, $0x0  }
0x212: {  	v30 =	vshrl.u32 v21, $0x7;
	v28 =	vld [tilespmem:s10+$0xFFFFFF40];
	v20 =	vadd.s32 v20, v34;
	vm14 =	vmand vm14, vm15  }
0x213: {  	v21 =	vshra.s32 v25, $0x1F;
	v20 =	vshrl.u32 v20, $0x7;
	v32 =	vsel vm14, $0xFFFFFFFF, v2  }
0x214: {  	v35 =	vsel vm11, $0xFFFFFFFF, v2;
	v36 =	vshrl.u32 v21, $0x19;
	v20 =	vadd.s32 v32, v20  }
0x215: {  	vm11 =	vlt.s32 v25, $0x1;
	v32 =	vadd.s32 v35, v23;
	v21 =	vld [tilespmem:s10+$0xFFFFFF60];
	v20 =	vshll.u32 v20, $0x7  }
0x216: {  	v25 =	vadd.s32 v36, v25;
	vm11 =	vmand vm11, vm13;
	v23 =	vld [tilespmem:s10+$0xFFFFFF50];
	v20 =	vand.u32 $0x1F80, v20  }
0x217: {  	v25 =	vshrl.u32 v25, $0x7;
	v35 =	vsel vm11, $0xFFFFFFFF, v2;
	[tilespmem:v24+s26+$0x0] =	vst.idx.msk vm10, v28;
	v36 =	vld [tilespmem:s10+$0xFFFFFFB0];
	v20 =	vor.u32 v27, v20  }
.Ltmp18:
0x218: {  	v25 =	vadd.s32 v35, v25;
	[tilespmem:v24+s28+$0x0] =	vst.idx.msk vm10, v22;
	v22 =	vsel vm12, $0xFFFFFFFF, v2;
	v24 =	vshll.u32 v32, $0x7;
	v28 =	vld [tilespmem:s10+$0xFFFFFFA0];
	(pc) =	sbr.rel @p0 .LBB2_21-.Ltmp18, $4  }
0x219: {  	v32 =	vshll.u32 v25, $0x7;
	v22 =	vadd.s32 v22, v30;
	v30 =	vld [tilespmem:s10+$0xFFFFFF90];
	v24 =	vand.u32 $0x1F80, v24  }
0x21a: {  	v27 =	vld [tilespmem:s10+$0x50];
	v22 =	vshll.u32 v22, $0x7;
	v25 =	vor.u32 v29, v24;
	v24 =	vand.u32 $0x1F80, v32  }
0x21b: {  	v32 =	vld [tilespmem:s10+$0x80];
	v35 =	vand.u32 $0x1F80, v22;
	v31 =	vor.u32 v31, v24;
	v24 =	vperm.xlane v34, v3  }
0x21c: {  	vm11 =	vne.s32 v14, $0x0;
	v22 =	vshrl.u32 v26, $0x7;
	s10 =	sadd.s32 $0x200, s10;
	v29 =	vld [tilespmem:s0+$0xFFFFFF80];
	v26 =	vor.u32 v33, v35;
	[tilespmem:v20+s26+$0x0] =	vst.idx.msk vm5, v36  }
0x21d: {  	v5 =	vadd.s32 $0x80000001, v24  }
0x21e: {  	(xrf0) =	vmax.scan.msk.u32 $0xffff, v5;
	_ =	sdelay $0x5  }
0x21f: {  	v5, _, _ =	vpop (xrf0)  }
0x220: {  	(v2sf) =	vpush v5, $0xF;
	_ =	sdelay $0xd  }
0x221: {  	vm7 =	vmand vm7, vm11  }
0x222: {  	v59 =	vsel vm7, $0xFFFFFFFF, v2;
	s8 =	spop (v2sf)  }
0x223: {  	v53 =	vsel vm8, $0xFFFFFFFF, v2;
	[tilespmem:v25+s26+$0x0] =	vst.idx.msk vm6, v30;
	v60 =	vadd.s32 v59, v22;
	s8 =	sxor.u32 $0x80000000, s8  }
0x224: {  	v18 =	vadd.s32 v19, v18;
	s9 =	simm.s32 $0x1;
	[tilespmem:v25+s28+$0x0] =	vst.idx.msk vm6, v12;
	v57 =	vmul.u32 $0xA00, v32;
	v12 =	vshll.u32 v60, $0x7;
	s10 =	ssub.s32 s8, s19;
	p0 =	sne.s32 s8, s19  }
0x225: {  	v55 =	vsel vm9, $0xFFFFFFFF, v2;
	v54 =	vshrl.u32 v18, $0x7;
	v61 =	vand.u32 $0x1F80, v12;
	s11 =	sshra.s32 s10, $0x1F;
	s9 =	simm.s32 @!p0 $0x0  }
0x226: {  	[tilespmem:v26+s26+$0x0] =	vst.idx.msk vm3, v29;
	v9 =	vadd.s32 v9, v57;
	v5 =	vshrl.u32 v17, $0x7;
	v17 =	vadd.s32 v55, v54;
	s12 =	sand.u32 $0x7F, s10;
	s9 =	sor.u32 s9, s11  }
0x227: {  	v62 =	vld [tilespmem:s0+$0xFFFFFF70];
	[tilespmem:v26+s28+$0x0] =	vst.idx.msk vm3, v9;
	v9 =	vor.u32 v14, v61;
	v5 =	vadd.s32 v53, v5;
	v17 =	vshll.u32 v17, $0x7;
	p1 =	sne.s32 s12, $0x0;
	p6 =	sne.s32 s9, $0x1  }
0x228: {  	v5 =	vshll.u32 v5, $0x7;
	v56 =	vand.u32 $0x1F80, v17;
	s17 =	sshrl.u32 s11, $0x19;
	p0 =	por !p1, !p6  }
0x229: {  	[tilespmem:v31+s26+$0x0] =	vst.idx.msk vm4, v28;
	v5 =	vand.u32 $0x1F80, v5;
	v58 =	vor.u32 v16, v56;
	s0 =	sadd.s32 s17, s10;
	s9 =	simm.s32 $0x1;
	p0 =	por !p0, !p0  }
0x22a: {  	[tilespmem:v20+s28+$0x0] =	vst.idx.msk vm5, v10;
	v5 =	vor.u32 v15, v5;
	s0 =	sshra.s32 s0, $0x7;
	s9 =	simm.s32 @!p0 $0x0  }
0x22b: {  	[tilespmem:v31+s28+$0x0] =	vst.idx.msk vm4, v11;
	s0 =	ssub.s32 s0, s9  }
0x22c: {  	[tilespmem:v9+s26+$0x0] =	vst.idx.msk vm2, v62;
	p0 =	slt.s32 s0, $0x1  }
.Ltmp19:
0x22d: {  	v13 =	vmul.u32 $0xA00, v13;
	[tilespmem:v9+s28+$0x0] =	vst.idx.msk vm2, v7;
	(pc) =	sbr.rel @p0 .LBB2_28-.Ltmp19, $4  }
0x22e: {  	v63 =	vmul.u32 $0xA00, v27;
	[tilespmem:v58+s26+$0x0] =	vst.idx.msk vm1, v21  }
0x22f: {  	v6 =	vadd.s32 v6, v13;
	[tilespmem:v5+s26+$0x0] =	vst.idx.msk vm0, v23  }
0x230: {  	v8 =	vadd.s32 v8, v63;
	[tilespmem:v58+s28+$0x0] =	vst.idx.msk vm1, v6  }
0x231: {  	[tilespmem:v5+s28+$0x0] =	vst.idx.msk vm0, v8  }
0x232: {  	p2 =	sne.s32 s0, $0x1  }
.Ltmp20:
0x233: {  	s9 =	sand.u32 $0x7F, s19;
	(pc) =	sbr.rel @!p2 .LBB2_24-.Ltmp20, $4  }
0x234: {  	s13 =	sshra.s32 s19, $0x1F;
	p1 =	slt.s32 s19, $0x1;
	p0 =	sne.s32 s9, $0x0  }
0x235: {  	s10 =	sadd.s32 $0xFFFFFFFF, s0;
	s17 =	sshrl.u32 s13, $0x19;
	p1 =	por !p1, !p0  }
0x236: {  	s9 =	simm.s32 $0x1;
	s0 =	sadd.s32 s17, s19;
	p1 =	por !p1, !p1  }
0x237: {  	s11 =	sshrl.u32 s0, $0x7;
	s9 =	simm.s32 @!p1 $0x0;
	p1 =	por $0x0, $0x0  }
0x238: {  	s0 =	ssub.s32 s11, s9  }
0x239: {  	s19 =	sadd.s32 $0x80, s19;
	p2 =	sne.s32 s10, $0x1;
	s10 =	sadd.s32 $0xFFFFFFFF, s10  }
0x23a: {  	s0 =	sshll.u32 s0, $0x7;
	s13 =	sshra.s32 s19, $0x1F;
	p1 =	slt.s32 s19, $0x1  }
.Ltmp21:
0x23b: {  	s0 =	sand.u32 $0x1F80, s0;
	s9 =	sshrl.u32 s13, $0x19;
	(pc) =	sbr.rel @!p2 .LBB2_27-.Ltmp21, $4  }
0x23c: {  	p1 =	por !p1, !p0;
	s17 =	sor.u32 $0x4000, s0;
	s9 =	sadd.s32 s9, s19  }
0x23d: {  	[tilespmem:s31], [sflag:$0x1] =	stream.indirect.gather [hbm4b:s5+s30], $0x80, s17, s30, $0xb8;
	[tilespmem:$0x1F080] =	vst v63  }
0x23e: {  	p1 =	por !p1, !p1;
	s11 =	sshrl.u32 s9, $0x7;
	s9 =	simm.s32 $0x1  }
0x23f: {  	s9 =	simm.s32 @!p1 $0x0;
	_ =	swait.ge [sflag:s29], $0x4000;
	p1 =	por $0x1, $0x1  }
.LBB2_26:
0x240: {  	p2 =	sne.s32 s10, $0x1;
	s9 =	ssub.s32 s11, s9;
	[sflag:s29] =	ssyncset.done $0x0  }
0x241: {  	s11 =	sor.u32 $0x6000, s0;
	s9 =	sshll.u32 s9, $0x7;
	[sflag:s29] =	ssyncadd.s32 $0xFFFFC000  }
0x242: {  	s10 =	sadd.s32 $0xFFFFFFFF, s10;
	s19 =	sadd.s32 $0x80, s19;
	s0 =	sand.u32 $0x1F80, s9  }
0x243: {  	[spmem:s2] =	stream.indirect.scatter.add.f32 [tilespmem:s31], [sflag:$0x3], $0x80, s11, s30, $0xb8;
	[tilespmem:$0x1F080] =	vst v63  }
0x244: {  	p3 =	slt.s32 s19, $0x1;
	_ =	swait.ge [sflag:s21], $0x4000  }
0x245: {  	s9 =	sshra.s32 s19, $0x1F;
	s11 =	sor.u32 $0x4000, s0;
	[sflag:s21] =	ssyncset.done $0x0  }
.Ltmp22:
0x246: {  	s9 =	sshrl.u32 s9, $0x19;
	[sflag:s21] =	ssyncadd.s32 $0xFFFFC000;
	(pc) =	sbr.rel @p2 .LBB2_26-.Ltmp22, $4  }
0x247: {  	[tilespmem:s31], [sflag:$0x1] =	stream.indirect.gather [hbm4b:s5+s30], $0x80, s11, s30, $0xb8;
	[tilespmem:$0x1F080] =	vst v63  }
0x248: {  	p3 =	por !p3, !p0;
	s9 =	sadd.s32 s9, s19  }
0x249: {  	p3 =	por !p3, !p3;
	s11 =	sshrl.u32 s9, $0x7;
	s9 =	simm.s32 $0x1  }
0x24a: {  	s9 =	simm.s32 @!p3 $0x0;
	_ =	swait.ge [sflag:s29], $0x4000  }
.LBB2_27:
0x24b: {  	[sflag:s29] =	ssyncset.done @p1 $0x0  }
0x24c: {  	s9 =	ssub.s32 s11, s9;
	s0 =	sor.u32 @p1 $0x6000, s0;
	[sflag:s29] =	ssyncadd.s32 @p1 $0xFFFFC000  }
0x24d: {  	[spmem:s2] =	stream.indirect.scatter.add.f32 @p1 [tilespmem:s31], [sflag:$0x3], $0x80, s0, s30, $0xb8;
	[tilespmem:$0x1F080] =	vst v63  }
0x24e: {  	s13 =	sshll.u32 s9, $0x7;
	_ =	swait.ge @p1 [sflag:s21], $0x4000  }
0x24f: {  	s0 =	sand.u32 $0x1F80, s13;
	[sflag:s21] =	ssyncset.done @p1 $0x0  }
0x250: {  	s17 =	sor.u32 $0x4000, s0;
	[sflag:s21] =	ssyncadd.s32 @p1 $0xFFFFC000  }
0x251: {  	[tilespmem:s31], [sflag:$0x1] =	stream.indirect.gather [hbm4b:s5+s30], $0x80, s17, s30, $0xb8;
	[tilespmem:$0x1F080] =	vst v63  }
0x252: {  	_ =	swait.ge [sflag:s29], $0x4000  }
0x253: {  	[sflag:s29] =	ssyncset.done $0x0  }
0x254: {  	s0 =	sor.u32 $0x6000, s0;
	[sflag:s29] =	ssyncadd.s32 $0xFFFFC000  }
0x255: {  	[spmem:s2] =	stream.indirect.scatter.add.f32 [tilespmem:s31], [sflag:$0x3], $0x80, s0, s30, $0xb8;
	[tilespmem:$0x1F080] =	vst v63  }
0x256: {  	_ =	swait.ge [sflag:s21], $0x4000  }
0x257: {  	s19 =	sadd.s32 $0x80, s19;
	[sflag:s21] =	ssyncset.done $0x0  }
0x258: {  	s10 =	ssub.s32 s8, s19;
	[sflag:s21] =	ssyncadd.s32 $0xFFFFC000  }
.LBB2_28:
0x259: {  	p0 =	slt.s32 s10, $0x1  }
.Ltmp23:
0x25a: {  	_ = 	snop;
	(pc) =	sbr.rel @p0 .LBB2_32-.Ltmp23, $1  }
0x25b: {  	_ =	sdelay $0x3  }
0x25c: {  	s0 =	sadd.s32 $0x0, s8  }
0x25d: {  	v8 =	vadd.s32 s0, v4  }
0x25e: {  	v6 =	vshra.s32 v8, $0x1F;
	v5 =	vand.u32 $0x7F, v8  }
0x25f: {  	vm0 =	vlt.s32 v8, $0x1;
	v6 =	vshrl.u32 v6, $0x19;
	vm1 =	vne.s32 v5, $0x0  }
0x260: {  	v6 =	vadd.s32 v6, v8;
	vm0 =	vmand vm0, vm1  }
0x261: {  	v6 =	vshrl.u32 v6, $0x7;
	v7 =	vsel vm0, $0xFFFFFFFF, v2  }
0x262: {  	s13 =	sadd.s32 $0x80, s19;
	v7 =	vadd.s32 v7, v6  }
0x263: {  	s17 =	sadd.s32 $0x10, s8;
	v6 =	vmov s13;
	v9 =	vshll.u32 v7, $0x7  }
0x264: {  	s0 =	simm.s32 $0x20;
	v7 =	vadd.s32 s17, v4;
	vm0 =	vlt.s32 v8, v6;
	v8 =	vand.u32 $0x1F80, v9  }
.LBB2_30:
0x265: {  	p0 =	sne.s32 s0, $0x70;
	v9 =	vshra.s32 v7, $0x1F;
	v10 =	vor.u32 v5, v8;
	v5 =	vand.u32 $0x7F, v7  }
0x266: {  	vm1 =	vlt.s32 v7, $0x1;
	v8 =	vshrl.u32 v9, $0x19;
	vm2 =	vne.s32 v5, $0x0  }
.Ltmp24:
0x267: {  	v8 =	vadd.s32 v8, v7;
	vm1 =	vmand vm1, vm2;
	(pc) =	sbr.rel @p0 .LBB2_30-.Ltmp24, $4  }
0x268: {  	v8 =	vshrl.u32 v8, $0x7;
	v9 =	vsel vm1, $0xFFFFFFFF, v2  }
0x269: {  	v8 =	vadd.s32 v9, v8  }
0x26a: {  	s9 =	sadd.s32 s0, s8;
	v8 =	vshll.u32 v8, $0x7;
	[tilespmem:v10+s26+$0x0] =	vst.idx.msk vm0, v1  }
0x26b: {  	s0 =	sadd.s32 $0x10, s0;
	v8 =	vand.u32 $0x1F80, v8;
	[tilespmem:v10+s28+$0x0] =	vst.idx.msk vm0, v0;
	vm0 =	vlt.s32 v7, v6;
	v7 =	vadd.s32 s9, v4  }
0x26c: {  	v9 =	vshra.s32 v7, $0x1F;
	v10 =	vand.u32 $0x7F, v7  }
0x26d: {  	vm1 =	vlt.s32 v7, $0x1;
	v9 =	vshrl.u32 v9, $0x19;
	vm2 =	vne.s32 v10, $0x0  }
0x26e: {  	vm1 =	vmand vm1, vm2;
	v9 =	vadd.s32 v9, v7  }
0x26f: {  	v9 =	vshrl.u32 v9, $0x7;
	v11 =	vsel vm1, $0xFFFFFFFF, v2  }
0x270: {  	v9 =	vadd.s32 v11, v9  }
0x271: {  	v5 =	vor.u32 v5, v8;
	s0 =	sand.u32 $0x7F, s19;
	v63 =	vshll.u32 v9, $0x7  }
0x272: {  	vm15 =	vlt.s32 v7, v6;
	s17 =	sshra.s32 s19, $0x1F;
	p1 =	slt.s32 s19, $0x1;
	p0 =	sne.s32 s0, $0x0;
	v6 =	vand.u32 $0x1F80, v63  }
0x273: {  	s0 =	sshrl.u32 s17, $0x19;
	p0 =	por !p1, !p0;
	v6 =	vor.u32 v10, v6  }
0x274: {  	s8 =	simm.s32 $0x1;
	s0 =	sadd.s32 s0, s19;
	p0 =	por !p0, !p0  }
0x275: {  	s0 =	sshrl.u32 s0, $0x7;
	s8 =	simm.s32 @!p0 $0x0  }
0x276: {  	[tilespmem:v5+s26+$0x0] =	vst.idx.msk vm0, v1;
	s0 =	ssub.s32 s0, s8  }
0x277: {  	[tilespmem:v5+s28+$0x0] =	vst.idx.msk vm0, v0;
	s0 =	sshll.u32 s0, $0x7  }
0x278: {  	s0 =	sand.u32 $0x1F80, s0;
	[tilespmem:v6+s26+$0x0] =	vst.idx.msk vm15, v1  }
0x279: {  	s19 =	sor.u32 $0x4000, s0;
	[tilespmem:v6+s28+$0x0] =	vst.idx.msk vm15, v0  }
0x27a: {  	[tilespmem:s31], [sflag:$0x1] =	stream.indirect.gather [hbm4b:s5+s30], $0x80, s19, s30, $0xb8;
	[tilespmem:$0x1F080] =	vst v63  }
0x27b: {  	_ =	swait.ge [sflag:s29], $0x4000  }
0x27c: {  	[sflag:s29] =	ssyncset.done $0x0  }
.Ltmp25:
0x27d: {  	s0 =	sor.u32 $0x6000, s0;
	[sflag:s29] =	ssyncadd.s32 $0xFFFFC000;
	(pc) =	sbr.rel .LBB2_32-.Ltmp25, $4  }
0x27e: {  	[spmem:s2] =	stream.indirect.scatter.add.f32 [tilespmem:s31], [sflag:$0x3], $0x80, s0, s30, $0xb8;
	[tilespmem:$0x1F080] =	vst v63  }
0x27f: {  	_ =	swait.ge [sflag:s21], $0x4000  }
0x280: {  	[sflag:s21] =	ssyncset.done $0x0  }
0x281: {  	[sflag:s21] =	ssyncadd.s32 $0xFFFFC000  }
.LBB2_24:
.Ltmp26:
0x282: {  	(pc) =	sbr.rel .LBB2_27-.Ltmp26, $2  }
0x283: {  	_ =	sdelay $0x2  }
0x284: {  	_ = 	snop  }
.LBB2_34:
0x285: {  	_ =	sfence.sel $0x180000  }
0x286: {  	[bflag:$0x0] =	sbarrier.arrive $0xFFFF  }
0x287: {  	_ =	strace $0x9000004A  }
0x288: {  	s0 =	stileid.u32;
	[bflag:$0x2] =	sbarrier.arrive $0xFFFF  }
0x289: {  	p0 =	sne.s32 s0, $0x0;
	s0 =	rddreg [dreg:$0x3]  }
0x28a: {  	s0 =	sadd.s32 @!p0 $0x100000, s0  }
0x28b: {  	[sflag:s0] =	ssyncadd.tile.s32 @!p0 $0x1;
	_ =	shalt  }
.Lfunc_end2:
_tile_overlayer_lowered:
.L_overlay_start_2:
0x28c: {  	(tag) =	ssettag $0x2  }
0x28d: {  	s0 =	rddreg [dreg:$0x0];
	s2 =	stileid.u32  }
0x28e: {  	s1 =	rddreg [dreg:$0x1];
	p0 =	sne.s32 s2, $0x0  }
0x28f: {  	s3 =	rddreg [dreg:$0x2];
	[bflag:$0x3] =	sbarrier.arrive $0xFFFF;
	s2 =	simm.s32 @!p0 $0x1C03  }
0x290: {  	[timem:s3], [sflag:s2] =	dma.local @!p0 [hbm:s0], s1  }
0x291: {  	s0 =	simm.s32 @!p0 $0x3  }
0x292: {  	_ =	swait.ge @!p0 [sflag:s0], s1  }
0x293: {  	s1 =	ssub.s32 @!p0 $0x0, s1;
	[sflag:s0] =	ssyncset.done @!p0 $0x0  }
0x294: {  	[sflag:s0] =	ssyncadd.s32 @!p0 s1  }
0x295: {  	[bflag:$0x3] =	sbarrier.arrive $0xFFFF  }
0x296: {  	_ =	shalt  }

// kernel: kernel.9.cloned.1.call-start
scs
__scs_entry_jumppad:
0x0: {  	(pc) =	sbr.rel $0x88, $3  }
0x1: {  	(tag) =	ssettag $0x0;
	lr =	simm.s32 $0x1  }
0x2: {  	[smem:$0x3F7E] =	sst lr;
	_ =	strace $0xD0000000  }
0x3: {  	_ = 	snop  }
0x4: {  	_ = 	snop  }
0x5: {  	_ = 	snop  }
0x6: {  	_ = 	snop  }
0x7: {  	_ = 	snop  }
__scs_overlays_trampoline_lowered:
0x8: {  	[smem:$0x3F8D] =	sst s0  }
0x9: {  	[smem:$0x3F8E] =	sst s1  }
0xa: {  	[smem:$0x3F8F] =	sst s2  }
0xb: {  	[smem:$0x3F90] =	sst s3  }
0xc: {  	[smem:$0x3F91] =	sst s4  }
0xd: {  	[smem:$0x3F92] =	sst s5  }
0xe: {  	[smem:$0x3F93] =	sst s6  }
0xf: {  	[smem:$0x3F94] =	sst s7  }
0x10: {  	[smem:$0x3F95] =	sst s8  }
0x11: {  	[smem:$0x3F96] =	sst s9;
	s0 =	simm.s32 @!p0 $0x0  }
0x12: {  	s1 =	sld [smem:$0x3F7C];
	s0 =	simm.s32 @p0 $0x1  }
0x13: {  	[smem:$0x3F97] =	sst s0;
	s0 =	simm.s32 @!p1 $0x0  }
0x14: {  	s2 =	sld [smem:$0x3F7B];
	s0 =	simm.s32 @p1 $0x1  }
0x15: {  	[smem:$0x3F98] =	sst s0;
	s0 =	simm.s32 @!p2 $0x0  }
0x16: {  	s3 =	sld [smem:$0x3FDB];
	s0 =	simm.s32 @p2 $0x1  }
0x17: {  	s4 =	simm.s32 $0x1BF5;
	[smem:$0x3F9A] =	sst s0  }
0x18: {  	s0 =	sld [smem:$0x3F7D];
	_ =	swait.ge [sflag:s4], $0x0  }
0x19: {  	s7 =	sld [smem:$0x3F7E]  }
0x1a: {  	s8 =	sadd.s32 $0xFFFFE003, lr  }
0x1b: {  	s9 =	sadd.s32 $0xFFFFFEF7, lr;
	s5 =	simm.s32 $0xFFFFFFFF;
	p2 =	slt.u32 s8, $0xFFFFF086  }
0x1c: {  	p1 =	slt.u32 s9, $0xF7A;
	s5 =	simm.s32 @!p2 $0x0  }
0x1d: {  	s5 =	simm.s32 @p1 $0x1;
	p0 =	seq.s32 s7, s2  }
0x1e: {  	s7 =	smul.u32 @!p0 $0xF7A, s2;
	p2 =	seq.s32 @!p0 s5, $0x0  }
0x1f: {  	s9 =	smul.u32 $0xF7A, s1;
	s8 =	simm.s32 @!p0 $0x1BF5;
	p2 =	por !p2, p0  }
0x20: {  	[sflag:s8] =	ssyncset.s32 @!p0 $0xFFFFF086;
	s6 =	sadd.s32 @!p0 s3, s7;
	s7 =	simm.s32 @!p0 $0x108  }
0x21: {  	s3 =	sadd.s32 s3, s9;
	s6 =	sadd.s32 @!p0 $0x88, s6;
	s7 =	simm.s32 @p2 $0x1082  }
0x22: {  	[simem:s7], [sflag:s8] =	dma.local @!p0 [hbm:s6], $0xF7A  }
0x23: {  	s9 =	sor.u32 $0xD0000000, s2;
	s6 =	simm.s32 $0x108;
	_ =	swait.ge @!p0 [sflag:s8], $0x0  }
0x24: {  	s3 =	sadd.s32 $0x88, s3;
	s6 =	simm.s32 @!p1 $0x1082;
	[sflag:s4] =	ssyncset.s32 $0xFFFFF086  }
0x25: {  	[simem:s6], [sflag:s4] =	dma.local [hbm:s3], $0xF7A  }
0x26: {  	[smem:$0x3F7E] =	sst s1;
	(tag) =	ssettag s2;
	_ =	strace s9  }
0x27: {  	s1 =	sld [smem:$0x3F8E]  }
0x28: {  	s2 =	sld [smem:$0x3F8F]  }
0x29: {  	s4 =	sld [smem:$0x3F91]  }
0x2a: {  	p0 =	seq.s32 s5, $0x0;
	s5 =	sld [smem:$0x3F92]  }
0x2b: {  	s6 =	sld [smem:$0x3F93]  }
0x2c: {  	s7 =	sld [smem:$0x3F94]  }
0x2d: {  	s3 =	simm.s32 $0x108;
	s8 =	sld [smem:$0x3F95]  }
0x2e: {  	s3 =	simm.s32 @!p0 $0x1082;
	s9 =	sld [smem:$0x3F96]  }
0x2f: {  	lr =	sadd.s32 s0, s3;
	s0 =	sld [smem:$0x3F8D]  }
0x30: {  	s3 =	sld [smem:$0x3F90]  }
0x31: {  	[smem:$0x3F99] =	sst s10  }
0x32: {  	s10 =	sld [smem:$0x3F97];
	_ =	sdelay $0x3  }
0x33: {  	p0 =	seq.s32 s10, $0x1;
	s10 =	sld [smem:$0x3F99];
	_ =	sdelay $0x3  }
0x34: {  	[smem:$0x3F99] =	sst s10  }
0x35: {  	s10 =	sld [smem:$0x3F98];
	_ =	sdelay $0x3  }
0x36: {  	p1 =	seq.s32 s10, $0x1;
	s10 =	sld [smem:$0x3F99];
	_ =	sdelay $0x3  }
0x37: {  	[smem:$0x3F99] =	sst s10  }
0x38: {  	s10 =	sld [smem:$0x3F9A]  }
0x39: {  	_ = 	snop;
	(pc) =	sbr.ind lr, $3  }
0x3a: {  	_ = 	snop  }
0x3b: {  	_ = 	snop  }
0x3c: {  	p2 =	seq.s32 s10, $0x1;
	s10 =	sld [smem:$0x3F99]  }
0x3d: {  	_ =	shalt  }
0x3e: {  	_ =	shalt  }
0x3f: {  	_ =	shalt  }
0x40: {  	_ =	shalt  }
0x41: {  	_ =	shalt  }
0x42: {  	_ =	shalt  }
0x43: {  	_ =	shalt  }
0x44: {  	_ =	shalt  }
0x45: {  	_ =	shalt  }
0x46: {  	_ =	shalt  }
0x47: {  	_ =	shalt  }
0x48: {  	_ =	shalt  }
0x49: {  	_ =	shalt  }
0x4a: {  	_ =	shalt  }
0x4b: {  	_ =	shalt  }
0x4c: {  	_ =	shalt  }
0x4d: {  	_ =	shalt  }
0x4e: {  	_ =	shalt  }
0x4f: {  	_ =	shalt  }
0x50: {  	_ =	shalt  }
0x51: {  	_ =	shalt  }
0x52: {  	_ =	shalt  }
0x53: {  	_ =	shalt  }
0x54: {  	_ =	shalt  }
0x55: {  	_ =	shalt  }
0x56: {  	_ =	shalt  }
0x57: {  	_ =	shalt  }
0x58: {  	_ =	shalt  }
0x59: {  	_ =	shalt  }
0x5a: {  	_ =	shalt  }
0x5b: {  	_ =	shalt  }
0x5c: {  	_ =	shalt  }
0x5d: {  	_ =	shalt  }
0x5e: {  	_ =	shalt  }
0x5f: {  	_ =	shalt  }
0x60: {  	_ =	shalt  }
0x61: {  	_ =	shalt  }
0x62: {  	_ =	shalt  }
0x63: {  	_ =	shalt  }
0x64: {  	_ =	shalt  }
0x65: {  	_ =	shalt  }
0x66: {  	_ =	shalt  }
0x67: {  	_ =	shalt  }
0x68: {  	_ =	shalt  }
0x69: {  	_ =	shalt  }
0x6a: {  	_ =	shalt  }
0x6b: {  	_ =	shalt  }
0x6c: {  	_ =	shalt  }
0x6d: {  	_ =	shalt  }
0x6e: {  	_ =	shalt  }
0x6f: {  	_ =	shalt  }
0x70: {  	_ =	shalt  }
0x71: {  	_ =	shalt  }
0x72: {  	_ =	shalt  }
0x73: {  	_ =	shalt  }
0x74: {  	_ =	shalt  }
0x75: {  	_ =	shalt  }
0x76: {  	_ =	shalt  }
0x77: {  	_ =	shalt  }
0x78: {  	_ =	shalt  }
0x79: {  	_ =	shalt  }
0x7a: {  	_ =	shalt  }
0x7b: {  	_ =	shalt  }
0x7c: {  	_ =	shalt  }
0x7d: {  	_ =	shalt  }
0x7e: {  	_ =	shalt  }
0x7f: {  	_ =	shalt  }
0x80: {  	_ =	shalt  }
0x81: {  	_ =	shalt  }
0x82: {  	_ =	shalt  }
0x83: {  	_ =	shalt  }
0x84: {  	_ =	shalt  }
0x85: {  	_ =	shalt  }
0x86: {  	_ =	shalt  }
0x87: {  	_ =	shalt  }
.Lfunc_end0:
.L_simem_size_0:
called_computation_lowered:
.L_overlay_start_0:
0x88: {  	s2 =	sld [smem:$0x3FD9]  }
0x89: {  	s3 =	sld [smem:$0x3FFE];
	_ =	sdelay $0x1  }
0x8a: {  	s1 =	srdreg.scid  }
0x8b: {  	s0 =	sand.u32 $0x1, s1  }
0x8c: {  	s17 =	sshll.u32 s0, $0xA;
	s2 =	sadd.s32 s3, s2  }
0x8d: {  	s2 =	sadd.s32 s2, s17  }
0x8e: {  	[smem:$0x3FA5] =	sst s2  }
0x8f: {  	_ = 	snop  }
0x90: {  	s2 =	sld [smem:$0x3FD0];
	(tm) =	ssettm $0x1  }
0x91: {  	s18 =	sld [smem:$0x3FFB];
	_ =	sdelay $0x3  }
0x92: {  	_ =	strace s18  }
0x93: {  	s3 =	sld [smem:$0x3FFC];
	_ =	sdelay $0x3  }
0x94: {  	_ =	strace s3  }
0x95: {  	s3 =	sld [smem:$0x3FFD];
	_ =	sdelay $0x3  }
0x96: {  	_ =	strace s3  }
0x97: {  	_ =	strace $0x8FFFFFFF  }
0x98: {  	s19 =	sld [smem:$0x3FDB];
	_ =	sdelay $0x1  }
0x99: {  	s4 =	simm.s32 $_scs_section_size  }
0x9a: {  	s5 =	simm.s32 $_size__tile_overlayer_lowered;
	s6 =	simm.s32 $_tile_overlayer_lowered  }
0x9b: {  	s22 =	simm.s32 $0x1BFF;
	s21 =	sshll.u32 s6, $0x1;
	s3 =	sadd.s32 s4, s19  }
0x9c: {  	s7 =	simm.s32 $0x0;
	s20 =	sshll.u32 s5, $0x1;
	s5 =	sadd.s32 s21, s3  }
0x9d: {  	[timem:s7], [sflag:s22] =	dma.local [hbm:s5], s20  }
0x9e: {  	_ =	swait.ge [sflag:s22], s20  }
0x9f: {  	s4 =	ssub.s32 $0x0, s20;
	[sflag:s22] =	ssyncset.done $0x0  }
0xa0: {  	[sflag:s22] =	ssyncadd.s32 s4;
	_ =	sdelay $0x1  }
0xa1: {  	s23 =	simm.s32 $0x1B8B  }
0xa2: {  	_ =	swait.ge [sflag:s23], $0x1  }
0xa3: {  	[sflag:s23] =	ssyncset.done $0x0  }
0xa4: {  	s25 =	simm.s32 $0x1B8E;
	s24 =	sld [smem:$0x3FFE];
	[sflag:s23] =	ssyncadd.s32 $0xFFFFFFFF  }
0xa5: {  	s26 =	simm.s32 $execute0_lowered;
	[smem:$0x3FD2] =	sst s25  }
0xa6: {  	s5 =	sshll.u32 s26, $0x1;
	_ =	strace $0x80000046;
	[dreg:$0x1] =	wrdreg $0xFFFFFFFF  }
0xa7: {  	s28 =	simm.s32 $_size_execute0_lowered;
	s3 =	sadd.s32 s3, s5;
	[dreg:$0x0] =	wrdreg $0x0  }
0xa8: {  	s5 =	sshll.u32 s28, $0x1;
	[dreg:$0x2] =	wrdreg s3  }
0xa9: {  	[dreg:$0x3] =	wrdreg s5  }
0xaa: {  	[dreg:$0x4] =	wrdreg $0xC0  }
0xab: {  	_ =	task [dreg:s7], $0x5FFFF  }
0xac: {  	[dreg:$0x1] =	wrdreg $0xFFFFFFFF  }
0xad: {  	[dreg:$0x0] =	wrdreg $0x60  }
0xae: {  	[dreg:$0x2] =	wrdreg s24  }
0xaf: {  	[dreg:$0x3] =	wrdreg s2  }
0xb0: {  	[dreg:$0x4] =	wrdreg $0x100000  }
0xb1: {  	[dreg:$0x5] =	wrdreg $0x9  }
0xb2: {  	_ =	task.clear_ibuf [dreg:s7], $0x6FFFF;
	_ =	strace $0x90000046  }
0xb3: {  	s29 =	simm.s32 $0x9;
	_ =	strace $0x80000048  }
0xb4: {  	_ =	swait.ge [sflag:s29], $0x1  }
0xb5: {  	[sflag:s29] =	ssyncadd.s32 $0xFFFFFFFF  }
0xb6: {  	_ =	strace $0x90000048  }
0xb7: {  	_ =	sfence  }
0xb8: {  	s30 =	sld [smem:$0x0];
	_ =	sdelay $0x2  }
0xb9: {  	s31 =	sshll.u32 s1, $0xD;
	s1 =	sshrl.u32 s1, $0x2  }
0xba: {  	s3 =	sand.u32 $0x4000, s31;
	s1 =	sadd.s32 s1, s30  }
0xbb: {  	s0 =	sor.u32 s3, s0;
	s1 =	sshll.u32 s1, $0x11  }
0xbc: {  	s0 =	sor.u32 s1, s0  }
0xbd: {  	s0 =	sadd.s32 $0x8F2B, s0  }
0xbe: {  	[sflag:s0] =	ssyncadd.remote.s32 $0x1  }
0xbf: {  	_ =	sfence.sel $0xFFFF  }
0xc0: {  	[dreg:$0x0] =	wrdreg $0xFFFFFFFF;
	(pc) =	sbr.abs _section_cstart, $3  }
0xc1: {  	[dreg:$0x1] =	wrdreg $0xFFFFFFFF  }
0xc2: {  	_ =	task.clear_ibuf [dreg:s7], $0x2FFFF;
	_ =	strace $0x9FFFFFFF  }
0xc3: {  	(tm) =	ssettm $0x7FFFFFFF  }
tec
execute0_lowered:
.L_overlay_start_1:
0x0: {  	(tag) =	ssettag $0x1  }
0x1: {  	s0 =	rddreg [dreg:$0x0]  }
0x2: {  	s2 =	rddreg [dreg:$0x2]  }
0x3: {  	s4 =	simm.s32 $0x0;
	s1 =	srdreg.scid;
	s10 =	stileid.u32  }
0x4: {  	s20 =	simm.s32 $0xC000;
	s21 =	simm.s32 $0x3;
	s22 =	simm.s32 $0x2  }
0x5: {  	s28 =	simm.s32 $0x6000;
	s29 =	simm.s32 $0x1;
	s30 =	simm.s32 $0x80  }
0x6: {  	s31 =	simm.s32 $0x8000;
	[smem:$0x7FF] =	sst s4;
	s8 =	smul.u32 $0x3C200, s10  }
0x7: {  	s1 =	sand.u32 $0x1, s1;
	s5 =	sadd.s32 $0x1F0000, s0;
	s13 =	smul.u32 $0x32000, s10  }
0x8: {  	s6 =	sadd.s32 $0x18C000, s0;
	s7 =	sadd.s32 $0x2B3600, s0;
	s17 =	smul.u32 $0x14000, s10  }
0x9: {  	s9 =	sor.u32 $0x1E00, s10;
	s19 =	sshll.u32 s10, $0x6;
	s24 =	smul.u32 $0xA0, s10  }
0xa: {  	_ =	strace $0x80000047;
	s3 =	ssub.s32 $0x2, s1;
	s1 =	smul.u32 $0xA, s1  }
0xb: {  	s11 =	sshrl.u32 s3, $0x1;
	s12 =	sshrl.u32 s8, $0x2;
	s15 =	sshrl.u32 s13, $0x3  }
0xc: {  	s18 =	sshrl.u32 s17, $0x2;
	[dreg:$0x9] =	wrdreg s24;
	s0 =	ssub.s32 s3, s11  }
0xd: {  	[dreg:$0x4] =	wrdreg s1;
	s11 =	sadd.s32 s12, s2;
	s1 =	sadd.s32 s6, s15  }
0xe: {  	s15 =	sadd.s32 $0x4000, s13;
	s25 =	sadd.s32 s18, s2;
	s18 =	smov.u32 s19  }
0xf: {  	s14 =	sadd.s32 $0x4000, s11;
	s12 =	sadd.s32 $0x8000, s11;
	s16 =	smov.u32 s11  }
0x10: {  	s11 =	sadd.s32 $0xC000, s11;
	[dreg:$0x8] =	wrdreg s1;
	s1 =	sadd.s32 $0x50000, s25  }
.Ltmp0:
0x11: {  	s23 =	smov.u32 s25;
	[dreg:$0x5] =	wrdreg s14;
	(pc) =	sbr.rel .LBB2_1-.Ltmp0, $4  }
0x12: {  	s3 =	sadd.s32 $0xA0000, s25;
	s0 =	smax.u32 s0, $0x1;
	[dreg:$0x6] =	wrdreg s12  }
0x13: {  	s25 =	simm.s32 $0x2000;
	[dreg:$0x7] =	wrdreg s11;
	s14 =	sadd.s32 $0x2000, s13  }
0x14: {  	v2 =	vimm.s32 $0x0;
	v3 =	vimm.s32 $0xF;
	[dreg:$0xa] =	wrdreg s0;
	s26 =	sshrl.u32 s1, $0x3;
	s24 =	sshrl.u32 s3, $0x3  }
0x15: {  	v4 =	vlaneseq.u32;
	v0 =	vmov s9;
	v1 =	vmov s19;
	s1 =	simm.s32 $0x0;
	[dreg:$0xb] =	wrdreg s26;
	s26 =	simm.s32 $0x4000  }
.LBB2_33:
0x16: {  	s1 =	rddreg [dreg:$0xc]  }
0x17: {  	s0 =	rddreg [dreg:$0xa];
	s1 =	sadd.s32 $0x1, s1  }
0x18: {  	p0 =	sne.s32 s1, s0  }
.Ltmp1:
0x19: {  	_ = 	snop;
	(pc) =	sbr.rel @!p0 .LBB2_34-.Ltmp1, $1  }
0x1a: {  	_ =	sdelay $0x3  }
.LBB2_1:
0x1b: {  	[dreg:$0xc] =	wrdreg s1  }
.Ltmp2:
0x1c: {  	s0 =	rddreg [dreg:$0x1];
	(pc) =	sbr.rel .LBB2_2-.Ltmp2, $4  }
0x1d: {  	[tilespmem:s20], [sflag:$0x3] =	stream.linear.gather [hbm4b:s0+s4], $0x4000, $0x38;
	[tilespmem:$0x1F080] =	vst v63  }
0x1e: {  	_ =	swait.ge [sflag:s21], $0x4000  }
0x1f: {  	[sflag:s21] =	ssyncset.done $0x0  }
0x20: {  	s3 =	simm.s32 $0x0;
	[sflag:s21] =	ssyncadd.s32 $0xFFFFC000  }
.LBB2_32:
0x21: {  	s0 =	rddreg [dreg:$0x9]  }
0x22: {  	s0 =	sadd.s32 s0, s1  }
0x23: {  	[bflag:$0x0] =	sbarrier.arrive $0xFFFF;
	s0 =	sshll.u32 s0, $0x4  }
0x24: {  	s8 =	sor.u32 $0x1C03, s18;
	s9 =	sshrl.u32 s23, $0x3;
	s13 =	sadd.s32 s7, s0  }
0x25: {  	[hbm:s13], [sflag:s8] =	dma.local [spmem:s9], $0xA00  }
0x26: {  	s0 =	sand.u32 $0x1FFFFFF0, s0;
	_ =	swait.ge [sflag:s21], $0xA00  }
0x27: {  	s0 =	sadd.s32 s7, s0;
	[sflag:s21] =	ssyncset.done $0x0  }
0x28: {  	s17 =	sadd.s32 $0xC8000, s0;
	s19 =	rddreg [dreg:$0xb];
	[sflag:s21] =	ssyncadd.s32 $0xFFFFF600  }
0x29: {  	[hbm:s17], [sflag:s8] =	dma.local [spmem:s19], $0xA00  }
0x2a: {  	_ =	swait.ge [sflag:s21], $0xA00  }
0x2b: {  	s3 =	sadd.s32 $0x1, s3;
	[sflag:s21] =	ssyncset.done $0x0  }
0x2c: {  	p0 =	sne.s32 s3, $0xA;
	s0 =	sadd.s32 $0x190000, s0;
	[sflag:s21] =	ssyncadd.s32 $0xFFFFF600  }
0x2d: {  	[hbm:s0], [sflag:s8] =	dma.local [spmem:s24], $0xA00  }
.Ltmp3:
0x2e: {  	_ =	swait.ge [sflag:s21], $0xA00;
	(pc) =	sbr.rel @!p0 .LBB2_33-.Ltmp3, $3  }
0x2f: {  	[sflag:s21] =	ssyncset.done $0x0  }
0x30: {  	[sflag:s21] =	ssyncadd.s32 $0xFFFFF600  }
0x31: {  	[bflag:$0x0] =	sbarrier.arrive $0xFFFF;
	_ =	sdelay $0x1  }
.LBB2_2:
0x32: {  	[spmem:s16] =	stream.linear.scatter [tilespmem:s20], [sflag:$0x3], $0x4000, $0x38;
	[tilespmem:$0x1F080] =	vst v63  }
0x33: {  	_ =	swait.ge [sflag:s21], $0x4000  }
0x34: {  	[sflag:s21] =	ssyncset.done $0x0  }
0x35: {  	s0 =	rddreg [dreg:$0x5];
	[sflag:s21] =	ssyncadd.s32 $0xFFFFC000  }
0x36: {  	[spmem:s0] =	stream.linear.scatter [tilespmem:s20], [sflag:$0x3], $0x4000, $0x38;
	[tilespmem:$0x1F080] =	vst v63  }
0x37: {  	_ =	swait.ge [sflag:s21], $0x4000  }
0x38: {  	[sflag:s21] =	ssyncset.done $0x0  }
0x39: {  	s13 =	rddreg [dreg:$0x6];
	[sflag:s21] =	ssyncadd.s32 $0xFFFFC000  }
0x3a: {  	[spmem:s13] =	stream.linear.scatter [tilespmem:s20], [sflag:$0x3], $0x4000, $0x38;
	[tilespmem:$0x1F080] =	vst v63  }
0x3b: {  	_ =	swait.ge [sflag:s21], $0x4000  }
0x3c: {  	[sflag:s21] =	ssyncset.done $0x0  }
0x3d: {  	s17 =	rddreg [dreg:$0x7];
	[sflag:s21] =	ssyncadd.s32 $0xFFFFC000  }
0x3e: {  	[spmem:s17] =	stream.linear.scatter [tilespmem:s20], [sflag:$0x3], $0x3080, $0x38;
	[tilespmem:$0x1F080] =	vst v63  }
0x3f: {  	_ =	swait.ge [sflag:s21], $0x3080  }
0x40: {  	[sflag:s21] =	ssyncset.done $0x0  }
0x41: {  	s19 =	rddreg [dreg:$0x4];
	[sflag:s21] =	ssyncadd.s32 $0xFFFFCF80  }
0x42: {  	s0 =	sadd.s32 s19, s3;
	[bflag:$0x0] =	sbarrier.arrive $0xFFFF  }
.Ltmp4:
0x43: {  	s19 =	simm.s32 $0x0;
	s1 =	rddreg [dreg:$0x8];
	(pc) =	sbr.rel .LBB2_3-.Ltmp4, $4  }
0x44: {  	[tilespmem:s19], [sflag:$0x2] =	stream.linear.gather [hbm4b:s1+s19], $0x2000, $0x38;
	[tilespmem:$0x1F080] =	vst v63  }
0x45: {  	s1 =	smul.u32 $0xA00, s0;
	_ =	swait.ge [sflag:s22], $0x2000  }
0x46: {  	[sflag:s22] =	ssyncset.done $0x0  }
0x47: {  	s11 =	simm.s32 $0x0;
	s0 =	simm.s32 $0x0;
	v5 =	vmov s1;
	[sflag:s22] =	ssyncadd.s32 $0xFFFFE000  }
.LBB2_15:
0x48: {  	_ = 	snop  }
.LBB2_18:
0x49: {  	[sflag:s29] =	ssyncset.done @p1 $0x0  }
0x4a: {  	s9 =	ssub.s32 s12, s9;
	s8 =	sor.u32 @p1 $0x6000, s8;
	[sflag:s29] =	ssyncadd.s32 @p1 $0xFFFFC000  }
0x4b: {  	[spmem:s2] =	stream.indirect.scatter.add.f32 @p1 [tilespmem:s31], [sflag:$0x3], $0x80, s8, s30, $0xb8;
	[tilespmem:$0x1F080] =	vst v63  }
0x4c: {  	s13 =	sshll.u32 s9, $0x7;
	_ =	swait.ge @p1 [sflag:s21], $0x4000  }
0x4d: {  	s8 =	sand.u32 $0x1F80, s13;
	[sflag:s21] =	ssyncset.done @p1 $0x0  }
0x4e: {  	s17 =	sor.u32 $0x4000, s8;
	[sflag:s21] =	ssyncadd.s32 @p1 $0xFFFFC000  }
0x4f: {  	[tilespmem:s31], [sflag:$0x1] =	stream.indirect.gather [hbm4b:s5+s30], $0x80, s17, s30, $0xb8;
	[tilespmem:$0x1F080] =	vst v63  }
0x50: {  	_ =	swait.ge [sflag:s29], $0x4000  }
0x51: {  	[sflag:s29] =	ssyncset.done $0x0  }
0x52: {  	s8 =	sor.u32 $0x6000, s8;
	[sflag:s29] =	ssyncadd.s32 $0xFFFFC000  }
0x53: {  	[spmem:s2] =	stream.indirect.scatter.add.f32 [tilespmem:s31], [sflag:$0x3], $0x80, s8, s30, $0xb8;
	[tilespmem:$0x1F080] =	vst v63  }
0x54: {  	_ =	swait.ge [sflag:s21], $0x4000  }
0x55: {  	[sflag:s21] =	ssyncset.done $0x0  }
0x56: {  	s19 =	sadd.s32 $0x80, s19;
	[sflag:s21] =	ssyncadd.s32 $0xFFFFC000  }
.LBB2_19:
0x57: {  	s0 =	sadd.s32 $0x1, s0  }
0x58: {  	p0 =	sne.s32 s0, $0xC  }
.Ltmp5:
0x59: {  	_ = 	snop;
	(pc) =	sbr.rel @!p0 .LBB2_20-.Ltmp5, $4  }
0x5a: {  	_ = 	snop  }
0x5b: {  	_ =	swait.ge [sflag:s22], $0x2000  }
0x5c: {  	[sflag:s22] =	ssyncset.done $0x0  }
0x5d: {  	[sflag:s22] =	ssyncadd.s32 $0xFFFFE000  }
.LBB2_3:
0x5e: {  	s8 =	sshll.u32 s0, $0xE  }
0x5f: {  	s9 =	sadd.s32 s8, s14  }
0x60: {  	s9 =	sshrl.u32 s9, $0x3  }
0x61: {  	s10 =	simm.s32 $0xC0;
	s9 =	sadd.s32 s6, s9  }
0x62: {  	[tilespmem:s25], [sflag:$0x2] =	stream.linear.gather [hbm4b:s9+s4], $0x2000, $0x38;
	[tilespmem:$0x1F080] =	vst v63  }
0x63: {  	v6 =	vld [tilespmem:s10+$0xFFFFFFC0];
	_ =	sdelay $0x1  }
0x64: {  	v7 =	vld [tilespmem:s10+$0xA0]  }
0x65: {  	v8 =	vld [tilespmem:s10+$0x40]  }
0x66: {  	v9 =	vld [tilespmem:s10+$0x30]  }
0x67: {  	v10 =	vld [tilespmem:s10+$0x20];
	v11 =	vsub.s32 v6, v5  }
0x68: {  	v15 =	vld [tilespmem:s10+$0xFFFFFFD0];
	vm10 =	vlt.u32 v11, $0xA00  }
0x69: {  	v16 =	vld [tilespmem:s10+$0x0];
	v14 =	vsel vm10, $0x1, v2  }
0x6a: {  	v13 =	vmov s11;
	v12 =	vld [tilespmem:s10+$0xFFFFFFE0];
	(xrf0) =	vadd.scan.msk.s32 $0xffff, v14  }
0x6b: {  	v13 =	vadd.s32 $0xFFFFFFFF, v13;
	v6 =	vld [tilespmem:s10+$0xFFFFFFF0];
	v8 =	vmul.u32 $0xA00, v8  }
0x6c: {  	v13 =	vbroadcast v13, $0x0;
	v23 =	vld [tilespmem:s10+$0xB0]  }
0x6d: {  	v10 =	vsub.s32 v10, v5;
	v7 =	vmul.u32 $0xA00, v7;
	v22 =	vadd.s32 v11, v8  }
0x6e: {  	v8 =	vsub.s32 v15, v5;
	v14 =	vsub.s32 v9, v5;
	v9 =	vsub.s32 v16, v5  }
0x6f: {  	vm4 =	vlt.u32 v10, $0xA00;
	vm0 =	vlt.u32 v8, $0xA00;
	vm3 =	vlt.u32 v9, $0xA00  }
0x70: {  	v19 =	vld [tilespmem:s10+$0x10];
	v18 =	vsel vm0, $0x1, v2;
	v17 =	vsub.s32 v6, v5;
	v6 =	vsub.s32 v12, v5;
	v11, _, _ =	vpop (xrf0)  }
0x71: {  	v15 =	vld [tilespmem:s10+$0x90];
	v21 =	vsel vm3, $0x1, v2;
	(xrf0) =	vadd.scan.msk.s32 $0xffff, v18;
	v18 =	vmul.u32 $0xA00, v23;
	v13 =	vadd.s32 v11, v13  }
0x72: {  	v12 =	vld [tilespmem:s10+$0x70];
	vm1 =	vlt.u32 v6, $0xA00;
	v11 =	vadd.s32 v10, v7;
	v7 =	vshra.s32 v13, $0x1F  }
0x73: {  	v16 =	vsel vm1, $0x1, v2;
	v10 =	vperm.xlane v13, v3;
	v7 =	vshrl.u32 v7, $0x19  }
0x74: {  	v24 =	vand.u32 $0x7F, v13;
	vm5 =	vlt.s32 v13, $0x1;
	v7 =	vadd.s32 v7, v13  }
0x75: {  	(xrf0) =	vadd.scan.msk.s32 $0xffff, v16;
	vm7 =	vne.s32 v24, $0x0;
	v13 =	vshrl.u32 v7, $0x7;
	v7 =	vsub.s32 v19, v5  }
0x76: {  	vm2 =	vlt.u32 v17, $0xA00;
	v15 =	vmul.u32 $0xA00, v15;
	vm11 =	vmand vm5, vm7  }
0x77: {  	v20 =	vsel vm2, $0x1, v2;
	v16 =	vmul.u32 $0xA00, v12;
	v30 =	vsel vm11, $0xFFFFFFFF, v2  }
0x78: {  	(xrf0) =	vadd.scan.msk.s32 $0xffff, v20;
	vm6 =	vlt.u32 v7, $0xA00;
	v12 =	vadd.s32 v7, v15;
	v13 =	vadd.s32 v30, v13;
	v7, _, _ =	vpop (xrf0)  }
0x79: {  	v15 =	vsel vm6, $0x1, v2;
	v13 =	vshll.u32 v13, $0x7;
	v19 =	vadd.s32 v10, v7  }
0x7a: {  	(xrf0) =	vadd.scan.msk.s32 $0xffff, v15;
	v13 =	vand.u32 $0x1F80, v13;
	v10 =	vadd.s32 v14, v18;
	v18 =	vperm.xlane v19, v3  }
0x7b: {  	vm2 =	vmmov vm2;
	v7 =	vadd.s32 v17, v16;
	v20, _, _ =	vpop (xrf0);
	(xrf0) =	vadd.scan.msk.s32 $0xffff, v21;
	v24 =	vor.u32 v24, v13  }
0x7c: {  	v16 =	vshra.s32 v19, $0x1F;
	v15 =	vand.u32 $0x7F, v19;
	v18 =	vadd.s32 v18, v20  }
0x7d: {  	vm5 =	vlt.s32 v19, $0x1;
	vm7 =	vne.s32 v15, $0x0;
	v20 =	vperm.xlane v18, v3  }
0x7e: {  	v16 =	vshrl.u32 v16, $0x19;
	vm8 =	vmand vm5, vm7;
	vm5 =	vlt.u32 v14, $0xA00;
	v14, _, _ =	vpop (xrf0)  }
0x7f: {  	v17 =	vadd.s32 v16, v19;
	v16 =	vshra.s32 v18, $0x1F;
	v14 =	vadd.s32 v20, v14  }
0x80: {  	vm7 =	vlt.s32 v18, $0x1;
	v23, _, _ =	vpop (xrf0);
	v20 =	vsel vm4, $0x1, v2;
	v26 =	vperm.xlane v14, v3  }
0x81: {  	v21 =	vsel vm5, $0x1, v2;
	v19 =	vshrl.u32 v16, $0x19;
	v27, _, _ =	vpop (xrf0);
	v25 =	vshra.s32 v14, $0x1F;
	(xrf0) =	vadd.scan.msk.s32 $0xffff, v20  }
0x82: {  	v16 =	vand.u32 $0x7F, v18;
	v25 =	vshrl.u32 v25, $0x19;
	v20 =	vadd.s32 v26, v27  }
0x83: {  	v34 =	vld [tilespmem:s10+$0xFFFFFF40];
	vm9 =	vne.s32 v16, $0x0;
	v29 =	vadd.s32 v25, v14;
	v27 =	vperm.xlane v20, v3  }
0x84: {  	(xrf0) =	vadd.scan.msk.s32 $0xffff, v21;
	v25 =	vshra.s32 v20, $0x1F;
	v26 =	vand.u32 $0x7F, v20;
	vm12 =	vlt.s32 v20, $0x1  }
0x85: {  	v25 =	vshrl.u32 v25, $0x19;
	vm13 =	vne.s32 v26, $0x0;
	v21 =	vadd.s32 v27, v23  }
0x86: {  	v20 =	vadd.s32 v25, v20;
	v23 =	vshra.s32 v21, $0x1F;
	v27 =	vperm.xlane v21, v3  }
0x87: {  	vm12 =	vmand vm12, vm13;
	v25 =	vand.u32 $0x7F, v21;
	v28, _, _ =	vpop (xrf0);
	v23 =	vshrl.u32 v23, $0x19  }
0x88: {  	[tilespmem:v24+s26+$0x0] =	vst.idx.msk vm10, v34;
	vm13 =	vlt.s32 v21, $0x1;
	v21 =	vadd.s32 v23, v21;
	v27 =	vadd.s32 v27, v28  }
0x89: {  	[tilespmem:v24+s28+$0x0] =	vst.idx.msk vm10, v22;
	v22 =	vshrl.u32 v29, $0x7;
	v23 =	vshrl.u32 v21, $0x7;
	v21 =	vperm.xlane v27, v3  }
0x8a: {  	v30 =	vshrl.u32 v20, $0x7;
	v37 =	vsel vm12, $0xFFFFFFFF, v2;
	vm14 =	vne.s32 v25, $0x0;
	v28, _, _ =	vpop (xrf0)  }
0x8b: {  	v60 =	vadd.s32 v37, v30;
	vm11 =	vmand vm13, vm14;
	v33 =	vadd.s32 v21, v28  }
0x8c: {  	v31 =	vand.u32 $0x7F, v27;
	v13 =	vshra.s32 v33, $0x1F;
	v28 =	vand.u32 $0x7F, v33  }
0x8d: {  	vm14 =	vlt.s32 v33, $0x1;
	v13 =	vshrl.u32 v13, $0x19;
	vm15 =	vne.s32 v28, $0x0  }
0x8e: {  	v35 =	vsel vm11, $0xFFFFFFFF, v2;
	v20 =	vadd.s32 v13, v33;
	vm14 =	vmand vm14, vm15  }
0x8f: {  	vm11 =	vlt.s32 v27, $0x1;
	v20 =	vshrl.u32 v20, $0x7;
	v32 =	vsel vm14, $0xFFFFFFFF, v2  }
0x90: {  	v59 =	vld [tilespmem:s10+$0xFFFFFFB0];
	vm13 =	vne.s32 v31, $0x0;
	v21 =	vshra.s32 v27, $0x1F;
	v20 =	vadd.s32 v32, v20  }
0x91: {  	v29 =	vld [tilespmem:s10+$0xFFFFFF80];
	v57 =	vadd.s32 v35, v23;
	v36 =	vshrl.u32 v21, $0x19;
	v20 =	vshll.u32 v20, $0x7  }
0x92: {  	v30 =	vld [tilespmem:s10+$0xFFFFFF90];
	vm11 =	vmand vm11, vm13;
	v27 =	vadd.s32 v36, v27;
	v20 =	vand.u32 $0x1F80, v20  }
0x93: {  	v23 =	vld [tilespmem:s10+$0xFFFFFF50];
	v58 =	vsel vm11, $0xFFFFFFFF, v2;
	v27 =	vshrl.u32 v27, $0x7;
	v20 =	vor.u32 v28, v20  }
0x94: {  	vm9 =	vmand vm7, vm9;
	v21 =	vld [tilespmem:s10+$0xFFFFFF60];
	v27 =	vadd.s32 v58, v27;
	v32 =	vshll.u32 v57, $0x7  }
0x95: {  	vm7 =	vlt.s32 v14, $0x1;
	v61 =	vshll.u32 v27, $0x7;
	v27 =	vld [tilespmem:s10+$0x50];
	v32 =	vand.u32 $0x1F80, v32  }
0x96: {  	v62 =	vshll.u32 v60, $0x7;
	v63 =	vand.u32 $0x1F80, v61;
	v25 =	vor.u32 v25, v32;
	v32 =	vld [tilespmem:s10+$0x80]  }
0x97: {  	v14 =	vand.u32 $0x7F, v14;
	v34 =	vand.u32 $0x1F80, v62;
	v31 =	vor.u32 v31, v63;
	v28 =	vld [tilespmem:s10+$0xFFFFFFA0]  }
0x98: {  	s11 =	simm.s32 $0x0;
	s12 =	simm.s32 $0x2C0;
	v26 =	vor.u32 v26, v34;
	v24 =	vperm.xlane v33, v3;
	vm11 =	vne.s32 v14, $0x0;
	v13 =	vld [tilespmem:s10+$0x60];
	[tilespmem:v20+s26+$0x0] =	vst.idx.msk vm5, v59  }
.LBB2_4:
0x99: {  	v33 =	vld [tilespmem:s12+$0xFFFFFFC0];
	s11 =	sadd.s32 $0x8, s11;
	v17 =	vshrl.u32 v17, $0x7;
	v34 =	vsel vm8, $0xFFFFFFFF, v2;
	v18 =	vadd.s32 v19, v18  }
0x9a: {  	v19 =	vld [tilespmem:s12+$0xA0];
	p0 =	slt.u32 s11, $0x78;
	v17 =	vadd.s32 v34, v17;
	v18 =	vshrl.u32 v18, $0x7;
	v34 =	vsel vm9, $0xFFFFFFFF, v2  }
0x9b: {  	v35 =	vld [tilespmem:s12+$0x40];
	v27 =	vmul.u32 $0xA00, v27;
	v17 =	vshll.u32 v17, $0x7;
	v18 =	vadd.s32 v34, v18;
	[tilespmem:v25+s26+$0x0] =	vst.idx.msk vm6, v30  }
0x9c: {  	v30 =	vld [tilespmem:s12+$0x30];
	v17 =	vand.u32 $0x1F80, v17;
	v18 =	vshll.u32 v18, $0x7;
	v32 =	vmul.u32 $0xA00, v32;
	[tilespmem:v31+s26+$0x0] =	vst.idx.msk vm4, v28  }
0x9d: {  	v28 =	vld [tilespmem:s12+$0x20];
	v8 =	vadd.s32 v8, v27;
	v15 =	vor.u32 v15, v17;
	v17 =	vand.u32 $0x1F80, v18;
	[tilespmem:v31+s28+$0x0] =	vst.idx.msk vm4, v11  }
0x9e: {  	v13 =	vmul.u32 $0xA00, v13;
	v11 =	vsub.s32 v33, v5;
	v18 =	vld [tilespmem:s12+$0xFFFFFFF0];
	v16 =	vor.u32 v16, v17;
	[tilespmem:v25+s28+$0x0] =	vst.idx.msk vm6, v12  }
0x9f: {  	vm4 =	vmand vm7, vm11;
	v9 =	vadd.s32 v9, v32;
	vm10 =	vlt.u32 v11, $0xA00;
	v12 =	vld [tilespmem:s12+$0xFFFFFFE0];
	[tilespmem:v26+s26+$0x0] =	vst.idx.msk vm3, v29  }
0xa0: {  	v27 =	vadd.s32 v6, v13;
	v6 =	vsel vm4, $0xFFFFFFFF, v2;
	v17 =	vsel vm10, $0x1, v2;
	v25 =	vld [tilespmem:s12+$0x0];
	[tilespmem:v26+s28+$0x0] =	vst.idx.msk vm3, v9  }
0xa1: {  	v6 =	vadd.s32 v6, v22;
	v9 =	vmul.u32 $0xA00, v35;
	v26 =	vld [tilespmem:s12+$0xFFFFFFD0];
	v29 =	vsub.s32 v30, v5;
	(xrf0) =	vadd.scan.msk.s32 $0xffff, v17  }
0xa2: {  	v19 =	vmul.u32 $0xA00, v19;
	v6 =	vshll.u32 v6, $0x7;
	v13 =	vld [tilespmem:s12+$0x60];
	v17 =	vsub.s32 v28, v5;
	[tilespmem:v15+s26+$0x0] =	vst.idx.msk vm0, v23  }
0xa3: {  	v18 =	vsub.s32 v18, v5;
	vm4 =	vlt.u32 v17, $0xA00;
	[tilespmem:v16+s26+$0x0] =	vst.idx.msk vm1, v21;
	v21 =	vand.u32 $0x1F80, v6  }
0xa4: {  	v6 =	vsub.s32 v12, v5;
	vm6 =	vlt.u32 v18, $0xA00;
	[tilespmem:v16+s28+$0x0] =	vst.idx.msk vm1, v27;
	v12 =	vld [tilespmem:s10+$0xFFFFFF70];
	v14 =	vor.u32 v14, v21;
	s10 =	smov.u32 s12  }
0xa5: {  	v22 =	vadd.s32 v11, v9;
	vm1 =	vlt.u32 v6, $0xA00;
	v9 =	vsub.s32 v25, v5;
	[tilespmem:v15+s28+$0x0] =	vst.idx.msk vm0, v8  }
0xa6: {  	v8 =	vsub.s32 v26, v5;
	v15 =	vsel vm1, $0x1, v2;
	v16 =	vld [tilespmem:s12+$0x70];
	vm3 =	vlt.u32 v9, $0xA00  }
0xa7: {  	v21 =	vsel vm6, $0x1, v2;
	vm0 =	vlt.u32 v8, $0xA00;
	v23 =	vsel vm3, $0x1, v2;
	v25 =	vld [tilespmem:s12+$0x90];
	v11, _, _ =	vpop (xrf0)  }
0xa8: {  	v24 =	vadd.s32 v11, v24;
	v26 =	vsel vm0, $0x1, v2;
	v27 =	vld [tilespmem:s12+$0x10];
	v11 =	vadd.s32 v17, v19;
	[tilespmem:v20+s28+$0x0] =	vst.idx.msk vm5, v10  }
0xa9: {  	v10 =	vshra.s32 v24, $0x1F;
	v17 =	vperm.xlane v24, v3;
	v19 =	vld [tilespmem:s12+$0xB0];
	(xrf0) =	vadd.scan.msk.s32 $0xffff, v26;
	[tilespmem:v14+s26+$0x0] =	vst.idx.msk vm2, v12  }
0xaa: {  	v20 =	vand.u32 $0x7F, v24;
	v10 =	vshrl.u32 v10, $0x19;
	[tilespmem:v14+s28+$0x0] =	vst.idx.msk vm2, v7;
	vm2 =	vmmov vm6  }
0xab: {  	vm5 =	vlt.s32 v24, $0x1;
	vm6 =	vne.s32 v20, $0x0;
	v7 =	vadd.s32 v10, v24  }
0xac: {  	vm11 =	vmand vm5, vm6;
	v24 =	vshrl.u32 v7, $0x7;
	(xrf0) =	vadd.scan.msk.s32 $0xffff, v15  }
0xad: {  	v10 =	vmul.u32 $0xA00, v25;
	v26 =	vsub.s32 v27, v5  }
0xae: {  	v14 =	vmul.u32 $0xA00, v16;
	vm6 =	vlt.u32 v26, $0xA00;
	v15 =	vmul.u32 $0xA00, v19  }
0xaf: {  	v12 =	vadd.s32 v26, v10;
	v16 =	vsel vm6, $0x1, v2;
	v7, _, _ =	vpop (xrf0);
	(xrf0) =	vadd.scan.msk.s32 $0xffff, v21  }
0xb0: {  	v17 =	vadd.s32 v17, v7;
	v7 =	vadd.s32 v18, v14;
	v10 =	vadd.s32 v29, v15;
	(xrf0) =	vadd.scan.msk.s32 $0xffff, v16  }
0xb1: {  	v14 =	vshra.s32 v17, $0x1F;
	v15 =	vand.u32 $0x7F, v17;
	v16 =	vperm.xlane v17, v3  }
0xb2: {  	vm5 =	vlt.s32 v17, $0x1;
	v14 =	vshrl.u32 v14, $0x19;
	vm7 =	vne.s32 v15, $0x0;
	v18, _, _ =	vpop (xrf0);
	(xrf0) =	vadd.scan.msk.s32 $0xffff, v23  }
0xb3: {  	v17 =	vadd.s32 v14, v17;
	vm8 =	vmand vm5, vm7;
	v18 =	vadd.s32 v16, v18  }
0xb4: {  	v23 =	vshra.s32 v18, $0x1F;
	vm7 =	vlt.s32 v18, $0x1;
	v21 =	vperm.xlane v18, v3  }
0xb5: {  	vm5 =	vlt.u32 v29, $0xA00;
	v16 =	vand.u32 $0x7F, v18;
	v19 =	vshrl.u32 v23, $0x19;
	v14, _, _ =	vpop (xrf0)  }
0xb6: {  	v23 =	vsel vm5, $0x1, v2;
	v14 =	vadd.s32 v21, v14;
	v21 =	vsel vm4, $0x1, v2;
	v25, _, _ =	vpop (xrf0)  }
0xb7: {  	vm9 =	vne.s32 v16, $0x0;
	v26 =	vshra.s32 v14, $0x1F;
	v27 =	vperm.xlane v14, v3  }
0xb8: {  	vm9 =	vmand vm7, vm9;
	vm7 =	vlt.s32 v14, $0x1;
	v26 =	vshrl.u32 v26, $0x19;
	v28, _, _ =	vpop (xrf0);
	(xrf0) =	vadd.scan.msk.s32 $0xffff, v21  }
0xb9: {  	v26 =	vadd.s32 v26, v14;
	v14 =	vand.u32 $0x7F, v14;
	v21 =	vadd.s32 v27, v28  }
0xba: {  	v27 =	vshra.s32 v21, $0x1F;
	v33 =	vand.u32 $0x7F, v21;
	v28 =	vperm.xlane v21, v3  }
0xbb: {  	vm12 =	vlt.s32 v21, $0x1;
	v27 =	vshrl.u32 v27, $0x19;
	vm13 =	vne.s32 v33, $0x0;
	(xrf0) =	vadd.scan.msk.s32 $0xffff, v23  }
0xbc: {  	v21 =	vadd.s32 v27, v21;
	vm12 =	vmand vm12, vm13;
	v23 =	vadd.s32 v28, v25  }
0xbd: {  	v25 =	vshra.s32 v23, $0x1F;
	v29 =	vand.u32 $0x7F, v23;
	v27 =	vperm.xlane v23, v3  }
0xbe: {  	vm13 =	vlt.s32 v23, $0x1;
	v25 =	vshrl.u32 v25, $0x19;
	vm14 =	vne.s32 v29, $0x0;
	v28, _, _ =	vpop (xrf0)  }
0xbf: {  	v30 =	vsel vm11, $0xFFFFFFFF, v2;
	v23 =	vadd.s32 v25, v23;
	v25 =	vadd.s32 v27, v28  }
0xc0: {  	v24 =	vadd.s32 v30, v24;
	v23 =	vshrl.u32 v23, $0x7;
	v27 =	vperm.xlane v25, v3  }
0xc1: {  	v24 =	vshll.u32 v24, $0x7;
	vm11 =	vmand vm13, vm14;
	v31 =	vand.u32 $0x7F, v25;
	v28, _, _ =	vpop (xrf0)  }
0xc2: {  	v24 =	vand.u32 $0x1F80, v24;
	vm13 =	vne.s32 v31, $0x0;
	v34 =	vadd.s32 v27, v28  }
0xc3: {  	v24 =	vor.u32 v20, v24;
	v20 =	vshra.s32 v34, $0x1F;
	v27 =	vand.u32 $0x7F, v34  }
0xc4: {  	vm14 =	vlt.s32 v34, $0x1;
	v20 =	vshrl.u32 v20, $0x19;
	vm15 =	vne.s32 v27, $0x0  }
0xc5: {  	v30 =	vshrl.u32 v21, $0x7;
	v28 =	vld [tilespmem:s12+$0xFFFFFF40];
	v20 =	vadd.s32 v20, v34;
	vm14 =	vmand vm14, vm15  }
0xc6: {  	v21 =	vshra.s32 v25, $0x1F;
	v20 =	vshrl.u32 v20, $0x7;
	v32 =	vsel vm14, $0xFFFFFFFF, v2  }
0xc7: {  	v35 =	vsel vm11, $0xFFFFFFFF, v2;
	v36 =	vshrl.u32 v21, $0x19;
	v20 =	vadd.s32 v32, v20  }
0xc8: {  	vm11 =	vlt.s32 v25, $0x1;
	v32 =	vadd.s32 v35, v23;
	v21 =	vld [tilespmem:s12+$0xFFFFFF60];
	v20 =	vshll.u32 v20, $0x7  }
0xc9: {  	v25 =	vadd.s32 v36, v25;
	vm11 =	vmand vm11, vm13;
	v23 =	vld [tilespmem:s12+$0xFFFFFF50];
	v20 =	vand.u32 $0x1F80, v20  }
0xca: {  	v25 =	vshrl.u32 v25, $0x7;
	v35 =	vsel vm11, $0xFFFFFFFF, v2;
	[tilespmem:v24+s26+$0x0] =	vst.idx.msk vm10, v28;
	v36 =	vld [tilespmem:s12+$0xFFFFFFB0];
	v20 =	vor.u32 v27, v20  }
.Ltmp6:
0xcb: {  	v25 =	vadd.s32 v35, v25;
	[tilespmem:v24+s28+$0x0] =	vst.idx.msk vm10, v22;
	v22 =	vsel vm12, $0xFFFFFFFF, v2;
	v24 =	vshll.u32 v32, $0x7;
	v28 =	vld [tilespmem:s12+$0xFFFFFFA0];
	(pc) =	sbr.rel @p0 .LBB2_4-.Ltmp6, $4  }
0xcc: {  	v32 =	vshll.u32 v25, $0x7;
	v22 =	vadd.s32 v22, v30;
	v30 =	vld [tilespmem:s12+$0xFFFFFF90];
	v24 =	vand.u32 $0x1F80, v24  }
0xcd: {  	v27 =	vld [tilespmem:s12+$0x50];
	v22 =	vshll.u32 v22, $0x7;
	v25 =	vor.u32 v29, v24;
	v24 =	vand.u32 $0x1F80, v32  }
0xce: {  	v32 =	vld [tilespmem:s12+$0x80];
	v35 =	vand.u32 $0x1F80, v22;
	v31 =	vor.u32 v31, v24;
	v24 =	vperm.xlane v34, v3  }
0xcf: {  	vm11 =	vne.s32 v14, $0x0;
	v22 =	vshrl.u32 v26, $0x7;
	s12 =	sadd.s32 $0x200, s12;
	v29 =	vld [tilespmem:s10+$0xFFFFFF80];
	v26 =	vor.u32 v33, v35;
	[tilespmem:v20+s26+$0x0] =	vst.idx.msk vm5, v36  }
0xd0: {  	v24 =	vadd.s32 $0x80000001, v24  }
0xd1: {  	(xrf0) =	vmax.scan.msk.u32 $0xffff, v24;
	_ =	sdelay $0x5  }
0xd2: {  	v24, _, _ =	vpop (xrf0)  }
0xd3: {  	(v2sf) =	vpush v24, $0xF;
	_ =	sdelay $0xe  }
0xd4: {  	s9 =	spop (v2sf)  }
0xd5: {  	v17 =	vshrl.u32 v17, $0x7;
	v54 =	vsel vm8, $0xFFFFFFFF, v2;
	v18 =	vadd.s32 v19, v18;
	s11 =	sxor.u32 $0x80000000, s9  }
0xd6: {  	v55 =	vsel vm9, $0xFFFFFFFF, v2;
	s12 =	simm.s32 $0x1;
	v17 =	vadd.s32 v54, v17;
	v18 =	vshrl.u32 v18, $0x7;
	s9 =	ssub.s32 s11, s19;
	p0 =	sne.s32 s11, s19  }
0xd7: {  	[tilespmem:v31+s26+$0x0] =	vst.idx.msk vm4, v28;
	v17 =	vshll.u32 v17, $0x7;
	v18 =	vadd.s32 v55, v18;
	s13 =	sshra.s32 s9, $0x1F;
	s12 =	simm.s32 @!p0 $0x0  }
0xd8: {  	vm7 =	vmand vm7, vm11;
	[tilespmem:v20+s28+$0x0] =	vst.idx.msk vm5, v10;
	v17 =	vand.u32 $0x1F80, v17;
	v18 =	vshll.u32 v18, $0x7;
	s17 =	sand.u32 $0x7F, s9;
	s12 =	sor.u32 s12, s13  }
0xd9: {  	[tilespmem:v25+s26+$0x0] =	vst.idx.msk vm6, v30;
	v59 =	vsel vm7, $0xFFFFFFFF, v2;
	v15 =	vor.u32 v15, v17;
	v56 =	vand.u32 $0x1F80, v18;
	p1 =	sne.s32 s17, $0x0;
	p6 =	sne.s32 s12, $0x1  }
0xda: {  	[tilespmem:v31+s28+$0x0] =	vst.idx.msk vm4, v11;
	v60 =	vadd.s32 v59, v22;
	v57 =	vmul.u32 $0xA00, v32;
	v58 =	vor.u32 v16, v56;
	s17 =	sshrl.u32 s13, $0x19;
	p0 =	por !p1, !p6  }
0xdb: {  	v62 =	vld [tilespmem:s10+$0xFFFFFF70];
	s10 =	simm.s32 $0x1;
	[tilespmem:v25+s28+$0x0] =	vst.idx.msk vm6, v12;
	v12 =	vshll.u32 v60, $0x7;
	s9 =	sadd.s32 s17, s9;
	p0 =	por !p0, !p0  }
0xdc: {  	[tilespmem:v26+s26+$0x0] =	vst.idx.msk vm3, v29;
	v61 =	vand.u32 $0x1F80, v12;
	v9 =	vadd.s32 v9, v57;
	s9 =	sshra.s32 s9, $0x7;
	s10 =	simm.s32 @!p0 $0x0  }
0xdd: {  	v63 =	vmul.u32 $0xA00, v27;
	[tilespmem:v26+s28+$0x0] =	vst.idx.msk vm3, v9;
	v9 =	vor.u32 v14, v61;
	s9 =	ssub.s32 s9, s10  }
0xde: {  	v13 =	vmul.u32 $0xA00, v13;
	[tilespmem:v15+s26+$0x0] =	vst.idx.msk vm0, v23;
	p0 =	slt.s32 s9, $0x1  }
.Ltmp7:
0xdf: {  	v8 =	vadd.s32 v8, v63;
	[tilespmem:v58+s26+$0x0] =	vst.idx.msk vm1, v21;
	(pc) =	sbr.rel @p0 .LBB2_11-.Ltmp7, $4  }
0xe0: {  	v6 =	vadd.s32 v6, v13;
	[tilespmem:v15+s28+$0x0] =	vst.idx.msk vm0, v8  }
0xe1: {  	[tilespmem:v58+s28+$0x0] =	vst.idx.msk vm1, v6  }
0xe2: {  	[tilespmem:v9+s26+$0x0] =	vst.idx.msk vm2, v62  }
0xe3: {  	[tilespmem:v9+s28+$0x0] =	vst.idx.msk vm2, v7  }
0xe4: {  	p2 =	sne.s32 s9, $0x1  }
.Ltmp8:
0xe5: {  	s10 =	sand.u32 $0x7F, s19;
	(pc) =	sbr.rel @!p2 .LBB2_7-.Ltmp8, $4  }
0xe6: {  	s13 =	sshra.s32 s19, $0x1F;
	p1 =	slt.s32 s19, $0x1;
	p0 =	sne.s32 s10, $0x0  }
0xe7: {  	s12 =	sadd.s32 $0xFFFFFFFF, s9;
	s17 =	sshrl.u32 s13, $0x19;
	p1 =	por !p1, !p0  }
0xe8: {  	s9 =	simm.s32 $0x1;
	s10 =	sadd.s32 s17, s19;
	p1 =	por !p1, !p1  }
0xe9: {  	s13 =	sshrl.u32 s10, $0x7;
	s9 =	simm.s32 @!p1 $0x0;
	p1 =	por $0x0, $0x0  }
0xea: {  	s9 =	ssub.s32 s13, s9  }
0xeb: {  	s19 =	sadd.s32 $0x80, s19;
	p2 =	sne.s32 s12, $0x1;
	s9 =	sshll.u32 s9, $0x7  }
0xec: {  	p1 =	slt.s32 s19, $0x1;
	s10 =	sand.u32 $0x1F80, s9;
	s9 =	sshra.s32 s19, $0x1F  }
.Ltmp9:
0xed: {  	s17 =	sor.u32 $0x4000, s10;
	s9 =	sshrl.u32 s9, $0x19;
	(pc) =	sbr.rel @!p2 .LBB2_10-.Ltmp9, $4  }
0xee: {  	[tilespmem:s31], [sflag:$0x1] =	stream.indirect.gather [hbm4b:s5+s30], $0x80, s17, s30, $0xb8;
	[tilespmem:$0x1F080] =	vst v63  }
0xef: {  	s12 =	sadd.s32 $0xFFFFFFFF, s12;
	p1 =	por !p1, !p0;
	s9 =	sadd.s32 s9, s19  }
0xf0: {  	p1 =	por !p1, !p1;
	s13 =	sshrl.u32 s9, $0x7;
	s9 =	simm.s32 $0x1  }
0xf1: {  	_ =	swait.ge [sflag:s29], $0x4000;
	s9 =	simm.s32 @!p1 $0x0;
	p1 =	por $0x1, $0x1  }
.LBB2_9:
0xf2: {  	p2 =	sne.s32 s12, $0x1;
	s9 =	ssub.s32 s13, s9;
	[sflag:s29] =	ssyncset.done $0x0  }
0xf3: {  	s13 =	sor.u32 $0x6000, s10;
	s9 =	sshll.u32 s9, $0x7;
	[sflag:s29] =	ssyncadd.s32 $0xFFFFC000  }
0xf4: {  	s12 =	sadd.s32 $0xFFFFFFFF, s12;
	s19 =	sadd.s32 $0x80, s19;
	s10 =	sand.u32 $0x1F80, s9  }
0xf5: {  	[spmem:s2] =	stream.indirect.scatter.add.f32 [tilespmem:s31], [sflag:$0x3], $0x80, s13, s30, $0xb8;
	[tilespmem:$0x1F080] =	vst v63  }
0xf6: {  	p3 =	slt.s32 s19, $0x1;
	_ =	swait.ge [sflag:s21], $0x4000  }
0xf7: {  	s9 =	sshra.s32 s19, $0x1F;
	s13 =	sor.u32 $0x4000, s10;
	[sflag:s21] =	ssyncset.done $0x0  }
.Ltmp10:
0xf8: {  	s9 =	sshrl.u32 s9, $0x19;
	[sflag:s21] =	ssyncadd.s32 $0xFFFFC000;
	(pc) =	sbr.rel @p2 .LBB2_9-.Ltmp10, $4  }
0xf9: {  	[tilespmem:s31], [sflag:$0x1] =	stream.indirect.gather [hbm4b:s5+s30], $0x80, s13, s30, $0xb8;
	[tilespmem:$0x1F080] =	vst v63  }
0xfa: {  	p3 =	por !p3, !p0;
	s9 =	sadd.s32 s9, s19  }
0xfb: {  	p3 =	por !p3, !p3;
	s13 =	sshrl.u32 s9, $0x7;
	s9 =	simm.s32 $0x1  }
0xfc: {  	s9 =	simm.s32 @!p3 $0x0;
	_ =	swait.ge [sflag:s29], $0x4000  }
.LBB2_10:
0xfd: {  	[sflag:s29] =	ssyncset.done @p1 $0x0  }
0xfe: {  	s9 =	ssub.s32 s13, s9;
	s10 =	sor.u32 @p1 $0x6000, s10;
	[sflag:s29] =	ssyncadd.s32 @p1 $0xFFFFC000  }
0xff: {  	[spmem:s2] =	stream.indirect.scatter.add.f32 @p1 [tilespmem:s31], [sflag:$0x3], $0x80, s10, s30, $0xb8;
	[tilespmem:$0x1F080] =	vst v63  }
0x100: {  	s9 =	sshll.u32 s9, $0x7;
	_ =	swait.ge @p1 [sflag:s21], $0x4000  }
0x101: {  	s9 =	sand.u32 $0x1F80, s9;
	[sflag:s21] =	ssyncset.done @p1 $0x0  }
0x102: {  	s17 =	sor.u32 $0x4000, s9;
	[sflag:s21] =	ssyncadd.s32 @p1 $0xFFFFC000  }
0x103: {  	[tilespmem:s31], [sflag:$0x1] =	stream.indirect.gather [hbm4b:s5+s30], $0x80, s17, s30, $0xb8;
	[tilespmem:$0x1F080] =	vst v63  }
0x104: {  	_ =	swait.ge [sflag:s29], $0x4000  }
0x105: {  	[sflag:s29] =	ssyncset.done $0x0  }
0x106: {  	s9 =	sor.u32 $0x6000, s9;
	[sflag:s29] =	ssyncadd.s32 $0xFFFFC000  }
0x107: {  	[spmem:s2] =	stream.indirect.scatter.add.f32 [tilespmem:s31], [sflag:$0x3], $0x80, s9, s30, $0xb8;
	[tilespmem:$0x1F080] =	vst v63  }
0x108: {  	_ =	swait.ge [sflag:s21], $0x4000  }
0x109: {  	[sflag:s21] =	ssyncset.done $0x0  }
0x10a: {  	s19 =	sadd.s32 $0x80, s19;
	[sflag:s21] =	ssyncadd.s32 $0xFFFFC000  }
.LBB2_11:
0x10b: {  	_ =	swait.ge [sflag:s22], $0x2000;
	s8 =	sadd.s32 s8, s15  }
0x10c: {  	[sflag:s22] =	ssyncset.done $0x0;
	s8 =	sshrl.u32 s8, $0x3  }
0x10d: {  	[sflag:s22] =	ssyncadd.s32 $0xFFFFE000;
	s8 =	sadd.s32 s6, s8  }
0x10e: {  	[tilespmem:s4], [sflag:$0x2] =	stream.linear.gather [hbm4b:s8+s4], $0x2000, $0x38;
	[tilespmem:$0x1F080] =	vst v63  }
0x10f: {  	s8 =	simm.s32 $0x20C0  }
0x110: {  	v6 =	vld [tilespmem:s8+$0xFFFFFFC0];
	_ =	sdelay $0x1  }
0x111: {  	v7 =	vld [tilespmem:s8+$0xA0]  }
0x112: {  	v8 =	vld [tilespmem:s8+$0x40]  }
0x113: {  	v9 =	vld [tilespmem:s8+$0x30]  }
0x114: {  	v10 =	vld [tilespmem:s8+$0x20];
	v11 =	vsub.s32 v6, v5  }
0x115: {  	v15 =	vld [tilespmem:s8+$0xFFFFFFD0];
	vm10 =	vlt.u32 v11, $0xA00  }
0x116: {  	v16 =	vld [tilespmem:s8+$0x0];
	v14 =	vsel vm10, $0x1, v2  }
0x117: {  	v13 =	vmov s11;
	v12 =	vld [tilespmem:s8+$0xFFFFFFE0];
	(xrf0) =	vadd.scan.msk.s32 $0xffff, v14  }
0x118: {  	v13 =	vadd.s32 $0xFFFFFFFF, v13;
	v6 =	vld [tilespmem:s8+$0xFFFFFFF0];
	v8 =	vmul.u32 $0xA00, v8  }
0x119: {  	v13 =	vbroadcast v13, $0x0;
	v23 =	vld [tilespmem:s8+$0xB0]  }
0x11a: {  	v10 =	vsub.s32 v10, v5;
	v7 =	vmul.u32 $0xA00, v7;
	v22 =	vadd.s32 v11, v8  }
0x11b: {  	v8 =	vsub.s32 v15, v5;
	v14 =	vsub.s32 v9, v5;
	v9 =	vsub.s32 v16, v5  }
0x11c: {  	vm4 =	vlt.u32 v10, $0xA00;
	vm0 =	vlt.u32 v8, $0xA00;
	vm3 =	vlt.u32 v9, $0xA00  }
0x11d: {  	v19 =	vld [tilespmem:s8+$0x10];
	v18 =	vsel vm0, $0x1, v2;
	v17 =	vsub.s32 v6, v5;
	v6 =	vsub.s32 v12, v5;
	v11, _, _ =	vpop (xrf0)  }
0x11e: {  	v15 =	vld [tilespmem:s8+$0x90];
	v21 =	vsel vm3, $0x1, v2;
	(xrf0) =	vadd.scan.msk.s32 $0xffff, v18;
	v18 =	vmul.u32 $0xA00, v23;
	v13 =	vadd.s32 v11, v13  }
0x11f: {  	v12 =	vld [tilespmem:s8+$0x70];
	vm1 =	vlt.u32 v6, $0xA00;
	v11 =	vadd.s32 v10, v7;
	v7 =	vshra.s32 v13, $0x1F  }
0x120: {  	v16 =	vsel vm1, $0x1, v2;
	v10 =	vperm.xlane v13, v3;
	v7 =	vshrl.u32 v7, $0x19  }
0x121: {  	v24 =	vand.u32 $0x7F, v13;
	vm5 =	vlt.s32 v13, $0x1;
	v7 =	vadd.s32 v7, v13  }
0x122: {  	(xrf0) =	vadd.scan.msk.s32 $0xffff, v16;
	vm7 =	vne.s32 v24, $0x0;
	v13 =	vshrl.u32 v7, $0x7;
	v7 =	vsub.s32 v19, v5  }
0x123: {  	vm2 =	vlt.u32 v17, $0xA00;
	v15 =	vmul.u32 $0xA00, v15;
	vm11 =	vmand vm5, vm7  }
0x124: {  	v20 =	vsel vm2, $0x1, v2;
	v16 =	vmul.u32 $0xA00, v12;
	v30 =	vsel vm11, $0xFFFFFFFF, v2  }
0x125: {  	(xrf0) =	vadd.scan.msk.s32 $0xffff, v20;
	vm6 =	vlt.u32 v7, $0xA00;
	v12 =	vadd.s32 v7, v15;
	v13 =	vadd.s32 v30, v13;
	v7, _, _ =	vpop (xrf0)  }
0x126: {  	v15 =	vsel vm6, $0x1, v2;
	v13 =	vshll.u32 v13, $0x7;
	v19 =	vadd.s32 v10, v7  }
0x127: {  	(xrf0) =	vadd.scan.msk.s32 $0xffff, v15;
	v13 =	vand.u32 $0x1F80, v13;
	v10 =	vadd.s32 v14, v18;
	v18 =	vperm.xlane v19, v3  }
0x128: {  	vm2 =	vmmov vm2;
	v7 =	vadd.s32 v17, v16;
	v20, _, _ =	vpop (xrf0);
	(xrf0) =	vadd.scan.msk.s32 $0xffff, v21;
	v24 =	vor.u32 v24, v13  }
0x129: {  	v16 =	vshra.s32 v19, $0x1F;
	v15 =	vand.u32 $0x7F, v19;
	v18 =	vadd.s32 v18, v20  }
0x12a: {  	vm5 =	vlt.s32 v19, $0x1;
	vm7 =	vne.s32 v15, $0x0;
	v20 =	vperm.xlane v18, v3  }
0x12b: {  	v16 =	vshrl.u32 v16, $0x19;
	vm8 =	vmand vm5, vm7;
	vm5 =	vlt.u32 v14, $0xA00;
	v14, _, _ =	vpop (xrf0)  }
0x12c: {  	v17 =	vadd.s32 v16, v19;
	v16 =	vshra.s32 v18, $0x1F;
	v14 =	vadd.s32 v20, v14  }
0x12d: {  	vm7 =	vlt.s32 v18, $0x1;
	v23, _, _ =	vpop (xrf0);
	v20 =	vsel vm4, $0x1, v2;
	v26 =	vperm.xlane v14, v3  }
0x12e: {  	v21 =	vsel vm5, $0x1, v2;
	v19 =	vshrl.u32 v16, $0x19;
	v27, _, _ =	vpop (xrf0);
	v25 =	vshra.s32 v14, $0x1F;
	(xrf0) =	vadd.scan.msk.s32 $0xffff, v20  }
0x12f: {  	v16 =	vand.u32 $0x7F, v18;
	v25 =	vshrl.u32 v25, $0x19;
	v20 =	vadd.s32 v26, v27  }
0x130: {  	v34 =	vld [tilespmem:s8+$0xFFFFFF40];
	vm9 =	vne.s32 v16, $0x0;
	v29 =	vadd.s32 v25, v14;
	v27 =	vperm.xlane v20, v3  }
0x131: {  	(xrf0) =	vadd.scan.msk.s32 $0xffff, v21;
	v25 =	vshra.s32 v20, $0x1F;
	v26 =	vand.u32 $0x7F, v20;
	vm12 =	vlt.s32 v20, $0x1  }
0x132: {  	v25 =	vshrl.u32 v25, $0x19;
	vm13 =	vne.s32 v26, $0x0;
	v21 =	vadd.s32 v27, v23  }
0x133: {  	v20 =	vadd.s32 v25, v20;
	v23 =	vshra.s32 v21, $0x1F;
	v27 =	vperm.xlane v21, v3  }
0x134: {  	vm12 =	vmand vm12, vm13;
	v25 =	vand.u32 $0x7F, v21;
	v28, _, _ =	vpop (xrf0);
	v23 =	vshrl.u32 v23, $0x19  }
0x135: {  	[tilespmem:v24+s26+$0x0] =	vst.idx.msk vm10, v34;
	vm13 =	vlt.s32 v21, $0x1;
	v21 =	vadd.s32 v23, v21;
	v27 =	vadd.s32 v27, v28  }
0x136: {  	[tilespmem:v24+s28+$0x0] =	vst.idx.msk vm10, v22;
	v22 =	vshrl.u32 v29, $0x7;
	v23 =	vshrl.u32 v21, $0x7;
	v21 =	vperm.xlane v27, v3  }
0x137: {  	v30 =	vshrl.u32 v20, $0x7;
	v37 =	vsel vm12, $0xFFFFFFFF, v2;
	vm14 =	vne.s32 v25, $0x0;
	v28, _, _ =	vpop (xrf0)  }
0x138: {  	v60 =	vadd.s32 v37, v30;
	vm11 =	vmand vm13, vm14;
	v33 =	vadd.s32 v21, v28  }
0x139: {  	v31 =	vand.u32 $0x7F, v27;
	v13 =	vshra.s32 v33, $0x1F;
	v28 =	vand.u32 $0x7F, v33  }
0x13a: {  	vm14 =	vlt.s32 v33, $0x1;
	v13 =	vshrl.u32 v13, $0x19;
	vm15 =	vne.s32 v28, $0x0  }
0x13b: {  	v35 =	vsel vm11, $0xFFFFFFFF, v2;
	v20 =	vadd.s32 v13, v33;
	vm14 =	vmand vm14, vm15  }
0x13c: {  	vm11 =	vlt.s32 v27, $0x1;
	v20 =	vshrl.u32 v20, $0x7;
	v32 =	vsel vm14, $0xFFFFFFFF, v2  }
0x13d: {  	v59 =	vld [tilespmem:s8+$0xFFFFFFB0];
	vm13 =	vne.s32 v31, $0x0;
	v21 =	vshra.s32 v27, $0x1F;
	v20 =	vadd.s32 v32, v20  }
0x13e: {  	v29 =	vld [tilespmem:s8+$0xFFFFFF80];
	v57 =	vadd.s32 v35, v23;
	v36 =	vshrl.u32 v21, $0x19;
	v20 =	vshll.u32 v20, $0x7  }
0x13f: {  	v30 =	vld [tilespmem:s8+$0xFFFFFF90];
	vm11 =	vmand vm11, vm13;
	v27 =	vadd.s32 v36, v27;
	v20 =	vand.u32 $0x1F80, v20  }
0x140: {  	v23 =	vld [tilespmem:s8+$0xFFFFFF50];
	v58 =	vsel vm11, $0xFFFFFFFF, v2;
	v27 =	vshrl.u32 v27, $0x7;
	v20 =	vor.u32 v28, v20  }
0x141: {  	vm9 =	vmand vm7, vm9;
	v21 =	vld [tilespmem:s8+$0xFFFFFF60];
	v27 =	vadd.s32 v58, v27;
	v32 =	vshll.u32 v57, $0x7  }
0x142: {  	vm7 =	vlt.s32 v14, $0x1;
	v61 =	vshll.u32 v27, $0x7;
	v27 =	vld [tilespmem:s8+$0x50];
	v32 =	vand.u32 $0x1F80, v32  }
0x143: {  	v62 =	vshll.u32 v60, $0x7;
	v63 =	vand.u32 $0x1F80, v61;
	v25 =	vor.u32 v25, v32;
	v32 =	vld [tilespmem:s8+$0x80]  }
0x144: {  	v14 =	vand.u32 $0x7F, v14;
	v34 =	vand.u32 $0x1F80, v62;
	v31 =	vor.u32 v31, v63;
	v28 =	vld [tilespmem:s8+$0xFFFFFFA0]  }
0x145: {  	s10 =	simm.s32 $0x0;
	s11 =	simm.s32 $0x22C0;
	v26 =	vor.u32 v26, v34;
	v24 =	vperm.xlane v33, v3;
	vm11 =	vne.s32 v14, $0x0;
	v13 =	vld [tilespmem:s8+$0x60];
	[tilespmem:v20+s26+$0x0] =	vst.idx.msk vm5, v59  }
.LBB2_12:
0x146: {  	v33 =	vld [tilespmem:s11+$0xFFFFFFC0];
	s10 =	sadd.s32 $0x8, s10;
	v17 =	vshrl.u32 v17, $0x7;
	v34 =	vsel vm8, $0xFFFFFFFF, v2;
	v18 =	vadd.s32 v19, v18  }
0x147: {  	v19 =	vld [tilespmem:s11+$0xA0];
	p0 =	slt.u32 s10, $0x78;
	v17 =	vadd.s32 v34, v17;
	v18 =	vshrl.u32 v18, $0x7;
	v34 =	vsel vm9, $0xFFFFFFFF, v2  }
0x148: {  	v35 =	vld [tilespmem:s11+$0x40];
	v27 =	vmul.u32 $0xA00, v27;
	v17 =	vshll.u32 v17, $0x7;
	v18 =	vadd.s32 v34, v18;
	[tilespmem:v25+s26+$0x0] =	vst.idx.msk vm6, v30  }
0x149: {  	v30 =	vld [tilespmem:s11+$0x30];
	v17 =	vand.u32 $0x1F80, v17;
	v18 =	vshll.u32 v18, $0x7;
	v32 =	vmul.u32 $0xA00, v32;
	[tilespmem:v31+s26+$0x0] =	vst.idx.msk vm4, v28  }
0x14a: {  	v28 =	vld [tilespmem:s11+$0x20];
	v8 =	vadd.s32 v8, v27;
	v15 =	vor.u32 v15, v17;
	v17 =	vand.u32 $0x1F80, v18;
	[tilespmem:v31+s28+$0x0] =	vst.idx.msk vm4, v11  }
0x14b: {  	v13 =	vmul.u32 $0xA00, v13;
	v11 =	vsub.s32 v33, v5;
	v18 =	vld [tilespmem:s11+$0xFFFFFFF0];
	v16 =	vor.u32 v16, v17;
	[tilespmem:v25+s28+$0x0] =	vst.idx.msk vm6, v12  }
0x14c: {  	vm4 =	vmand vm7, vm11;
	v9 =	vadd.s32 v9, v32;
	vm10 =	vlt.u32 v11, $0xA00;
	v12 =	vld [tilespmem:s11+$0xFFFFFFE0];
	[tilespmem:v26+s26+$0x0] =	vst.idx.msk vm3, v29  }
0x14d: {  	v27 =	vadd.s32 v6, v13;
	v6 =	vsel vm4, $0xFFFFFFFF, v2;
	v17 =	vsel vm10, $0x1, v2;
	v25 =	vld [tilespmem:s11+$0x0];
	[tilespmem:v26+s28+$0x0] =	vst.idx.msk vm3, v9  }
0x14e: {  	v6 =	vadd.s32 v6, v22;
	v9 =	vmul.u32 $0xA00, v35;
	v26 =	vld [tilespmem:s11+$0xFFFFFFD0];
	v29 =	vsub.s32 v30, v5;
	(xrf0) =	vadd.scan.msk.s32 $0xffff, v17  }
0x14f: {  	v19 =	vmul.u32 $0xA00, v19;
	v6 =	vshll.u32 v6, $0x7;
	v13 =	vld [tilespmem:s11+$0x60];
	v17 =	vsub.s32 v28, v5;
	[tilespmem:v15+s26+$0x0] =	vst.idx.msk vm0, v23  }
0x150: {  	v18 =	vsub.s32 v18, v5;
	vm4 =	vlt.u32 v17, $0xA00;
	[tilespmem:v16+s26+$0x0] =	vst.idx.msk vm1, v21;
	v21 =	vand.u32 $0x1F80, v6  }
0x151: {  	v6 =	vsub.s32 v12, v5;
	vm6 =	vlt.u32 v18, $0xA00;
	[tilespmem:v16+s28+$0x0] =	vst.idx.msk vm1, v27;
	v12 =	vld [tilespmem:s8+$0xFFFFFF70];
	v14 =	vor.u32 v14, v21;
	s8 =	smov.u32 s11  }
0x152: {  	v22 =	vadd.s32 v11, v9;
	vm1 =	vlt.u32 v6, $0xA00;
	v9 =	vsub.s32 v25, v5;
	[tilespmem:v15+s28+$0x0] =	vst.idx.msk vm0, v8  }
0x153: {  	v8 =	vsub.s32 v26, v5;
	v15 =	vsel vm1, $0x1, v2;
	v16 =	vld [tilespmem:s11+$0x70];
	vm3 =	vlt.u32 v9, $0xA00  }
0x154: {  	v21 =	vsel vm6, $0x1, v2;
	vm0 =	vlt.u32 v8, $0xA00;
	v23 =	vsel vm3, $0x1, v2;
	v25 =	vld [tilespmem:s11+$0x90];
	v11, _, _ =	vpop (xrf0)  }
0x155: {  	v24 =	vadd.s32 v11, v24;
	v26 =	vsel vm0, $0x1, v2;
	v27 =	vld [tilespmem:s11+$0x10];
	v11 =	vadd.s32 v17, v19;
	[tilespmem:v20+s28+$0x0] =	vst.idx.msk vm5, v10  }
0x156: {  	v10 =	vshra.s32 v24, $0x1F;
	v17 =	vperm.xlane v24, v3;
	v19 =	vld [tilespmem:s11+$0xB0];
	(xrf0) =	vadd.scan.msk.s32 $0xffff, v26;
	[tilespmem:v14+s26+$0x0] =	vst.idx.msk vm2, v12  }
0x157: {  	v20 =	vand.u32 $0x7F, v24;
	v10 =	vshrl.u32 v10, $0x19;
	[tilespmem:v14+s28+$0x0] =	vst.idx.msk vm2, v7;
	vm2 =	vmmov vm6  }
0x158: {  	vm5 =	vlt.s32 v24, $0x1;
	vm6 =	vne.s32 v20, $0x0;
	v7 =	vadd.s32 v10, v24  }
0x159: {  	vm11 =	vmand vm5, vm6;
	v24 =	vshrl.u32 v7, $0x7;
	(xrf0) =	vadd.scan.msk.s32 $0xffff, v15  }
0x15a: {  	v10 =	vmul.u32 $0xA00, v25;
	v26 =	vsub.s32 v27, v5  }
0x15b: {  	v14 =	vmul.u32 $0xA00, v16;
	vm6 =	vlt.u32 v26, $0xA00;
	v15 =	vmul.u32 $0xA00, v19  }
0x15c: {  	v12 =	vadd.s32 v26, v10;
	v16 =	vsel vm6, $0x1, v2;
	v7, _, _ =	vpop (xrf0);
	(xrf0) =	vadd.scan.msk.s32 $0xffff, v21  }
0x15d: {  	v17 =	vadd.s32 v17, v7;
	v7 =	vadd.s32 v18, v14;
	v10 =	vadd.s32 v29, v15;
	(xrf0) =	vadd.scan.msk.s32 $0xffff, v16  }
0x15e: {  	v14 =	vshra.s32 v17, $0x1F;
	v15 =	vand.u32 $0x7F, v17;
	v16 =	vperm.xlane v17, v3  }
0x15f: {  	vm5 =	vlt.s32 v17, $0x1;
	v14 =	vshrl.u32 v14, $0x19;
	vm7 =	vne.s32 v15, $0x0;
	v18, _, _ =	vpop (xrf0);
	(xrf0) =	vadd.scan.msk.s32 $0xffff, v23  }
0x160: {  	v17 =	vadd.s32 v14, v17;
	vm8 =	vmand vm5, vm7;
	v18 =	vadd.s32 v16, v18  }
0x161: {  	v23 =	vshra.s32 v18, $0x1F;
	vm7 =	vlt.s32 v18, $0x1;
	v21 =	vperm.xlane v18, v3  }
0x162: {  	vm5 =	vlt.u32 v29, $0xA00;
	v16 =	vand.u32 $0x7F, v18;
	v19 =	vshrl.u32 v23, $0x19;
	v14, _, _ =	vpop (xrf0)  }
0x163: {  	v23 =	vsel vm5, $0x1, v2;
	v14 =	vadd.s32 v21, v14;
	v21 =	vsel vm4, $0x1, v2;
	v25, _, _ =	vpop (xrf0)  }
0x164: {  	vm9 =	vne.s32 v16, $0x0;
	v26 =	vshra.s32 v14, $0x1F;
	v27 =	vperm.xlane v14, v3  }
0x165: {  	vm9 =	vmand vm7, vm9;
	vm7 =	vlt.s32 v14, $0x1;
	v26 =	vshrl.u32 v26, $0x19;
	v28, _, _ =	vpop (xrf0);
	(xrf0) =	vadd.scan.msk.s32 $0xffff, v21  }
0x166: {  	v26 =	vadd.s32 v26, v14;
	v14 =	vand.u32 $0x7F, v14;
	v21 =	vadd.s32 v27, v28  }
0x167: {  	v27 =	vshra.s32 v21, $0x1F;
	v33 =	vand.u32 $0x7F, v21;
	v28 =	vperm.xlane v21, v3  }
0x168: {  	vm12 =	vlt.s32 v21, $0x1;
	v27 =	vshrl.u32 v27, $0x19;
	vm13 =	vne.s32 v33, $0x0;
	(xrf0) =	vadd.scan.msk.s32 $0xffff, v23  }
0x169: {  	v21 =	vadd.s32 v27, v21;
	vm12 =	vmand vm12, vm13;
	v23 =	vadd.s32 v28, v25  }
0x16a: {  	v25 =	vshra.s32 v23, $0x1F;
	v29 =	vand.u32 $0x7F, v23;
	v27 =	vperm.xlane v23, v3  }
0x16b: {  	vm13 =	vlt.s32 v23, $0x1;
	v25 =	vshrl.u32 v25, $0x19;
	vm14 =	vne.s32 v29, $0x0;
	v28, _, _ =	vpop (xrf0)  }
0x16c: {  	v30 =	vsel vm11, $0xFFFFFFFF, v2;
	v23 =	vadd.s32 v25, v23;
	v25 =	vadd.s32 v27, v28  }
0x16d: {  	v24 =	vadd.s32 v30, v24;
	v23 =	vshrl.u32 v23, $0x7;
	v27 =	vperm.xlane v25, v3  }
0x16e: {  	v24 =	vshll.u32 v24, $0x7;
	vm11 =	vmand vm13, vm14;
	v31 =	vand.u32 $0x7F, v25;
	v28, _, _ =	vpop (xrf0)  }
0x16f: {  	v24 =	vand.u32 $0x1F80, v24;
	vm13 =	vne.s32 v31, $0x0;
	v34 =	vadd.s32 v27, v28  }
0x170: {  	v24 =	vor.u32 v20, v24;
	v20 =	vshra.s32 v34, $0x1F;
	v27 =	vand.u32 $0x7F, v34  }
0x171: {  	vm14 =	vlt.s32 v34, $0x1;
	v20 =	vshrl.u32 v20, $0x19;
	vm15 =	vne.s32 v27, $0x0  }
0x172: {  	v30 =	vshrl.u32 v21, $0x7;
	v28 =	vld [tilespmem:s11+$0xFFFFFF40];
	v20 =	vadd.s32 v20, v34;
	vm14 =	vmand vm14, vm15  }
0x173: {  	v21 =	vshra.s32 v25, $0x1F;
	v20 =	vshrl.u32 v20, $0x7;
	v32 =	vsel vm14, $0xFFFFFFFF, v2  }
0x174: {  	v35 =	vsel vm11, $0xFFFFFFFF, v2;
	v36 =	vshrl.u32 v21, $0x19;
	v20 =	vadd.s32 v32, v20  }
0x175: {  	vm11 =	vlt.s32 v25, $0x1;
	v32 =	vadd.s32 v35, v23;
	v21 =	vld [tilespmem:s11+$0xFFFFFF60];
	v20 =	vshll.u32 v20, $0x7  }
0x176: {  	v25 =	vadd.s32 v36, v25;
	vm11 =	vmand vm11, vm13;
	v23 =	vld [tilespmem:s11+$0xFFFFFF50];
	v20 =	vand.u32 $0x1F80, v20  }
0x177: {  	v25 =	vshrl.u32 v25, $0x7;
	v35 =	vsel vm11, $0xFFFFFFFF, v2;
	[tilespmem:v24+s26+$0x0] =	vst.idx.msk vm10, v28;
	v36 =	vld [tilespmem:s11+$0xFFFFFFB0];
	v20 =	vor.u32 v27, v20  }
.Ltmp11:
0x178: {  	v25 =	vadd.s32 v35, v25;
	[tilespmem:v24+s28+$0x0] =	vst.idx.msk vm10, v22;
	v22 =	vsel vm12, $0xFFFFFFFF, v2;
	v24 =	vshll.u32 v32, $0x7;
	v28 =	vld [tilespmem:s11+$0xFFFFFFA0];
	(pc) =	sbr.rel @p0 .LBB2_12-.Ltmp11, $4  }
0x179: {  	v32 =	vshll.u32 v25, $0x7;
	v22 =	vadd.s32 v22, v30;
	v30 =	vld [tilespmem:s11+$0xFFFFFF90];
	v24 =	vand.u32 $0x1F80, v24  }
0x17a: {  	v27 =	vld [tilespmem:s11+$0x50];
	v22 =	vshll.u32 v22, $0x7;
	v25 =	vor.u32 v29, v24;
	v24 =	vand.u32 $0x1F80, v32  }
0x17b: {  	v32 =	vld [tilespmem:s11+$0x80];
	v35 =	vand.u32 $0x1F80, v22;
	v31 =	vor.u32 v31, v24;
	v24 =	vperm.xlane v34, v3  }
0x17c: {  	vm11 =	vne.s32 v14, $0x0;
	v22 =	vshrl.u32 v26, $0x7;
	s11 =	sadd.s32 $0x200, s11;
	v29 =	vld [tilespmem:s8+$0xFFFFFF80];
	v26 =	vor.u32 v33, v35;
	[tilespmem:v20+s26+$0x0] =	vst.idx.msk vm5, v36  }
0x17d: {  	v24 =	vadd.s32 $0x80000001, v24  }
0x17e: {  	(xrf0) =	vmax.scan.msk.u32 $0xffff, v24;
	_ =	sdelay $0x5  }
0x17f: {  	v24, _, _ =	vpop (xrf0)  }
0x180: {  	(v2sf) =	vpush v24, $0xF;
	_ =	sdelay $0xe  }
0x181: {  	s9 =	spop (v2sf)  }
0x182: {  	v17 =	vshrl.u32 v17, $0x7;
	v54 =	vsel vm8, $0xFFFFFFFF, v2;
	v18 =	vadd.s32 v19, v18;
	s11 =	sxor.u32 $0x80000000, s9  }
0x183: {  	v55 =	vsel vm9, $0xFFFFFFFF, v2;
	s10 =	simm.s32 $0x1;
	v17 =	vadd.s32 v54, v17;
	v18 =	vshrl.u32 v18, $0x7;
	s9 =	ssub.s32 s11, s19;
	p0 =	sne.s32 s11, s19  }
0x184: {  	[tilespmem:v31+s26+$0x0] =	vst.idx.msk vm4, v28;
	v17 =	vshll.u32 v17, $0x7;
	v18 =	vadd.s32 v55, v18;
	s12 =	sshra.s32 s9, $0x1F;
	s10 =	simm.s32 @!p0 $0x0  }
0x185: {  	vm7 =	vmand vm7, vm11;
	[tilespmem:v20+s28+$0x0] =	vst.idx.msk vm5, v10;
	v17 =	vand.u32 $0x1F80, v17;
	v18 =	vshll.u32 v18, $0x7;
	s13 =	sand.u32 $0x7F, s9;
	s10 =	sor.u32 s10, s12  }
0x186: {  	[tilespmem:v25+s26+$0x0] =	vst.idx.msk vm6, v30;
	v59 =	vsel vm7, $0xFFFFFFFF, v2;
	v15 =	vor.u32 v15, v17;
	v56 =	vand.u32 $0x1F80, v18;
	p1 =	sne.s32 s13, $0x0;
	p6 =	sne.s32 s10, $0x1  }
0x187: {  	[tilespmem:v31+s28+$0x0] =	vst.idx.msk vm4, v11;
	v60 =	vadd.s32 v59, v22;
	v57 =	vmul.u32 $0xA00, v32;
	v58 =	vor.u32 v16, v56;
	s17 =	sshrl.u32 s12, $0x19;
	p0 =	por !p1, !p6  }
0x188: {  	v62 =	vld [tilespmem:s8+$0xFFFFFF70];
	[tilespmem:v25+s28+$0x0] =	vst.idx.msk vm6, v12;
	v12 =	vshll.u32 v60, $0x7;
	s8 =	sadd.s32 s17, s9;
	s9 =	simm.s32 $0x1;
	p0 =	por !p0, !p0  }
0x189: {  	[tilespmem:v26+s26+$0x0] =	vst.idx.msk vm3, v29;
	v61 =	vand.u32 $0x1F80, v12;
	v9 =	vadd.s32 v9, v57;
	s8 =	sshra.s32 s8, $0x7;
	s9 =	simm.s32 @!p0 $0x0  }
0x18a: {  	v63 =	vmul.u32 $0xA00, v27;
	[tilespmem:v26+s28+$0x0] =	vst.idx.msk vm3, v9;
	v9 =	vor.u32 v14, v61;
	s8 =	ssub.s32 s8, s9  }
0x18b: {  	v13 =	vmul.u32 $0xA00, v13;
	[tilespmem:v15+s26+$0x0] =	vst.idx.msk vm0, v23;
	p0 =	slt.s32 s8, $0x1  }
.Ltmp12:
0x18c: {  	v8 =	vadd.s32 v8, v63;
	[tilespmem:v58+s26+$0x0] =	vst.idx.msk vm1, v21;
	(pc) =	sbr.rel @p0 .LBB2_19-.Ltmp12, $4  }
0x18d: {  	v6 =	vadd.s32 v6, v13;
	[tilespmem:v15+s28+$0x0] =	vst.idx.msk vm0, v8  }
0x18e: {  	[tilespmem:v58+s28+$0x0] =	vst.idx.msk vm1, v6  }
0x18f: {  	[tilespmem:v9+s26+$0x0] =	vst.idx.msk vm2, v62  }
0x190: {  	[tilespmem:v9+s28+$0x0] =	vst.idx.msk vm2, v7  }
0x191: {  	p2 =	sne.s32 s8, $0x1  }
.Ltmp13:
0x192: {  	s9 =	sand.u32 $0x7F, s19;
	(pc) =	sbr.rel @!p2 .LBB2_15-.Ltmp13, $4  }
0x193: {  	s13 =	sshra.s32 s19, $0x1F;
	p1 =	slt.s32 s19, $0x1;
	p0 =	sne.s32 s9, $0x0  }
0x194: {  	s10 =	sadd.s32 $0xFFFFFFFF, s8;
	s17 =	sshrl.u32 s13, $0x19;
	p1 =	por !p1, !p0  }
0x195: {  	s9 =	simm.s32 $0x1;
	s8 =	sadd.s32 s17, s19;
	p1 =	por !p1, !p1  }
0x196: {  	s12 =	sshrl.u32 s8, $0x7;
	s9 =	simm.s32 @!p1 $0x0;
	p1 =	por $0x0, $0x0  }
0x197: {  	s8 =	ssub.s32 s12, s9  }
0x198: {  	s19 =	sadd.s32 $0x80, s19;
	p2 =	sne.s32 s10, $0x1;
	s10 =	sadd.s32 $0xFFFFFFFF, s10  }
0x199: {  	s8 =	sshll.u32 s8, $0x7;
	s13 =	sshra.s32 s19, $0x1F;
	p1 =	slt.s32 s19, $0x1  }
.Ltmp14:
0x19a: {  	s8 =	sand.u32 $0x1F80, s8;
	s9 =	sshrl.u32 s13, $0x19;
	(pc) =	sbr.rel @!p2 .LBB2_18-.Ltmp14, $4  }
0x19b: {  	p1 =	por !p1, !p0;
	s17 =	sor.u32 $0x4000, s8;
	s9 =	sadd.s32 s9, s19  }
0x19c: {  	[tilespmem:s31], [sflag:$0x1] =	stream.indirect.gather [hbm4b:s5+s30], $0x80, s17, s30, $0xb8;
	[tilespmem:$0x1F080] =	vst v63  }
0x19d: {  	p1 =	por !p1, !p1;
	s12 =	sshrl.u32 s9, $0x7;
	s9 =	simm.s32 $0x1  }
0x19e: {  	s9 =	simm.s32 @!p1 $0x0;
	_ =	swait.ge [sflag:s29], $0x4000;
	p1 =	por $0x1, $0x1  }
.LBB2_17:
0x19f: {  	p2 =	sne.s32 s10, $0x1;
	s9 =	ssub.s32 s12, s9;
	[sflag:s29] =	ssyncset.done $0x0  }
0x1a0: {  	s12 =	sor.u32 $0x6000, s8;
	s9 =	sshll.u32 s9, $0x7;
	[sflag:s29] =	ssyncadd.s32 $0xFFFFC000  }
0x1a1: {  	s10 =	sadd.s32 $0xFFFFFFFF, s10;
	s19 =	sadd.s32 $0x80, s19;
	s8 =	sand.u32 $0x1F80, s9  }
0x1a2: {  	[spmem:s2] =	stream.indirect.scatter.add.f32 [tilespmem:s31], [sflag:$0x3], $0x80, s12, s30, $0xb8;
	[tilespmem:$0x1F080] =	vst v63  }
0x1a3: {  	p3 =	slt.s32 s19, $0x1;
	_ =	swait.ge [sflag:s21], $0x4000  }
0x1a4: {  	s9 =	sshra.s32 s19, $0x1F;
	s12 =	sor.u32 $0x4000, s8;
	[sflag:s21] =	ssyncset.done $0x0  }
.Ltmp15:
0x1a5: {  	s9 =	sshrl.u32 s9, $0x19;
	[sflag:s21] =	ssyncadd.s32 $0xFFFFC000;
	(pc) =	sbr.rel @p2 .LBB2_17-.Ltmp15, $4  }
0x1a6: {  	[tilespmem:s31], [sflag:$0x1] =	stream.indirect.gather [hbm4b:s5+s30], $0x80, s12, s30, $0xb8;
	[tilespmem:$0x1F080] =	vst v63  }
0x1a7: {  	p3 =	por !p3, !p0;
	s9 =	sadd.s32 s9, s19  }
0x1a8: {  	p3 =	por !p3, !p3;
	s12 =	sshrl.u32 s9, $0x7;
	s9 =	simm.s32 $0x1  }
0x1a9: {  	s9 =	simm.s32 @!p3 $0x0;
	_ =	swait.ge [sflag:s29], $0x4000  }
.Ltmp16:
0x1aa: {  	_ = 	snop;
	(pc) =	sbr.rel .LBB2_18-.Ltmp16, $1  }
0x1ab: {  	_ =	sdelay $0x3  }
.LBB2_7:
.Ltmp17:
0x1ac: {  	(pc) =	sbr.rel .LBB2_10-.Ltmp17, $2  }
0x1ad: {  	_ =	sdelay $0x2  }
0x1ae: {  	_ = 	snop  }
.LBB2_20:
0x1af: {  	s0 =	simm.s32 $0xC0  }
0x1b0: {  	v6 =	vld [tilespmem:s0+$0xFFFFFFC0];
	_ =	sdelay $0x1  }
0x1b1: {  	v7 =	vld [tilespmem:s0+$0xA0]  }
0x1b2: {  	v8 =	vld [tilespmem:s0+$0x40]  }
0x1b3: {  	v9 =	vld [tilespmem:s0+$0x30]  }
0x1b4: {  	v10 =	vld [tilespmem:s0+$0x20];
	v11 =	vsub.s32 v6, v5  }
0x1b5: {  	v15 =	vld [tilespmem:s0+$0xFFFFFFD0];
	vm10 =	vlt.u32 v11, $0xA00  }
0x1b6: {  	v16 =	vld [tilespmem:s0+$0x0];
	v14 =	vsel vm10, $0x1, v2  }
0x1b7: {  	v13 =	vmov s11;
	v12 =	vld [tilespmem:s0+$0xFFFFFFE0];
	(xrf0) =	vadd.scan.msk.s32 $0xffff, v14  }
0x1b8: {  	v13 =	vadd.s32 $0xFFFFFFFF, v13;
	v6 =	vld [tilespmem:s0+$0xFFFFFFF0];
	v8 =	vmul.u32 $0xA00, v8  }
0x1b9: {  	v23 =	vld [tilespmem:s0+$0xB0];
	v13 =	vbroadcast v13, $0x0  }
0x1ba: {  	v10 =	vsub.s32 v10, v5;
	v7 =	vmul.u32 $0xA00, v7;
	v22 =	vadd.s32 v11, v8  }
0x1bb: {  	v8 =	vsub.s32 v15, v5;
	v14 =	vsub.s32 v9, v5;
	v9 =	vsub.s32 v16, v5  }
0x1bc: {  	vm4 =	vlt.u32 v10, $0xA00;
	vm0 =	vlt.u32 v8, $0xA00;
	vm3 =	vlt.u32 v9, $0xA00  }
0x1bd: {  	v19 =	vld [tilespmem:s0+$0x10];
	v18 =	vsel vm0, $0x1, v2;
	v17 =	vsub.s32 v6, v5;
	v6 =	vsub.s32 v12, v5;
	v11, _, _ =	vpop (xrf0)  }
0x1be: {  	v15 =	vld [tilespmem:s0+$0x90];
	v21 =	vsel vm3, $0x1, v2;
	(xrf0) =	vadd.scan.msk.s32 $0xffff, v18;
	v18 =	vmul.u32 $0xA00, v23;
	v13 =	vadd.s32 v11, v13  }
0x1bf: {  	v12 =	vld [tilespmem:s0+$0x70];
	vm1 =	vlt.u32 v6, $0xA00;
	v11 =	vadd.s32 v10, v7;
	v7 =	vshra.s32 v13, $0x1F  }
0x1c0: {  	v16 =	vsel vm1, $0x1, v2;
	v10 =	vperm.xlane v13, v3;
	v7 =	vshrl.u32 v7, $0x19  }
0x1c1: {  	v24 =	vand.u32 $0x7F, v13;
	vm5 =	vlt.s32 v13, $0x1;
	v7 =	vadd.s32 v7, v13  }
0x1c2: {  	(xrf0) =	vadd.scan.msk.s32 $0xffff, v16;
	vm7 =	vne.s32 v24, $0x0;
	v13 =	vshrl.u32 v7, $0x7;
	v7 =	vsub.s32 v19, v5  }
0x1c3: {  	vm2 =	vlt.u32 v17, $0xA00;
	v15 =	vmul.u32 $0xA00, v15;
	vm11 =	vmand vm5, vm7  }
0x1c4: {  	v20 =	vsel vm2, $0x1, v2;
	v16 =	vmul.u32 $0xA00, v12;
	v30 =	vsel vm11, $0xFFFFFFFF, v2  }
0x1c5: {  	(xrf0) =	vadd.scan.msk.s32 $0xffff, v20;
	vm6 =	vlt.u32 v7, $0xA00;
	v12 =	vadd.s32 v7, v15;
	v13 =	vadd.s32 v30, v13;
	v7, _, _ =	vpop (xrf0)  }
0x1c6: {  	v15 =	vsel vm6, $0x1, v2;
	v13 =	vshll.u32 v13, $0x7;
	v19 =	vadd.s32 v10, v7  }
0x1c7: {  	(xrf0) =	vadd.scan.msk.s32 $0xffff, v15;
	v13 =	vand.u32 $0x1F80, v13;
	v10 =	vadd.s32 v14, v18;
	v18 =	vperm.xlane v19, v3  }
0x1c8: {  	vm2 =	vmmov vm2;
	v7 =	vadd.s32 v17, v16;
	v20, _, _ =	vpop (xrf0);
	(xrf0) =	vadd.scan.msk.s32 $0xffff, v21;
	v24 =	vor.u32 v24, v13  }
0x1c9: {  	v16 =	vshra.s32 v19, $0x1F;
	v15 =	vand.u32 $0x7F, v19;
	v18 =	vadd.s32 v18, v20  }
0x1ca: {  	vm5 =	vlt.s32 v19, $0x1;
	vm7 =	vne.s32 v15, $0x0;
	v20 =	vperm.xlane v18, v3  }
0x1cb: {  	v16 =	vshrl.u32 v16, $0x19;
	vm8 =	vmand vm5, vm7;
	vm5 =	vlt.u32 v14, $0xA00;
	v14, _, _ =	vpop (xrf0)  }
0x1cc: {  	v17 =	vadd.s32 v16, v19;
	v16 =	vshra.s32 v18, $0x1F;
	v14 =	vadd.s32 v20, v14  }
0x1cd: {  	vm7 =	vlt.s32 v18, $0x1;
	v23, _, _ =	vpop (xrf0);
	v20 =	vsel vm4, $0x1, v2;
	v26 =	vperm.xlane v14, v3  }
0x1ce: {  	v21 =	vsel vm5, $0x1, v2;
	v19 =	vshrl.u32 v16, $0x19;
	v27, _, _ =	vpop (xrf0);
	v25 =	vshra.s32 v14, $0x1F;
	(xrf0) =	vadd.scan.msk.s32 $0xffff, v20  }
0x1cf: {  	v16 =	vand.u32 $0x7F, v18;
	v25 =	vshrl.u32 v25, $0x19;
	v20 =	vadd.s32 v26, v27  }
0x1d0: {  	v34 =	vld [tilespmem:s0+$0xFFFFFF40];
	vm9 =	vne.s32 v16, $0x0;
	v29 =	vadd.s32 v25, v14;
	v27 =	vperm.xlane v20, v3  }
0x1d1: {  	(xrf0) =	vadd.scan.msk.s32 $0xffff, v21;
	v25 =	vshra.s32 v20, $0x1F;
	v26 =	vand.u32 $0x7F, v20;
	vm12 =	vlt.s32 v20, $0x1  }
0x1d2: {  	v25 =	vshrl.u32 v25, $0x19;
	vm13 =	vne.s32 v26, $0x0;
	v21 =	vadd.s32 v27, v23  }
0x1d3: {  	v20 =	vadd.s32 v25, v20;
	v23 =	vshra.s32 v21, $0x1F;
	v27 =	vperm.xlane v21, v3  }
0x1d4: {  	vm12 =	vmand vm12, vm13;
	v25 =	vand.u32 $0x7F, v21;
	v28, _, _ =	vpop (xrf0);
	v23 =	vshrl.u32 v23, $0x19  }
0x1d5: {  	[tilespmem:v24+s26+$0x0] =	vst.idx.msk vm10, v34;
	vm13 =	vlt.s32 v21, $0x1;
	v21 =	vadd.s32 v23, v21;
	v27 =	vadd.s32 v27, v28  }
0x1d6: {  	[tilespmem:v24+s28+$0x0] =	vst.idx.msk vm10, v22;
	v22 =	vshrl.u32 v29, $0x7;
	v23 =	vshrl.u32 v21, $0x7;
	v21 =	vperm.xlane v27, v3  }
0x1d7: {  	v30 =	vshrl.u32 v20, $0x7;
	v37 =	vsel vm12, $0xFFFFFFFF, v2;
	vm14 =	vne.s32 v25, $0x0;
	v28, _, _ =	vpop (xrf0)  }
0x1d8: {  	v60 =	vadd.s32 v37, v30;
	vm11 =	vmand vm13, vm14;
	v33 =	vadd.s32 v21, v28  }
0x1d9: {  	v31 =	vand.u32 $0x7F, v27;
	v13 =	vshra.s32 v33, $0x1F;
	v28 =	vand.u32 $0x7F, v33  }
0x1da: {  	vm14 =	vlt.s32 v33, $0x1;
	v13 =	vshrl.u32 v13, $0x19;
	vm15 =	vne.s32 v28, $0x0  }
0x1db: {  	v35 =	vsel vm11, $0xFFFFFFFF, v2;
	v20 =	vadd.s32 v13, v33;
	vm14 =	vmand vm14, vm15  }
0x1dc: {  	vm11 =	vlt.s32 v27, $0x1;
	v20 =	vshrl.u32 v20, $0x7;
	v32 =	vsel vm14, $0xFFFFFFFF, v2  }
0x1dd: {  	v59 =	vld [tilespmem:s0+$0xFFFFFFB0];
	vm13 =	vne.s32 v31, $0x0;
	v21 =	vshra.s32 v27, $0x1F;
	v20 =	vadd.s32 v32, v20  }
0x1de: {  	v29 =	vld [tilespmem:s0+$0xFFFFFF80];
	v57 =	vadd.s32 v35, v23;
	v36 =	vshrl.u32 v21, $0x19;
	v20 =	vshll.u32 v20, $0x7  }
0x1df: {  	v30 =	vld [tilespmem:s0+$0xFFFFFF90];
	vm11 =	vmand vm11, vm13;
	v27 =	vadd.s32 v36, v27;
	v20 =	vand.u32 $0x1F80, v20  }
0x1e0: {  	v23 =	vld [tilespmem:s0+$0xFFFFFF50];
	v58 =	vsel vm11, $0xFFFFFFFF, v2;
	v27 =	vshrl.u32 v27, $0x7;
	v20 =	vor.u32 v28, v20  }
0x1e1: {  	vm9 =	vmand vm7, vm9;
	v21 =	vld [tilespmem:s0+$0xFFFFFF60];
	v27 =	vadd.s32 v58, v27;
	v32 =	vshll.u32 v57, $0x7  }
0x1e2: {  	vm7 =	vlt.s32 v14, $0x1;
	v61 =	vshll.u32 v27, $0x7;
	v27 =	vld [tilespmem:s0+$0x50];
	v32 =	vand.u32 $0x1F80, v32  }
0x1e3: {  	v62 =	vshll.u32 v60, $0x7;
	v63 =	vand.u32 $0x1F80, v61;
	v25 =	vor.u32 v25, v32;
	v32 =	vld [tilespmem:s0+$0x80]  }
0x1e4: {  	v14 =	vand.u32 $0x7F, v14;
	v34 =	vand.u32 $0x1F80, v62;
	v31 =	vor.u32 v31, v63;
	v28 =	vld [tilespmem:s0+$0xFFFFFFA0]  }
0x1e5: {  	s8 =	simm.s32 $0x0;
	s10 =	simm.s32 $0x2C0;
	v26 =	vor.u32 v26, v34;
	v24 =	vperm.xlane v33, v3;
	vm11 =	vne.s32 v14, $0x0;
	v13 =	vld [tilespmem:s0+$0x60];
	[tilespmem:v20+s26+$0x0] =	vst.idx.msk vm5, v59  }
.LBB2_21:
0x1e6: {  	v33 =	vld [tilespmem:s10+$0xFFFFFFC0];
	s8 =	sadd.s32 $0x8, s8;
	v17 =	vshrl.u32 v17, $0x7;
	v34 =	vsel vm8, $0xFFFFFFFF, v2;
	v18 =	vadd.s32 v19, v18  }
0x1e7: {  	v19 =	vld [tilespmem:s10+$0xA0];
	p0 =	slt.u32 s8, $0x78;
	v17 =	vadd.s32 v34, v17;
	v18 =	vshrl.u32 v18, $0x7;
	v34 =	vsel vm9, $0xFFFFFFFF, v2  }
0x1e8: {  	v35 =	vld [tilespmem:s10+$0x40];
	v27 =	vmul.u32 $0xA00, v27;
	v17 =	vshll.u32 v17, $0x7;
	v18 =	vadd.s32 v34, v18;
	[tilespmem:v25+s26+$0x0] =	vst.idx.msk vm6, v30  }
0x1e9: {  	v30 =	vld [tilespmem:s10+$0x30];
	v17 =	vand.u32 $0x1F80, v17;
	v18 =	vshll.u32 v18, $0x7;
	v32 =	vmul.u32 $0xA00, v32;
	[tilespmem:v31+s26+$0x0] =	vst.idx.msk vm4, v28  }
0x1ea: {  	v28 =	vld [tilespmem:s10+$0x20];
	v8 =	vadd.s32 v8, v27;
	v15 =	vor.u32 v15, v17;
	v17 =	vand.u32 $0x1F80, v18;
	[tilespmem:v31+s28+$0x0] =	vst.idx.msk vm4, v11  }
0x1eb: {  	v13 =	vmul.u32 $0xA00, v13;
	v11 =	vsub.s32 v33, v5;
	v18 =	vld [tilespmem:s10+$0xFFFFFFF0];
	v16 =	vor.u32 v16, v17;
	[tilespmem:v25+s28+$0x0] =	vst.idx.msk vm6, v12  }
0x1ec: {  	vm4 =	vmand vm7, vm11;
	v9 =	vadd.s32 v9, v32;
	vm10 =	vlt.u32 v11, $0xA00;
	v12 =	vld [tilespmem:s10+$0xFFFFFFE0];
	[tilespmem:v26+s26+$0x0] =	vst.idx.msk vm3, v29  }
0x1ed: {  	v27 =	vadd.s32 v6, v13;
	v6 =	vsel vm4, $0xFFFFFFFF, v2;
	v17 =	vsel vm10, $0x1, v2;
	v25 =	vld [tilespmem:s10+$0x0];
	[tilespmem:v26+s28+$0x0] =	vst.idx.msk vm3, v9  }
0x1ee: {  	v6 =	vadd.s32 v6, v22;
	v9 =	vmul.u32 $0xA00, v35;
	v26 =	vld [tilespmem:s10+$0xFFFFFFD0];
	v29 =	vsub.s32 v30, v5;
	(xrf0) =	vadd.scan.msk.s32 $0xffff, v17  }
0x1ef: {  	v19 =	vmul.u32 $0xA00, v19;
	v6 =	vshll.u32 v6, $0x7;
	v13 =	vld [tilespmem:s10+$0x60];
	v17 =	vsub.s32 v28, v5;
	[tilespmem:v15+s26+$0x0] =	vst.idx.msk vm0, v23  }
0x1f0: {  	v18 =	vsub.s32 v18, v5;
	vm4 =	vlt.u32 v17, $0xA00;
	[tilespmem:v16+s26+$0x0] =	vst.idx.msk vm1, v21;
	v21 =	vand.u32 $0x1F80, v6  }
0x1f1: {  	v6 =	vsub.s32 v12, v5;
	vm6 =	vlt.u32 v18, $0xA00;
	[tilespmem:v16+s28+$0x0] =	vst.idx.msk vm1, v27;
	v12 =	vld [tilespmem:s0+$0xFFFFFF70];
	v14 =	vor.u32 v14, v21;
	s0 =	smov.u32 s10  }
0x1f2: {  	v22 =	vadd.s32 v11, v9;
	vm1 =	vlt.u32 v6, $0xA00;
	v9 =	vsub.s32 v25, v5;
	[tilespmem:v15+s28+$0x0] =	vst.idx.msk vm0, v8  }
0x1f3: {  	v8 =	vsub.s32 v26, v5;
	v15 =	vsel vm1, $0x1, v2;
	v16 =	vld [tilespmem:s10+$0x70];
	vm3 =	vlt.u32 v9, $0xA00  }
0x1f4: {  	v21 =	vsel vm6, $0x1, v2;
	vm0 =	vlt.u32 v8, $0xA00;
	v23 =	vsel vm3, $0x1, v2;
	v25 =	vld [tilespmem:s10+$0x90];
	v11, _, _ =	vpop (xrf0)  }
0x1f5: {  	v24 =	vadd.s32 v11, v24;
	v26 =	vsel vm0, $0x1, v2;
	v27 =	vld [tilespmem:s10+$0x10];
	v11 =	vadd.s32 v17, v19;
	[tilespmem:v20+s28+$0x0] =	vst.idx.msk vm5, v10  }
0x1f6: {  	v10 =	vshra.s32 v24, $0x1F;
	v17 =	vperm.xlane v24, v3;
	v19 =	vld [tilespmem:s10+$0xB0];
	(xrf0) =	vadd.scan.msk.s32 $0xffff, v26;
	[tilespmem:v14+s26+$0x0] =	vst.idx.msk vm2, v12  }
0x1f7: {  	v20 =	vand.u32 $0x7F, v24;
	v10 =	vshrl.u32 v10, $0x19;
	[tilespmem:v14+s28+$0x0] =	vst.idx.msk vm2, v7;
	vm2 =	vmmov vm6  }
0x1f8: {  	vm5 =	vlt.s32 v24, $0x1;
	vm6 =	vne.s32 v20, $0x0;
	v7 =	vadd.s32 v10, v24  }
0x1f9: {  	vm11 =	vmand vm5, vm6;
	v24 =	vshrl.u32 v7, $0x7;
	(xrf0) =	vadd.scan.msk.s32 $0xffff, v15  }
0x1fa: {  	v10 =	vmul.u32 $0xA00, v25;
	v26 =	vsub.s32 v27, v5  }
0x1fb: {  	v14 =	vmul.u32 $0xA00, v16;
	vm6 =	vlt.u32 v26, $0xA00;
	v15 =	vmul.u32 $0xA00, v19  }
0x1fc: {  	v12 =	vadd.s32 v26, v10;
	v16 =	vsel vm6, $0x1, v2;
	v7, _, _ =	vpop (xrf0);
	(xrf0) =	vadd.scan.msk.s32 $0xffff, v21  }
0x1fd: {  	v17 =	vadd.s32 v17, v7;
	v7 =	vadd.s32 v18, v14;
	v10 =	vadd.s32 v29, v15;
	(xrf0) =	vadd.scan.msk.s32 $0xffff, v16  }
0x1fe: {  	v14 =	vshra.s32 v17, $0x1F;
	v15 =	vand.u32 $0x7F, v17;
	v16 =	vperm.xlane v17, v3  }
0x1ff: {  	vm5 =	vlt.s32 v17, $0x1;
	v14 =	vshrl.u32 v14, $0x19;
	vm7 =	vne.s32 v15, $0x0;
	v18, _, _ =	vpop (xrf0);
	(xrf0) =	vadd.scan.msk.s32 $0xffff, v23  }
0x200: {  	v17 =	vadd.s32 v14, v17;
	vm8 =	vmand vm5, vm7;
	v18 =	vadd.s32 v16, v18  }
0x201: {  	v23 =	vshra.s32 v18, $0x1F;
	vm7 =	vlt.s32 v18, $0x1;
	v21 =	vperm.xlane v18, v3  }
0x202: {  	vm5 =	vlt.u32 v29, $0xA00;
	v16 =	vand.u32 $0x7F, v18;
	v19 =	vshrl.u32 v23, $0x19;
	v14, _, _ =	vpop (xrf0)  }
0x203: {  	v23 =	vsel vm5, $0x1, v2;
	v14 =	vadd.s32 v21, v14;
	v21 =	vsel vm4, $0x1, v2;
	v25, _, _ =	vpop (xrf0)  }
0x204: {  	vm9 =	vne.s32 v16, $0x0;
	v26 =	vshra.s32 v14, $0x1F;
	v27 =	vperm.xlane v14, v3  }
0x205: {  	vm9 =	vmand vm7, vm9;
	vm7 =	vlt.s32 v14, $0x1;
	v26 =	vshrl.u32 v26, $0x19;
	v28, _, _ =	vpop (xrf0);
	(xrf0) =	vadd.scan.msk.s32 $0xffff, v21  }
0x206: {  	v26 =	vadd.s32 v26, v14;
	v14 =	vand.u32 $0x7F, v14;
	v21 =	vadd.s32 v27, v28  }
0x207: {  	v27 =	vshra.s32 v21, $0x1F;
	v33 =	vand.u32 $0x7F, v21;
	v28 =	vperm.xlane v21, v3  }
0x208: {  	vm12 =	vlt.s32 v21, $0x1;
	v27 =	vshrl.u32 v27, $0x19;
	vm13 =	vne.s32 v33, $0x0;
	(xrf0) =	vadd.scan.msk.s32 $0xffff, v23  }
0x209: {  	v21 =	vadd.s32 v27, v21;
	vm12 =	vmand vm12, vm13;
	v23 =	vadd.s32 v28, v25  }
0x20a: {  	v25 =	vshra.s32 v23, $0x1F;
	v29 =	vand.u32 $0x7F, v23;
	v27 =	vperm.xlane v23, v3  }
0x20b: {  	vm13 =	vlt.s32 v23, $0x1;
	v25 =	vshrl.u32 v25, $0x19;
	vm14 =	vne.s32 v29, $0x0;
	v28, _, _ =	vpop (xrf0)  }
0x20c: {  	v30 =	vsel vm11, $0xFFFFFFFF, v2;
	v23 =	vadd.s32 v25, v23;
	v25 =	vadd.s32 v27, v28  }
0x20d: {  	v24 =	vadd.s32 v30, v24;
	v23 =	vshrl.u32 v23, $0x7;
	v27 =	vperm.xlane v25, v3  }
0x20e: {  	v24 =	vshll.u32 v24, $0x7;
	vm11 =	vmand vm13, vm14;
	v31 =	vand.u32 $0x7F, v25;
	v28, _, _ =	vpop (xrf0)  }
0x20f: {  	v24 =	vand.u32 $0x1F80, v24;
	vm13 =	vne.s32 v31, $0x0;
	v34 =	vadd.s32 v27, v28  }
0x210: {  	v24 =	vor.u32 v20, v24;
	v20 =	vshra.s32 v34, $0x1F;
	v27 =	vand.u32 $0x7F, v34  }
0x211: {  	vm14 =	vlt.s32 v34, $0x1;
	v20 =	vshrl.u32 v20, $0x19;
	vm15 =	vne.s32 v27, $0x0  }
0x212: {  	v30 =	vshrl.u32 v21, $0x7;
	v28 =	vld [tilespmem:s10+$0xFFFFFF40];
	v20 =	vadd.s32 v20, v34;
	vm14 =	vmand vm14, vm15  }
0x213: {  	v21 =	vshra.s32 v25, $0x1F;
	v20 =	vshrl.u32 v20, $0x7;
	v32 =	vsel vm14, $0xFFFFFFFF, v2  }
0x214: {  	v35 =	vsel vm11, $0xFFFFFFFF, v2;
	v36 =	vshrl.u32 v21, $0x19;
	v20 =	vadd.s32 v32, v20  }
0x215: {  	vm11 =	vlt.s32 v25, $0x1;
	v32 =	vadd.s32 v35, v23;
	v21 =	vld [tilespmem:s10+$0xFFFFFF60];
	v20 =	vshll.u32 v20, $0x7  }
0x216: {  	v25 =	vadd.s32 v36, v25;
	vm11 =	vmand vm11, vm13;
	v23 =	vld [tilespmem:s10+$0xFFFFFF50];
	v20 =	vand.u32 $0x1F80, v20  }
0x217: {  	v25 =	vshrl.u32 v25, $0x7;
	v35 =	vsel vm11, $0xFFFFFFFF, v2;
	[tilespmem:v24+s26+$0x0] =	vst.idx.msk vm10, v28;
	v36 =	vld [tilespmem:s10+$0xFFFFFFB0];
	v20 =	vor.u32 v27, v20  }
.Ltmp18:
0x218: {  	v25 =	vadd.s32 v35, v25;
	[tilespmem:v24+s28+$0x0] =	vst.idx.msk vm10, v22;
	v22 =	vsel vm12, $0xFFFFFFFF, v2;
	v24 =	vshll.u32 v32, $0x7;
	v28 =	vld [tilespmem:s10+$0xFFFFFFA0];
	(pc) =	sbr.rel @p0 .LBB2_21-.Ltmp18, $4  }
0x219: {  	v32 =	vshll.u32 v25, $0x7;
	v22 =	vadd.s32 v22, v30;
	v30 =	vld [tilespmem:s10+$0xFFFFFF90];
	v24 =	vand.u32 $0x1F80, v24  }
0x21a: {  	v27 =	vld [tilespmem:s10+$0x50];
	v22 =	vshll.u32 v22, $0x7;
	v25 =	vor.u32 v29, v24;
	v24 =	vand.u32 $0x1F80, v32  }
0x21b: {  	v32 =	vld [tilespmem:s10+$0x80];
	v35 =	vand.u32 $0x1F80, v22;
	v31 =	vor.u32 v31, v24;
	v24 =	vperm.xlane v34, v3  }
0x21c: {  	vm11 =	vne.s32 v14, $0x0;
	v22 =	vshrl.u32 v26, $0x7;
	s10 =	sadd.s32 $0x200, s10;
	v29 =	vld [tilespmem:s0+$0xFFFFFF80];
	v26 =	vor.u32 v33, v35;
	[tilespmem:v20+s26+$0x0] =	vst.idx.msk vm5, v36  }
0x21d: {  	v5 =	vadd.s32 $0x80000001, v24  }
0x21e: {  	(xrf0) =	vmax.scan.msk.u32 $0xffff, v5;
	_ =	sdelay $0x5  }
0x21f: {  	v5, _, _ =	vpop (xrf0)  }
0x220: {  	(v2sf) =	vpush v5, $0xF;
	_ =	sdelay $0xd  }
0x221: {  	vm7 =	vmand vm7, vm11  }
0x222: {  	v59 =	vsel vm7, $0xFFFFFFFF, v2;
	s8 =	spop (v2sf)  }
0x223: {  	v53 =	vsel vm8, $0xFFFFFFFF, v2;
	[tilespmem:v25+s26+$0x0] =	vst.idx.msk vm6, v30;
	v60 =	vadd.s32 v59, v22;
	s8 =	sxor.u32 $0x80000000, s8  }
0x224: {  	v18 =	vadd.s32 v19, v18;
	s9 =	simm.s32 $0x1;
	[tilespmem:v25+s28+$0x0] =	vst.idx.msk vm6, v12;
	v57 =	vmul.u32 $0xA00, v32;
	v12 =	vshll.u32 v60, $0x7;
	s10 =	ssub.s32 s8, s19;
	p0 =	sne.s32 s8, s19  }
0x225: {  	v55 =	vsel vm9, $0xFFFFFFFF, v2;
	v54 =	vshrl.u32 v18, $0x7;
	v61 =	vand.u32 $0x1F80, v12;
	s11 =	sshra.s32 s10, $0x1F;
	s9 =	simm.s32 @!p0 $0x0  }
0x226: {  	[tilespmem:v26+s26+$0x0] =	vst.idx.msk vm3, v29;
	v9 =	vadd.s32 v9, v57;
	v5 =	vshrl.u32 v17, $0x7;
	v17 =	vadd.s32 v55, v54;
	s12 =	sand.u32 $0x7F, s10;
	s9 =	sor.u32 s9, s11  }
0x227: {  	v62 =	vld [tilespmem:s0+$0xFFFFFF70];
	[tilespmem:v26+s28+$0x0] =	vst.idx.msk vm3, v9;
	v9 =	vor.u32 v14, v61;
	v5 =	vadd.s32 v53, v5;
	v17 =	vshll.u32 v17, $0x7;
	p1 =	sne.s32 s12, $0x0;
	p6 =	sne.s32 s9, $0x1  }
0x228: {  	v5 =	vshll.u32 v5, $0x7;
	v56 =	vand.u32 $0x1F80, v17;
	s17 =	sshrl.u32 s11, $0x19;
	p0 =	por !p1, !p6  }
0x229: {  	[tilespmem:v31+s26+$0x0] =	vst.idx.msk vm4, v28;
	v5 =	vand.u32 $0x1F80, v5;
	v58 =	vor.u32 v16, v56;
	s0 =	sadd.s32 s17, s10;
	s9 =	simm.s32 $0x1;
	p0 =	por !p0, !p0  }
0x22a: {  	[tilespmem:v20+s28+$0x0] =	vst.idx.msk vm5, v10;
	v5 =	vor.u32 v15, v5;
	s0 =	sshra.s32 s0, $0x7;
	s9 =	simm.s32 @!p0 $0x0  }
0x22b: {  	[tilespmem:v31+s28+$0x0] =	vst.idx.msk vm4, v11;
	s0 =	ssub.s32 s0, s9  }
0x22c: {  	[tilespmem:v9+s26+$0x0] =	vst.idx.msk vm2, v62;
	p0 =	slt.s32 s0, $0x1  }
.Ltmp19:
0x22d: {  	v13 =	vmul.u32 $0xA00, v13;
	[tilespmem:v9+s28+$0x0] =	vst.idx.msk vm2, v7;
	(pc) =	sbr.rel @p0 .LBB2_28-.Ltmp19, $4  }
0x22e: {  	v63 =	vmul.u32 $0xA00, v27;
	[tilespmem:v58+s26+$0x0] =	vst.idx.msk vm1, v21  }
0x22f: {  	v6 =	vadd.s32 v6, v13;
	[tilespmem:v5+s26+$0x0] =	vst.idx.msk vm0, v23  }
0x230: {  	v8 =	vadd.s32 v8, v63;
	[tilespmem:v58+s28+$0x0] =	vst.idx.msk vm1, v6  }
0x231: {  	[tilespmem:v5+s28+$0x0] =	vst.idx.msk vm0, v8  }
0x232: {  	p2 =	sne.s32 s0, $0x1  }
.Ltmp20:
0x233: {  	s9 =	sand.u32 $0x7F, s19;
	(pc) =	sbr.rel @!p2 .LBB2_24-.Ltmp20, $4  }
0x234: {  	s13 =	sshra.s32 s19, $0x1F;
	p1 =	slt.s32 s19, $0x1;
	p0 =	sne.s32 s9, $0x0  }
0x235: {  	s10 =	sadd.s32 $0xFFFFFFFF, s0;
	s17 =	sshrl.u32 s13, $0x19;
	p1 =	por !p1, !p0  }
0x236: {  	s9 =	simm.s32 $0x1;
	s0 =	sadd.s32 s17, s19;
	p1 =	por !p1, !p1  }
0x237: {  	s11 =	sshrl.u32 s0, $0x7;
	s9 =	simm.s32 @!p1 $0x0;
	p1 =	por $0x0, $0x0  }
0x238: {  	s0 =	ssub.s32 s11, s9  }
0x239: {  	s19 =	sadd.s32 $0x80, s19;
	p2 =	sne.s32 s10, $0x1;
	s10 =	sadd.s32 $0xFFFFFFFF, s10  }
0x23a: {  	s0 =	sshll.u32 s0, $0x7;
	s13 =	sshra.s32 s19, $0x1F;
	p1 =	slt.s32 s19, $0x1  }
.Ltmp21:
0x23b: {  	s0 =	sand.u32 $0x1F80, s0;
	s9 =	sshrl.u32 s13, $0x19;
	(pc) =	sbr.rel @!p2 .LBB2_27-.Ltmp21, $4  }
0x23c: {  	p1 =	por !p1, !p0;
	s17 =	sor.u32 $0x4000, s0;
	s9 =	sadd.s32 s9, s19  }
0x23d: {  	[tilespmem:s31], [sflag:$0x1] =	stream.indirect.gather [hbm4b:s5+s30], $0x80, s17, s30, $0xb8;
	[tilespmem:$0x1F080] =	vst v63  }
0x23e: {  	p1 =	por !p1, !p1;
	s11 =	sshrl.u32 s9, $0x7;
	s9 =	simm.s32 $0x1  }
0x23f: {  	s9 =	simm.s32 @!p1 $0x0;
	_ =	swait.ge [sflag:s29], $0x4000;
	p1 =	por $0x1, $0x1  }
.LBB2_26:
0x240: {  	p2 =	sne.s32 s10, $0x1;
	s9 =	ssub.s32 s11, s9;
	[sflag:s29] =	ssyncset.done $0x0  }
0x241: {  	s11 =	sor.u32 $0x6000, s0;
	s9 =	sshll.u32 s9, $0x7;
	[sflag:s29] =	ssyncadd.s32 $0xFFFFC000  }
0x242: {  	s10 =	sadd.s32 $0xFFFFFFFF, s10;
	s19 =	sadd.s32 $0x80, s19;
	s0 =	sand.u32 $0x1F80, s9  }
0x243: {  	[spmem:s2] =	stream.indirect.scatter.add.f32 [tilespmem:s31], [sflag:$0x3], $0x80, s11, s30, $0xb8;
	[tilespmem:$0x1F080] =	vst v63  }
0x244: {  	p3 =	slt.s32 s19, $0x1;
	_ =	swait.ge [sflag:s21], $0x4000  }
0x245: {  	s9 =	sshra.s32 s19, $0x1F;
	s11 =	sor.u32 $0x4000, s0;
	[sflag:s21] =	ssyncset.done $0x0  }
.Ltmp22:
0x246: {  	s9 =	sshrl.u32 s9, $0x19;
	[sflag:s21] =	ssyncadd.s32 $0xFFFFC000;
	(pc) =	sbr.rel @p2 .LBB2_26-.Ltmp22, $4  }
0x247: {  	[tilespmem:s31], [sflag:$0x1] =	stream.indirect.gather [hbm4b:s5+s30], $0x80, s11, s30, $0xb8;
	[tilespmem:$0x1F080] =	vst v63  }
0x248: {  	p3 =	por !p3, !p0;
	s9 =	sadd.s32 s9, s19  }
0x249: {  	p3 =	por !p3, !p3;
	s11 =	sshrl.u32 s9, $0x7;
	s9 =	simm.s32 $0x1  }
0x24a: {  	s9 =	simm.s32 @!p3 $0x0;
	_ =	swait.ge [sflag:s29], $0x4000  }
.LBB2_27:
0x24b: {  	[sflag:s29] =	ssyncset.done @p1 $0x0  }
0x24c: {  	s9 =	ssub.s32 s11, s9;
	s0 =	sor.u32 @p1 $0x6000, s0;
	[sflag:s29] =	ssyncadd.s32 @p1 $0xFFFFC000  }
0x24d: {  	[spmem:s2] =	stream.indirect.scatter.add.f32 @p1 [tilespmem:s31], [sflag:$0x3], $0x80, s0, s30, $0xb8;
	[tilespmem:$0x1F080] =	vst v63  }
0x24e: {  	s13 =	sshll.u32 s9, $0x7;
	_ =	swait.ge @p1 [sflag:s21], $0x4000  }
0x24f: {  	s0 =	sand.u32 $0x1F80, s13;
	[sflag:s21] =	ssyncset.done @p1 $0x0  }
0x250: {  	s17 =	sor.u32 $0x4000, s0;
	[sflag:s21] =	ssyncadd.s32 @p1 $0xFFFFC000  }
0x251: {  	[tilespmem:s31], [sflag:$0x1] =	stream.indirect.gather [hbm4b:s5+s30], $0x80, s17, s30, $0xb8;
	[tilespmem:$0x1F080] =	vst v63  }
0x252: {  	_ =	swait.ge [sflag:s29], $0x4000  }
0x253: {  	[sflag:s29] =	ssyncset.done $0x0  }
0x254: {  	s0 =	sor.u32 $0x6000, s0;
	[sflag:s29] =	ssyncadd.s32 $0xFFFFC000  }
0x255: {  	[spmem:s2] =	stream.indirect.scatter.add.f32 [tilespmem:s31], [sflag:$0x3], $0x80, s0, s30, $0xb8;
	[tilespmem:$0x1F080] =	vst v63  }
0x256: {  	_ =	swait.ge [sflag:s21], $0x4000  }
0x257: {  	s19 =	sadd.s32 $0x80, s19;
	[sflag:s21] =	ssyncset.done $0x0  }
0x258: {  	s10 =	ssub.s32 s8, s19;
	[sflag:s21] =	ssyncadd.s32 $0xFFFFC000  }
.LBB2_28:
0x259: {  	p0 =	slt.s32 s10, $0x1  }
.Ltmp23:
0x25a: {  	_ = 	snop;
	(pc) =	sbr.rel @p0 .LBB2_32-.Ltmp23, $1  }
0x25b: {  	_ =	sdelay $0x3  }
0x25c: {  	s0 =	sadd.s32 $0x0, s8  }
0x25d: {  	v8 =	vadd.s32 s0, v4  }
0x25e: {  	v6 =	vshra.s32 v8, $0x1F;
	v5 =	vand.u32 $0x7F, v8  }
0x25f: {  	vm0 =	vlt.s32 v8, $0x1;
	v6 =	vshrl.u32 v6, $0x19;
	vm1 =	vne.s32 v5, $0x0  }
0x260: {  	v6 =	vadd.s32 v6, v8;
	vm0 =	vmand vm0, vm1  }
0x261: {  	v6 =	vshrl.u32 v6, $0x7;
	v7 =	vsel vm0, $0xFFFFFFFF, v2  }
0x262: {  	s13 =	sadd.s32 $0x80, s19;
	v7 =	vadd.s32 v7, v6  }
0x263: {  	s17 =	sadd.s32 $0x10, s8;
	v6 =	vmov s13;
	v9 =	vshll.u32 v7, $0x7  }
0x264: {  	s0 =	simm.s32 $0x20;
	v7 =	vadd.s32 s17, v4;
	vm0 =	vlt.s32 v8, v6;
	v8 =	vand.u32 $0x1F80, v9  }
.LBB2_30:
0x265: {  	p0 =	sne.s32 s0, $0x70;
	v9 =	vshra.s32 v7, $0x1F;
	v10 =	vor.u32 v5, v8;
	v5 =	vand.u32 $0x7F, v7  }
0x266: {  	vm1 =	vlt.s32 v7, $0x1;
	v8 =	vshrl.u32 v9, $0x19;
	vm2 =	vne.s32 v5, $0x0  }
.Ltmp24:
0x267: {  	v8 =	vadd.s32 v8, v7;
	vm1 =	vmand vm1, vm2;
	(pc) =	sbr.rel @p0 .LBB2_30-.Ltmp24, $4  }
0x268: {  	v8 =	vshrl.u32 v8, $0x7;
	v9 =	vsel vm1, $0xFFFFFFFF, v2  }
0x269: {  	v8 =	vadd.s32 v9, v8  }
0x26a: {  	s9 =	sadd.s32 s0, s8;
	v8 =	vshll.u32 v8, $0x7;
	[tilespmem:v10+s26+$0x0] =	vst.idx.msk vm0, v1  }
0x26b: {  	s0 =	sadd.s32 $0x10, s0;
	v8 =	vand.u32 $0x1F80, v8;
	[tilespmem:v10+s28+$0x0] =	vst.idx.msk vm0, v0;
	vm0 =	vlt.s32 v7, v6;
	v7 =	vadd.s32 s9, v4  }
0x26c: {  	v9 =	vshra.s32 v7, $0x1F;
	v10 =	vand.u32 $0x7F, v7  }
0x26d: {  	vm1 =	vlt.s32 v7, $0x1;
	v9 =	vshrl.u32 v9, $0x19;
	vm2 =	vne.s32 v10, $0x0  }
0x26e: {  	vm1 =	vmand vm1, vm2;
	v9 =	vadd.s32 v9, v7  }
0x26f: {  	v9 =	vshrl.u32 v9, $0x7;
	v11 =	vsel vm1, $0xFFFFFFFF, v2  }
0x270: {  	v9 =	vadd.s32 v11, v9  }
0x271: {  	v5 =	vor.u32 v5, v8;
	s0 =	sand.u32 $0x7F, s19;
	v63 =	vshll.u32 v9, $0x7  }
0x272: {  	vm15 =	vlt.s32 v7, v6;
	s17 =	sshra.s32 s19, $0x1F;
	p1 =	slt.s32 s19, $0x1;
	p0 =	sne.s32 s0, $0x0;
	v6 =	vand.u32 $0x1F80, v63  }
0x273: {  	s0 =	sshrl.u32 s17, $0x19;
	p0 =	por !p1, !p0;
	v6 =	vor.u32 v10, v6  }
0x274: {  	s8 =	simm.s32 $0x1;
	s0 =	sadd.s32 s0, s19;
	p0 =	por !p0, !p0  }
0x275: {  	s0 =	sshrl.u32 s0, $0x7;
	s8 =	simm.s32 @!p0 $0x0  }
0x276: {  	[tilespmem:v5+s26+$0x0] =	vst.idx.msk vm0, v1;
	s0 =	ssub.s32 s0, s8  }
0x277: {  	[tilespmem:v5+s28+$0x0] =	vst.idx.msk vm0, v0;
	s0 =	sshll.u32 s0, $0x7  }
0x278: {  	s0 =	sand.u32 $0x1F80, s0;
	[tilespmem:v6+s26+$0x0] =	vst.idx.msk vm15, v1  }
0x279: {  	s19 =	sor.u32 $0x4000, s0;
	[tilespmem:v6+s28+$0x0] =	vst.idx.msk vm15, v0  }
0x27a: {  	[tilespmem:s31], [sflag:$0x1] =	stream.indirect.gather [hbm4b:s5+s30], $0x80, s19, s30, $0xb8;
	[tilespmem:$0x1F080] =	vst v63  }
0x27b: {  	_ =	swait.ge [sflag:s29], $0x4000  }
0x27c: {  	[sflag:s29] =	ssyncset.done $0x0  }
.Ltmp25:
0x27d: {  	s0 =	sor.u32 $0x6000, s0;
	[sflag:s29] =	ssyncadd.s32 $0xFFFFC000;
	(pc) =	sbr.rel .LBB2_32-.Ltmp25, $4  }
0x27e: {  	[spmem:s2] =	stream.indirect.scatter.add.f32 [tilespmem:s31], [sflag:$0x3], $0x80, s0, s30, $0xb8;
	[tilespmem:$0x1F080] =	vst v63  }
0x27f: {  	_ =	swait.ge [sflag:s21], $0x4000  }
0x280: {  	[sflag:s21] =	ssyncset.done $0x0  }
0x281: {  	[sflag:s21] =	ssyncadd.s32 $0xFFFFC000  }
.LBB2_24:
.Ltmp26:
0x282: {  	(pc) =	sbr.rel .LBB2_27-.Ltmp26, $2  }
0x283: {  	_ =	sdelay $0x2  }
0x284: {  	_ = 	snop  }
.LBB2_34:
0x285: {  	_ =	sfence.sel $0x180000  }
0x286: {  	[bflag:$0x0] =	sbarrier.arrive $0xFFFF  }
0x287: {  	_ =	strace $0x90000047  }
0x288: {  	s0 =	stileid.u32;
	[bflag:$0x2] =	sbarrier.arrive $0xFFFF  }
0x289: {  	p0 =	sne.s32 s0, $0x0;
	s0 =	rddreg [dreg:$0x3]  }
0x28a: {  	s0 =	sadd.s32 @!p0 $0x100000, s0  }
0x28b: {  	[sflag:s0] =	ssyncadd.tile.s32 @!p0 $0x1;
	_ =	shalt  }
.Lfunc_end2:
_tile_overlayer_lowered:
.L_overlay_start_2:
0x28c: {  	(tag) =	ssettag $0x2  }
0x28d: {  	s0 =	rddreg [dreg:$0x0];
	s2 =	stileid.u32  }
0x28e: {  	s1 =	rddreg [dreg:$0x1];
	p0 =	sne.s32 s2, $0x0  }
0x28f: {  	s3 =	rddreg [dreg:$0x2];
	[bflag:$0x3] =	sbarrier.arrive $0xFFFF;
	s2 =	simm.s32 @!p0 $0x1C03  }
0x290: {  	[timem:s3], [sflag:s2] =	dma.local @!p0 [hbm:s0], s1  }
0x291: {  	s0 =	simm.s32 @!p0 $0x3  }
0x292: {  	_ =	swait.ge @!p0 [sflag:s0], s1  }
0x293: {  	s1 =	ssub.s32 @!p0 $0x0, s1;
	[sflag:s0] =	ssyncset.done @!p0 $0x0  }
0x294: {  	[sflag:s0] =	ssyncadd.s32 @!p0 s1  }
0x295: {  	[bflag:$0x3] =	sbarrier.arrive $0xFFFF  }
0x296: {  	_ =	shalt  }

</sc_bundles>
